<compile_context>
chip_gen: v7x
topology: tpu7x:2x2x1
jax: 0.10.2.dev20260603
libtpu: 0.0.44.dev20260713+nightly
codegen_flags: <defaults>
</compile_context>

<pallas_src>
import functools

import jax
import jax.numpy as jnp
from jax import lax
from jax.experimental import pallas as pl
from jax.experimental.pallas import tpu as pltpu
from jax.experimental.pallas import tpu_sc as plsc

N_TILES = 32
CHUNK = 128
N_GRAPHS = 64


def _mesh():
    return plsc.VectorSubcoreMesh(core_axis_name="c", subcore_axis_name="s")


def _deg_body(dst_hbm, z_hbm, ones_hbm, out_hbm,
              dst_v, msg_v, acc_sh, *, nchunk, n_sub):
    c = lax.axis_index("c")
    s = lax.axis_index("s")
    t = s * 2 + c

    pltpu.sync_copy(dst_hbm.at[t], dst_v)

    pltpu.sync_copy(z_hbm, msg_v)
    for m in range(n_sub):
        pltpu.sync_copy(msg_v, acc_sh.at[pl.ds((s * n_sub + m) * CHUNK, CHUNK)])
    pltpu.sync_copy(ones_hbm, msg_v)
    plsc.subcore_barrier()

    def body(j, carry):
        pltpu.sync_copy(msg_v, acc_sh.at[dst_v.at[j]], add=True)
        return carry

    lax.fori_loop(0, nchunk, body, 0)
    plsc.subcore_barrier()

    for m in range(n_sub):
        pltpu.sync_copy(acc_sh.at[pl.ds((s * n_sub + m) * CHUNK, CHUNK)], msg_v)
        pltpu.sync_copy(msg_v, out_hbm.at[c, s * n_sub + m])


def _make_deg_kernel(nchunk, n_pad, d):
    n_sub = n_pad // (16 * CHUNK)
    body = functools.partial(_deg_body, nchunk=nchunk, n_sub=n_sub)
    return pl.kernel(
        body,
        mesh=_mesh(),
        out_type=jax.ShapeDtypeStruct((2, n_pad // CHUNK, CHUNK, d), jnp.float32),
        scratch_types=[
            pltpu.VMEM((nchunk, CHUNK), jnp.int32),
            pltpu.VMEM((CHUNK, d), jnp.float32),
            pltpu.VMEM_SHARED((n_pad, d), jnp.float32),
        ],
    )


def _msg_body(y_hbm, src_hbm, dst_hbm, z_hbm, out_hbm,
              src_v, dst_v, msg_v, acc_sh, sem, *, nchunk, n_sub):
    c = lax.axis_index("c")
    s = lax.axis_index("s")
    t = s * 2 + c

    pltpu.sync_copy(src_hbm.at[t], src_v)
    pltpu.sync_copy(dst_hbm.at[t], dst_v)

    pltpu.sync_copy(z_hbm, msg_v)
    for m in range(n_sub):
        pltpu.sync_copy(msg_v, acc_sh.at[pl.ds((s * n_sub + m) * CHUNK, CHUNK)])
    plsc.subcore_barrier()

    def body(j, carry):
        pltpu.async_copy(y_hbm.at[src_v.at[j]], msg_v, sem).wait()
        pltpu.sync_copy(msg_v, acc_sh.at[dst_v.at[j]], add=True)
        return carry

    lax.fori_loop(0, nchunk, body, 0)
    plsc.subcore_barrier()

    for m in range(n_sub):
        pltpu.sync_copy(acc_sh.at[pl.ds((s * n_sub + m) * CHUNK, CHUNK)], msg_v)
        pltpu.sync_copy(msg_v, out_hbm.at[c, s * n_sub + m])


def _make_msg_kernel(nchunk, n_pad, d):
    n_sub = n_pad // (16 * CHUNK)
    body = functools.partial(_msg_body, nchunk=nchunk, n_sub=n_sub)
    return pl.kernel(
        body,
        mesh=_mesh(),
        out_type=jax.ShapeDtypeStruct((2, n_pad // CHUNK, CHUNK, d), jnp.float32),
        scratch_types=[
            pltpu.VMEM((nchunk, CHUNK), jnp.int32),
            pltpu.VMEM((nchunk, CHUNK), jnp.int32),
            pltpu.VMEM((CHUNK, d), jnp.float32),
            pltpu.VMEM_SHARED((n_pad, d), jnp.float32),
            pltpu.SemaphoreType.DMA,
        ],
    )


def _tc_deg_body(acc_ref, dinv_ref, *, d):
    deg = jnp.sum(acc_ref[0] + acc_ref[1], axis=-1, keepdims=True) * (1.0 / d)
    dinv_ref[...] = 1.0 / jnp.sqrt(deg + 1.0)


def _tc_first_body(x_ref, w_ref, dinv_ref, y_ref):
    y_ref[...] = jnp.dot(x_ref[...], w_ref[...],
                         preferred_element_type=jnp.float32) * dinv_ref[...]


def _tc_mid_body(acc_ref, y_ref, dinv_ref, w_ref, b_ref, yo_ref, *, n):
    d = dinv_ref[...]
    agg = acc_ref[0, :n, :] + acc_ref[1, :n, :] + y_ref[...]
    h = jax.nn.sigmoid(agg * d + b_ref[...])
    yo_ref[...] = jnp.dot(h, w_ref[...], preferred_element_type=jnp.float32) * d


def _tc_final_body(acc_ref, y_ref, dinv_ref, b_ref, batch_ref,
                   wl_ref, bl_ref, wo_ref, bo_ref, out_ref, *, n):
    d = dinv_ref[...]
    agg = acc_ref[0, :n, :] + acc_ref[1, :n, :] + y_ref[...]
    h = jax.nn.sigmoid(agg * d + b_ref[...])
    gid = lax.broadcasted_iota(jnp.int32, (N_GRAPHS, n), 0)
    onehot = (gid == batch_ref[...]).astype(jnp.float32)
    sums = jnp.dot(onehot, h, preferred_element_type=jnp.float32,
                   precision=lax.Precision.HIGHEST)
    counts = jnp.sum(onehot, axis=1, keepdims=True)
    pooled = sums / jnp.maximum(counts, 1.0)
    for i in range(wl_ref.shape[0]):
        pooled = jnp.maximum(
            jnp.dot(pooled, wl_ref[i], preferred_element_type=jnp.float32)
            + bl_ref[pl.ds(i, 1), :], 0.0)
    out_ref[...] = (jnp.dot(pooled, wo_ref[...],
                            preferred_element_type=jnp.float32) + bo_ref[...])


def kernel(x, edge_index, batch, W_conv, b_conv, W_lin, b_lin, W_out, b_out):
    n, d = x.shape
    e = edge_index.shape[1]
    n_convs = W_conv.shape[0]

    nchunk = -(-e // (N_TILES * CHUNK))
    e_pad = N_TILES * CHUNK * nchunk
    n_pad = -(-(n + 1) // (16 * CHUNK)) * (16 * CHUNK)

    src = edge_index[0].astype(jnp.int32)
    dst = edge_index[1].astype(jnp.int32)
    src_p = jnp.concatenate(
        [src, jnp.zeros((e_pad - e,), jnp.int32)]).reshape(N_TILES, nchunk, CHUNK)
    dst_p = jnp.concatenate(
        [dst, jnp.full((e_pad - e,), n, jnp.int32)]).reshape(N_TILES, nchunk, CHUNK)
    ones_msg = jnp.ones((CHUNK, d), jnp.float32)
    z_msg = jnp.zeros((CHUNK, d), jnp.float32)
    batch2 = batch.astype(jnp.int32).reshape(1, n)

    deg_kernel = _make_deg_kernel(nchunk, n_pad, d)
    msg_kernel = _make_msg_kernel(nchunk, n_pad, d)

    accd = deg_kernel(dst_p, z_msg, ones_msg).reshape(2, n_pad, d)
    dinv_pad = pl.pallas_call(
        functools.partial(_tc_deg_body, d=d),
        out_shape=jax.ShapeDtypeStruct((n_pad, 1), jnp.float32),
    )(accd)
    dinv_col = dinv_pad[:n]

    y = pl.pallas_call(
        _tc_first_body,
        out_shape=jax.ShapeDtypeStruct((n, d), jnp.float32),
    )(x, W_conv[0], dinv_col)

    tc_mid = pl.pallas_call(
        functools.partial(_tc_mid_body, n=n),
        out_shape=jax.ShapeDtypeStruct((n, d), jnp.float32),
    )
    for i in range(1, n_convs):
        acc = msg_kernel(y, src_p, dst_p, z_msg).reshape(2, n_pad, d)
        y = tc_mid(acc, y, dinv_col, W_conv[i], b_conv[i - 1][None, :])

    acc = msg_kernel(y, src_p, dst_p, z_msg).reshape(2, n_pad, d)

    out = pl.pallas_call(
        functools.partial(_tc_final_body, n=n),
        out_shape=jax.ShapeDtypeStruct((N_GRAPHS, 1), jnp.float32),
    )(acc, y, dinv_col, b_conv[n_convs - 1][None, :], batch2,
      W_lin, b_lin, W_out, b_out.reshape(1, 1))
    return out

# --- scband reference (transcript-rebuilt; emitter-appended) ---
"""Pipeline reference for scband-local-model-15960098472901 (READ-ONLY COPY).

The authoritative reference and input builder live on the scoring server;
editing this copy changes nothing except your own understanding.
"""

import jax, jax.numpy as jnp
import numpy as np

N_NODES = 10000
N_EDGES = 320000
D = 128
N_GRAPHS = 64
N_CONVS = 4  # conv1 + 3 hidden conv layers
N_LINS = 2


def _gcn_layer(x, src, dst, norm, W, b, num_nodes):
    # GCNConv: x' = D^{-1/2} (A + I) D^{-1/2} X W + b
    xw = x @ W
    msg = xw[src] * norm[:, None]
    out = jax.ops.segment_sum(msg, dst, num_segments=num_nodes)
    return out + b


def setup_inputs(seed: int = 0) -> dict:
    key = jax.random.key(seed)
    ks = jax.random.split(key, 8)
    x = jax.random.normal(ks[0], (N_NODES, D), dtype=jnp.float32)
    edge_index = jax.random.randint(ks[1], (2, N_EDGES), 0, N_NODES, dtype=jnp.int64)
    batch = jnp.sort(jax.random.randint(ks[2], (N_NODES,), 0, N_GRAPHS, dtype=jnp.int64))
    W_conv = jax.random.normal(ks[3], (N_CONVS, D, D), dtype=jnp.float32) * (1.0 / np.sqrt(D))
    b_conv = jnp.zeros((N_CONVS, D), dtype=jnp.float32)
    W_lin = jax.random.normal(ks[4], (N_LINS, D, D), dtype=jnp.float32) * (1.0 / np.sqrt(D))
    b_lin = jnp.zeros((N_LINS, D), dtype=jnp.float32)
    W_out = jax.random.normal(ks[5], (D, 1), dtype=jnp.float32) * (1.0 / np.sqrt(D))
    b_out = jnp.zeros((1,), dtype=jnp.float32)
    return {"x": x, "edge_index": edge_index, "batch": batch,
            "W_conv": W_conv, "b_conv": b_conv,
            "W_lin": W_lin, "b_lin": b_lin,
            "W_out": W_out, "b_out": b_out}


def reference(x, edge_index, batch, W_conv, b_conv, W_lin, b_lin, W_out, b_out):
    n = x.shape[0]
    loop = jnp.arange(n, dtype=edge_index.dtype)
    src = jnp.concatenate([edge_index[0], loop])
    dst = jnp.concatenate([edge_index[1], loop])
    deg = jnp.zeros((n,), x.dtype).at[dst].add(1.0)
    dinv = jnp.where(deg > 0, 1.0 / jnp.sqrt(deg), 0.0)
    norm = dinv[src] * dinv[dst]

    h = jax.nn.sigmoid(_gcn_layer(x, src, dst, norm, W_conv[0], b_conv[0], n))
    for i in range(1, N_CONVS):
        h = jax.nn.sigmoid(_gcn_layer(h, src, dst, norm, W_conv[i], b_conv[i], n))

    # global_mean_pool over graph ids
    sums = jax.ops.segment_sum(h, batch, num_segments=N_GRAPHS)
    counts = jax.ops.segment_sum(jnp.ones((n,), h.dtype), batch, num_segments=N_GRAPHS)
    pooled = sums / jnp.maximum(counts, 1.0)[:, None]

    # dropout is identity in eval mode
    for i in range(N_LINS):
        pooled = jax.nn.relu(pooled @ W_lin[i] + b_lin[i])
    out = pooled @ W_out + b_out
    return out

if __name__ == "__main__":
    import jax
    _d = setup_inputs()
    print(jax.jit(kernel)(*tuple(_d.values())))

</pallas_src>

<mosaic_0001>
#map = affine_map<(d0, d1) -> (0, 0)>
#map1 = affine_map<(d0, d1) -> (0, 0, 0)>
#map2 = affine_map<(d0, d1) -> (0, 0, 0, 0)>
module attributes {stable_mosaic.version = 14 : i64} {
  func.func @_msg_body(%arg0: i32, %arg1: i32, %arg2: memref<10000x128xf32, #tpu.memory_space<hbm>>, %arg3: memref<32x79x128xi32, #tpu.memory_space<hbm>>, %arg4: memref<32x79x128xi32, #tpu.memory_space<hbm>>, %arg5: memref<128x128xf32, #tpu.memory_space<hbm>>, %arg6: memref<2x80x128x128xf32, #tpu.memory_space<hbm>>, %arg7: memref<79x128xi32, #tpu.memory_space<vmem>>, %arg8: memref<79x128xi32, #tpu.memory_space<vmem>>, %arg9: memref<128x128xf32, #tpu.memory_space<vmem>>, %arg10: memref<10240x128xf32, #tpu.memory_space<vmem_shared>>, %arg11: memref<!tpu.dma_semaphore, #tpu.memory_space<semaphore_mem>>) attributes {dimension_semantics = [#tpu.dimension_semantics<core_parallel>, #tpu.dimension_semantics<subcore_parallel>], iteration_bounds = array<i64: 2, 16>, scalar_prefetch = 0 : i64, scratch_operands = 5 : i64, tpu.core_type = #tpu.core_type<sc_vector_subcore>, window_params = [{transform_indices = #map}, {transform_indices = #map1}, {transform_indices = #map1}, {transform_indices = #map}, {transform_indices = #map2}]} {
    %mul3A = arith.constant 2 : i32
    %mul3A_0 = arith.muli %arg1, %mul3A : i32
    %add3A = arith.addi %mul3A_0, %arg0 : i32
    "tpu.region"() ({
      %run_scoped3A = tpu.sem_alloc : memref<!tpu.dma_semaphore, #tpu.memory_space<semaphore_mem>>
      %dma_start3A = arith.constant 0 : i32
      %dma_start3A_87 = arith.constant 0 : i32
      %dma_start3A_88 = tpu.memref_slice %arg3[%add3A, %dma_start3A, %dma_start3A_87] : memref<32x79x128xi32, #tpu.memory_space<hbm>> -> memref<1x79x128xi32, #tpu.memory_space<hbm>>
      %dma_start3A_89 = tpu.memref_squeeze %dma_start3A_88 : memref<1x79x128xi32, #tpu.memory_space<hbm>> -> memref<79x128xi32, #tpu.memory_space<hbm>>
      %dma_start3A_90 = arith.constant 0 : i32
      %dma_start3A_91 = arith.constant 0 : i32
      %dma_start3A_92 = tpu.memref_slice %arg3[%add3A, %dma_start3A_90, %dma_start3A_91] : memref<32x79x128xi32, #tpu.memory_space<hbm>> -> memref<1x79x128xi32, #tpu.memory_space<hbm>>
      %dma_start3A_93 = tpu.memref_squeeze %dma_start3A_92 : memref<1x79x128xi32, #tpu.memory_space<hbm>> -> memref<79x128xi32, #tpu.memory_space<hbm>>
      tpu.enqueue_dma source(%dma_start3A_93 : memref<79x128xi32, #tpu.memory_space<hbm>>) target(%arg7 : memref<79x128xi32, #tpu.memory_space<vmem>>) target_semaphore(%run_scoped3A : memref<!tpu.dma_semaphore, #tpu.memory_space<semaphore_mem>>)
      %dma_wait3A = arith.constant 0 : i32
      %dma_wait3A_94 = arith.constant 0 : i32
      %dma_wait3A_95 = tpu.memref_slice %arg3[%add3A, %dma_wait3A, %dma_wait3A_94] : memref<32x79x128xi32, #tpu.memory_space<hbm>> -> memref<1x79x128xi32, #tpu.memory_space<hbm>>
      %dma_wait3A_96 = tpu.memref_squeeze %dma_wait3A_95 : memref<1x79x128xi32, #tpu.memory_space<hbm>> -> memref<79x128xi32, #tpu.memory_space<hbm>>
      %dma_wait3A_97 = arith.constant 0 : i32
      %dma_wait3A_98 = arith.constant 0 : i32
      %dma_wait3A_99 = tpu.memref_slice %arg3[%add3A, %dma_wait3A_97, %dma_wait3A_98] : memref<32x79x128xi32, #tpu.memory_space<hbm>> -> memref<1x79x128xi32, #tpu.memory_space<hbm>>
      %dma_wait3A_100 = tpu.memref_squeeze %dma_wait3A_99 : memref<1x79x128xi32, #tpu.memory_space<hbm>> -> memref<79x128xi32, #tpu.memory_space<hbm>>
      tpu.wait_dma2 semaphore(%run_scoped3A : memref<!tpu.dma_semaphore, #tpu.memory_space<semaphore_mem>>) src(%dma_wait3A_100 : memref<79x128xi32, #tpu.memory_space<hbm>>) dst(%arg7 : memref<79x128xi32, #tpu.memory_space<vmem>>)
      tpu.yield
    }) : () -> ()
    "tpu.region"() ({
      %run_scoped3A = tpu.sem_alloc : memref<!tpu.dma_semaphore, #tpu.memory_space<semaphore_mem>>
      %dma_start3A = arith.constant 0 : i32
      %dma_start3A_87 = arith.constant 0 : i32
      %dma_start3A_88 = tpu.memref_slice %arg4[%add3A, %dma_start3A, %dma_start3A_87] : memref<32x79x128xi32, #tpu.memory_space<hbm>> -> memref<1x79x128xi32, #tpu.memory_space<hbm>>
      %dma_start3A_89 = tpu.memref_squeeze %dma_start3A_88 : memref<1x79x128xi32, #tpu.memory_space<hbm>> -> memref<79x128xi32, #tpu.memory_space<hbm>>
      %dma_start3A_90 = arith.constant 0 : i32
      %dma_start3A_91 = arith.constant 0 : i32
      %dma_start3A_92 = tpu.memref_slice %arg4[%add3A, %dma_start3A_90, %dma_start3A_91] : memref<32x79x128xi32, #tpu.memory_space<hbm>> -> memref<1x79x128xi32, #tpu.memory_space<hbm>>
      %dma_start3A_93 = tpu.memref_squeeze %dma_start3A_92 : memref<1x79x128xi32, #tpu.memory_space<hbm>> -> memref<79x128xi32, #tpu.memory_space<hbm>>
      tpu.enqueue_dma source(%dma_start3A_93 : memref<79x128xi32, #tpu.memory_space<hbm>>) target(%arg8 : memref<79x128xi32, #tpu.memory_space<vmem>>) target_semaphore(%run_scoped3A : memref<!tpu.dma_semaphore, #tpu.memory_space<semaphore_mem>>)
      %dma_wait3A = arith.constant 0 : i32
      %dma_wait3A_94 = arith.constant 0 : i32
      %dma_wait3A_95 = tpu.memref_slice %arg4[%add3A, %dma_wait3A, %dma_wait3A_94] : memref<32x79x128xi32, #tpu.memory_space<hbm>> -> memref<1x79x128xi32, #tpu.memory_space<hbm>>
      %dma_wait3A_96 = tpu.memref_squeeze %dma_wait3A_95 : memref<1x79x128xi32, #tpu.memory_space<hbm>> -> memref<79x128xi32, #tpu.memory_space<hbm>>
      %dma_wait3A_97 = arith.constant 0 : i32
      %dma_wait3A_98 = arith.constant 0 : i32
      %dma_wait3A_99 = tpu.memref_slice %arg4[%add3A, %dma_wait3A_97, %dma_wait3A_98] : memref<32x79x128xi32, #tpu.memory_space<hbm>> -> memref<1x79x128xi32, #tpu.memory_space<hbm>>
      %dma_wait3A_100 = tpu.memref_squeeze %dma_wait3A_99 : memref<1x79x128xi32, #tpu.memory_space<hbm>> -> memref<79x128xi32, #tpu.memory_space<hbm>>
      tpu.wait_dma2 semaphore(%run_scoped3A : memref<!tpu.dma_semaphore, #tpu.memory_space<semaphore_mem>>) src(%dma_wait3A_100 : memref<79x128xi32, #tpu.memory_space<hbm>>) dst(%arg8 : memref<79x128xi32, #tpu.memory_space<vmem>>)
      tpu.yield
    }) : () -> ()
    "tpu.region"() ({
      %run_scoped3A = tpu.sem_alloc : memref<!tpu.dma_semaphore, #tpu.memory_space<semaphore_mem>>
      tpu.enqueue_dma source(%arg5 : memref<128x128xf32, #tpu.memory_space<hbm>>) target(%arg9 : memref<128x128xf32, #tpu.memory_space<vmem>>) target_semaphore(%run_scoped3A : memref<!tpu.dma_semaphore, #tpu.memory_space<semaphore_mem>>)
      tpu.wait_dma2 semaphore(%run_scoped3A : memref<!tpu.dma_semaphore, #tpu.memory_space<semaphore_mem>>) src(%arg5 : memref<128x128xf32, #tpu.memory_space<hbm>>) dst(%arg9 : memref<128x128xf32, #tpu.memory_space<vmem>>)
      tpu.yield
    }) : () -> ()
    %mul3A_1 = arith.constant 5 : i32
    %mul3A_2 = arith.muli %arg1, %mul3A_1 : i32
    %add3A_3 = arith.constant 0 : i32
    %add3A_4 = arith.addi %mul3A_2, %add3A_3 : i32
    %mul3A_5 = arith.constant 128 : i32
    %mul3A_6 = arith.muli %add3A_4, %mul3A_5 : i32
    "tpu.region"() ({
      %run_scoped3A = tpu.sem_alloc : memref<!tpu.dma_semaphore, #tpu.memory_space<semaphore_mem>>
      %dma_start3A = arith.constant 0 : i32
      %dma_start3A_87 = tpu.memref_slice %arg10[%mul3A_6, %dma_start3A] : memref<10240x128xf32, #tpu.memory_space<vmem_shared>> -> memref<128x128xf32, #tpu.memory_space<vmem_shared>>
      %dma_start3A_88 = arith.constant 0 : i32
      %dma_start3A_89 = tpu.memref_slice %arg10[%mul3A_6, %dma_start3A_88] : memref<10240x128xf32, #tpu.memory_space<vmem_shared>> -> memref<128x128xf32, #tpu.memory_space<vmem_shared>>
      tpu.enqueue_dma source(%arg9 : memref<128x128xf32, #tpu.memory_space<vmem>>) target(%dma_start3A_89 : memref<128x128xf32, #tpu.memory_space<vmem_shared>>) target_semaphore(%run_scoped3A : memref<!tpu.dma_semaphore, #tpu.memory_space<semaphore_mem>>)
      %dma_wait3A = arith.constant 0 : i32
      %dma_wait3A_90 = tpu.memref_slice %arg10[%mul3A_6, %dma_wait3A] : memref<10240x128xf32, #tpu.memory_space<vmem_shared>> -> memref<128x128xf32, #tpu.memory_space<vmem_shared>>
      %dma_wait3A_91 = arith.constant 0 : i32
      %dma_wait3A_92 = tpu.memref_slice %arg10[%mul3A_6, %dma_wait3A_91] : memref<10240x128xf32, #tpu.memory_space<vmem_shared>> -> memref<128x128xf32, #tpu.memory_space<vmem_shared>>
      tpu.wait_dma2 semaphore(%run_scoped3A : memref<!tpu.dma_semaphore, #tpu.memory_space<semaphore_mem>>) src(%arg9 : memref<128x128xf32, #tpu.memory_space<vmem>>) dst(%dma_wait3A_92 : memref<128x128xf32, #tpu.memory_space<vmem_shared>>)
      tpu.yield
    }) : () -> ()
    %mul3A_7 = arith.constant 5 : i32
    %mul3A_8 = arith.muli %arg1, %mul3A_7 : i32
    %add3A_9 = arith.constant 1 : i32
    %add3A_10 = arith.addi %mul3A_8, %add3A_9 : i32
    %mul3A_11 = arith.constant 128 : i32
    %mul3A_12 = arith.muli %add3A_10, %mul3A_11 : i32
    "tpu.region"() ({
      %run_scoped3A = tpu.sem_alloc : memref<!tpu.dma_semaphore, #tpu.memory_space<semaphore_mem>>
      %dma_start3A = arith.constant 0 : i32
      %dma_start3A_87 = tpu.memref_slice %arg10[%mul3A_12, %dma_start3A] : memref<10240x128xf32, #tpu.memory_space<vmem_shared>> -> memref<128x128xf32, #tpu.memory_space<vmem_shared>>
      %dma_start3A_88 = arith.constant 0 : i32
      %dma_start3A_89 = tpu.memref_slice %arg10[%mul3A_12, %dma_start3A_88] : memref<10240x128xf32, #tpu.memory_space<vmem_shared>> -> memref<128x128xf32, #tpu.memory_space<vmem_shared>>
      tpu.enqueue_dma source(%arg9 : memref<128x128xf32, #tpu.memory_space<vmem>>) target(%dma_start3A_89 : memref<128x128xf32, #tpu.memory_space<vmem_shared>>) target_semaphore(%run_scoped3A : memref<!tpu.dma_semaphore, #tpu.memory_space<semaphore_mem>>)
      %dma_wait3A = arith.constant 0 : i32
      %dma_wait3A_90 = tpu.memref_slice %arg10[%mul3A_12, %dma_wait3A] : memref<10240x128xf32, #tpu.memory_space<vmem_shared>> -> memref<128x128xf32, #tpu.memory_space<vmem_shared>>
      %dma_wait3A_91 = arith.constant 0 : i32
      %dma_wait3A_92 = tpu.memref_slice %arg10[%mul3A_12, %dma_wait3A_91] : memref<10240x128xf32, #tpu.memory_space<vmem_shared>> -> memref<128x128xf32, #tpu.memory_space<vmem_shared>>
      tpu.wait_dma2 semaphore(%run_scoped3A : memref<!tpu.dma_semaphore, #tpu.memory_space<semaphore_mem>>) src(%arg9 : memref<128x128xf32, #tpu.memory_space<vmem>>) dst(%dma_wait3A_92 : memref<128x128xf32, #tpu.memory_space<vmem_shared>>)
      tpu.yield
    }) : () -> ()
    %mul3A_13 = arith.constant 5 : i32
    %mul3A_14 = arith.muli %arg1, %mul3A_13 : i32
    %add3A_15 = arith.constant 2 : i32
    %add3A_16 = arith.addi %mul3A_14, %add3A_15 : i32
    %mul3A_17 = arith.constant 128 : i32
    %mul3A_18 = arith.muli %add3A_16, %mul3A_17 : i32
    "tpu.region"() ({
      %run_scoped3A = tpu.sem_alloc : memref<!tpu.dma_semaphore, #tpu.memory_space<semaphore_mem>>
      %dma_start3A = arith.constant 0 : i32
      %dma_start3A_87 = tpu.memref_slice %arg10[%mul3A_18, %dma_start3A] : memref<10240x128xf32, #tpu.memory_space<vmem_shared>> -> memref<128x128xf32, #tpu.memory_space<vmem_shared>>
      %dma_start3A_88 = arith.constant 0 : i32
      %dma_start3A_89 = tpu.memref_slice %arg10[%mul3A_18, %dma_start3A_88] : memref<10240x128xf32, #tpu.memory_space<vmem_shared>> -> memref<128x128xf32, #tpu.memory_space<vmem_shared>>
      tpu.enqueue_dma source(%arg9 : memref<128x128xf32, #tpu.memory_space<vmem>>) target(%dma_start3A_89 : memref<128x128xf32, #tpu.memory_space<vmem_shared>>) target_semaphore(%run_scoped3A : memref<!tpu.dma_semaphore, #tpu.memory_space<semaphore_mem>>)
      %dma_wait3A = arith.constant 0 : i32
      %dma_wait3A_90 = tpu.memref_slice %arg10[%mul3A_18, %dma_wait3A] : memref<10240x128xf32, #tpu.memory_space<vmem_shared>> -> memref<128x128xf32, #tpu.memory_space<vmem_shared>>
      %dma_wait3A_91 = arith.constant 0 : i32
      %dma_wait3A_92 = tpu.memref_slice %arg10[%mul3A_18, %dma_wait3A_91] : memref<10240x128xf32, #tpu.memory_space<vmem_shared>> -> memref<128x128xf32, #tpu.memory_space<vmem_shared>>
      tpu.wait_dma2 semaphore(%run_scoped3A : memref<!tpu.dma_semaphore, #tpu.memory_space<semaphore_mem>>) src(%arg9 : memref<128x128xf32, #tpu.memory_space<vmem>>) dst(%dma_wait3A_92 : memref<128x128xf32, #tpu.memory_space<vmem_shared>>)
      tpu.yield
    }) : () -> ()
    %mul3A_19 = arith.constant 5 : i32
    %mul3A_20 = arith.muli %arg1, %mul3A_19 : i32
    %add3A_21 = arith.constant 3 : i32
    %add3A_22 = arith.addi %mul3A_20, %add3A_21 : i32
    %mul3A_23 = arith.constant 128 : i32
    %mul3A_24 = arith.muli %add3A_22, %mul3A_23 : i32
    "tpu.region"() ({
      %run_scoped3A = tpu.sem_alloc : memref<!tpu.dma_semaphore, #tpu.memory_space<semaphore_mem>>
      %dma_start3A = arith.constant 0 : i32
      %dma_start3A_87 = tpu.memref_slice %arg10[%mul3A_24, %dma_start3A] : memref<10240x128xf32, #tpu.memory_space<vmem_shared>> -> memref<128x128xf32, #tpu.memory_space<vmem_shared>>
      %dma_start3A_88 = arith.constant 0 : i32
      %dma_start3A_89 = tpu.memref_slice %arg10[%mul3A_24, %dma_start3A_88] : memref<10240x128xf32, #tpu.memory_space<vmem_shared>> -> memref<128x128xf32, #tpu.memory_space<vmem_shared>>
      tpu.enqueue_dma source(%arg9 : memref<128x128xf32, #tpu.memory_space<vmem>>) target(%dma_start3A_89 : memref<128x128xf32, #tpu.memory_space<vmem_shared>>) target_semaphore(%run_scoped3A : memref<!tpu.dma_semaphore, #tpu.memory_space<semaphore_mem>>)
      %dma_wait3A = arith.constant 0 : i32
      %dma_wait3A_90 = tpu.memref_slice %arg10[%mul3A_24, %dma_wait3A] : memref<10240x128xf32, #tpu.memory_space<vmem_shared>> -> memref<128x128xf32, #tpu.memory_space<vmem_shared>>
      %dma_wait3A_91 = arith.constant 0 : i32
      %dma_wait3A_92 = tpu.memref_slice %arg10[%mul3A_24, %dma_wait3A_91] : memref<10240x128xf32, #tpu.memory_space<vmem_shared>> -> memref<128x128xf32, #tpu.memory_space<vmem_shared>>
      tpu.wait_dma2 semaphore(%run_scoped3A : memref<!tpu.dma_semaphore, #tpu.memory_space<semaphore_mem>>) src(%arg9 : memref<128x128xf32, #tpu.memory_space<vmem>>) dst(%dma_wait3A_92 : memref<128x128xf32, #tpu.memory_space<vmem_shared>>)
      tpu.yield
    }) : () -> ()
    %mul3A_25 = arith.constant 5 : i32
    %mul3A_26 = arith.muli %arg1, %mul3A_25 : i32
    %add3A_27 = arith.constant 4 : i32
    %add3A_28 = arith.addi %mul3A_26, %add3A_27 : i32
    %mul3A_29 = arith.constant 128 : i32
    %mul3A_30 = arith.muli %add3A_28, %mul3A_29 : i32
    "tpu.region"() ({
      %run_scoped3A = tpu.sem_alloc : memref<!tpu.dma_semaphore, #tpu.memory_space<semaphore_mem>>
      %dma_start3A = arith.constant 0 : i32
      %dma_start3A_87 = tpu.memref_slice %arg10[%mul3A_30, %dma_start3A] : memref<10240x128xf32, #tpu.memory_space<vmem_shared>> -> memref<128x128xf32, #tpu.memory_space<vmem_shared>>
      %dma_start3A_88 = arith.constant 0 : i32
      %dma_start3A_89 = tpu.memref_slice %arg10[%mul3A_30, %dma_start3A_88] : memref<10240x128xf32, #tpu.memory_space<vmem_shared>> -> memref<128x128xf32, #tpu.memory_space<vmem_shared>>
      tpu.enqueue_dma source(%arg9 : memref<128x128xf32, #tpu.memory_space<vmem>>) target(%dma_start3A_89 : memref<128x128xf32, #tpu.memory_space<vmem_shared>>) target_semaphore(%run_scoped3A : memref<!tpu.dma_semaphore, #tpu.memory_space<semaphore_mem>>)
      %dma_wait3A = arith.constant 0 : i32
      %dma_wait3A_90 = tpu.memref_slice %arg10[%mul3A_30, %dma_wait3A] : memref<10240x128xf32, #tpu.memory_space<vmem_shared>> -> memref<128x128xf32, #tpu.memory_space<vmem_shared>>
      %dma_wait3A_91 = arith.constant 0 : i32
      %dma_wait3A_92 = tpu.memref_slice %arg10[%mul3A_30, %dma_wait3A_91] : memref<10240x128xf32, #tpu.memory_space<vmem_shared>> -> memref<128x128xf32, #tpu.memory_space<vmem_shared>>
      tpu.wait_dma2 semaphore(%run_scoped3A : memref<!tpu.dma_semaphore, #tpu.memory_space<semaphore_mem>>) src(%arg9 : memref<128x128xf32, #tpu.memory_space<vmem>>) dst(%dma_wait3A_92 : memref<128x128xf32, #tpu.memory_space<vmem_shared>>)
      tpu.yield
    }) : () -> ()
    %barrier3A = arith.constant 0 : index
    tpu.barrier barrier_id(%barrier3A)
    %scan3A = arith.constant 0 : i32
    %scan3A_31 = arith.constant 0 : i32
    %scan3A_32 = arith.constant 79 : i32
    %scan3A_33 = arith.addi %scan3A_31, %scan3A_32 : i32
    %scan3A_34 = arith.constant 1 : i32
    scf.for %scan3A_87 = %scan3A_31 to %scan3A_33 step %scan3A_34  : i32 {
      %dma_start3A = arith.constant 0 : i32
      %dma_start3A_88 = tpu.memref_slice %arg7[%scan3A_87, %dma_start3A] : memref<79x128xi32, #tpu.memory_space<vmem>> -> memref<1x128xi32, #tpu.memory_space<vmem>>
      %dma_start3A_89 = tpu.memref_squeeze %dma_start3A_88 : memref<1x128xi32, #tpu.memory_space<vmem>> -> memref<128xi32, #tpu.memory_space<vmem>>
      %dma_start3A_90 = arith.constant 0 : i32
      %dma_start3A_91 = arith.constant 0 : i32
      %dma_start3A_92 = tpu.memref_slice %arg2[%dma_start3A_90, %dma_start3A_91] : memref<10000x128xf32, #tpu.memory_space<hbm>> -> memref<10000x128xf32, #tpu.memory_space<hbm>>
      tpu.enqueue_indirect_dma source(%dma_start3A_92 : memref<10000x128xf32, #tpu.memory_space<hbm>>) target(%arg9 : memref<128x128xf32, #tpu.memory_space<vmem>>) offsets(%dma_start3A_89 : memref<128xi32, #tpu.memory_space<vmem>>) semaphore(%arg11 : memref<!tpu.dma_semaphore, #tpu.memory_space<semaphore_mem>>)
      %dma_wait3A = arith.constant 0 : i32
      %dma_wait3A_93 = tpu.memref_slice %arg7[%scan3A_87, %dma_wait3A] : memref<79x128xi32, #tpu.memory_space<vmem>> -> memref<1x128xi32, #tpu.memory_space<vmem>>
      %dma_wait3A_94 = tpu.memref_squeeze %dma_wait3A_93 : memref<1x128xi32, #tpu.memory_space<vmem>> -> memref<128xi32, #tpu.memory_space<vmem>>
      %dma_wait3A_95 = arith.constant 0 : i32
      %dma_wait3A_96 = arith.constant 0 : i32
      %dma_wait3A_97 = tpu.memref_slice %arg2[%dma_wait3A_95, %dma_wait3A_96] : memref<10000x128xf32, #tpu.memory_space<hbm>> -> memref<10000x128xf32, #tpu.memory_space<hbm>>
      tpu.wait_indirect_dma semaphore(%arg11 : memref<!tpu.dma_semaphore, #tpu.memory_space<semaphore_mem>>) src(%dma_wait3A_97 : memref<10000x128xf32, #tpu.memory_space<hbm>>) dst(%arg9 : memref<128x128xf32, #tpu.memory_space<vmem>>)
      "tpu.region"() ({
        %run_scoped3A = tpu.sem_alloc : memref<!tpu.dma_semaphore, #tpu.memory_space<semaphore_mem>>
        %dma_start3A_98 = arith.constant 0 : i32
        %dma_start3A_99 = tpu.memref_slice %arg8[%scan3A_87, %dma_start3A_98] : memref<79x128xi32, #tpu.memory_space<vmem>> -> memref<1x128xi32, #tpu.memory_space<vmem>>
        %dma_start3A_100 = tpu.memref_squeeze %dma_start3A_99 : memref<1x128xi32, #tpu.memory_space<vmem>> -> memref<128xi32, #tpu.memory_space<vmem>>
        %dma_start3A_101 = arith.constant 0 : i32
        %dma_start3A_102 = arith.constant 0 : i32
        %dma_start3A_103 = tpu.memref_slice %arg10[%dma_start3A_101, %dma_start3A_102] : memref<10240x128xf32, #tpu.memory_space<vmem_shared>> -> memref<10240x128xf32, #tpu.memory_space<vmem_shared>>
        tpu.enqueue_indirect_dma source(%arg9 : memref<128x128xf32, #tpu.memory_space<vmem>>) target(%dma_start3A_103 : memref<10240x128xf32, #tpu.memory_space<vmem_shared>>) offsets(%dma_start3A_100 : memref<128xi32, #tpu.memory_space<vmem>>) semaphore(%run_scoped3A : memref<!tpu.dma_semaphore, #tpu.memory_space<semaphore_mem>>) {add = true}
        %dma_wait3A_104 = arith.constant 0 : i32
        %dma_wait3A_105 = tpu.memref_slice %arg8[%scan3A_87, %dma_wait3A_104] : memref<79x128xi32, #tpu.memory_space<vmem>> -> memref<1x128xi32, #tpu.memory_space<vmem>>
        %dma_wait3A_106 = tpu.memref_squeeze %dma_wait3A_105 : memref<1x128xi32, #tpu.memory_space<vmem>> -> memref<128xi32, #tpu.memory_space<vmem>>
        %dma_wait3A_107 = arith.constant 0 : i32
        %dma_wait3A_108 = arith.constant 0 : i32
        %dma_wait3A_109 = tpu.memref_slice %arg10[%dma_wait3A_107, %dma_wait3A_108] : memref<10240x128xf32, #tpu.memory_space<vmem_shared>> -> memref<10240x128xf32, #tpu.memory_space<vmem_shared>>
        tpu.wait_indirect_dma semaphore(%run_scoped3A : memref<!tpu.dma_semaphore, #tpu.memory_space<semaphore_mem>>) src(%arg9 : memref<128x128xf32, #tpu.memory_space<vmem>>) dst(%dma_wait3A_109 : memref<10240x128xf32, #tpu.memory_space<vmem_shared>>)
        tpu.yield
      }) : () -> ()
    }
    %scan3A_35 = arith.constant 79 : i32
    %barrier3A_36 = arith.constant 0 : index
    tpu.barrier barrier_id(%barrier3A_36)
    %mul3A_37 = arith.constant 5 : i32
    %mul3A_38 = arith.muli %arg1, %mul3A_37 : i32
    %add3A_39 = arith.constant 0 : i32
    %add3A_40 = arith.addi %mul3A_38, %add3A_39 : i32
    %mul3A_41 = arith.constant 128 : i32
    %mul3A_42 = arith.muli %add3A_40, %mul3A_41 : i32
    "tpu.region"() ({
      %run_scoped3A = tpu.sem_alloc : memref<!tpu.dma_semaphore, #tpu.memory_space<semaphore_mem>>
      %dma_start3A = arith.constant 0 : i32
      %dma_start3A_87 = tpu.memref_slice %arg10[%mul3A_42, %dma_start3A] : memref<10240x128xf32, #tpu.memory_space<vmem_shared>> -> memref<128x128xf32, #tpu.memory_space<vmem_shared>>
      %dma_start3A_88 = arith.constant 0 : i32
      %dma_start3A_89 = tpu.memref_slice %arg10[%mul3A_42, %dma_start3A_88] : memref<10240x128xf32, #tpu.memory_space<vmem_shared>> -> memref<128x128xf32, #tpu.memory_space<vmem_shared>>
      tpu.enqueue_dma source(%dma_start3A_89 : memref<128x128xf32, #tpu.memory_space<vmem_shared>>) target(%arg9 : memref<128x128xf32, #tpu.memory_space<vmem>>) target_semaphore(%run_scoped3A : memref<!tpu.dma_semaphore, #tpu.memory_space<semaphore_mem>>)
      %dma_wait3A = arith.constant 0 : i32
      %dma_wait3A_90 = tpu.memref_slice %arg10[%mul3A_42, %dma_wait3A] : memref<10240x128xf32, #tpu.memory_space<vmem_shared>> -> memref<128x128xf32, #tpu.memory_space<vmem_shared>>
      %dma_wait3A_91 = arith.constant 0 : i32
      %dma_wait3A_92 = tpu.memref_slice %arg10[%mul3A_42, %dma_wait3A_91] : memref<10240x128xf32, #tpu.memory_space<vmem_shared>> -> memref<128x128xf32, #tpu.memory_space<vmem_shared>>
      tpu.wait_dma2 semaphore(%run_scoped3A : memref<!tpu.dma_semaphore, #tpu.memory_space<semaphore_mem>>) src(%dma_wait3A_92 : memref<128x128xf32, #tpu.memory_space<vmem_shared>>) dst(%arg9 : memref<128x128xf32, #tpu.memory_space<vmem>>)
      tpu.yield
    }) : () -> ()
    %mul3A_43 = arith.constant 5 : i32
    %mul3A_44 = arith.muli %arg1, %mul3A_43 : i32
    %add3A_45 = arith.constant 0 : i32
    %add3A_46 = arith.addi %mul3A_44, %add3A_45 : i32
    "tpu.region"() ({
      %run_scoped3A = tpu.sem_alloc : memref<!tpu.dma_semaphore, #tpu.memory_space<semaphore_mem>>
      %dma_start3A = arith.constant 0 : i32
      %dma_start3A_87 = arith.constant 0 : i32
      %dma_start3A_88 = tpu.memref_slice %arg6[%arg0, %add3A_46, %dma_start3A, %dma_start3A_87] : memref<2x80x128x128xf32, #tpu.memory_space<hbm>> -> memref<1x1x128x128xf32, #tpu.memory_space<hbm>>
      %dma_start3A_89 = tpu.memref_squeeze %dma_start3A_88 : memref<1x1x128x128xf32, #tpu.memory_space<hbm>> -> memref<128x128xf32, #tpu.memory_space<hbm>>
      %dma_start3A_90 = arith.constant 0 : i32
      %dma_start3A_91 = arith.constant 0 : i32
      %dma_start3A_92 = tpu.memref_slice %arg6[%arg0, %add3A_46, %dma_start3A_90, %dma_start3A_91] : memref<2x80x128x128xf32, #tpu.memory_space<hbm>> -> memref<1x1x128x128xf32, #tpu.memory_space<hbm>>
      %dma_start3A_93 = tpu.memref_squeeze %dma_start3A_92 : memref<1x1x128x128xf32, #tpu.memory_space<hbm>> -> memref<128x128xf32, #tpu.memory_space<hbm>>
      tpu.enqueue_dma source(%arg9 : memref<128x128xf32, #tpu.memory_space<vmem>>) target(%dma_start3A_93 : memref<128x128xf32, #tpu.memory_space<hbm>>) target_semaphore(%run_scoped3A : memref<!tpu.dma_semaphore, #tpu.memory_space<semaphore_mem>>)
      %dma_wait3A = arith.constant 0 : i32
      %dma_wait3A_94 = arith.constant 0 : i32
      %dma_wait3A_95 = tpu.memref_slice %arg6[%arg0, %add3A_46, %dma_wait3A, %dma_wait3A_94] : memref<2x80x128x128xf32, #tpu.memory_space<hbm>> -> memref<1x1x128x128xf32, #tpu.memory_space<hbm>>
      %dma_wait3A_96 = tpu.memref_squeeze %dma_wait3A_95 : memref<1x1x128x128xf32, #tpu.memory_space<hbm>> -> memref<128x128xf32, #tpu.memory_space<hbm>>
      %dma_wait3A_97 = arith.constant 0 : i32
      %dma_wait3A_98 = arith.constant 0 : i32
      %dma_wait3A_99 = tpu.memref_slice %arg6[%arg0, %add3A_46, %dma_wait3A_97, %dma_wait3A_98] : memref<2x80x128x128xf32, #tpu.memory_space<hbm>> -> memref<1x1x128x128xf32, #tpu.memory_space<hbm>>
      %dma_wait3A_100 = tpu.memref_squeeze %dma_wait3A_99 : memref<1x1x128x128xf32, #tpu.memory_space<hbm>> -> memref<128x128xf32, #tpu.memory_space<hbm>>
      tpu.wait_dma2 semaphore(%run_scoped3A : memref<!tpu.dma_semaphore, #tpu.memory_space<semaphore_mem>>) src(%arg9 : memref<128x128xf32, #tpu.memory_space<vmem>>) dst(%dma_wait3A_100 : memref<128x128xf32, #tpu.memory_space<hbm>>)
      tpu.yield
    }) : () -> ()
    %mul3A_47 = arith.constant 5 : i32
    %mul3A_48 = arith.muli %arg1, %mul3A_47 : i32
    %add3A_49 = arith.constant 1 : i32
    %add3A_50 = arith.addi %mul3A_48, %add3A_49 : i32
    %mul3A_51 = arith.constant 128 : i32
    %mul3A_52 = arith.muli %add3A_50, %mul3A_51 : i32
    "tpu.region"() ({
      %run_scoped3A = tpu.sem_alloc : memref<!tpu.dma_semaphore, #tpu.memory_space<semaphore_mem>>
      %dma_start3A = arith.constant 0 : i32
      %dma_start3A_87 = tpu.memref_slice %arg10[%mul3A_52, %dma_start3A] : memref<10240x128xf32, #tpu.memory_space<vmem_shared>> -> memref<128x128xf32, #tpu.memory_space<vmem_shared>>
      %dma_start3A_88 = arith.constant 0 : i32
      %dma_start3A_89 = tpu.memref_slice %arg10[%mul3A_52, %dma_start3A_88] : memref<10240x128xf32, #tpu.memory_space<vmem_shared>> -> memref<128x128xf32, #tpu.memory_space<vmem_shared>>
      tpu.enqueue_dma source(%dma_start3A_89 : memref<128x128xf32, #tpu.memory_space<vmem_shared>>) target(%arg9 : memref<128x128xf32, #tpu.memory_space<vmem>>) target_semaphore(%run_scoped3A : memref<!tpu.dma_semaphore, #tpu.memory_space<semaphore_mem>>)
      %dma_wait3A = arith.constant 0 : i32
      %dma_wait3A_90 = tpu.memref_slice %arg10[%mul3A_52, %dma_wait3A] : memref<10240x128xf32, #tpu.memory_space<vmem_shared>> -> memref<128x128xf32, #tpu.memory_space<vmem_shared>>
      %dma_wait3A_91 = arith.constant 0 : i32
      %dma_wait3A_92 = tpu.memref_slice %arg10[%mul3A_52, %dma_wait3A_91] : memref<10240x128xf32, #tpu.memory_space<vmem_shared>> -> memref<128x128xf32, #tpu.memory_space<vmem_shared>>
      tpu.wait_dma2 semaphore(%run_scoped3A : memref<!tpu.dma_semaphore, #tpu.memory_space<semaphore_mem>>) src(%dma_wait3A_92 : memref<128x128xf32, #tpu.memory_space<vmem_shared>>) dst(%arg9 : memref<128x128xf32, #tpu.memory_space<vmem>>)
      tpu.yield
    }) : () -> ()
    %mul3A_53 = arith.constant 5 : i32
    %mul3A_54 = arith.muli %arg1, %mul3A_53 : i32
    %add3A_55 = arith.constant 1 : i32
    %add3A_56 = arith.addi %mul3A_54, %add3A_55 : i32
    "tpu.region"() ({
      %run_scoped3A = tpu.sem_alloc : memref<!tpu.dma_semaphore, #tpu.memory_space<semaphore_mem>>
      %dma_start3A = arith.constant 0 : i32
      %dma_start3A_87 = arith.constant 0 : i32
      %dma_start3A_88 = tpu.memref_slice %arg6[%arg0, %add3A_56, %dma_start3A, %dma_start3A_87] : memref<2x80x128x128xf32, #tpu.memory_space<hbm>> -> memref<1x1x128x128xf32, #tpu.memory_space<hbm>>
      %dma_start3A_89 = tpu.memref_squeeze %dma_start3A_88 : memref<1x1x128x128xf32, #tpu.memory_space<hbm>> -> memref<128x128xf32, #tpu.memory_space<hbm>>
      %dma_start3A_90 = arith.constant 0 : i32
      %dma_start3A_91 = arith.constant 0 : i32
      %dma_start3A_92 = tpu.memref_slice %arg6[%arg0, %add3A_56, %dma_start3A_90, %dma_start3A_91] : memref<2x80x128x128xf32, #tpu.memory_space<hbm>> -> memref<1x1x128x128xf32, #tpu.memory_space<hbm>>
      %dma_start3A_93 = tpu.memref_squeeze %dma_start3A_92 : memref<1x1x128x128xf32, #tpu.memory_space<hbm>> -> memref<128x128xf32, #tpu.memory_space<hbm>>
      tpu.enqueue_dma source(%arg9 : memref<128x128xf32, #tpu.memory_space<vmem>>) target(%dma_start3A_93 : memref<128x128xf32, #tpu.memory_space<hbm>>) target_semaphore(%run_scoped3A : memref<!tpu.dma_semaphore, #tpu.memory_space<semaphore_mem>>)
      %dma_wait3A = arith.constant 0 : i32
      %dma_wait3A_94 = arith.constant 0 : i32
      %dma_wait3A_95 = tpu.memref_slice %arg6[%arg0, %add3A_56, %dma_wait3A, %dma_wait3A_94] : memref<2x80x128x128xf32, #tpu.memory_space<hbm>> -> memref<1x1x128x128xf32, #tpu.memory_space<hbm>>
      %dma_wait3A_96 = tpu.memref_squeeze %dma_wait3A_95 : memref<1x1x128x128xf32, #tpu.memory_space<hbm>> -> memref<128x128xf32, #tpu.memory_space<hbm>>
      %dma_wait3A_97 = arith.constant 0 : i32
      %dma_wait3A_98 = arith.constant 0 : i32
      %dma_wait3A_99 = tpu.memref_slice %arg6[%arg0, %add3A_56, %dma_wait3A_97, %dma_wait3A_98] : memref<2x80x128x128xf32, #tpu.memory_space<hbm>> -> memref<1x1x128x128xf32, #tpu.memory_space<hbm>>
      %dma_wait3A_100 = tpu.memref_squeeze %dma_wait3A_99 : memref<1x1x128x128xf32, #tpu.memory_space<hbm>> -> memref<128x128xf32, #tpu.memory_space<hbm>>
      tpu.wait_dma2 semaphore(%run_scoped3A : memref<!tpu.dma_semaphore, #tpu.memory_space<semaphore_mem>>) src(%arg9 : memref<128x128xf32, #tpu.memory_space<vmem>>) dst(%dma_wait3A_100 : memref<128x128xf32, #tpu.memory_space<hbm>>)
      tpu.yield
    }) : () -> ()
    %mul3A_57 = arith.constant 5 : i32
    %mul3A_58 = arith.muli %arg1, %mul3A_57 : i32
    %add3A_59 = arith.constant 2 : i32
    %add3A_60 = arith.addi %mul3A_58, %add3A_59 : i32
    %mul3A_61 = arith.constant 128 : i32
    %mul3A_62 = arith.muli %add3A_60, %mul3A_61 : i32
    "tpu.region"() ({
      %run_scoped3A = tpu.sem_alloc : memref<!tpu.dma_semaphore, #tpu.memory_space<semaphore_mem>>
      %dma_start3A = arith.constant 0 : i32
      %dma_start3A_87 = tpu.memref_slice %arg10[%mul3A_62, %dma_start3A] : memref<10240x128xf32, #tpu.memory_space<vmem_shared>> -> memref<128x128xf32, #tpu.memory_space<vmem_shared>>
      %dma_start3A_88 = arith.constant 0 : i32
      %dma_start3A_89 = tpu.memref_slice %arg10[%mul3A_62, %dma_start3A_88] : memref<10240x128xf32, #tpu.memory_space<vmem_shared>> -> memref<128x128xf32, #tpu.memory_space<vmem_shared>>
      tpu.enqueue_dma source(%dma_start3A_89 : memref<128x128xf32, #tpu.memory_space<vmem_shared>>) target(%arg9 : memref<128x128xf32, #tpu.memory_space<vmem>>) target_semaphore(%run_scoped3A : memref<!tpu.dma_semaphore, #tpu.memory_space<semaphore_mem>>)
      %dma_wait3A = arith.constant 0 : i32
      %dma_wait3A_90 = tpu.memref_slice %arg10[%mul3A_62, %dma_wait3A] : memref<10240x128xf32, #tpu.memory_space<vmem_shared>> -> memref<128x128xf32, #tpu.memory_space<vmem_shared>>
      %dma_wait3A_91 = arith.constant 0 : i32
      %dma_wait3A_92 = tpu.memref_slice %arg10[%mul3A_62, %dma_wait3A_91] : memref<10240x128xf32, #tpu.memory_space<vmem_shared>> -> memref<128x128xf32, #tpu.memory_space<vmem_shared>>
      tpu.wait_dma2 semaphore(%run_scoped3A : memref<!tpu.dma_semaphore, #tpu.memory_space<semaphore_mem>>) src(%dma_wait3A_92 : memref<128x128xf32, #tpu.memory_space<vmem_shared>>) dst(%arg9 : memref<128x128xf32, #tpu.memory_space<vmem>>)
      tpu.yield
    }) : () -> ()
    %mul3A_63 = arith.constant 5 : i32
    %mul3A_64 = arith.muli %arg1, %mul3A_63 : i32
    %add3A_65 = arith.constant 2 : i32
    %add3A_66 = arith.addi %mul3A_64, %add3A_65 : i32
    "tpu.region"() ({
      %run_scoped3A = tpu.sem_alloc : memref<!tpu.dma_semaphore, #tpu.memory_space<semaphore_mem>>
      %dma_start3A = arith.constant 0 : i32
      %dma_start3A_87 = arith.constant 0 : i32
      %dma_start3A_88 = tpu.memref_slice %arg6[%arg0, %add3A_66, %dma_start3A, %dma_start3A_87] : memref<2x80x128x128xf32, #tpu.memory_space<hbm>> -> memref<1x1x128x128xf32, #tpu.memory_space<hbm>>
      %dma_start3A_89 = tpu.memref_squeeze %dma_start3A_88 : memref<1x1x128x128xf32, #tpu.memory_space<hbm>> -> memref<128x128xf32, #tpu.memory_space<hbm>>
      %dma_start3A_90 = arith.constant 0 : i32
      %dma_start3A_91 = arith.constant 0 : i32
      %dma_start3A_92 = tpu.memref_slice %arg6[%arg0, %add3A_66, %dma_start3A_90, %dma_start3A_91] : memref<2x80x128x128xf32, #tpu.memory_space<hbm>> -> memref<1x1x128x128xf32, #tpu.memory_space<hbm>>
      %dma_start3A_93 = tpu.memref_squeeze %dma_start3A_92 : memref<1x1x128x128xf32, #tpu.memory_space<hbm>> -> memref<128x128xf32, #tpu.memory_space<hbm>>
      tpu.enqueue_dma source(%arg9 : memref<128x128xf32, #tpu.memory_space<vmem>>) target(%dma_start3A_93 : memref<128x128xf32, #tpu.memory_space<hbm>>) target_semaphore(%run_scoped3A : memref<!tpu.dma_semaphore, #tpu.memory_space<semaphore_mem>>)
      %dma_wait3A = arith.constant 0 : i32
      %dma_wait3A_94 = arith.constant 0 : i32
      %dma_wait3A_95 = tpu.memref_slice %arg6[%arg0, %add3A_66, %dma_wait3A, %dma_wait3A_94] : memref<2x80x128x128xf32, #tpu.memory_space<hbm>> -> memref<1x1x128x128xf32, #tpu.memory_space<hbm>>
      %dma_wait3A_96 = tpu.memref_squeeze %dma_wait3A_95 : memref<1x1x128x128xf32, #tpu.memory_space<hbm>> -> memref<128x128xf32, #tpu.memory_space<hbm>>
      %dma_wait3A_97 = arith.constant 0 : i32
      %dma_wait3A_98 = arith.constant 0 : i32
      %dma_wait3A_99 = tpu.memref_slice %arg6[%arg0, %add3A_66, %dma_wait3A_97, %dma_wait3A_98] : memref<2x80x128x128xf32, #tpu.memory_space<hbm>> -> memref<1x1x128x128xf32, #tpu.memory_space<hbm>>
      %dma_wait3A_100 = tpu.memref_squeeze %dma_wait3A_99 : memref<1x1x128x128xf32, #tpu.memory_space<hbm>> -> memref<128x128xf32, #tpu.memory_space<hbm>>
      tpu.wait_dma2 semaphore(%run_scoped3A : memref<!tpu.dma_semaphore, #tpu.memory_space<semaphore_mem>>) src(%arg9 : memref<128x128xf32, #tpu.memory_space<vmem>>) dst(%dma_wait3A_100 : memref<128x128xf32, #tpu.memory_space<hbm>>)
      tpu.yield
    }) : () -> ()
    %mul3A_67 = arith.constant 5 : i32
    %mul3A_68 = arith.muli %arg1, %mul3A_67 : i32
    %add3A_69 = arith.constant 3 : i32
    %add3A_70 = arith.addi %mul3A_68, %add3A_69 : i32
    %mul3A_71 = arith.constant 128 : i32
    %mul3A_72 = arith.muli %add3A_70, %mul3A_71 : i32
    "tpu.region"() ({
      %run_scoped3A = tpu.sem_alloc : memref<!tpu.dma_semaphore, #tpu.memory_space<semaphore_mem>>
      %dma_start3A = arith.constant 0 : i32
      %dma_start3A_87 = tpu.memref_slice %arg10[%mul3A_72, %dma_start3A] : memref<10240x128xf32, #tpu.memory_space<vmem_shared>> -> memref<128x128xf32, #tpu.memory_space<vmem_shared>>
      %dma_start3A_88 = arith.constant 0 : i32
      %dma_start3A_89 = tpu.memref_slice %arg10[%mul3A_72, %dma_start3A_88] : memref<10240x128xf32, #tpu.memory_space<vmem_shared>> -> memref<128x128xf32, #tpu.memory_space<vmem_shared>>
      tpu.enqueue_dma source(%dma_start3A_89 : memref<128x128xf32, #tpu.memory_space<vmem_shared>>) target(%arg9 : memref<128x128xf32, #tpu.memory_space<vmem>>) target_semaphore(%run_scoped3A : memref<!tpu.dma_semaphore, #tpu.memory_space<semaphore_mem>>)
      %dma_wait3A = arith.constant 0 : i32
      %dma_wait3A_90 = tpu.memref_slice %arg10[%mul3A_72, %dma_wait3A] : memref<10240x128xf32, #tpu.memory_space<vmem_shared>> -> memref<128x128xf32, #tpu.memory_space<vmem_shared>>
      %dma_wait3A_91 = arith.constant 0 : i32
      %dma_wait3A_92 = tpu.memref_slice %arg10[%mul3A_72, %dma_wait3A_91] : memref<10240x128xf32, #tpu.memory_space<vmem_shared>> -> memref<128x128xf32, #tpu.memory_space<vmem_shared>>
      tpu.wait_dma2 semaphore(%run_scoped3A : memref<!tpu.dma_semaphore, #tpu.memory_space<semaphore_mem>>) src(%dma_wait3A_92 : memref<128x128xf32, #tpu.memory_space<vmem_shared>>) dst(%arg9 : memref<128x128xf32, #tpu.memory_space<vmem>>)
      tpu.yield
    }) : () -> ()
    %mul3A_73 = arith.constant 5 : i32
    %mul3A_74 = arith.muli %arg1, %mul3A_73 : i32
    %add3A_75 = arith.constant 3 : i32
    %add3A_76 = arith.addi %mul3A_74, %add3A_75 : i32
    "tpu.region"() ({
      %run_scoped3A = tpu.sem_alloc : memref<!tpu.dma_semaphore, #tpu.memory_space<semaphore_mem>>
      %dma_start3A = arith.constant 0 : i32
      %dma_start3A_87 = arith.constant 0 : i32
      %dma_start3A_88 = tpu.memref_slice %arg6[%arg0, %add3A_76, %dma_start3A, %dma_start3A_87] : memref<2x80x128x128xf32, #tpu.memory_space<hbm>> -> memref<1x1x128x128xf32, #tpu.memory_space<hbm>>
      %dma_start3A_89 = tpu.memref_squeeze %dma_start3A_88 : memref<1x1x128x128xf32, #tpu.memory_space<hbm>> -> memref<128x128xf32, #tpu.memory_space<hbm>>
      %dma_start3A_90 = arith.constant 0 : i32
      %dma_start3A_91 = arith.constant 0 : i32
      %dma_start3A_92 = tpu.memref_slice %arg6[%arg0, %add3A_76, %dma_start3A_90, %dma_start3A_91] : memref<2x80x128x128xf32, #tpu.memory_space<hbm>> -> memref<1x1x128x128xf32, #tpu.memory_space<hbm>>
      %dma_start3A_93 = tpu.memref_squeeze %dma_start3A_92 : memref<1x1x128x128xf32, #tpu.memory_space<hbm>> -> memref<128x128xf32, #tpu.memory_space<hbm>>
      tpu.enqueue_dma source(%arg9 : memref<128x128xf32, #tpu.memory_space<vmem>>) target(%dma_start3A_93 : memref<128x128xf32, #tpu.memory_space<hbm>>) target_semaphore(%run_scoped3A : memref<!tpu.dma_semaphore, #tpu.memory_space<semaphore_mem>>)
      %dma_wait3A = arith.constant 0 : i32
      %dma_wait3A_94 = arith.constant 0 : i32
      %dma_wait3A_95 = tpu.memref_slice %arg6[%arg0, %add3A_76, %dma_wait3A, %dma_wait3A_94] : memref<2x80x128x128xf32, #tpu.memory_space<hbm>> -> memref<1x1x128x128xf32, #tpu.memory_space<hbm>>
      %dma_wait3A_96 = tpu.memref_squeeze %dma_wait3A_95 : memref<1x1x128x128xf32, #tpu.memory_space<hbm>> -> memref<128x128xf32, #tpu.memory_space<hbm>>
      %dma_wait3A_97 = arith.constant 0 : i32
      %dma_wait3A_98 = arith.constant 0 : i32
      %dma_wait3A_99 = tpu.memref_slice %arg6[%arg0, %add3A_76, %dma_wait3A_97, %dma_wait3A_98] : memref<2x80x128x128xf32, #tpu.memory_space<hbm>> -> memref<1x1x128x128xf32, #tpu.memory_space<hbm>>
      %dma_wait3A_100 = tpu.memref_squeeze %dma_wait3A_99 : memref<1x1x128x128xf32, #tpu.memory_space<hbm>> -> memref<128x128xf32, #tpu.memory_space<hbm>>
      tpu.wait_dma2 semaphore(%run_scoped3A : memref<!tpu.dma_semaphore, #tpu.memory_space<semaphore_mem>>) src(%arg9 : memref<128x128xf32, #tpu.memory_space<vmem>>) dst(%dma_wait3A_100 : memref<128x128xf32, #tpu.memory_space<hbm>>)
      tpu.yield
    }) : () -> ()
    %mul3A_77 = arith.constant 5 : i32
    %mul3A_78 = arith.muli %arg1, %mul3A_77 : i32
    %add3A_79 = arith.constant 4 : i32
    %add3A_80 = arith.addi %mul3A_78, %add3A_79 : i32
    %mul3A_81 = arith.constant 128 : i32
    %mul3A_82 = arith.muli %add3A_80, %mul3A_81 : i32
    "tpu.region"() ({
      %run_scoped3A = tpu.sem_alloc : memref<!tpu.dma_semaphore, #tpu.memory_space<semaphore_mem>>
      %dma_start3A = arith.constant 0 : i32
      %dma_start3A_87 = tpu.memref_slice %arg10[%mul3A_82, %dma_start3A] : memref<10240x128xf32, #tpu.memory_space<vmem_shared>> -> memref<128x128xf32, #tpu.memory_space<vmem_shared>>
      %dma_start3A_88 = arith.constant 0 : i32
      %dma_start3A_89 = tpu.memref_slice %arg10[%mul3A_82, %dma_start3A_88] : memref<10240x128xf32, #tpu.memory_space<vmem_shared>> -> memref<128x128xf32, #tpu.memory_space<vmem_shared>>
      tpu.enqueue_dma source(%dma_start3A_89 : memref<128x128xf32, #tpu.memory_space<vmem_shared>>) target(%arg9 : memref<128x128xf32, #tpu.memory_space<vmem>>) target_semaphore(%run_scoped3A : memref<!tpu.dma_semaphore, #tpu.memory_space<semaphore_mem>>)
      %dma_wait3A = arith.constant 0 : i32
      %dma_wait3A_90 = tpu.memref_slice %arg10[%mul3A_82, %dma_wait3A] : memref<10240x128xf32, #tpu.memory_space<vmem_shared>> -> memref<128x128xf32, #tpu.memory_space<vmem_shared>>
      %dma_wait3A_91 = arith.constant 0 : i32
      %dma_wait3A_92 = tpu.memref_slice %arg10[%mul3A_82, %dma_wait3A_91] : memref<10240x128xf32, #tpu.memory_space<vmem_shared>> -> memref<128x128xf32, #tpu.memory_space<vmem_shared>>
      tpu.wait_dma2 semaphore(%run_scoped3A : memref<!tpu.dma_semaphore, #tpu.memory_space<semaphore_mem>>) src(%dma_wait3A_92 : memref<128x128xf32, #tpu.memory_space<vmem_shared>>) dst(%arg9 : memref<128x128xf32, #tpu.memory_space<vmem>>)
      tpu.yield
    }) : () -> ()
    %mul3A_83 = arith.constant 5 : i32
    %mul3A_84 = arith.muli %arg1, %mul3A_83 : i32
    %add3A_85 = arith.constant 4 : i32
    %add3A_86 = arith.addi %mul3A_84, %add3A_85 : i32
    "tpu.region"() ({
      %run_scoped3A = tpu.sem_alloc : memref<!tpu.dma_semaphore, #tpu.memory_space<semaphore_mem>>
      %dma_start3A = arith.constant 0 : i32
      %dma_start3A_87 = arith.constant 0 : i32
      %dma_start3A_88 = tpu.memref_slice %arg6[%arg0, %add3A_86, %dma_start3A, %dma_start3A_87] : memref<2x80x128x128xf32, #tpu.memory_space<hbm>> -> memref<1x1x128x128xf32, #tpu.memory_space<hbm>>
      %dma_start3A_89 = tpu.memref_squeeze %dma_start3A_88 : memref<1x1x128x128xf32, #tpu.memory_space<hbm>> -> memref<128x128xf32, #tpu.memory_space<hbm>>
      %dma_start3A_90 = arith.constant 0 : i32
      %dma_start3A_91 = arith.constant 0 : i32
      %dma_start3A_92 = tpu.memref_slice %arg6[%arg0, %add3A_86, %dma_start3A_90, %dma_start3A_91] : memref<2x80x128x128xf32, #tpu.memory_space<hbm>> -> memref<1x1x128x128xf32, #tpu.memory_space<hbm>>
      %dma_start3A_93 = tpu.memref_squeeze %dma_start3A_92 : memref<1x1x128x128xf32, #tpu.memory_space<hbm>> -> memref<128x128xf32, #tpu.memory_space<hbm>>
      tpu.enqueue_dma source(%arg9 : memref<128x128xf32, #tpu.memory_space<vmem>>) target(%dma_start3A_93 : memref<128x128xf32, #tpu.memory_space<hbm>>) target_semaphore(%run_scoped3A : memref<!tpu.dma_semaphore, #tpu.memory_space<semaphore_mem>>)
      %dma_wait3A = arith.constant 0 : i32
      %dma_wait3A_94 = arith.constant 0 : i32
      %dma_wait3A_95 = tpu.memref_slice %arg6[%arg0, %add3A_86, %dma_wait3A, %dma_wait3A_94] : memref<2x80x128x128xf32, #tpu.memory_space<hbm>> -> memref<1x1x128x128xf32, #tpu.memory_space<hbm>>
      %dma_wait3A_96 = tpu.memref_squeeze %dma_wait3A_95 : memref<1x1x128x128xf32, #tpu.memory_space<hbm>> -> memref<128x128xf32, #tpu.memory_space<hbm>>
      %dma_wait3A_97 = arith.constant 0 : i32
      %dma_wait3A_98 = arith.constant 0 : i32
      %dma_wait3A_99 = tpu.memref_slice %arg6[%arg0, %add3A_86, %dma_wait3A_97, %dma_wait3A_98] : memref<2x80x128x128xf32, #tpu.memory_space<hbm>> -> memref<1x1x128x128xf32, #tpu.memory_space<hbm>>
      %dma_wait3A_100 = tpu.memref_squeeze %dma_wait3A_99 : memref<1x1x128x128xf32, #tpu.memory_space<hbm>> -> memref<128x128xf32, #tpu.memory_space<hbm>>
      tpu.wait_dma2 semaphore(%run_scoped3A : memref<!tpu.dma_semaphore, #tpu.memory_space<semaphore_mem>>) src(%arg9 : memref<128x128xf32, #tpu.memory_space<vmem>>) dst(%dma_wait3A_100 : memref<128x128xf32, #tpu.memory_space<hbm>>)
      tpu.yield
    }) : () -> ()
    return
  }
}

#map = affine_map<(d0, d1) -> (0, 0)>
#map1 = affine_map<(d0, d1) -> (0, 0, 0)>
#map2 = affine_map<(d0, d1) -> (0, 0, 0, 0)>
module attributes {stable_mosaic.version = 14 : i64} {
  func.func @_msg_body(%arg0: i32, %arg1: i32, %arg2: memref<10000x128xf32, #tpu.memory_space<hbm>>, %arg3: memref<32x79x128xi32, #tpu.memory_space<hbm>>, %arg4: memref<32x79x128xi32, #tpu.memory_space<hbm>>, %arg5: memref<128x128xf32, #tpu.memory_space<hbm>>, %arg6: memref<2x80x128x128xf32, #tpu.memory_space<hbm>>, %arg7: memref<79x128xi32, #tpu.memory_space<vmem>>, %arg8: memref<79x128xi32, #tpu.memory_space<vmem>>, %arg9: memref<128x128xf32, #tpu.memory_space<vmem>>, %arg10: memref<10240x128xf32, #tpu.memory_space<vmem_shared>>, %arg11: memref<!tpu.dma_semaphore, #tpu.memory_space<semaphore_mem>>) attributes {dimension_semantics = [#tpu.dimension_semantics<core_parallel>, #tpu.dimension_semantics<subcore_parallel>], iteration_bounds = array<i64: 2, 16>, scalar_prefetch = 0 : i64, scratch_operands = 5 : i64, tpu.core_type = #tpu.core_type<sc_vector_subcore>, window_params = [{transform_indices = #map}, {transform_indices = #map1}, {transform_indices = #map1}, {transform_indices = #map}, {transform_indices = #map2}]} {
    %mul3A = arith.constant 2 : i32
    %mul3A_0 = arith.muli %arg1, %mul3A : i32
    %add3A = arith.addi %mul3A_0, %arg0 : i32
    "tpu.region"() ({
      %run_scoped3A = tpu.sem_alloc : memref<!tpu.dma_semaphore, #tpu.memory_space<semaphore_mem>>
      %dma_start3A = arith.constant 0 : i32
      %dma_start3A_87 = arith.constant 0 : i32
      %dma_start3A_88 = tpu.memref_slice %arg3[%add3A, %dma_start3A, %dma_start3A_87] : memref<32x79x128xi32, #tpu.memory_space<hbm>> -> memref<1x79x128xi32, #tpu.memory_space<hbm>>
      %dma_start3A_89 = tpu.memref_squeeze %dma_start3A_88 : memref<1x79x128xi32, #tpu.memory_space<hbm>> -> memref<79x128xi32, #tpu.memory_space<hbm>>
      %dma_start3A_90 = arith.constant 0 : i32
      %dma_start3A_91 = arith.constant 0 : i32
      %dma_start3A_92 = tpu.memref_slice %arg3[%add3A, %dma_start3A_90, %dma_start3A_91] : memref<32x79x128xi32, #tpu.memory_space<hbm>> -> memref<1x79x128xi32, #tpu.memory_space<hbm>>
      %dma_start3A_93 = tpu.memref_squeeze %dma_start3A_92 : memref<1x79x128xi32, #tpu.memory_space<hbm>> -> memref<79x128xi32, #tpu.memory_space<hbm>>
      tpu.enqueue_dma source(%dma_start3A_93 : memref<79x128xi32, #tpu.memory_space<hbm>>) target(%arg7 : memref<79x128xi32, #tpu.memory_space<vmem>>) target_semaphore(%run_scoped3A : memref<!tpu.dma_semaphore, #tpu.memory_space<semaphore_mem>>)
      %dma_wait3A = arith.constant 0 : i32
      %dma_wait3A_94 = arith.constant 0 : i32
      %dma_wait3A_95 = tpu.memref_slice %arg3[%add3A, %dma_wait3A, %dma_wait3A_94] : memref<32x79x128xi32, #tpu.memory_space<hbm>> -> memref<1x79x128xi32, #tpu.memory_space<hbm>>
      %dma_wait3A_96 = tpu.memref_squeeze %dma_wait3A_95 : memref<1x79x128xi32, #tpu.memory_space<hbm>> -> memref<79x128xi32, #tpu.memory_space<hbm>>
      %dma_wait3A_97 = arith.constant 0 : i32
      %dma_wait3A_98 = arith.constant 0 : i32
      %dma_wait3A_99 = tpu.memref_slice %arg3[%add3A, %dma_wait3A_97, %dma_wait3A_98] : memref<32x79x128xi32, #tpu.memory_space<hbm>> -> memref<1x79x128xi32, #tpu.memory_space<hbm>>
      %dma_wait3A_100 = tpu.memref_squeeze %dma_wait3A_99 : memref<1x79x128xi32, #tpu.memory_space<hbm>> -> memref<79x128xi32, #tpu.memory_space<hbm>>
      tpu.wait_dma2 semaphore(%run_scoped3A : memref<!tpu.dma_semaphore, #tpu.memory_space<semaphore_mem>>) src(%dma_wait3A_100 : memref<79x128xi32, #tpu.memory_space<hbm>>) dst(%arg7 : memref<79x128xi32, #tpu.memory_space<vmem>>)
      tpu.yield
    }) : () -> ()
    "tpu.region"() ({
      %run_scoped3A = tpu.sem_alloc : memref<!tpu.dma_semaphore, #tpu.memory_space<semaphore_mem>>
      %dma_start3A = arith.constant 0 : i32
      %dma_start3A_87 = arith.constant 0 : i32
      %dma_start3A_88 = tpu.memref_slice %arg4[%add3A, %dma_start3A, %dma_start3A_87] : memref<32x79x128xi32, #tpu.memory_space<hbm>> -> memref<1x79x128xi32, #tpu.memory_space<hbm>>
      %dma_start3A_89 = tpu.memref_squeeze %dma_start3A_88 : memref<1x79x128xi32, #tpu.memory_space<hbm>> -> memref<79x128xi32, #tpu.memory_space<hbm>>
      %dma_start3A_90 = arith.constant 0 : i32
      %dma_start3A_91 = arith.constant 0 : i32
      %dma_start3A_92 = tpu.memref_slice %arg4[%add3A, %dma_start3A_90, %dma_start3A_91] : memref<32x79x128xi32, #tpu.memory_space<hbm>> -> memref<1x79x128xi32, #tpu.memory_space<hbm>>
      %dma_start3A_93 = tpu.memref_squeeze %dma_start3A_92 : memref<1x79x128xi32, #tpu.memory_space<hbm>> -> memref<79x128xi32, #tpu.memory_space<hbm>>
      tpu.enqueue_dma source(%dma_start3A_93 : memref<79x128xi32, #tpu.memory_space<hbm>>) target(%arg8 : memref<79x128xi32, #tpu.memory_space<vmem>>) target_semaphore(%run_scoped3A : memref<!tpu.dma_semaphore, #tpu.memory_space<semaphore_mem>>)
      %dma_wait3A = arith.constant 0 : i32
      %dma_wait3A_94 = arith.constant 0 : i32
      %dma_wait3A_95 = tpu.memref_slice %arg4[%add3A, %dma_wait3A, %dma_wait3A_94] : memref<32x79x128xi32, #tpu.memory_space<hbm>> -> memref<1x79x128xi32, #tpu.memory_space<hbm>>
      %dma_wait3A_96 = tpu.memref_squeeze %dma_wait3A_95 : memref<1x79x128xi32, #tpu.memory_space<hbm>> -> memref<79x128xi32, #tpu.memory_space<hbm>>
      %dma_wait3A_97 = arith.constant 0 : i32
      %dma_wait3A_98 = arith.constant 0 : i32
      %dma_wait3A_99 = tpu.memref_slice %arg4[%add3A, %dma_wait3A_97, %dma_wait3A_98] : memref<32x79x128xi32, #tpu.memory_space<hbm>> -> memref<1x79x128xi32, #tpu.memory_space<hbm>>
      %dma_wait3A_100 = tpu.memref_squeeze %dma_wait3A_99 : memref<1x79x128xi32, #tpu.memory_space<hbm>> -> memref<79x128xi32, #tpu.memory_space<hbm>>
      tpu.wait_dma2 semaphore(%run_scoped3A : memref<!tpu.dma_semaphore, #tpu.memory_space<semaphore_mem>>) src(%dma_wait3A_100 : memref<79x128xi32, #tpu.memory_space<hbm>>) dst(%arg8 : memref<79x128xi32, #tpu.memory_space<vmem>>)
      tpu.yield
    }) : () -> ()
    "tpu.region"() ({
      %run_scoped3A = tpu.sem_alloc : memref<!tpu.dma_semaphore, #tpu.memory_space<semaphore_mem>>
      tpu.enqueue_dma source(%arg5 : memref<128x128xf32, #tpu.memory_space<hbm>>) target(%arg9 : memref<128x128xf32, #tpu.memory_space<vmem>>) target_semaphore(%run_scoped3A : memref<!tpu.dma_semaphore, #tpu.memory_space<semaphore_mem>>)
      tpu.wait_dma2 semaphore(%run_scoped3A : memref<!tpu.dma_semaphore, #tpu.memory_space<semaphore_mem>>) src(%arg5 : memref<128x128xf32, #tpu.memory_space<hbm>>) dst(%arg9 : memref<128x128xf32, #tpu.memory_space<vmem>>)
      tpu.yield
    }) : () -> ()
    %mul3A_1 = arith.constant 5 : i32
    %mul3A_2 = arith.muli %arg1, %mul3A_1 : i32
    %add3A_3 = arith.constant 0 : i32
    %add3A_4 = arith.addi %mul3A_2, %add3A_3 : i32
    %mul3A_5 = arith.constant 128 : i32
    %mul3A_6 = arith.muli %add3A_4, %mul3A_5 : i32
    "tpu.region"() ({
      %run_scoped3A = tpu.sem_alloc : memref<!tpu.dma_semaphore, #tpu.memory_space<semaphore_mem>>
      %dma_start3A = arith.constant 0 : i32
      %dma_start3A_87 = tpu.memref_slice %arg10[%mul3A_6, %dma_start3A] : memref<10240x128xf32, #tpu.memory_space<vmem_shared>> -> memref<128x128xf32, #tpu.memory_space<vmem_shared>>
      %dma_start3A_88 = arith.constant 0 : i32
      %dma_start3A_89 = tpu.memref_slice %arg10[%mul3A_6, %dma_start3A_88] : memref<10240x128xf32, #tpu.memory_space<vmem_shared>> -> memref<128x128xf32, #tpu.memory_space<vmem_shared>>
      tpu.enqueue_dma source(%arg9 : memref<128x128xf32, #tpu.memory_space<vmem>>) target(%dma_start3A_89 : memref<128x128xf32, #tpu.memory_space<vmem_shared>>) target_semaphore(%run_scoped3A : memref<!tpu.dma_semaphore, #tpu.memory_space<semaphore_mem>>)
      %dma_wait3A = arith.constant 0 : i32
      %dma_wait3A_90 = tpu.memref_slice %arg10[%mul3A_6, %dma_wait3A] : memref<10240x128xf32, #tpu.memory_space<vmem_shared>> -> memref<128x128xf32, #tpu.memory_space<vmem_shared>>
      %dma_wait3A_91 = arith.constant 0 : i32
      %dma_wait3A_92 = tpu.memref_slice %arg10[%mul3A_6, %dma_wait3A_91] : memref<10240x128xf32, #tpu.memory_space<vmem_shared>> -> memref<128x128xf32, #tpu.memory_space<vmem_shared>>
      tpu.wait_dma2 semaphore(%run_scoped3A : memref<!tpu.dma_semaphore, #tpu.memory_space<semaphore_mem>>) src(%arg9 : memref<128x128xf32, #tpu.memory_space<vmem>>) dst(%dma_wait3A_92 : memref<128x128xf32, #tpu.memory_space<vmem_shared>>)
      tpu.yield
    }) : () -> ()
    %mul3A_7 = arith.constant 5 : i32
    %mul3A_8 = arith.muli %arg1, %mul3A_7 : i32
    %add3A_9 = arith.constant 1 : i32
    %add3A_10 = arith.addi %mul3A_8, %add3A_9 : i32
    %mul3A_11 = arith.constant 128 : i32
    %mul3A_12 = arith.muli %add3A_10, %mul3A_11 : i32
    "tpu.region"() ({
      %run_scoped3A = tpu.sem_alloc : memref<!tpu.dma_semaphore, #tpu.memory_space<semaphore_mem>>
      %dma_start3A = arith.constant 0 : i32
      %dma_start3A_87 = tpu.memref_slice %arg10[%mul3A_12, %dma_start3A] : memref<10240x128xf32, #tpu.memory_space<vmem_shared>> -> memref<128x128xf32, #tpu.memory_space<vmem_shared>>
      %dma_start3A_88 = arith.constant 0 : i32
      %dma_start3A_89 = tpu.memref_slice %arg10[%mul3A_12, %dma_start3A_88] : memref<10240x128xf32, #tpu.memory_space<vmem_shared>> -> memref<128x128xf32, #tpu.memory_space<vmem_shared>>
      tpu.enqueue_dma source(%arg9 : memref<128x128xf32, #tpu.memory_space<vmem>>) target(%dma_start3A_89 : memref<128x128xf32, #tpu.memory_space<vmem_shared>>) target_semaphore(%run_scoped3A : memref<!tpu.dma_semaphore, #tpu.memory_space<semaphore_mem>>)
      %dma_wait3A = arith.constant 0 : i32
      %dma_wait3A_90 = tpu.memref_slice %arg10[%mul3A_12, %dma_wait3A] : memref<10240x128xf32, #tpu.memory_space<vmem_shared>> -> memref<128x128xf32, #tpu.memory_space<vmem_shared>>
      %dma_wait3A_91 = arith.constant 0 : i32
      %dma_wait3A_92 = tpu.memref_slice %arg10[%mul3A_12, %dma_wait3A_91] : memref<10240x128xf32, #tpu.memory_space<vmem_shared>> -> memref<128x128xf32, #tpu.memory_space<vmem_shared>>
      tpu.wait_dma2 semaphore(%run_scoped3A : memref<!tpu.dma_semaphore, #tpu.memory_space<semaphore_mem>>) src(%arg9 : memref<128x128xf32, #tpu.memory_space<vmem>>) dst(%dma_wait3A_92 : memref<128x128xf32, #tpu.memory_space<vmem_shared>>)
      tpu.yield
    }) : () -> ()
    %mul3A_13 = arith.constant 5 : i32
    %mul3A_14 = arith.muli %arg1, %mul3A_13 : i32
    %add3A_15 = arith.constant 2 : i32
    %add3A_16 = arith.addi %mul3A_14, %add3A_15 : i32
    %mul3A_17 = arith.constant 128 : i32
    %mul3A_18 = arith.muli %add3A_16, %mul3A_17 : i32
    "tpu.region"() ({
      %run_scoped3A = tpu.sem_alloc : memref<!tpu.dma_semaphore, #tpu.memory_space<semaphore_mem>>
      %dma_start3A = arith.constant 0 : i32
      %dma_start3A_87 = tpu.memref_slice %arg10[%mul3A_18, %dma_start3A] : memref<10240x128xf32, #tpu.memory_space<vmem_shared>> -> memref<128x128xf32, #tpu.memory_space<vmem_shared>>
      %dma_start3A_88 = arith.constant 0 : i32
      %dma_start3A_89 = tpu.memref_slice %arg10[%mul3A_18, %dma_start3A_88] : memref<10240x128xf32, #tpu.memory_space<vmem_shared>> -> memref<128x128xf32, #tpu.memory_space<vmem_shared>>
      tpu.enqueue_dma source(%arg9 : memref<128x128xf32, #tpu.memory_space<vmem>>) target(%dma_start3A_89 : memref<128x128xf32, #tpu.memory_space<vmem_shared>>) target_semaphore(%run_scoped3A : memref<!tpu.dma_semaphore, #tpu.memory_space<semaphore_mem>>)
      %dma_wait3A = arith.constant 0 : i32
      %dma_wait3A_90 = tpu.memref_slice %arg10[%mul3A_18, %dma_wait3A] : memref<10240x128xf32, #tpu.memory_space<vmem_shared>> -> memref<128x128xf32, #tpu.memory_space<vmem_shared>>
      %dma_wait3A_91 = arith.constant 0 : i32
      %dma_wait3A_92 = tpu.memref_slice %arg10[%mul3A_18, %dma_wait3A_91] : memref<10240x128xf32, #tpu.memory_space<vmem_shared>> -> memref<128x128xf32, #tpu.memory_space<vmem_shared>>
      tpu.wait_dma2 semaphore(%run_scoped3A : memref<!tpu.dma_semaphore, #tpu.memory_space<semaphore_mem>>) src(%arg9 : memref<128x128xf32, #tpu.memory_space<vmem>>) dst(%dma_wait3A_92 : memref<128x128xf32, #tpu.memory_space<vmem_shared>>)
      tpu.yield
    }) : () -> ()
    %mul3A_19 = arith.constant 5 : i32
    %mul3A_20 = arith.muli %arg1, %mul3A_19 : i32
    %add3A_21 = arith.constant 3 : i32
    %add3A_22 = arith.addi %mul3A_20, %add3A_21 : i32
    %mul3A_23 = arith.constant 128 : i32
    %mul3A_24 = arith.muli %add3A_22, %mul3A_23 : i32
    "tpu.region"() ({
      %run_scoped3A = tpu.sem_alloc : memref<!tpu.dma_semaphore, #tpu.memory_space<semaphore_mem>>
      %dma_start3A = arith.constant 0 : i32
      %dma_start3A_87 = tpu.memref_slice %arg10[%mul3A_24, %dma_start3A] : memref<10240x128xf32, #tpu.memory_space<vmem_shared>> -> memref<128x128xf32, #tpu.memory_space<vmem_shared>>
      %dma_start3A_88 = arith.constant 0 : i32
      %dma_start3A_89 = tpu.memref_slice %arg10[%mul3A_24, %dma_start3A_88] : memref<10240x128xf32, #tpu.memory_space<vmem_shared>> -> memref<128x128xf32, #tpu.memory_space<vmem_shared>>
      tpu.enqueue_dma source(%arg9 : memref<128x128xf32, #tpu.memory_space<vmem>>) target(%dma_start3A_89 : memref<128x128xf32, #tpu.memory_space<vmem_shared>>) target_semaphore(%run_scoped3A : memref<!tpu.dma_semaphore, #tpu.memory_space<semaphore_mem>>)
      %dma_wait3A = arith.constant 0 : i32
      %dma_wait3A_90 = tpu.memref_slice %arg10[%mul3A_24, %dma_wait3A] : memref<10240x128xf32, #tpu.memory_space<vmem_shared>> -> memref<128x128xf32, #tpu.memory_space<vmem_shared>>
      %dma_wait3A_91 = arith.constant 0 : i32
      %dma_wait3A_92 = tpu.memref_slice %arg10[%mul3A_24, %dma_wait3A_91] : memref<10240x128xf32, #tpu.memory_space<vmem_shared>> -> memref<128x128xf32, #tpu.memory_space<vmem_shared>>
      tpu.wait_dma2 semaphore(%run_scoped3A : memref<!tpu.dma_semaphore, #tpu.memory_space<semaphore_mem>>) src(%arg9 : memref<128x128xf32, #tpu.memory_space<vmem>>) dst(%dma_wait3A_92 : memref<128x128xf32, #tpu.memory_space<vmem_shared>>)
      tpu.yield
    }) : () -> ()
    %mul3A_25 = arith.constant 5 : i32
    %mul3A_26 = arith.muli %arg1, %mul3A_25 : i32
    %add3A_27 = arith.constant 4 : i32
    %add3A_28 = arith.addi %mul3A_26, %add3A_27 : i32
    %mul3A_29 = arith.constant 128 : i32
    %mul3A_30 = arith.muli %add3A_28, %mul3A_29 : i32
    "tpu.region"() ({
      %run_scoped3A = tpu.sem_alloc : memref<!tpu.dma_semaphore, #tpu.memory_space<semaphore_mem>>
      %dma_start3A = arith.constant 0 : i32
      %dma_start3A_87 = tpu.memref_slice %arg10[%mul3A_30, %dma_start3A] : memref<10240x128xf32, #tpu.memory_space<vmem_shared>> -> memref<128x128xf32, #tpu.memory_space<vmem_shared>>
      %dma_start3A_88 = arith.constant 0 : i32
      %dma_start3A_89 = tpu.memref_slice %arg10[%mul3A_30, %dma_start3A_88] : memref<10240x128xf32, #tpu.memory_space<vmem_shared>> -> memref<128x128xf32, #tpu.memory_space<vmem_shared>>
      tpu.enqueue_dma source(%arg9 : memref<128x128xf32, #tpu.memory_space<vmem>>) target(%dma_start3A_89 : memref<128x128xf32, #tpu.memory_space<vmem_shared>>) target_semaphore(%run_scoped3A : memref<!tpu.dma_semaphore, #tpu.memory_space<semaphore_mem>>)
      %dma_wait3A = arith.constant 0 : i32
      %dma_wait3A_90 = tpu.memref_slice %arg10[%mul3A_30, %dma_wait3A] : memref<10240x128xf32, #tpu.memory_space<vmem_shared>> -> memref<128x128xf32, #tpu.memory_space<vmem_shared>>
      %dma_wait3A_91 = arith.constant 0 : i32
      %dma_wait3A_92 = tpu.memref_slice %arg10[%mul3A_30, %dma_wait3A_91] : memref<10240x128xf32, #tpu.memory_space<vmem_shared>> -> memref<128x128xf32, #tpu.memory_space<vmem_shared>>
      tpu.wait_dma2 semaphore(%run_scoped3A : memref<!tpu.dma_semaphore, #tpu.memory_space<semaphore_mem>>) src(%arg9 : memref<128x128xf32, #tpu.memory_space<vmem>>) dst(%dma_wait3A_92 : memref<128x128xf32, #tpu.memory_space<vmem_shared>>)
      tpu.yield
    }) : () -> ()
    %barrier3A = arith.constant 0 : index
    tpu.barrier barrier_id(%barrier3A)
    %scan3A = arith.constant 0 : i32
    %scan3A_31 = arith.constant 0 : i32
    %scan3A_32 = arith.constant 79 : i32
    %scan3A_33 = arith.addi %scan3A_31, %scan3A_32 : i32
    %scan3A_34 = arith.constant 1 : i32
    scf.for %scan3A_87 = %scan3A_31 to %scan3A_33 step %scan3A_34  : i32 {
      %dma_start3A = arith.constant 0 : i32
      %dma_start3A_88 = tpu.memref_slice %arg7[%scan3A_87, %dma_start3A] : memref<79x128xi32, #tpu.memory_space<vmem>> -> memref<1x128xi32, #tpu.memory_space<vmem>>
      %dma_start3A_89 = tpu.memref_squeeze %dma_start3A_88 : memref<1x128xi32, #tpu.memory_space<vmem>> -> memref<128xi32, #tpu.memory_space<vmem>>
      %dma_start3A_90 = arith.constant 0 : i32
      %dma_start3A_91 = arith.constant 0 : i32
      %dma_start3A_92 = tpu.memref_slice %arg2[%dma_start3A_90, %dma_start3A_91] : memref<10000x128xf32, #tpu.memory_space<hbm>> -> memref<10000x128xf32, #tpu.memory_space<hbm>>
      tpu.enqueue_indirect_dma source(%dma_start3A_92 : memref<10000x128xf32, #tpu.memory_space<hbm>>) target(%arg9 : memref<128x128xf32, #tpu.memory_space<vmem>>) offsets(%dma_start3A_89 : memref<128xi32, #tpu.memory_space<vmem>>) semaphore(%arg11 : memref<!tpu.dma_semaphore, #tpu.memory_space<semaphore_mem>>)
      %dma_wait3A = arith.constant 0 : i32
      %dma_wait3A_93 = tpu.memref_slice %arg7[%scan3A_87, %dma_wait3A] : memref<79x128xi32, #tpu.memory_space<vmem>> -> memref<1x128xi32, #tpu.memory_space<vmem>>
      %dma_wait3A_94 = tpu.memref_squeeze %dma_wait3A_93 : memref<1x128xi32, #tpu.memory_space<vmem>> -> memref<128xi32, #tpu.memory_space<vmem>>
      %dma_wait3A_95 = arith.constant 0 : i32
      %dma_wait3A_96 = arith.constant 0 : i32
      %dma_wait3A_97 = tpu.memref_slice %arg2[%dma_wait3A_95, %dma_wait3A_96] : memref<10000x128xf32, #tpu.memory_space<hbm>> -> memref<10000x128xf32, #tpu.memory_space<hbm>>
      tpu.wait_indirect_dma semaphore(%arg11 : memref<!tpu.dma_semaphore, #tpu.memory_space<semaphore_mem>>) src(%dma_wait3A_97 : memref<10000x128xf32, #tpu.memory_space<hbm>>) dst(%arg9 : memref<128x128xf32, #tpu.memory_space<vmem>>)
      "tpu.region"() ({
        %run_scoped3A = tpu.sem_alloc : memref<!tpu.dma_semaphore, #tpu.memory_space<semaphore_mem>>
        %dma_start3A_98 = arith.constant 0 : i32
        %dma_start3A_99 = tpu.memref_slice %arg8[%scan3A_87, %dma_start3A_98] : memref<79x128xi32, #tpu.memory_space<vmem>> -> memref<1x128xi32, #tpu.memory_space<vmem>>
        %dma_start3A_100 = tpu.memref_squeeze %dma_start3A_99 : memref<1x128xi32, #tpu.memory_space<vmem>> -> memref<128xi32, #tpu.memory_space<vmem>>
        %dma_start3A_101 = arith.constant 0 : i32
        %dma_start3A_102 = arith.constant 0 : i32
        %dma_start3A_103 = tpu.memref_slice %arg10[%dma_start3A_101, %dma_start3A_102] : memref<10240x128xf32, #tpu.memory_space<vmem_shared>> -> memref<10240x128xf32, #tpu.memory_space<vmem_shared>>
        tpu.enqueue_indirect_dma source(%arg9 : memref<128x128xf32, #tpu.memory_space<vmem>>) target(%dma_start3A_103 : memref<10240x128xf32, #tpu.memory_space<vmem_shared>>) offsets(%dma_start3A_100 : memref<128xi32, #tpu.memory_space<vmem>>) semaphore(%run_scoped3A : memref<!tpu.dma_semaphore, #tpu.memory_space<semaphore_mem>>) {add = true}
        %dma_wait3A_104 = arith.constant 0 : i32
        %dma_wait3A_105 = tpu.memref_slice %arg8[%scan3A_87, %dma_wait3A_104] : memref<79x128xi32, #tpu.memory_space<vmem>> -> memref<1x128xi32, #tpu.memory_space<vmem>>
        %dma_wait3A_106 = tpu.memref_squeeze %dma_wait3A_105 : memref<1x128xi32, #tpu.memory_space<vmem>> -> memref<128xi32, #tpu.memory_space<vmem>>
        %dma_wait3A_107 = arith.constant 0 : i32
        %dma_wait3A_108 = arith.constant 0 : i32
        %dma_wait3A_109 = tpu.memref_slice %arg10[%dma_wait3A_107, %dma_wait3A_108] : memref<10240x128xf32, #tpu.memory_space<vmem_shared>> -> memref<10240x128xf32, #tpu.memory_space<vmem_shared>>
        tpu.wait_indirect_dma semaphore(%run_scoped3A : memref<!tpu.dma_semaphore, #tpu.memory_space<semaphore_mem>>) src(%arg9 : memref<128x128xf32, #tpu.memory_space<vmem>>) dst(%dma_wait3A_109 : memref<10240x128xf32, #tpu.memory_space<vmem_shared>>)
        tpu.yield
      }) : () -> ()
    }
    %scan3A_35 = arith.constant 79 : i32
    %barrier3A_36 = arith.constant 0 : index
    tpu.barrier barrier_id(%barrier3A_36)
    %mul3A_37 = arith.constant 5 : i32
    %mul3A_38 = arith.muli %arg1, %mul3A_37 : i32
    %add3A_39 = arith.constant 0 : i32
    %add3A_40 = arith.addi %mul3A_38, %add3A_39 : i32
    %mul3A_41 = arith.constant 128 : i32
    %mul3A_42 = arith.muli %add3A_40, %mul3A_41 : i32
    "tpu.region"() ({
      %run_scoped3A = tpu.sem_alloc : memref<!tpu.dma_semaphore, #tpu.memory_space<semaphore_mem>>
      %dma_start3A = arith.constant 0 : i32
      %dma_start3A_87 = tpu.memref_slice %arg10[%mul3A_42, %dma_start3A] : memref<10240x128xf32, #tpu.memory_space<vmem_shared>> -> memref<128x128xf32, #tpu.memory_space<vmem_shared>>
      %dma_start3A_88 = arith.constant 0 : i32
      %dma_start3A_89 = tpu.memref_slice %arg10[%mul3A_42, %dma_start3A_88] : memref<10240x128xf32, #tpu.memory_space<vmem_shared>> -> memref<128x128xf32, #tpu.memory_space<vmem_shared>>
      tpu.enqueue_dma source(%dma_start3A_89 : memref<128x128xf32, #tpu.memory_space<vmem_shared>>) target(%arg9 : memref<128x128xf32, #tpu.memory_space<vmem>>) target_semaphore(%run_scoped3A : memref<!tpu.dma_semaphore, #tpu.memory_space<semaphore_mem>>)
      %dma_wait3A = arith.constant 0 : i32
      %dma_wait3A_90 = tpu.memref_slice %arg10[%mul3A_42, %dma_wait3A] : memref<10240x128xf32, #tpu.memory_space<vmem_shared>> -> memref<128x128xf32, #tpu.memory_space<vmem_shared>>
      %dma_wait3A_91 = arith.constant 0 : i32
      %dma_wait3A_92 = tpu.memref_slice %arg10[%mul3A_42, %dma_wait3A_91] : memref<10240x128xf32, #tpu.memory_space<vmem_shared>> -> memref<128x128xf32, #tpu.memory_space<vmem_shared>>
      tpu.wait_dma2 semaphore(%run_scoped3A : memref<!tpu.dma_semaphore, #tpu.memory_space<semaphore_mem>>) src(%dma_wait3A_92 : memref<128x128xf32, #tpu.memory_space<vmem_shared>>) dst(%arg9 : memref<128x128xf32, #tpu.memory_space<vmem>>)
      tpu.yield
    }) : () -> ()
    %mul3A_43 = arith.constant 5 : i32
    %mul3A_44 = arith.muli %arg1, %mul3A_43 : i32
    %add3A_45 = arith.constant 0 : i32
    %add3A_46 = arith.addi %mul3A_44, %add3A_45 : i32
    "tpu.region"() ({
      %run_scoped3A = tpu.sem_alloc : memref<!tpu.dma_semaphore, #tpu.memory_space<semaphore_mem>>
      %dma_start3A = arith.constant 0 : i32
      %dma_start3A_87 = arith.constant 0 : i32
      %dma_start3A_88 = tpu.memref_slice %arg6[%arg0, %add3A_46, %dma_start3A, %dma_start3A_87] : memref<2x80x128x128xf32, #tpu.memory_space<hbm>> -> memref<1x1x128x128xf32, #tpu.memory_space<hbm>>
      %dma_start3A_89 = tpu.memref_squeeze %dma_start3A_88 : memref<1x1x128x128xf32, #tpu.memory_space<hbm>> -> memref<128x128xf32, #tpu.memory_space<hbm>>
      %dma_start3A_90 = arith.constant 0 : i32
      %dma_start3A_91 = arith.constant 0 : i32
      %dma_start3A_92 = tpu.memref_slice %arg6[%arg0, %add3A_46, %dma_start3A_90, %dma_start3A_91] : memref<2x80x128x128xf32, #tpu.memory_space<hbm>> -> memref<1x1x128x128xf32, #tpu.memory_space<hbm>>
      %dma_start3A_93 = tpu.memref_squeeze %dma_start3A_92 : memref<1x1x128x128xf32, #tpu.memory_space<hbm>> -> memref<128x128xf32, #tpu.memory_space<hbm>>
      tpu.enqueue_dma source(%arg9 : memref<128x128xf32, #tpu.memory_space<vmem>>) target(%dma_start3A_93 : memref<128x128xf32, #tpu.memory_space<hbm>>) target_semaphore(%run_scoped3A : memref<!tpu.dma_semaphore, #tpu.memory_space<semaphore_mem>>)
      %dma_wait3A = arith.constant 0 : i32
      %dma_wait3A_94 = arith.constant 0 : i32
      %dma_wait3A_95 = tpu.memref_slice %arg6[%arg0, %add3A_46, %dma_wait3A, %dma_wait3A_94] : memref<2x80x128x128xf32, #tpu.memory_space<hbm>> -> memref<1x1x128x128xf32, #tpu.memory_space<hbm>>
      %dma_wait3A_96 = tpu.memref_squeeze %dma_wait3A_95 : memref<1x1x128x128xf32, #tpu.memory_space<hbm>> -> memref<128x128xf32, #tpu.memory_space<hbm>>
      %dma_wait3A_97 = arith.constant 0 : i32
      %dma_wait3A_98 = arith.constant 0 : i32
      %dma_wait3A_99 = tpu.memref_slice %arg6[%arg0, %add3A_46, %dma_wait3A_97, %dma_wait3A_98] : memref<2x80x128x128xf32, #tpu.memory_space<hbm>> -> memref<1x1x128x128xf32, #tpu.memory_space<hbm>>
      %dma_wait3A_100 = tpu.memref_squeeze %dma_wait3A_99 : memref<1x1x128x128xf32, #tpu.memory_space<hbm>> -> memref<128x128xf32, #tpu.memory_space<hbm>>
      tpu.wait_dma2 semaphore(%run_scoped3A : memref<!tpu.dma_semaphore, #tpu.memory_space<semaphore_mem>>) src(%arg9 : memref<128x128xf32, #tpu.memory_space<vmem>>) dst(%dma_wait3A_100 : memref<128x128xf32, #tpu.memory_space<hbm>>)
      tpu.yield
    }) : () -> ()
    %mul3A_47 = arith.constant 5 : i32
    %mul3A_48 = arith.muli %arg1, %mul3A_47 : i32
    %add3A_49 = arith.constant 1 : i32
    %add3A_50 = arith.addi %mul3A_48, %add3A_49 : i32
    %mul3A_51 = arith.constant 128 : i32
    %mul3A_52 = arith.muli %add3A_50, %mul3A_51 : i32
    "tpu.region"() ({
      %run_scoped3A = tpu.sem_alloc : memref<!tpu.dma_semaphore, #tpu.memory_space<semaphore_mem>>
      %dma_start3A = arith.constant 0 : i32
      %dma_start3A_87 = tpu.memref_slice %arg10[%mul3A_52, %dma_start3A] : memref<10240x128xf32, #tpu.memory_space<vmem_shared>> -> memref<128x128xf32, #tpu.memory_space<vmem_shared>>
      %dma_start3A_88 = arith.constant 0 : i32
      %dma_start3A_89 = tpu.memref_slice %arg10[%mul3A_52, %dma_start3A_88] : memref<10240x128xf32, #tpu.memory_space<vmem_shared>> -> memref<128x128xf32, #tpu.memory_space<vmem_shared>>
      tpu.enqueue_dma source(%dma_start3A_89 : memref<128x128xf32, #tpu.memory_space<vmem_shared>>) target(%arg9 : memref<128x128xf32, #tpu.memory_space<vmem>>) target_semaphore(%run_scoped3A : memref<!tpu.dma_semaphore, #tpu.memory_space<semaphore_mem>>)
      %dma_wait3A = arith.constant 0 : i32
      %dma_wait3A_90 = tpu.memref_slice %arg10[%mul3A_52, %dma_wait3A] : memref<10240x128xf32, #tpu.memory_space<vmem_shared>> -> memref<128x128xf32, #tpu.memory_space<vmem_shared>>
      %dma_wait3A_91 = arith.constant 0 : i32
      %dma_wait3A_92 = tpu.memref_slice %arg10[%mul3A_52, %dma_wait3A_91] : memref<10240x128xf32, #tpu.memory_space<vmem_shared>> -> memref<128x128xf32, #tpu.memory_space<vmem_shared>>
      tpu.wait_dma2 semaphore(%run_scoped3A : memref<!tpu.dma_semaphore, #tpu.memory_space<semaphore_mem>>) src(%dma_wait3A_92 : memref<128x128xf32, #tpu.memory_space<vmem_shared>>) dst(%arg9 : memref<128x128xf32, #tpu.memory_space<vmem>>)
      tpu.yield
    }) : () -> ()
    %mul3A_53 = arith.constant 5 : i32
    %mul3A_54 = arith.muli %arg1, %mul3A_53 : i32
    %add3A_55 = arith.constant 1 : i32
    %add3A_56 = arith.addi %mul3A_54, %add3A_55 : i32
    "tpu.region"() ({
      %run_scoped3A = tpu.sem_alloc : memref<!tpu.dma_semaphore, #tpu.memory_space<semaphore_mem>>
      %dma_start3A = arith.constant 0 : i32
      %dma_start3A_87 = arith.constant 0 : i32
      %dma_start3A_88 = tpu.memref_slice %arg6[%arg0, %add3A_56, %dma_start3A, %dma_start3A_87] : memref<2x80x128x128xf32, #tpu.memory_space<hbm>> -> memref<1x1x128x128xf32, #tpu.memory_space<hbm>>
      %dma_start3A_89 = tpu.memref_squeeze %dma_start3A_88 : memref<1x1x128x128xf32, #tpu.memory_space<hbm>> -> memref<128x128xf32, #tpu.memory_space<hbm>>
      %dma_start3A_90 = arith.constant 0 : i32
      %dma_start3A_91 = arith.constant 0 : i32
      %dma_start3A_92 = tpu.memref_slice %arg6[%arg0, %add3A_56, %dma_start3A_90, %dma_start3A_91] : memref<2x80x128x128xf32, #tpu.memory_space<hbm>> -> memref<1x1x128x128xf32, #tpu.memory_space<hbm>>
      %dma_start3A_93 = tpu.memref_squeeze %dma_start3A_92 : memref<1x1x128x128xf32, #tpu.memory_space<hbm>> -> memref<128x128xf32, #tpu.memory_space<hbm>>
      tpu.enqueue_dma source(%arg9 : memref<128x128xf32, #tpu.memory_space<vmem>>) target(%dma_start3A_93 : memref<128x128xf32, #tpu.memory_space<hbm>>) target_semaphore(%run_scoped3A : memref<!tpu.dma_semaphore, #tpu.memory_space<semaphore_mem>>)
      %dma_wait3A = arith.constant 0 : i32
      %dma_wait3A_94 = arith.constant 0 : i32
      %dma_wait3A_95 = tpu.memref_slice %arg6[%arg0, %add3A_56, %dma_wait3A, %dma_wait3A_94] : memref<2x80x128x128xf32, #tpu.memory_space<hbm>> -> memref<1x1x128x128xf32, #tpu.memory_space<hbm>>
      %dma_wait3A_96 = tpu.memref_squeeze %dma_wait3A_95 : memref<1x1x128x128xf32, #tpu.memory_space<hbm>> -> memref<128x128xf32, #tpu.memory_space<hbm>>
      %dma_wait3A_97 = arith.constant 0 : i32
      %dma_wait3A_98 = arith.constant 0 : i32
      %dma_wait3A_99 = tpu.memref_slice %arg6[%arg0, %add3A_56, %dma_wait3A_97, %dma_wait3A_98] : memref<2x80x128x128xf32, #tpu.memory_space<hbm>> -> memref<1x1x128x128xf32, #tpu.memory_space<hbm>>
      %dma_wait3A_100 = tpu.memref_squeeze %dma_wait3A_99 : memref<1x1x128x128xf32, #tpu.memory_space<hbm>> -> memref<128x128xf32, #tpu.memory_space<hbm>>
      tpu.wait_dma2 semaphore(%run_scoped3A : memref<!tpu.dma_semaphore, #tpu.memory_space<semaphore_mem>>) src(%arg9 : memref<128x128xf32, #tpu.memory_space<vmem>>) dst(%dma_wait3A_100 : memref<128x128xf32, #tpu.memory_space<hbm>>)
      tpu.yield
    }) : () -> ()
    %mul3A_57 = arith.constant 5 : i32
    %mul3A_58 = arith.muli %arg1, %mul3A_57 : i32
    %add3A_59 = arith.constant 2 : i32
    %add3A_60 = arith.addi %mul3A_58, %add3A_59 : i32
    %mul3A_61 = arith.constant 128 : i32
    %mul3A_62 = arith.muli %add3A_60, %mul3A_61 : i32
    "tpu.region"() ({
      %run_scoped3A = tpu.sem_alloc : memref<!tpu.dma_semaphore, #tpu.memory_space<semaphore_mem>>
      %dma_start3A = arith.constant 0 : i32
      %dma_start3A_87 = tpu.memref_slice %arg10[%mul3A_62, %dma_start3A] : memref<10240x128xf32, #tpu.memory_space<vmem_shared>> -> memref<128x128xf32, #tpu.memory_space<vmem_shared>>
      %dma_start3A_88 = arith.constant 0 : i32
      %dma_start3A_89 = tpu.memref_slice %arg10[%mul3A_62, %dma_start3A_88] : memref<10240x128xf32, #tpu.memory_space<vmem_shared>> -> memref<128x128xf32, #tpu.memory_space<vmem_shared>>
      tpu.enqueue_dma source(%dma_start3A_89 : memref<128x128xf32, #tpu.memory_space<vmem_shared>>) target(%arg9 : memref<128x128xf32, #tpu.memory_space<vmem>>) target_semaphore(%run_scoped3A : memref<!tpu.dma_semaphore, #tpu.memory_space<semaphore_mem>>)
      %dma_wait3A = arith.constant 0 : i32
      %dma_wait3A_90 = tpu.memref_slice %arg10[%mul3A_62, %dma_wait3A] : memref<10240x128xf32, #tpu.memory_space<vmem_shared>> -> memref<128x128xf32, #tpu.memory_space<vmem_shared>>
      %dma_wait3A_91 = arith.constant 0 : i32
      %dma_wait3A_92 = tpu.memref_slice %arg10[%mul3A_62, %dma_wait3A_91] : memref<10240x128xf32, #tpu.memory_space<vmem_shared>> -> memref<128x128xf32, #tpu.memory_space<vmem_shared>>
      tpu.wait_dma2 semaphore(%run_scoped3A : memref<!tpu.dma_semaphore, #tpu.memory_space<semaphore_mem>>) src(%dma_wait3A_92 : memref<128x128xf32, #tpu.memory_space<vmem_shared>>) dst(%arg9 : memref<128x128xf32, #tpu.memory_space<vmem>>)
      tpu.yield
    }) : () -> ()
    %mul3A_63 = arith.constant 5 : i32
    %mul3A_64 = arith.muli %arg1, %mul3A_63 : i32
    %add3A_65 = arith.constant 2 : i32
    %add3A_66 = arith.addi %mul3A_64, %add3A_65 : i32
    "tpu.region"() ({
      %run_scoped3A = tpu.sem_alloc : memref<!tpu.dma_semaphore, #tpu.memory_space<semaphore_mem>>
      %dma_start3A = arith.constant 0 : i32
      %dma_start3A_87 = arith.constant 0 : i32
      %dma_start3A_88 = tpu.memref_slice %arg6[%arg0, %add3A_66, %dma_start3A, %dma_start3A_87] : memref<2x80x128x128xf32, #tpu.memory_space<hbm>> -> memref<1x1x128x128xf32, #tpu.memory_space<hbm>>
      %dma_start3A_89 = tpu.memref_squeeze %dma_start3A_88 : memref<1x1x128x128xf32, #tpu.memory_space<hbm>> -> memref<128x128xf32, #tpu.memory_space<hbm>>
      %dma_start3A_90 = arith.constant 0 : i32
      %dma_start3A_91 = arith.constant 0 : i32
      %dma_start3A_92 = tpu.memref_slice %arg6[%arg0, %add3A_66, %dma_start3A_90, %dma_start3A_91] : memref<2x80x128x128xf32, #tpu.memory_space<hbm>> -> memref<1x1x128x128xf32, #tpu.memory_space<hbm>>
      %dma_start3A_93 = tpu.memref_squeeze %dma_start3A_92 : memref<1x1x128x128xf32, #tpu.memory_space<hbm>> -> memref<128x128xf32, #tpu.memory_space<hbm>>
      tpu.enqueue_dma source(%arg9 : memref<128x128xf32, #tpu.memory_space<vmem>>) target(%dma_start3A_93 : memref<128x128xf32, #tpu.memory_space<hbm>>) target_semaphore(%run_scoped3A : memref<!tpu.dma_semaphore, #tpu.memory_space<semaphore_mem>>)
      %dma_wait3A = arith.constant 0 : i32
      %dma_wait3A_94 = arith.constant 0 : i32
      %dma_wait3A_95 = tpu.memref_slice %arg6[%arg0, %add3A_66, %dma_wait3A, %dma_wait3A_94] : memref<2x80x128x128xf32, #tpu.memory_space<hbm>> -> memref<1x1x128x128xf32, #tpu.memory_space<hbm>>
      %dma_wait3A_96 = tpu.memref_squeeze %dma_wait3A_95 : memref<1x1x128x128xf32, #tpu.memory_space<hbm>> -> memref<128x128xf32, #tpu.memory_space<hbm>>
      %dma_wait3A_97 = arith.constant 0 : i32
      %dma_wait3A_98 = arith.constant 0 : i32
      %dma_wait3A_99 = tpu.memref_slice %arg6[%arg0, %add3A_66, %dma_wait3A_97, %dma_wait3A_98] : memref<2x80x128x128xf32, #tpu.memory_space<hbm>> -> memref<1x1x128x128xf32, #tpu.memory_space<hbm>>
      %dma_wait3A_100 = tpu.memref_squeeze %dma_wait3A_99 : memref<1x1x128x128xf32, #tpu.memory_space<hbm>> -> memref<128x128xf32, #tpu.memory_space<hbm>>
      tpu.wait_dma2 semaphore(%run_scoped3A : memref<!tpu.dma_semaphore, #tpu.memory_space<semaphore_mem>>) src(%arg9 : memref<128x128xf32, #tpu.memory_space<vmem>>) dst(%dma_wait3A_100 : memref<128x128xf32, #tpu.memory_space<hbm>>)
      tpu.yield
    }) : () -> ()
    %mul3A_67 = arith.constant 5 : i32
    %mul3A_68 = arith.muli %arg1, %mul3A_67 : i32
    %add3A_69 = arith.constant 3 : i32
    %add3A_70 = arith.addi %mul3A_68, %add3A_69 : i32
    %mul3A_71 = arith.constant 128 : i32
    %mul3A_72 = arith.muli %add3A_70, %mul3A_71 : i32
    "tpu.region"() ({
      %run_scoped3A = tpu.sem_alloc : memref<!tpu.dma_semaphore, #tpu.memory_space<semaphore_mem>>
      %dma_start3A = arith.constant 0 : i32
      %dma_start3A_87 = tpu.memref_slice %arg10[%mul3A_72, %dma_start3A] : memref<10240x128xf32, #tpu.memory_space<vmem_shared>> -> memref<128x128xf32, #tpu.memory_space<vmem_shared>>
      %dma_start3A_88 = arith.constant 0 : i32
      %dma_start3A_89 = tpu.memref_slice %arg10[%mul3A_72, %dma_start3A_88] : memref<10240x128xf32, #tpu.memory_space<vmem_shared>> -> memref<128x128xf32, #tpu.memory_space<vmem_shared>>
      tpu.enqueue_dma source(%dma_start3A_89 : memref<128x128xf32, #tpu.memory_space<vmem_shared>>) target(%arg9 : memref<128x128xf32, #tpu.memory_space<vmem>>) target_semaphore(%run_scoped3A : memref<!tpu.dma_semaphore, #tpu.memory_space<semaphore_mem>>)
      %dma_wait3A = arith.constant 0 : i32
      %dma_wait3A_90 = tpu.memref_slice %arg10[%mul3A_72, %dma_wait3A] : memref<10240x128xf32, #tpu.memory_space<vmem_shared>> -> memref<128x128xf32, #tpu.memory_space<vmem_shared>>
      %dma_wait3A_91 = arith.constant 0 : i32
      %dma_wait3A_92 = tpu.memref_slice %arg10[%mul3A_72, %dma_wait3A_91] : memref<10240x128xf32, #tpu.memory_space<vmem_shared>> -> memref<128x128xf32, #tpu.memory_space<vmem_shared>>
      tpu.wait_dma2 semaphore(%run_scoped3A : memref<!tpu.dma_semaphore, #tpu.memory_space<semaphore_mem>>) src(%dma_wait3A_92 : memref<128x128xf32, #tpu.memory_space<vmem_shared>>) dst(%arg9 : memref<128x128xf32, #tpu.memory_space<vmem>>)
      tpu.yield
    }) : () -> ()
    %mul3A_73 = arith.constant 5 : i32
    %mul3A_74 = arith.muli %arg1, %mul3A_73 : i32
    %add3A_75 = arith.constant 3 : i32
    %add3A_76 = arith.addi %mul3A_74, %add3A_75 : i32
    "tpu.region"() ({
      %run_scoped3A = tpu.sem_alloc : memref<!tpu.dma_semaphore, #tpu.memory_space<semaphore_mem>>
      %dma_start3A = arith.constant 0 : i32
      %dma_start3A_87 = arith.constant 0 : i32
      %dma_start3A_88 = tpu.memref_slice %arg6[%arg0, %add3A_76, %dma_start3A, %dma_start3A_87] : memref<2x80x128x128xf32, #tpu.memory_space<hbm>> -> memref<1x1x128x128xf32, #tpu.memory_space<hbm>>
      %dma_start3A_89 = tpu.memref_squeeze %dma_start3A_88 : memref<1x1x128x128xf32, #tpu.memory_space<hbm>> -> memref<128x128xf32, #tpu.memory_space<hbm>>
      %dma_start3A_90 = arith.constant 0 : i32
      %dma_start3A_91 = arith.constant 0 : i32
      %dma_start3A_92 = tpu.memref_slice %arg6[%arg0, %add3A_76, %dma_start3A_90, %dma_start3A_91] : memref<2x80x128x128xf32, #tpu.memory_space<hbm>> -> memref<1x1x128x128xf32, #tpu.memory_space<hbm>>
      %dma_start3A_93 = tpu.memref_squeeze %dma_start3A_92 : memref<1x1x128x128xf32, #tpu.memory_space<hbm>> -> memref<128x128xf32, #tpu.memory_space<hbm>>
      tpu.enqueue_dma source(%arg9 : memref<128x128xf32, #tpu.memory_space<vmem>>) target(%dma_start3A_93 : memref<128x128xf32, #tpu.memory_space<hbm>>) target_semaphore(%run_scoped3A : memref<!tpu.dma_semaphore, #tpu.memory_space<semaphore_mem>>)
      %dma_wait3A = arith.constant 0 : i32
      %dma_wait3A_94 = arith.constant 0 : i32
      %dma_wait3A_95 = tpu.memref_slice %arg6[%arg0, %add3A_76, %dma_wait3A, %dma_wait3A_94] : memref<2x80x128x128xf32, #tpu.memory_space<hbm>> -> memref<1x1x128x128xf32, #tpu.memory_space<hbm>>
      %dma_wait3A_96 = tpu.memref_squeeze %dma_wait3A_95 : memref<1x1x128x128xf32, #tpu.memory_space<hbm>> -> memref<128x128xf32, #tpu.memory_space<hbm>>
      %dma_wait3A_97 = arith.constant 0 : i32
      %dma_wait3A_98 = arith.constant 0 : i32
      %dma_wait3A_99 = tpu.memref_slice %arg6[%arg0, %add3A_76, %dma_wait3A_97, %dma_wait3A_98] : memref<2x80x128x128xf32, #tpu.memory_space<hbm>> -> memref<1x1x128x128xf32, #tpu.memory_space<hbm>>
      %dma_wait3A_100 = tpu.memref_squeeze %dma_wait3A_99 : memref<1x1x128x128xf32, #tpu.memory_space<hbm>> -> memref<128x128xf32, #tpu.memory_space<hbm>>
      tpu.wait_dma2 semaphore(%run_scoped3A : memref<!tpu.dma_semaphore, #tpu.memory_space<semaphore_mem>>) src(%arg9 : memref<128x128xf32, #tpu.memory_space<vmem>>) dst(%dma_wait3A_100 : memref<128x128xf32, #tpu.memory_space<hbm>>)
      tpu.yield
    }) : () -> ()
    %mul3A_77 = arith.constant 5 : i32
    %mul3A_78 = arith.muli %arg1, %mul3A_77 : i32
    %add3A_79 = arith.constant 4 : i32
    %add3A_80 = arith.addi %mul3A_78, %add3A_79 : i32
    %mul3A_81 = arith.constant 128 : i32
    %mul3A_82 = arith.muli %add3A_80, %mul3A_81 : i32
    "tpu.region"() ({
      %run_scoped3A = tpu.sem_alloc : memref<!tpu.dma_semaphore, #tpu.memory_space<semaphore_mem>>
      %dma_start3A = arith.constant 0 : i32
      %dma_start3A_87 = tpu.memref_slice %arg10[%mul3A_82, %dma_start3A] : memref<10240x128xf32, #tpu.memory_space<vmem_shared>> -> memref<128x128xf32, #tpu.memory_space<vmem_shared>>
      %dma_start3A_88 = arith.constant 0 : i32
      %dma_start3A_89 = tpu.memref_slice %arg10[%mul3A_82, %dma_start3A_88] : memref<10240x128xf32, #tpu.memory_space<vmem_shared>> -> memref<128x128xf32, #tpu.memory_space<vmem_shared>>
      tpu.enqueue_dma source(%dma_start3A_89 : memref<128x128xf32, #tpu.memory_space<vmem_shared>>) target(%arg9 : memref<128x128xf32, #tpu.memory_space<vmem>>) target_semaphore(%run_scoped3A : memref<!tpu.dma_semaphore, #tpu.memory_space<semaphore_mem>>)
      %dma_wait3A = arith.constant 0 : i32
      %dma_wait3A_90 = tpu.memref_slice %arg10[%mul3A_82, %dma_wait3A] : memref<10240x128xf32, #tpu.memory_space<vmem_shared>> -> memref<128x128xf32, #tpu.memory_space<vmem_shared>>
      %dma_wait3A_91 = arith.constant 0 : i32
      %dma_wait3A_92 = tpu.memref_slice %arg10[%mul3A_82, %dma_wait3A_91] : memref<10240x128xf32, #tpu.memory_space<vmem_shared>> -> memref<128x128xf32, #tpu.memory_space<vmem_shared>>
      tpu.wait_dma2 semaphore(%run_scoped3A : memref<!tpu.dma_semaphore, #tpu.memory_space<semaphore_mem>>) src(%dma_wait3A_92 : memref<128x128xf32, #tpu.memory_space<vmem_shared>>) dst(%arg9 : memref<128x128xf32, #tpu.memory_space<vmem>>)
      tpu.yield
    }) : () -> ()
    %mul3A_83 = arith.constant 5 : i32
    %mul3A_84 = arith.muli %arg1, %mul3A_83 : i32
    %add3A_85 = arith.constant 4 : i32
    %add3A_86 = arith.addi %mul3A_84, %add3A_85 : i32
    "tpu.region"() ({
      %run_scoped3A = tpu.sem_alloc : memref<!tpu.dma_semaphore, #tpu.memory_space<semaphore_mem>>
      %dma_start3A = arith.constant 0 : i32
      %dma_start3A_87 = arith.constant 0 : i32
      %dma_start3A_88 = tpu.memref_slice %arg6[%arg0, %add3A_86, %dma_start3A, %dma_start3A_87] : memref<2x80x128x128xf32, #tpu.memory_space<hbm>> -> memref<1x1x128x128xf32, #tpu.memory_space<hbm>>
      %dma_start3A_89 = tpu.memref_squeeze %dma_start3A_88 : memref<1x1x128x128xf32, #tpu.memory_space<hbm>> -> memref<128x128xf32, #tpu.memory_space<hbm>>
      %dma_start3A_90 = arith.constant 0 : i32
      %dma_start3A_91 = arith.constant 0 : i32
      %dma_start3A_92 = tpu.memref_slice %arg6[%arg0, %add3A_86, %dma_start3A_90, %dma_start3A_91] : memref<2x80x128x128xf32, #tpu.memory_space<hbm>> -> memref<1x1x128x128xf32, #tpu.memory_space<hbm>>
      %dma_start3A_93 = tpu.memref_squeeze %dma_start3A_92 : memref<1x1x128x128xf32, #tpu.memory_space<hbm>> -> memref<128x128xf32, #tpu.memory_space<hbm>>
      tpu.enqueue_dma source(%arg9 : memref<128x128xf32, #tpu.memory_space<vmem>>) target(%dma_start3A_93 : memref<128x128xf32, #tpu.memory_space<hbm>>) target_semaphore(%run_scoped3A : memref<!tpu.dma_semaphore, #tpu.memory_space<semaphore_mem>>)
      %dma_wait3A = arith.constant 0 : i32
      %dma_wait3A_94 = arith.constant 0 : i32
      %dma_wait3A_95 = tpu.memref_slice %arg6[%arg0, %add3A_86, %dma_wait3A, %dma_wait3A_94] : memref<2x80x128x128xf32, #tpu.memory_space<hbm>> -> memref<1x1x128x128xf32, #tpu.memory_space<hbm>>
      %dma_wait3A_96 = tpu.memref_squeeze %dma_wait3A_95 : memref<1x1x128x128xf32, #tpu.memory_space<hbm>> -> memref<128x128xf32, #tpu.memory_space<hbm>>
      %dma_wait3A_97 = arith.constant 0 : i32
      %dma_wait3A_98 = arith.constant 0 : i32
      %dma_wait3A_99 = tpu.memref_slice %arg6[%arg0, %add3A_86, %dma_wait3A_97, %dma_wait3A_98] : memref<2x80x128x128xf32, #tpu.memory_space<hbm>> -> memref<1x1x128x128xf32, #tpu.memory_space<hbm>>
      %dma_wait3A_100 = tpu.memref_squeeze %dma_wait3A_99 : memref<1x1x128x128xf32, #tpu.memory_space<hbm>> -> memref<128x128xf32, #tpu.memory_space<hbm>>
      tpu.wait_dma2 semaphore(%run_scoped3A : memref<!tpu.dma_semaphore, #tpu.memory_space<semaphore_mem>>) src(%arg9 : memref<128x128xf32, #tpu.memory_space<vmem>>) dst(%dma_wait3A_100 : memref<128x128xf32, #tpu.memory_space<hbm>>)
      tpu.yield
    }) : () -> ()
    return
  }
}

#map = affine_map<(d0, d1) -> (0, 0, 0)>
#map1 = affine_map<(d0, d1) -> (0, 0)>
#map2 = affine_map<(d0, d1) -> (0, 0, 0, 0)>
module attributes {stable_mosaic.version = 14 : i64} {
  func.func @_deg_body(%arg0: i32, %arg1: i32, %arg2: memref<32x79x128xi32, #tpu.memory_space<hbm>>, %arg3: memref<128x128xf32, #tpu.memory_space<hbm>>, %arg4: memref<128x128xf32, #tpu.memory_space<hbm>>, %arg5: memref<2x80x128x128xf32, #tpu.memory_space<hbm>>, %arg6: memref<79x128xi32, #tpu.memory_space<vmem>>, %arg7: memref<128x128xf32, #tpu.memory_space<vmem>>, %arg8: memref<10240x128xf32, #tpu.memory_space<vmem_shared>>) attributes {dimension_semantics = [#tpu.dimension_semantics<core_parallel>, #tpu.dimension_semantics<subcore_parallel>], iteration_bounds = array<i64: 2, 16>, scalar_prefetch = 0 : i64, scratch_operands = 3 : i64, tpu.core_type = #tpu.core_type<sc_vector_subcore>, window_params = [{transform_indices = #map}, {transform_indices = #map1}, {transform_indices = #map1}, {transform_indices = #map2}]} {
    %mul3A = arith.constant 2 : i32
    %mul3A_0 = arith.muli %arg1, %mul3A : i32
    %add3A = arith.addi %mul3A_0, %arg0 : i32
    "tpu.region"() ({
      %run_scoped3A = tpu.sem_alloc : memref<!tpu.dma_semaphore, #tpu.memory_space<semaphore_mem>>
      %dma_start3A = arith.constant 0 : i32
      %dma_start3A_87 = arith.constant 0 : i32
      %dma_start3A_88 = tpu.memref_slice %arg2[%add3A, %dma_start3A, %dma_start3A_87] : memref<32x79x128xi32, #tpu.memory_space<hbm>> -> memref<1x79x128xi32, #tpu.memory_space<hbm>>
      %dma_start3A_89 = tpu.memref_squeeze %dma_start3A_88 : memref<1x79x128xi32, #tpu.memory_space<hbm>> -> memref<79x128xi32, #tpu.memory_space<hbm>>
      %dma_start3A_90 = arith.constant 0 : i32
      %dma_start3A_91 = arith.constant 0 : i32
      %dma_start3A_92 = tpu.memref_slice %arg2[%add3A, %dma_start3A_90, %dma_start3A_91] : memref<32x79x128xi32, #tpu.memory_space<hbm>> -> memref<1x79x128xi32, #tpu.memory_space<hbm>>
      %dma_start3A_93 = tpu.memref_squeeze %dma_start3A_92 : memref<1x79x128xi32, #tpu.memory_space<hbm>> -> memref<79x128xi32, #tpu.memory_space<hbm>>
      tpu.enqueue_dma source(%dma_start3A_93 : memref<79x128xi32, #tpu.memory_space<hbm>>) target(%arg6 : memref<79x128xi32, #tpu.memory_space<vmem>>) target_semaphore(%run_scoped3A : memref<!tpu.dma_semaphore, #tpu.memory_space<semaphore_mem>>)
      %dma_wait3A = arith.constant 0 : i32
      %dma_wait3A_94 = arith.constant 0 : i32
      %dma_wait3A_95 = tpu.memref_slice %arg2[%add3A, %dma_wait3A, %dma_wait3A_94] : memref<32x79x128xi32, #tpu.memory_space<hbm>> -> memref<1x79x128xi32, #tpu.memory_space<hbm>>
      %dma_wait3A_96 = tpu.memref_squeeze %dma_wait3A_95 : memref<1x79x128xi32, #tpu.memory_space<hbm>> -> memref<79x128xi32, #tpu.memory_space<hbm>>
      %dma_wait3A_97 = arith.constant 0 : i32
      %dma_wait3A_98 = arith.constant 0 : i32
      %dma_wait3A_99 = tpu.memref_slice %arg2[%add3A, %dma_wait3A_97, %dma_wait3A_98] : memref<32x79x128xi32, #tpu.memory_space<hbm>> -> memref<1x79x128xi32, #tpu.memory_space<hbm>>
      %dma_wait3A_100 = tpu.memref_squeeze %dma_wait3A_99 : memref<1x79x128xi32, #tpu.memory_space<hbm>> -> memref<79x128xi32, #tpu.memory_space<hbm>>
      tpu.wait_dma2 semaphore(%run_scoped3A : memref<!tpu.dma_semaphore, #tpu.memory_space<semaphore_mem>>) src(%dma_wait3A_100 : memref<79x128xi32, #tpu.memory_space<hbm>>) dst(%arg6 : memref<79x128xi32, #tpu.memory_space<vmem>>)
      tpu.yield
    }) : () -> ()
    "tpu.region"() ({
      %run_scoped3A = tpu.sem_alloc : memref<!tpu.dma_semaphore, #tpu.memory_space<semaphore_mem>>
      tpu.enqueue_dma source(%arg3 : memref<128x128xf32, #tpu.memory_space<hbm>>) target(%arg7 : memref<128x128xf32, #tpu.memory_space<vmem>>) target_semaphore(%run_scoped3A : memref<!tpu.dma_semaphore, #tpu.memory_space<semaphore_mem>>)
      tpu.wait_dma2 semaphore(%run_scoped3A : memref<!tpu.dma_semaphore, #tpu.memory_space<semaphore_mem>>) src(%arg3 : memref<128x128xf32, #tpu.memory_space<hbm>>) dst(%arg7 : memref<128x128xf32, #tpu.memory_space<vmem>>)
      tpu.yield
    }) : () -> ()
    %mul3A_1 = arith.constant 5 : i32
    %mul3A_2 = arith.muli %arg1, %mul3A_1 : i32
    %add3A_3 = arith.constant 0 : i32
    %add3A_4 = arith.addi %mul3A_2, %add3A_3 : i32
    %mul3A_5 = arith.constant 128 : i32
    %mul3A_6 = arith.muli %add3A_4, %mul3A_5 : i32
    "tpu.region"() ({
      %run_scoped3A = tpu.sem_alloc : memref<!tpu.dma_semaphore, #tpu.memory_space<semaphore_mem>>
      %dma_start3A = arith.constant 0 : i32
      %dma_start3A_87 = tpu.memref_slice %arg8[%mul3A_6, %dma_start3A] : memref<10240x128xf32, #tpu.memory_space<vmem_shared>> -> memref<128x128xf32, #tpu.memory_space<vmem_shared>>
      %dma_start3A_88 = arith.constant 0 : i32
      %dma_start3A_89 = tpu.memref_slice %arg8[%mul3A_6, %dma_start3A_88] : memref<10240x128xf32, #tpu.memory_space<vmem_shared>> -> memref<128x128xf32, #tpu.memory_space<vmem_shared>>
      tpu.enqueue_dma source(%arg7 : memref<128x128xf32, #tpu.memory_space<vmem>>) target(%dma_start3A_89 : memref<128x128xf32, #tpu.memory_space<vmem_shared>>) target_semaphore(%run_scoped3A : memref<!tpu.dma_semaphore, #tpu.memory_space<semaphore_mem>>)
      %dma_wait3A = arith.constant 0 : i32
      %dma_wait3A_90 = tpu.memref_slice %arg8[%mul3A_6, %dma_wait3A] : memref<10240x128xf32, #tpu.memory_space<vmem_shared>> -> memref<128x128xf32, #tpu.memory_space<vmem_shared>>
      %dma_wait3A_91 = arith.constant 0 : i32
      %dma_wait3A_92 = tpu.memref_slice %arg8[%mul3A_6, %dma_wait3A_91] : memref<10240x128xf32, #tpu.memory_space<vmem_shared>> -> memref<128x128xf32, #tpu.memory_space<vmem_shared>>
      tpu.wait_dma2 semaphore(%run_scoped3A : memref<!tpu.dma_semaphore, #tpu.memory_space<semaphore_mem>>) src(%arg7 : memref<128x128xf32, #tpu.memory_space<vmem>>) dst(%dma_wait3A_92 : memref<128x128xf32, #tpu.memory_space<vmem_shared>>)
      tpu.yield
    }) : () -> ()
    %mul3A_7 = arith.constant 5 : i32
    %mul3A_8 = arith.muli %arg1, %mul3A_7 : i32
    %add3A_9 = arith.constant 1 : i32
    %add3A_10 = arith.addi %mul3A_8, %add3A_9 : i32
    %mul3A_11 = arith.constant 128 : i32
    %mul3A_12 = arith.muli %add3A_10, %mul3A_11 : i32
    "tpu.region"() ({
      %run_scoped3A = tpu.sem_alloc : memref<!tpu.dma_semaphore, #tpu.memory_space<semaphore_mem>>
      %dma_start3A = arith.constant 0 : i32
      %dma_start3A_87 = tpu.memref_slice %arg8[%mul3A_12, %dma_start3A] : memref<10240x128xf32, #tpu.memory_space<vmem_shared>> -> memref<128x128xf32, #tpu.memory_space<vmem_shared>>
      %dma_start3A_88 = arith.constant 0 : i32
      %dma_start3A_89 = tpu.memref_slice %arg8[%mul3A_12, %dma_start3A_88] : memref<10240x128xf32, #tpu.memory_space<vmem_shared>> -> memref<128x128xf32, #tpu.memory_space<vmem_shared>>
      tpu.enqueue_dma source(%arg7 : memref<128x128xf32, #tpu.memory_space<vmem>>) target(%dma_start3A_89 : memref<128x128xf32, #tpu.memory_space<vmem_shared>>) target_semaphore(%run_scoped3A : memref<!tpu.dma_semaphore, #tpu.memory_space<semaphore_mem>>)
      %dma_wait3A = arith.constant 0 : i32
      %dma_wait3A_90 = tpu.memref_slice %arg8[%mul3A_12, %dma_wait3A] : memref<10240x128xf32, #tpu.memory_space<vmem_shared>> -> memref<128x128xf32, #tpu.memory_space<vmem_shared>>
      %dma_wait3A_91 = arith.constant 0 : i32
      %dma_wait3A_92 = tpu.memref_slice %arg8[%mul3A_12, %dma_wait3A_91] : memref<10240x128xf32, #tpu.memory_space<vmem_shared>> -> memref<128x128xf32, #tpu.memory_space<vmem_shared>>
      tpu.wait_dma2 semaphore(%run_scoped3A : memref<!tpu.dma_semaphore, #tpu.memory_space<semaphore_mem>>) src(%arg7 : memref<128x128xf32, #tpu.memory_space<vmem>>) dst(%dma_wait3A_92 : memref<128x128xf32, #tpu.memory_space<vmem_shared>>)
      tpu.yield
    }) : () -> ()
    %mul3A_13 = arith.constant 5 : i32
    %mul3A_14 = arith.muli %arg1, %mul3A_13 : i32
    %add3A_15 = arith.constant 2 : i32
    %add3A_16 = arith.addi %mul3A_14, %add3A_15 : i32
    %mul3A_17 = arith.constant 128 : i32
    %mul3A_18 = arith.muli %add3A_16, %mul3A_17 : i32
    "tpu.region"() ({
      %run_scoped3A = tpu.sem_alloc : memref<!tpu.dma_semaphore, #tpu.memory_space<semaphore_mem>>
      %dma_start3A = arith.constant 0 : i32
      %dma_start3A_87 = tpu.memref_slice %arg8[%mul3A_18, %dma_start3A] : memref<10240x128xf32, #tpu.memory_space<vmem_shared>> -> memref<128x128xf32, #tpu.memory_space<vmem_shared>>
      %dma_start3A_88 = arith.constant 0 : i32
      %dma_start3A_89 = tpu.memref_slice %arg8[%mul3A_18, %dma_start3A_88] : memref<10240x128xf32, #tpu.memory_space<vmem_shared>> -> memref<128x128xf32, #tpu.memory_space<vmem_shared>>
      tpu.enqueue_dma source(%arg7 : memref<128x128xf32, #tpu.memory_space<vmem>>) target(%dma_start3A_89 : memref<128x128xf32, #tpu.memory_space<vmem_shared>>) target_semaphore(%run_scoped3A : memref<!tpu.dma_semaphore, #tpu.memory_space<semaphore_mem>>)
      %dma_wait3A = arith.constant 0 : i32
      %dma_wait3A_90 = tpu.memref_slice %arg8[%mul3A_18, %dma_wait3A] : memref<10240x128xf32, #tpu.memory_space<vmem_shared>> -> memref<128x128xf32, #tpu.memory_space<vmem_shared>>
      %dma_wait3A_91 = arith.constant 0 : i32
      %dma_wait3A_92 = tpu.memref_slice %arg8[%mul3A_18, %dma_wait3A_91] : memref<10240x128xf32, #tpu.memory_space<vmem_shared>> -> memref<128x128xf32, #tpu.memory_space<vmem_shared>>
      tpu.wait_dma2 semaphore(%run_scoped3A : memref<!tpu.dma_semaphore, #tpu.memory_space<semaphore_mem>>) src(%arg7 : memref<128x128xf32, #tpu.memory_space<vmem>>) dst(%dma_wait3A_92 : memref<128x128xf32, #tpu.memory_space<vmem_shared>>)
      tpu.yield
    }) : () -> ()
    %mul3A_19 = arith.constant 5 : i32
    %mul3A_20 = arith.muli %arg1, %mul3A_19 : i32
    %add3A_21 = arith.constant 3 : i32
    %add3A_22 = arith.addi %mul3A_20, %add3A_21 : i32
    %mul3A_23 = arith.constant 128 : i32
    %mul3A_24 = arith.muli %add3A_22, %mul3A_23 : i32
    "tpu.region"() ({
      %run_scoped3A = tpu.sem_alloc : memref<!tpu.dma_semaphore, #tpu.memory_space<semaphore_mem>>
      %dma_start3A = arith.constant 0 : i32
      %dma_start3A_87 = tpu.memref_slice %arg8[%mul3A_24, %dma_start3A] : memref<10240x128xf32, #tpu.memory_space<vmem_shared>> -> memref<128x128xf32, #tpu.memory_space<vmem_shared>>
      %dma_start3A_88 = arith.constant 0 : i32
      %dma_start3A_89 = tpu.memref_slice %arg8[%mul3A_24, %dma_start3A_88] : memref<10240x128xf32, #tpu.memory_space<vmem_shared>> -> memref<128x128xf32, #tpu.memory_space<vmem_shared>>
      tpu.enqueue_dma source(%arg7 : memref<128x128xf32, #tpu.memory_space<vmem>>) target(%dma_start3A_89 : memref<128x128xf32, #tpu.memory_space<vmem_shared>>) target_semaphore(%run_scoped3A : memref<!tpu.dma_semaphore, #tpu.memory_space<semaphore_mem>>)
      %dma_wait3A = arith.constant 0 : i32
      %dma_wait3A_90 = tpu.memref_slice %arg8[%mul3A_24, %dma_wait3A] : memref<10240x128xf32, #tpu.memory_space<vmem_shared>> -> memref<128x128xf32, #tpu.memory_space<vmem_shared>>
      %dma_wait3A_91 = arith.constant 0 : i32
      %dma_wait3A_92 = tpu.memref_slice %arg8[%mul3A_24, %dma_wait3A_91] : memref<10240x128xf32, #tpu.memory_space<vmem_shared>> -> memref<128x128xf32, #tpu.memory_space<vmem_shared>>
      tpu.wait_dma2 semaphore(%run_scoped3A : memref<!tpu.dma_semaphore, #tpu.memory_space<semaphore_mem>>) src(%arg7 : memref<128x128xf32, #tpu.memory_space<vmem>>) dst(%dma_wait3A_92 : memref<128x128xf32, #tpu.memory_space<vmem_shared>>)
      tpu.yield
    }) : () -> ()
    %mul3A_25 = arith.constant 5 : i32
    %mul3A_26 = arith.muli %arg1, %mul3A_25 : i32
    %add3A_27 = arith.constant 4 : i32
    %add3A_28 = arith.addi %mul3A_26, %add3A_27 : i32
    %mul3A_29 = arith.constant 128 : i32
    %mul3A_30 = arith.muli %add3A_28, %mul3A_29 : i32
    "tpu.region"() ({
      %run_scoped3A = tpu.sem_alloc : memref<!tpu.dma_semaphore, #tpu.memory_space<semaphore_mem>>
      %dma_start3A = arith.constant 0 : i32
      %dma_start3A_87 = tpu.memref_slice %arg8[%mul3A_30, %dma_start3A] : memref<10240x128xf32, #tpu.memory_space<vmem_shared>> -> memref<128x128xf32, #tpu.memory_space<vmem_shared>>
      %dma_start3A_88 = arith.constant 0 : i32
      %dma_start3A_89 = tpu.memref_slice %arg8[%mul3A_30, %dma_start3A_88] : memref<10240x128xf32, #tpu.memory_space<vmem_shared>> -> memref<128x128xf32, #tpu.memory_space<vmem_shared>>
      tpu.enqueue_dma source(%arg7 : memref<128x128xf32, #tpu.memory_space<vmem>>) target(%dma_start3A_89 : memref<128x128xf32, #tpu.memory_space<vmem_shared>>) target_semaphore(%run_scoped3A : memref<!tpu.dma_semaphore, #tpu.memory_space<semaphore_mem>>)
      %dma_wait3A = arith.constant 0 : i32
      %dma_wait3A_90 = tpu.memref_slice %arg8[%mul3A_30, %dma_wait3A] : memref<10240x128xf32, #tpu.memory_space<vmem_shared>> -> memref<128x128xf32, #tpu.memory_space<vmem_shared>>
      %dma_wait3A_91 = arith.constant 0 : i32
      %dma_wait3A_92 = tpu.memref_slice %arg8[%mul3A_30, %dma_wait3A_91] : memref<10240x128xf32, #tpu.memory_space<vmem_shared>> -> memref<128x128xf32, #tpu.memory_space<vmem_shared>>
      tpu.wait_dma2 semaphore(%run_scoped3A : memref<!tpu.dma_semaphore, #tpu.memory_space<semaphore_mem>>) src(%arg7 : memref<128x128xf32, #tpu.memory_space<vmem>>) dst(%dma_wait3A_92 : memref<128x128xf32, #tpu.memory_space<vmem_shared>>)
      tpu.yield
    }) : () -> ()
    "tpu.region"() ({
      %run_scoped3A = tpu.sem_alloc : memref<!tpu.dma_semaphore, #tpu.memory_space<semaphore_mem>>
      tpu.enqueue_dma source(%arg4 : memref<128x128xf32, #tpu.memory_space<hbm>>) target(%arg7 : memref<128x128xf32, #tpu.memory_space<vmem>>) target_semaphore(%run_scoped3A : memref<!tpu.dma_semaphore, #tpu.memory_space<semaphore_mem>>)
      tpu.wait_dma2 semaphore(%run_scoped3A : memref<!tpu.dma_semaphore, #tpu.memory_space<semaphore_mem>>) src(%arg4 : memref<128x128xf32, #tpu.memory_space<hbm>>) dst(%arg7 : memref<128x128xf32, #tpu.memory_space<vmem>>)
      tpu.yield
    }) : () -> ()
    %barrier3A = arith.constant 0 : index
    tpu.barrier barrier_id(%barrier3A)
    %scan3A = arith.constant 0 : i32
    %scan3A_31 = arith.constant 0 : i32
    %scan3A_32 = arith.constant 79 : i32
    %scan3A_33 = arith.addi %scan3A_31, %scan3A_32 : i32
    %scan3A_34 = arith.constant 1 : i32
    scf.for %scan3A_87 = %scan3A_31 to %scan3A_33 step %scan3A_34  : i32 {
      "tpu.region"() ({
        %run_scoped3A = tpu.sem_alloc : memref<!tpu.dma_semaphore, #tpu.memory_space<semaphore_mem>>
        %dma_start3A = arith.constant 0 : i32
        %dma_start3A_88 = tpu.memref_slice %arg6[%scan3A_87, %dma_start3A] : memref<79x128xi32, #tpu.memory_space<vmem>> -> memref<1x128xi32, #tpu.memory_space<vmem>>
        %dma_start3A_89 = tpu.memref_squeeze %dma_start3A_88 : memref<1x128xi32, #tpu.memory_space<vmem>> -> memref<128xi32, #tpu.memory_space<vmem>>
        %dma_start3A_90 = arith.constant 0 : i32
        %dma_start3A_91 = arith.constant 0 : i32
        %dma_start3A_92 = tpu.memref_slice %arg8[%dma_start3A_90, %dma_start3A_91] : memref<10240x128xf32, #tpu.memory_space<vmem_shared>> -> memref<10240x128xf32, #tpu.memory_space<vmem_shared>>
        tpu.enqueue_indirect_dma source(%arg7 : memref<128x128xf32, #tpu.memory_space<vmem>>) target(%dma_start3A_92 : memref<10240x128xf32, #tpu.memory_space<vmem_shared>>) offsets(%dma_start3A_89 : memref<128xi32, #tpu.memory_space<vmem>>) semaphore(%run_scoped3A : memref<!tpu.dma_semaphore, #tpu.memory_space<semaphore_mem>>) {add = true}
        %dma_wait3A = arith.constant 0 : i32
        %dma_wait3A_93 = tpu.memref_slice %arg6[%scan3A_87, %dma_wait3A] : memref<79x128xi32, #tpu.memory_space<vmem>> -> memref<1x128xi32, #tpu.memory_space<vmem>>
        %dma_wait3A_94 = tpu.memref_squeeze %dma_wait3A_93 : memref<1x128xi32, #tpu.memory_space<vmem>> -> memref<128xi32, #tpu.memory_space<vmem>>
        %dma_wait3A_95 = arith.constant 0 : i32
        %dma_wait3A_96 = arith.constant 0 : i32
        %dma_wait3A_97 = tpu.memref_slice %arg8[%dma_wait3A_95, %dma_wait3A_96] : memref<10240x128xf32, #tpu.memory_space<vmem_shared>> -> memref<10240x128xf32, #tpu.memory_space<vmem_shared>>
        tpu.wait_indirect_dma semaphore(%run_scoped3A : memref<!tpu.dma_semaphore, #tpu.memory_space<semaphore_mem>>) src(%arg7 : memref<128x128xf32, #tpu.memory_space<vmem>>) dst(%dma_wait3A_97 : memref<10240x128xf32, #tpu.memory_space<vmem_shared>>)
        tpu.yield
      }) : () -> ()
    }
    %scan3A_35 = arith.constant 79 : i32
    %barrier3A_36 = arith.constant 0 : index
    tpu.barrier barrier_id(%barrier3A_36)
    %mul3A_37 = arith.constant 5 : i32
    %mul3A_38 = arith.muli %arg1, %mul3A_37 : i32
    %add3A_39 = arith.constant 0 : i32
    %add3A_40 = arith.addi %mul3A_38, %add3A_39 : i32
    %mul3A_41 = arith.constant 128 : i32
    %mul3A_42 = arith.muli %add3A_40, %mul3A_41 : i32
    "tpu.region"() ({
      %run_scoped3A = tpu.sem_alloc : memref<!tpu.dma_semaphore, #tpu.memory_space<semaphore_mem>>
      %dma_start3A = arith.constant 0 : i32
      %dma_start3A_87 = tpu.memref_slice %arg8[%mul3A_42, %dma_start3A] : memref<10240x128xf32, #tpu.memory_space<vmem_shared>> -> memref<128x128xf32, #tpu.memory_space<vmem_shared>>
      %dma_start3A_88 = arith.constant 0 : i32
      %dma_start3A_89 = tpu.memref_slice %arg8[%mul3A_42, %dma_start3A_88] : memref<10240x128xf32, #tpu.memory_space<vmem_shared>> -> memref<128x128xf32, #tpu.memory_space<vmem_shared>>
      tpu.enqueue_dma source(%dma_start3A_89 : memref<128x128xf32, #tpu.memory_space<vmem_shared>>) target(%arg7 : memref<128x128xf32, #tpu.memory_space<vmem>>) target_semaphore(%run_scoped3A : memref<!tpu.dma_semaphore, #tpu.memory_space<semaphore_mem>>)
      %dma_wait3A = arith.constant 0 : i32
      %dma_wait3A_90 = tpu.memref_slice %arg8[%mul3A_42, %dma_wait3A] : memref<10240x128xf32, #tpu.memory_space<vmem_shared>> -> memref<128x128xf32, #tpu.memory_space<vmem_shared>>
      %dma_wait3A_91 = arith.constant 0 : i32
      %dma_wait3A_92 = tpu.memref_slice %arg8[%mul3A_42, %dma_wait3A_91] : memref<10240x128xf32, #tpu.memory_space<vmem_shared>> -> memref<128x128xf32, #tpu.memory_space<vmem_shared>>
      tpu.wait_dma2 semaphore(%run_scoped3A : memref<!tpu.dma_semaphore, #tpu.memory_space<semaphore_mem>>) src(%dma_wait3A_92 : memref<128x128xf32, #tpu.memory_space<vmem_shared>>) dst(%arg7 : memref<128x128xf32, #tpu.memory_space<vmem>>)
      tpu.yield
    }) : () -> ()
    %mul3A_43 = arith.constant 5 : i32
    %mul3A_44 = arith.muli %arg1, %mul3A_43 : i32
    %add3A_45 = arith.constant 0 : i32
    %add3A_46 = arith.addi %mul3A_44, %add3A_45 : i32
    "tpu.region"() ({
      %run_scoped3A = tpu.sem_alloc : memref<!tpu.dma_semaphore, #tpu.memory_space<semaphore_mem>>
      %dma_start3A = arith.constant 0 : i32
      %dma_start3A_87 = arith.constant 0 : i32
      %dma_start3A_88 = tpu.memref_slice %arg5[%arg0, %add3A_46, %dma_start3A, %dma_start3A_87] : memref<2x80x128x128xf32, #tpu.memory_space<hbm>> -> memref<1x1x128x128xf32, #tpu.memory_space<hbm>>
      %dma_start3A_89 = tpu.memref_squeeze %dma_start3A_88 : memref<1x1x128x128xf32, #tpu.memory_space<hbm>> -> memref<128x128xf32, #tpu.memory_space<hbm>>
      %dma_start3A_90 = arith.constant 0 : i32
      %dma_start3A_91 = arith.constant 0 : i32
      %dma_start3A_92 = tpu.memref_slice %arg5[%arg0, %add3A_46, %dma_start3A_90, %dma_start3A_91] : memref<2x80x128x128xf32, #tpu.memory_space<hbm>> -> memref<1x1x128x128xf32, #tpu.memory_space<hbm>>
      %dma_start3A_93 = tpu.memref_squeeze %dma_start3A_92 : memref<1x1x128x128xf32, #tpu.memory_space<hbm>> -> memref<128x128xf32, #tpu.memory_space<hbm>>
      tpu.enqueue_dma source(%arg7 : memref<128x128xf32, #tpu.memory_space<vmem>>) target(%dma_start3A_93 : memref<128x128xf32, #tpu.memory_space<hbm>>) target_semaphore(%run_scoped3A : memref<!tpu.dma_semaphore, #tpu.memory_space<semaphore_mem>>)
      %dma_wait3A = arith.constant 0 : i32
      %dma_wait3A_94 = arith.constant 0 : i32
      %dma_wait3A_95 = tpu.memref_slice %arg5[%arg0, %add3A_46, %dma_wait3A, %dma_wait3A_94] : memref<2x80x128x128xf32, #tpu.memory_space<hbm>> -> memref<1x1x128x128xf32, #tpu.memory_space<hbm>>
      %dma_wait3A_96 = tpu.memref_squeeze %dma_wait3A_95 : memref<1x1x128x128xf32, #tpu.memory_space<hbm>> -> memref<128x128xf32, #tpu.memory_space<hbm>>
      %dma_wait3A_97 = arith.constant 0 : i32
      %dma_wait3A_98 = arith.constant 0 : i32
      %dma_wait3A_99 = tpu.memref_slice %arg5[%arg0, %add3A_46, %dma_wait3A_97, %dma_wait3A_98] : memref<2x80x128x128xf32, #tpu.memory_space<hbm>> -> memref<1x1x128x128xf32, #tpu.memory_space<hbm>>
      %dma_wait3A_100 = tpu.memref_squeeze %dma_wait3A_99 : memref<1x1x128x128xf32, #tpu.memory_space<hbm>> -> memref<128x128xf32, #tpu.memory_space<hbm>>
      tpu.wait_dma2 semaphore(%run_scoped3A : memref<!tpu.dma_semaphore, #tpu.memory_space<semaphore_mem>>) src(%arg7 : memref<128x128xf32, #tpu.memory_space<vmem>>) dst(%dma_wait3A_100 : memref<128x128xf32, #tpu.memory_space<hbm>>)
      tpu.yield
    }) : () -> ()
    %mul3A_47 = arith.constant 5 : i32
    %mul3A_48 = arith.muli %arg1, %mul3A_47 : i32
    %add3A_49 = arith.constant 1 : i32
    %add3A_50 = arith.addi %mul3A_48, %add3A_49 : i32
    %mul3A_51 = arith.constant 128 : i32
    %mul3A_52 = arith.muli %add3A_50, %mul3A_51 : i32
    "tpu.region"() ({
      %run_scoped3A = tpu.sem_alloc : memref<!tpu.dma_semaphore, #tpu.memory_space<semaphore_mem>>
      %dma_start3A = arith.constant 0 : i32
      %dma_start3A_87 = tpu.memref_slice %arg8[%mul3A_52, %dma_start3A] : memref<10240x128xf32, #tpu.memory_space<vmem_shared>> -> memref<128x128xf32, #tpu.memory_space<vmem_shared>>
      %dma_start3A_88 = arith.constant 0 : i32
      %dma_start3A_89 = tpu.memref_slice %arg8[%mul3A_52, %dma_start3A_88] : memref<10240x128xf32, #tpu.memory_space<vmem_shared>> -> memref<128x128xf32, #tpu.memory_space<vmem_shared>>
      tpu.enqueue_dma source(%dma_start3A_89 : memref<128x128xf32, #tpu.memory_space<vmem_shared>>) target(%arg7 : memref<128x128xf32, #tpu.memory_space<vmem>>) target_semaphore(%run_scoped3A : memref<!tpu.dma_semaphore, #tpu.memory_space<semaphore_mem>>)
      %dma_wait3A = arith.constant 0 : i32
      %dma_wait3A_90 = tpu.memref_slice %arg8[%mul3A_52, %dma_wait3A] : memref<10240x128xf32, #tpu.memory_space<vmem_shared>> -> memref<128x128xf32, #tpu.memory_space<vmem_shared>>
      %dma_wait3A_91 = arith.constant 0 : i32
      %dma_wait3A_92 = tpu.memref_slice %arg8[%mul3A_52, %dma_wait3A_91] : memref<10240x128xf32, #tpu.memory_space<vmem_shared>> -> memref<128x128xf32, #tpu.memory_space<vmem_shared>>
      tpu.wait_dma2 semaphore(%run_scoped3A : memref<!tpu.dma_semaphore, #tpu.memory_space<semaphore_mem>>) src(%dma_wait3A_92 : memref<128x128xf32, #tpu.memory_space<vmem_shared>>) dst(%arg7 : memref<128x128xf32, #tpu.memory_space<vmem>>)
      tpu.yield
    }) : () -> ()
    %mul3A_53 = arith.constant 5 : i32
    %mul3A_54 = arith.muli %arg1, %mul3A_53 : i32
    %add3A_55 = arith.constant 1 : i32
    %add3A_56 = arith.addi %mul3A_54, %add3A_55 : i32
    "tpu.region"() ({
      %run_scoped3A = tpu.sem_alloc : memref<!tpu.dma_semaphore, #tpu.memory_space<semaphore_mem>>
      %dma_start3A = arith.constant 0 : i32
      %dma_start3A_87 = arith.constant 0 : i32
      %dma_start3A_88 = tpu.memref_slice %arg5[%arg0, %add3A_56, %dma_start3A, %dma_start3A_87] : memref<2x80x128x128xf32, #tpu.memory_space<hbm>> -> memref<1x1x128x128xf32, #tpu.memory_space<hbm>>
      %dma_start3A_89 = tpu.memref_squeeze %dma_start3A_88 : memref<1x1x128x128xf32, #tpu.memory_space<hbm>> -> memref<128x128xf32, #tpu.memory_space<hbm>>
      %dma_start3A_90 = arith.constant 0 : i32
      %dma_start3A_91 = arith.constant 0 : i32
      %dma_start3A_92 = tpu.memref_slice %arg5[%arg0, %add3A_56, %dma_start3A_90, %dma_start3A_91] : memref<2x80x128x128xf32, #tpu.memory_space<hbm>> -> memref<1x1x128x128xf32, #tpu.memory_space<hbm>>
      %dma_start3A_93 = tpu.memref_squeeze %dma_start3A_92 : memref<1x1x128x128xf32, #tpu.memory_space<hbm>> -> memref<128x128xf32, #tpu.memory_space<hbm>>
      tpu.enqueue_dma source(%arg7 : memref<128x128xf32, #tpu.memory_space<vmem>>) target(%dma_start3A_93 : memref<128x128xf32, #tpu.memory_space<hbm>>) target_semaphore(%run_scoped3A : memref<!tpu.dma_semaphore, #tpu.memory_space<semaphore_mem>>)
      %dma_wait3A = arith.constant 0 : i32
      %dma_wait3A_94 = arith.constant 0 : i32
      %dma_wait3A_95 = tpu.memref_slice %arg5[%arg0, %add3A_56, %dma_wait3A, %dma_wait3A_94] : memref<2x80x128x128xf32, #tpu.memory_space<hbm>> -> memref<1x1x128x128xf32, #tpu.memory_space<hbm>>
      %dma_wait3A_96 = tpu.memref_squeeze %dma_wait3A_95 : memref<1x1x128x128xf32, #tpu.memory_space<hbm>> -> memref<128x128xf32, #tpu.memory_space<hbm>>
      %dma_wait3A_97 = arith.constant 0 : i32
      %dma_wait3A_98 = arith.constant 0 : i32
      %dma_wait3A_99 = tpu.memref_slice %arg5[%arg0, %add3A_56, %dma_wait3A_97, %dma_wait3A_98] : memref<2x80x128x128xf32, #tpu.memory_space<hbm>> -> memref<1x1x128x128xf32, #tpu.memory_space<hbm>>
      %dma_wait3A_100 = tpu.memref_squeeze %dma_wait3A_99 : memref<1x1x128x128xf32, #tpu.memory_space<hbm>> -> memref<128x128xf32, #tpu.memory_space<hbm>>
      tpu.wait_dma2 semaphore(%run_scoped3A : memref<!tpu.dma_semaphore, #tpu.memory_space<semaphore_mem>>) src(%arg7 : memref<128x128xf32, #tpu.memory_space<vmem>>) dst(%dma_wait3A_100 : memref<128x128xf32, #tpu.memory_space<hbm>>)
      tpu.yield
    }) : () -> ()
    %mul3A_57 = arith.constant 5 : i32
    %mul3A_58 = arith.muli %arg1, %mul3A_57 : i32
    %add3A_59 = arith.constant 2 : i32
    %add3A_60 = arith.addi %mul3A_58, %add3A_59 : i32
    %mul3A_61 = arith.constant 128 : i32
    %mul3A_62 = arith.muli %add3A_60, %mul3A_61 : i32
    "tpu.region"() ({
      %run_scoped3A = tpu.sem_alloc : memref<!tpu.dma_semaphore, #tpu.memory_space<semaphore_mem>>
      %dma_start3A = arith.constant 0 : i32
      %dma_start3A_87 = tpu.memref_slice %arg8[%mul3A_62, %dma_start3A] : memref<10240x128xf32, #tpu.memory_space<vmem_shared>> -> memref<128x128xf32, #tpu.memory_space<vmem_shared>>
      %dma_start3A_88 = arith.constant 0 : i32
      %dma_start3A_89 = tpu.memref_slice %arg8[%mul3A_62, %dma_start3A_88] : memref<10240x128xf32, #tpu.memory_space<vmem_shared>> -> memref<128x128xf32, #tpu.memory_space<vmem_shared>>
      tpu.enqueue_dma source(%dma_start3A_89 : memref<128x128xf32, #tpu.memory_space<vmem_shared>>) target(%arg7 : memref<128x128xf32, #tpu.memory_space<vmem>>) target_semaphore(%run_scoped3A : memref<!tpu.dma_semaphore, #tpu.memory_space<semaphore_mem>>)
      %dma_wait3A = arith.constant 0 : i32
      %dma_wait3A_90 = tpu.memref_slice %arg8[%mul3A_62, %dma_wait3A] : memref<10240x128xf32, #tpu.memory_space<vmem_shared>> -> memref<128x128xf32, #tpu.memory_space<vmem_shared>>
      %dma_wait3A_91 = arith.constant 0 : i32
      %dma_wait3A_92 = tpu.memref_slice %arg8[%mul3A_62, %dma_wait3A_91] : memref<10240x128xf32, #tpu.memory_space<vmem_shared>> -> memref<128x128xf32, #tpu.memory_space<vmem_shared>>
      tpu.wait_dma2 semaphore(%run_scoped3A : memref<!tpu.dma_semaphore, #tpu.memory_space<semaphore_mem>>) src(%dma_wait3A_92 : memref<128x128xf32, #tpu.memory_space<vmem_shared>>) dst(%arg7 : memref<128x128xf32, #tpu.memory_space<vmem>>)
      tpu.yield
    }) : () -> ()
    %mul3A_63 = arith.constant 5 : i32
    %mul3A_64 = arith.muli %arg1, %mul3A_63 : i32
    %add3A_65 = arith.constant 2 : i32
    %add3A_66 = arith.addi %mul3A_64, %add3A_65 : i32
    "tpu.region"() ({
      %run_scoped3A = tpu.sem_alloc : memref<!tpu.dma_semaphore, #tpu.memory_space<semaphore_mem>>
      %dma_start3A = arith.constant 0 : i32
      %dma_start3A_87 = arith.constant 0 : i32
      %dma_start3A_88 = tpu.memref_slice %arg5[%arg0, %add3A_66, %dma_start3A, %dma_start3A_87] : memref<2x80x128x128xf32, #tpu.memory_space<hbm>> -> memref<1x1x128x128xf32, #tpu.memory_space<hbm>>
      %dma_start3A_89 = tpu.memref_squeeze %dma_start3A_88 : memref<1x1x128x128xf32, #tpu.memory_space<hbm>> -> memref<128x128xf32, #tpu.memory_space<hbm>>
      %dma_start3A_90 = arith.constant 0 : i32
      %dma_start3A_91 = arith.constant 0 : i32
      %dma_start3A_92 = tpu.memref_slice %arg5[%arg0, %add3A_66, %dma_start3A_90, %dma_start3A_91] : memref<2x80x128x128xf32, #tpu.memory_space<hbm>> -> memref<1x1x128x128xf32, #tpu.memory_space<hbm>>
      %dma_start3A_93 = tpu.memref_squeeze %dma_start3A_92 : memref<1x1x128x128xf32, #tpu.memory_space<hbm>> -> memref<128x128xf32, #tpu.memory_space<hbm>>
      tpu.enqueue_dma source(%arg7 : memref<128x128xf32, #tpu.memory_space<vmem>>) target(%dma_start3A_93 : memref<128x128xf32, #tpu.memory_space<hbm>>) target_semaphore(%run_scoped3A : memref<!tpu.dma_semaphore, #tpu.memory_space<semaphore_mem>>)
      %dma_wait3A = arith.constant 0 : i32
      %dma_wait3A_94 = arith.constant 0 : i32
      %dma_wait3A_95 = tpu.memref_slice %arg5[%arg0, %add3A_66, %dma_wait3A, %dma_wait3A_94] : memref<2x80x128x128xf32, #tpu.memory_space<hbm>> -> memref<1x1x128x128xf32, #tpu.memory_space<hbm>>
      %dma_wait3A_96 = tpu.memref_squeeze %dma_wait3A_95 : memref<1x1x128x128xf32, #tpu.memory_space<hbm>> -> memref<128x128xf32, #tpu.memory_space<hbm>>
      %dma_wait3A_97 = arith.constant 0 : i32
      %dma_wait3A_98 = arith.constant 0 : i32
      %dma_wait3A_99 = tpu.memref_slice %arg5[%arg0, %add3A_66, %dma_wait3A_97, %dma_wait3A_98] : memref<2x80x128x128xf32, #tpu.memory_space<hbm>> -> memref<1x1x128x128xf32, #tpu.memory_space<hbm>>
      %dma_wait3A_100 = tpu.memref_squeeze %dma_wait3A_99 : memref<1x1x128x128xf32, #tpu.memory_space<hbm>> -> memref<128x128xf32, #tpu.memory_space<hbm>>
      tpu.wait_dma2 semaphore(%run_scoped3A : memref<!tpu.dma_semaphore, #tpu.memory_space<semaphore_mem>>) src(%arg7 : memref<128x128xf32, #tpu.memory_space<vmem>>) dst(%dma_wait3A_100 : memref<128x128xf32, #tpu.memory_space<hbm>>)
      tpu.yield
    }) : () -> ()
    %mul3A_67 = arith.constant 5 : i32
    %mul3A_68 = arith.muli %arg1, %mul3A_67 : i32
    %add3A_69 = arith.constant 3 : i32
    %add3A_70 = arith.addi %mul3A_68, %add3A_69 : i32
    %mul3A_71 = arith.constant 128 : i32
    %mul3A_72 = arith.muli %add3A_70, %mul3A_71 : i32
    "tpu.region"() ({
      %run_scoped3A = tpu.sem_alloc : memref<!tpu.dma_semaphore, #tpu.memory_space<semaphore_mem>>
      %dma_start3A = arith.constant 0 : i32
      %dma_start3A_87 = tpu.memref_slice %arg8[%mul3A_72, %dma_start3A] : memref<10240x128xf32, #tpu.memory_space<vmem_shared>> -> memref<128x128xf32, #tpu.memory_space<vmem_shared>>
      %dma_start3A_88 = arith.constant 0 : i32
      %dma_start3A_89 = tpu.memref_slice %arg8[%mul3A_72, %dma_start3A_88] : memref<10240x128xf32, #tpu.memory_space<vmem_shared>> -> memref<128x128xf32, #tpu.memory_space<vmem_shared>>
      tpu.enqueue_dma source(%dma_start3A_89 : memref<128x128xf32, #tpu.memory_space<vmem_shared>>) target(%arg7 : memref<128x128xf32, #tpu.memory_space<vmem>>) target_semaphore(%run_scoped3A : memref<!tpu.dma_semaphore, #tpu.memory_space<semaphore_mem>>)
      %dma_wait3A = arith.constant 0 : i32
      %dma_wait3A_90 = tpu.memref_slice %arg8[%mul3A_72, %dma_wait3A] : memref<10240x128xf32, #tpu.memory_space<vmem_shared>> -> memref<128x128xf32, #tpu.memory_space<vmem_shared>>
      %dma_wait3A_91 = arith.constant 0 : i32
      %dma_wait3A_92 = tpu.memref_slice %arg8[%mul3A_72, %dma_wait3A_91] : memref<10240x128xf32, #tpu.memory_space<vmem_shared>> -> memref<128x128xf32, #tpu.memory_space<vmem_shared>>
      tpu.wait_dma2 semaphore(%run_scoped3A : memref<!tpu.dma_semaphore, #tpu.memory_space<semaphore_mem>>) src(%dma_wait3A_92 : memref<128x128xf32, #tpu.memory_space<vmem_shared>>) dst(%arg7 : memref<128x128xf32, #tpu.memory_space<vmem>>)
      tpu.yield
    }) : () -> ()
    %mul3A_73 = arith.constant 5 : i32
    %mul3A_74 = arith.muli %arg1, %mul3A_73 : i32
    %add3A_75 = arith.constant 3 : i32
    %add3A_76 = arith.addi %mul3A_74, %add3A_75 : i32
    "tpu.region"() ({
      %run_scoped3A = tpu.sem_alloc : memref<!tpu.dma_semaphore, #tpu.memory_space<semaphore_mem>>
      %dma_start3A = arith.constant 0 : i32
      %dma_start3A_87 = arith.constant 0 : i32
      %dma_start3A_88 = tpu.memref_slice %arg5[%arg0, %add3A_76, %dma_start3A, %dma_start3A_87] : memref<2x80x128x128xf32, #tpu.memory_space<hbm>> -> memref<1x1x128x128xf32, #tpu.memory_space<hbm>>
      %dma_start3A_89 = tpu.memref_squeeze %dma_start3A_88 : memref<1x1x128x128xf32, #tpu.memory_space<hbm>> -> memref<128x128xf32, #tpu.memory_space<hbm>>
      %dma_start3A_90 = arith.constant 0 : i32
      %dma_start3A_91 = arith.constant 0 : i32
      %dma_start3A_92 = tpu.memref_slice %arg5[%arg0, %add3A_76, %dma_start3A_90, %dma_start3A_91] : memref<2x80x128x128xf32, #tpu.memory_space<hbm>> -> memref<1x1x128x128xf32, #tpu.memory_space<hbm>>
      %dma_start3A_93 = tpu.memref_squeeze %dma_start3A_92 : memref<1x1x128x128xf32, #tpu.memory_space<hbm>> -> memref<128x128xf32, #tpu.memory_space<hbm>>
      tpu.enqueue_dma source(%arg7 : memref<128x128xf32, #tpu.memory_space<vmem>>) target(%dma_start3A_93 : memref<128x128xf32, #tpu.memory_space<hbm>>) target_semaphore(%run_scoped3A : memref<!tpu.dma_semaphore, #tpu.memory_space<semaphore_mem>>)
      %dma_wait3A = arith.constant 0 : i32
      %dma_wait3A_94 = arith.constant 0 : i32
      %dma_wait3A_95 = tpu.memref_slice %arg5[%arg0, %add3A_76, %dma_wait3A, %dma_wait3A_94] : memref<2x80x128x128xf32, #tpu.memory_space<hbm>> -> memref<1x1x128x128xf32, #tpu.memory_space<hbm>>
      %dma_wait3A_96 = tpu.memref_squeeze %dma_wait3A_95 : memref<1x1x128x128xf32, #tpu.memory_space<hbm>> -> memref<128x128xf32, #tpu.memory_space<hbm>>
      %dma_wait3A_97 = arith.constant 0 : i32
      %dma_wait3A_98 = arith.constant 0 : i32
      %dma_wait3A_99 = tpu.memref_slice %arg5[%arg0, %add3A_76, %dma_wait3A_97, %dma_wait3A_98] : memref<2x80x128x128xf32, #tpu.memory_space<hbm>> -> memref<1x1x128x128xf32, #tpu.memory_space<hbm>>
      %dma_wait3A_100 = tpu.memref_squeeze %dma_wait3A_99 : memref<1x1x128x128xf32, #tpu.memory_space<hbm>> -> memref<128x128xf32, #tpu.memory_space<hbm>>
      tpu.wait_dma2 semaphore(%run_scoped3A : memref<!tpu.dma_semaphore, #tpu.memory_space<semaphore_mem>>) src(%arg7 : memref<128x128xf32, #tpu.memory_space<vmem>>) dst(%dma_wait3A_100 : memref<128x128xf32, #tpu.memory_space<hbm>>)
      tpu.yield
    }) : () -> ()
    %mul3A_77 = arith.constant 5 : i32
    %mul3A_78 = arith.muli %arg1, %mul3A_77 : i32
    %add3A_79 = arith.constant 4 : i32
    %add3A_80 = arith.addi %mul3A_78, %add3A_79 : i32
    %mul3A_81 = arith.constant 128 : i32
    %mul3A_82 = arith.muli %add3A_80, %mul3A_81 : i32
    "tpu.region"() ({
      %run_scoped3A = tpu.sem_alloc : memref<!tpu.dma_semaphore, #tpu.memory_space<semaphore_mem>>
      %dma_start3A = arith.constant 0 : i32
      %dma_start3A_87 = tpu.memref_slice %arg8[%mul3A_82, %dma_start3A] : memref<10240x128xf32, #tpu.memory_space<vmem_shared>> -> memref<128x128xf32, #tpu.memory_space<vmem_shared>>
      %dma_start3A_88 = arith.constant 0 : i32
      %dma_start3A_89 = tpu.memref_slice %arg8[%mul3A_82, %dma_start3A_88] : memref<10240x128xf32, #tpu.memory_space<vmem_shared>> -> memref<128x128xf32, #tpu.memory_space<vmem_shared>>
      tpu.enqueue_dma source(%dma_start3A_89 : memref<128x128xf32, #tpu.memory_space<vmem_shared>>) target(%arg7 : memref<128x128xf32, #tpu.memory_space<vmem>>) target_semaphore(%run_scoped3A : memref<!tpu.dma_semaphore, #tpu.memory_space<semaphore_mem>>)
      %dma_wait3A = arith.constant 0 : i32
      %dma_wait3A_90 = tpu.memref_slice %arg8[%mul3A_82, %dma_wait3A] : memref<10240x128xf32, #tpu.memory_space<vmem_shared>> -> memref<128x128xf32, #tpu.memory_space<vmem_shared>>
      %dma_wait3A_91 = arith.constant 0 : i32
      %dma_wait3A_92 = tpu.memref_slice %arg8[%mul3A_82, %dma_wait3A_91] : memref<10240x128xf32, #tpu.memory_space<vmem_shared>> -> memref<128x128xf32, #tpu.memory_space<vmem_shared>>
      tpu.wait_dma2 semaphore(%run_scoped3A : memref<!tpu.dma_semaphore, #tpu.memory_space<semaphore_mem>>) src(%dma_wait3A_92 : memref<128x128xf32, #tpu.memory_space<vmem_shared>>) dst(%arg7 : memref<128x128xf32, #tpu.memory_space<vmem>>)
      tpu.yield
    }) : () -> ()
    %mul3A_83 = arith.constant 5 : i32
    %mul3A_84 = arith.muli %arg1, %mul3A_83 : i32
    %add3A_85 = arith.constant 4 : i32
    %add3A_86 = arith.addi %mul3A_84, %add3A_85 : i32
    "tpu.region"() ({
      %run_scoped3A = tpu.sem_alloc : memref<!tpu.dma_semaphore, #tpu.memory_space<semaphore_mem>>
      %dma_start3A = arith.constant 0 : i32
      %dma_start3A_87 = arith.constant 0 : i32
      %dma_start3A_88 = tpu.memref_slice %arg5[%arg0, %add3A_86, %dma_start3A, %dma_start3A_87] : memref<2x80x128x128xf32, #tpu.memory_space<hbm>> -> memref<1x1x128x128xf32, #tpu.memory_space<hbm>>
      %dma_start3A_89 = tpu.memref_squeeze %dma_start3A_88 : memref<1x1x128x128xf32, #tpu.memory_space<hbm>> -> memref<128x128xf32, #tpu.memory_space<hbm>>
      %dma_start3A_90 = arith.constant 0 : i32
      %dma_start3A_91 = arith.constant 0 : i32
      %dma_start3A_92 = tpu.memref_slice %arg5[%arg0, %add3A_86, %dma_start3A_90, %dma_start3A_91] : memref<2x80x128x128xf32, #tpu.memory_space<hbm>> -> memref<1x1x128x128xf32, #tpu.memory_space<hbm>>
      %dma_start3A_93 = tpu.memref_squeeze %dma_start3A_92 : memref<1x1x128x128xf32, #tpu.memory_space<hbm>> -> memref<128x128xf32, #tpu.memory_space<hbm>>
      tpu.enqueue_dma source(%arg7 : memref<128x128xf32, #tpu.memory_space<vmem>>) target(%dma_start3A_93 : memref<128x128xf32, #tpu.memory_space<hbm>>) target_semaphore(%run_scoped3A : memref<!tpu.dma_semaphore, #tpu.memory_space<semaphore_mem>>)
      %dma_wait3A = arith.constant 0 : i32
      %dma_wait3A_94 = arith.constant 0 : i32
      %dma_wait3A_95 = tpu.memref_slice %arg5[%arg0, %add3A_86, %dma_wait3A, %dma_wait3A_94] : memref<2x80x128x128xf32, #tpu.memory_space<hbm>> -> memref<1x1x128x128xf32, #tpu.memory_space<hbm>>
      %dma_wait3A_96 = tpu.memref_squeeze %dma_wait3A_95 : memref<1x1x128x128xf32, #tpu.memory_space<hbm>> -> memref<128x128xf32, #tpu.memory_space<hbm>>
      %dma_wait3A_97 = arith.constant 0 : i32
      %dma_wait3A_98 = arith.constant 0 : i32
      %dma_wait3A_99 = tpu.memref_slice %arg5[%arg0, %add3A_86, %dma_wait3A_97, %dma_wait3A_98] : memref<2x80x128x128xf32, #tpu.memory_space<hbm>> -> memref<1x1x128x128xf32, #tpu.memory_space<hbm>>
      %dma_wait3A_100 = tpu.memref_squeeze %dma_wait3A_99 : memref<1x1x128x128xf32, #tpu.memory_space<hbm>> -> memref<128x128xf32, #tpu.memory_space<hbm>>
      tpu.wait_dma2 semaphore(%run_scoped3A : memref<!tpu.dma_semaphore, #tpu.memory_space<semaphore_mem>>) src(%arg7 : memref<128x128xf32, #tpu.memory_space<vmem>>) dst(%dma_wait3A_100 : memref<128x128xf32, #tpu.memory_space<hbm>>)
      tpu.yield
    }) : () -> ()
    return
  }
}

#map = affine_map<(d0, d1) -> (0, 0)>
#map1 = affine_map<(d0, d1) -> (0, 0, 0)>
#map2 = affine_map<(d0, d1) -> (0, 0, 0, 0)>
module attributes {stable_mosaic.version = 14 : i64} {
  func.func @_msg_body(%arg0: i32, %arg1: i32, %arg2: memref<10000x128xf32, #tpu.memory_space<hbm>>, %arg3: memref<32x79x128xi32, #tpu.memory_space<hbm>>, %arg4: memref<32x79x128xi32, #tpu.memory_space<hbm>>, %arg5: memref<128x128xf32, #tpu.memory_space<hbm>>, %arg6: memref<2x80x128x128xf32, #tpu.memory_space<hbm>>, %arg7: memref<79x128xi32, #tpu.memory_space<vmem>>, %arg8: memref<79x128xi32, #tpu.memory_space<vmem>>, %arg9: memref<128x128xf32, #tpu.memory_space<vmem>>, %arg10: memref<10240x128xf32, #tpu.memory_space<vmem_shared>>, %arg11: memref<!tpu.dma_semaphore, #tpu.memory_space<semaphore_mem>>) attributes {dimension_semantics = [#tpu.dimension_semantics<core_parallel>, #tpu.dimension_semantics<subcore_parallel>], iteration_bounds = array<i64: 2, 16>, scalar_prefetch = 0 : i64, scratch_operands = 5 : i64, tpu.core_type = #tpu.core_type<sc_vector_subcore>, window_params = [{transform_indices = #map}, {transform_indices = #map1}, {transform_indices = #map1}, {transform_indices = #map}, {transform_indices = #map2}]} {
    %mul3A = arith.constant 2 : i32
    %mul3A_0 = arith.muli %arg1, %mul3A : i32
    %add3A = arith.addi %mul3A_0, %arg0 : i32
    "tpu.region"() ({
      %run_scoped3A = tpu.sem_alloc : memref<!tpu.dma_semaphore, #tpu.memory_space<semaphore_mem>>
      %dma_start3A = arith.constant 0 : i32
      %dma_start3A_87 = arith.constant 0 : i32
      %dma_start3A_88 = tpu.memref_slice %arg3[%add3A, %dma_start3A, %dma_start3A_87] : memref<32x79x128xi32, #tpu.memory_space<hbm>> -> memref<1x79x128xi32, #tpu.memory_space<hbm>>
      %dma_start3A_89 = tpu.memref_squeeze %dma_start3A_88 : memref<1x79x128xi32, #tpu.memory_space<hbm>> -> memref<79x128xi32, #tpu.memory_space<hbm>>
      %dma_start3A_90 = arith.constant 0 : i32
      %dma_start3A_91 = arith.constant 0 : i32
      %dma_start3A_92 = tpu.memref_slice %arg3[%add3A, %dma_start3A_90, %dma_start3A_91] : memref<32x79x128xi32, #tpu.memory_space<hbm>> -> memref<1x79x128xi32, #tpu.memory_space<hbm>>
      %dma_start3A_93 = tpu.memref_squeeze %dma_start3A_92 : memref<1x79x128xi32, #tpu.memory_space<hbm>> -> memref<79x128xi32, #tpu.memory_space<hbm>>
      tpu.enqueue_dma source(%dma_start3A_93 : memref<79x128xi32, #tpu.memory_space<hbm>>) target(%arg7 : memref<79x128xi32, #tpu.memory_space<vmem>>) target_semaphore(%run_scoped3A : memref<!tpu.dma_semaphore, #tpu.memory_space<semaphore_mem>>)
      %dma_wait3A = arith.constant 0 : i32
      %dma_wait3A_94 = arith.constant 0 : i32
      %dma_wait3A_95 = tpu.memref_slice %arg3[%add3A, %dma_wait3A, %dma_wait3A_94] : memref<32x79x128xi32, #tpu.memory_space<hbm>> -> memref<1x79x128xi32, #tpu.memory_space<hbm>>
      %dma_wait3A_96 = tpu.memref_squeeze %dma_wait3A_95 : memref<1x79x128xi32, #tpu.memory_space<hbm>> -> memref<79x128xi32, #tpu.memory_space<hbm>>
      %dma_wait3A_97 = arith.constant 0 : i32
      %dma_wait3A_98 = arith.constant 0 : i32
      %dma_wait3A_99 = tpu.memref_slice %arg3[%add3A, %dma_wait3A_97, %dma_wait3A_98] : memref<32x79x128xi32, #tpu.memory_space<hbm>> -> memref<1x79x128xi32, #tpu.memory_space<hbm>>
      %dma_wait3A_100 = tpu.memref_squeeze %dma_wait3A_99 : memref<1x79x128xi32, #tpu.memory_space<hbm>> -> memref<79x128xi32, #tpu.memory_space<hbm>>
      tpu.wait_dma2 semaphore(%run_scoped3A : memref<!tpu.dma_semaphore, #tpu.memory_space<semaphore_mem>>) src(%dma_wait3A_100 : memref<79x128xi32, #tpu.memory_space<hbm>>) dst(%arg7 : memref<79x128xi32, #tpu.memory_space<vmem>>)
      tpu.yield
    }) : () -> ()
    "tpu.region"() ({
      %run_scoped3A = tpu.sem_alloc : memref<!tpu.dma_semaphore, #tpu.memory_space<semaphore_mem>>
      %dma_start3A = arith.constant 0 : i32
      %dma_start3A_87 = arith.constant 0 : i32
      %dma_start3A_88 = tpu.memref_slice %arg4[%add3A, %dma_start3A, %dma_start3A_87] : memref<32x79x128xi32, #tpu.memory_space<hbm>> -> memref<1x79x128xi32, #tpu.memory_space<hbm>>
      %dma_start3A_89 = tpu.memref_squeeze %dma_start3A_88 : memref<1x79x128xi32, #tpu.memory_space<hbm>> -> memref<79x128xi32, #tpu.memory_space<hbm>>
      %dma_start3A_90 = arith.constant 0 : i32
      %dma_start3A_91 = arith.constant 0 : i32
      %dma_start3A_92 = tpu.memref_slice %arg4[%add3A, %dma_start3A_90, %dma_start3A_91] : memref<32x79x128xi32, #tpu.memory_space<hbm>> -> memref<1x79x128xi32, #tpu.memory_space<hbm>>
      %dma_start3A_93 = tpu.memref_squeeze %dma_start3A_92 : memref<1x79x128xi32, #tpu.memory_space<hbm>> -> memref<79x128xi32, #tpu.memory_space<hbm>>
      tpu.enqueue_dma source(%dma_start3A_93 : memref<79x128xi32, #tpu.memory_space<hbm>>) target(%arg8 : memref<79x128xi32, #tpu.memory_space<vmem>>) target_semaphore(%run_scoped3A : memref<!tpu.dma_semaphore, #tpu.memory_space<semaphore_mem>>)
      %dma_wait3A = arith.constant 0 : i32
      %dma_wait3A_94 = arith.constant 0 : i32
      %dma_wait3A_95 = tpu.memref_slice %arg4[%add3A, %dma_wait3A, %dma_wait3A_94] : memref<32x79x128xi32, #tpu.memory_space<hbm>> -> memref<1x79x128xi32, #tpu.memory_space<hbm>>
      %dma_wait3A_96 = tpu.memref_squeeze %dma_wait3A_95 : memref<1x79x128xi32, #tpu.memory_space<hbm>> -> memref<79x128xi32, #tpu.memory_space<hbm>>
      %dma_wait3A_97 = arith.constant 0 : i32
      %dma_wait3A_98 = arith.constant 0 : i32
      %dma_wait3A_99 = tpu.memref_slice %arg4[%add3A, %dma_wait3A_97, %dma_wait3A_98] : memref<32x79x128xi32, #tpu.memory_space<hbm>> -> memref<1x79x128xi32, #tpu.memory_space<hbm>>
      %dma_wait3A_100 = tpu.memref_squeeze %dma_wait3A_99 : memref<1x79x128xi32, #tpu.memory_space<hbm>> -> memref<79x128xi32, #tpu.memory_space<hbm>>
      tpu.wait_dma2 semaphore(%run_scoped3A : memref<!tpu.dma_semaphore, #tpu.memory_space<semaphore_mem>>) src(%dma_wait3A_100 : memref<79x128xi32, #tpu.memory_space<hbm>>) dst(%arg8 : memref<79x128xi32, #tpu.memory_space<vmem>>)
      tpu.yield
    }) : () -> ()
    "tpu.region"() ({
      %run_scoped3A = tpu.sem_alloc : memref<!tpu.dma_semaphore, #tpu.memory_space<semaphore_mem>>
      tpu.enqueue_dma source(%arg5 : memref<128x128xf32, #tpu.memory_space<hbm>>) target(%arg9 : memref<128x128xf32, #tpu.memory_space<vmem>>) target_semaphore(%run_scoped3A : memref<!tpu.dma_semaphore, #tpu.memory_space<semaphore_mem>>)
      tpu.wait_dma2 semaphore(%run_scoped3A : memref<!tpu.dma_semaphore, #tpu.memory_space<semaphore_mem>>) src(%arg5 : memref<128x128xf32, #tpu.memory_space<hbm>>) dst(%arg9 : memref<128x128xf32, #tpu.memory_space<vmem>>)
      tpu.yield
    }) : () -> ()
    %mul3A_1 = arith.constant 5 : i32
    %mul3A_2 = arith.muli %arg1, %mul3A_1 : i32
    %add3A_3 = arith.constant 0 : i32
    %add3A_4 = arith.addi %mul3A_2, %add3A_3 : i32
    %mul3A_5 = arith.constant 128 : i32
    %mul3A_6 = arith.muli %add3A_4, %mul3A_5 : i32
    "tpu.region"() ({
      %run_scoped3A = tpu.sem_alloc : memref<!tpu.dma_semaphore, #tpu.memory_space<semaphore_mem>>
      %dma_start3A = arith.constant 0 : i32
      %dma_start3A_87 = tpu.memref_slice %arg10[%mul3A_6, %dma_start3A] : memref<10240x128xf32, #tpu.memory_space<vmem_shared>> -> memref<128x128xf32, #tpu.memory_space<vmem_shared>>
      %dma_start3A_88 = arith.constant 0 : i32
      %dma_start3A_89 = tpu.memref_slice %arg10[%mul3A_6, %dma_start3A_88] : memref<10240x128xf32, #tpu.memory_space<vmem_shared>> -> memref<128x128xf32, #tpu.memory_space<vmem_shared>>
      tpu.enqueue_dma source(%arg9 : memref<128x128xf32, #tpu.memory_space<vmem>>) target(%dma_start3A_89 : memref<128x128xf32, #tpu.memory_space<vmem_shared>>) target_semaphore(%run_scoped3A : memref<!tpu.dma_semaphore, #tpu.memory_space<semaphore_mem>>)
      %dma_wait3A = arith.constant 0 : i32
      %dma_wait3A_90 = tpu.memref_slice %arg10[%mul3A_6, %dma_wait3A] : memref<10240x128xf32, #tpu.memory_space<vmem_shared>> -> memref<128x128xf32, #tpu.memory_space<vmem_shared>>
      %dma_wait3A_91 = arith.constant 0 : i32
      %dma_wait3A_92 = tpu.memref_slice %arg10[%mul3A_6, %dma_wait3A_91] : memref<10240x128xf32, #tpu.memory_space<vmem_shared>> -> memref<128x128xf32, #tpu.memory_space<vmem_shared>>
      tpu.wait_dma2 semaphore(%run_scoped3A : memref<!tpu.dma_semaphore, #tpu.memory_space<semaphore_mem>>) src(%arg9 : memref<128x128xf32, #tpu.memory_space<vmem>>) dst(%dma_wait3A_92 : memref<128x128xf32, #tpu.memory_space<vmem_shared>>)
      tpu.yield
    }) : () -> ()
    %mul3A_7 = arith.constant 5 : i32
    %mul3A_8 = arith.muli %arg1, %mul3A_7 : i32
    %add3A_9 = arith.constant 1 : i32
    %add3A_10 = arith.addi %mul3A_8, %add3A_9 : i32
    %mul3A_11 = arith.constant 128 : i32
    %mul3A_12 = arith.muli %add3A_10, %mul3A_11 : i32
    "tpu.region"() ({
      %run_scoped3A = tpu.sem_alloc : memref<!tpu.dma_semaphore, #tpu.memory_space<semaphore_mem>>
      %dma_start3A = arith.constant 0 : i32
      %dma_start3A_87 = tpu.memref_slice %arg10[%mul3A_12, %dma_start3A] : memref<10240x128xf32, #tpu.memory_space<vmem_shared>> -> memref<128x128xf32, #tpu.memory_space<vmem_shared>>
      %dma_start3A_88 = arith.constant 0 : i32
      %dma_start3A_89 = tpu.memref_slice %arg10[%mul3A_12, %dma_start3A_88] : memref<10240x128xf32, #tpu.memory_space<vmem_shared>> -> memref<128x128xf32, #tpu.memory_space<vmem_shared>>
      tpu.enqueue_dma source(%arg9 : memref<128x128xf32, #tpu.memory_space<vmem>>) target(%dma_start3A_89 : memref<128x128xf32, #tpu.memory_space<vmem_shared>>) target_semaphore(%run_scoped3A : memref<!tpu.dma_semaphore, #tpu.memory_space<semaphore_mem>>)
      %dma_wait3A = arith.constant 0 : i32
      %dma_wait3A_90 = tpu.memref_slice %arg10[%mul3A_12, %dma_wait3A] : memref<10240x128xf32, #tpu.memory_space<vmem_shared>> -> memref<128x128xf32, #tpu.memory_space<vmem_shared>>
      %dma_wait3A_91 = arith.constant 0 : i32
      %dma_wait3A_92 = tpu.memref_slice %arg10[%mul3A_12, %dma_wait3A_91] : memref<10240x128xf32, #tpu.memory_space<vmem_shared>> -> memref<128x128xf32, #tpu.memory_space<vmem_shared>>
      tpu.wait_dma2 semaphore(%run_scoped3A : memref<!tpu.dma_semaphore, #tpu.memory_space<semaphore_mem>>) src(%arg9 : memref<128x128xf32, #tpu.memory_space<vmem>>) dst(%dma_wait3A_92 : memref<128x128xf32, #tpu.memory_space<vmem_shared>>)
      tpu.yield
    }) : () -> ()
    %mul3A_13 = arith.constant 5 : i32
    %mul3A_14 = arith.muli %arg1, %mul3A_13 : i32
    %add3A_15 = arith.constant 2 : i32
    %add3A_16 = arith.addi %mul3A_14, %add3A_15 : i32
    %mul3A_17 = arith.constant 128 : i32
    %mul3A_18 = arith.muli %add3A_16, %mul3A_17 : i32
    "tpu.region"() ({
      %run_scoped3A = tpu.sem_alloc : memref<!tpu.dma_semaphore, #tpu.memory_space<semaphore_mem>>
      %dma_start3A = arith.constant 0 : i32
      %dma_start3A_87 = tpu.memref_slice %arg10[%mul3A_18, %dma_start3A] : memref<10240x128xf32, #tpu.memory_space<vmem_shared>> -> memref<128x128xf32, #tpu.memory_space<vmem_shared>>
      %dma_start3A_88 = arith.constant 0 : i32
      %dma_start3A_89 = tpu.memref_slice %arg10[%mul3A_18, %dma_start3A_88] : memref<10240x128xf32, #tpu.memory_space<vmem_shared>> -> memref<128x128xf32, #tpu.memory_space<vmem_shared>>
      tpu.enqueue_dma source(%arg9 : memref<128x128xf32, #tpu.memory_space<vmem>>) target(%dma_start3A_89 : memref<128x128xf32, #tpu.memory_space<vmem_shared>>) target_semaphore(%run_scoped3A : memref<!tpu.dma_semaphore, #tpu.memory_space<semaphore_mem>>)
      %dma_wait3A = arith.constant 0 : i32
      %dma_wait3A_90 = tpu.memref_slice %arg10[%mul3A_18, %dma_wait3A] : memref<10240x128xf32, #tpu.memory_space<vmem_shared>> -> memref<128x128xf32, #tpu.memory_space<vmem_shared>>
      %dma_wait3A_91 = arith.constant 0 : i32
      %dma_wait3A_92 = tpu.memref_slice %arg10[%mul3A_18, %dma_wait3A_91] : memref<10240x128xf32, #tpu.memory_space<vmem_shared>> -> memref<128x128xf32, #tpu.memory_space<vmem_shared>>
      tpu.wait_dma2 semaphore(%run_scoped3A : memref<!tpu.dma_semaphore, #tpu.memory_space<semaphore_mem>>) src(%arg9 : memref<128x128xf32, #tpu.memory_space<vmem>>) dst(%dma_wait3A_92 : memref<128x128xf32, #tpu.memory_space<vmem_shared>>)
      tpu.yield
    }) : () -> ()
    %mul3A_19 = arith.constant 5 : i32
    %mul3A_20 = arith.muli %arg1, %mul3A_19 : i32
    %add3A_21 = arith.constant 3 : i32
    %add3A_22 = arith.addi %mul3A_20, %add3A_21 : i32
    %mul3A_23 = arith.constant 128 : i32
    %mul3A_24 = arith.muli %add3A_22, %mul3A_23 : i32
    "tpu.region"() ({
      %run_scoped3A = tpu.sem_alloc : memref<!tpu.dma_semaphore, #tpu.memory_space<semaphore_mem>>
      %dma_start3A = arith.constant 0 : i32
      %dma_start3A_87 = tpu.memref_slice %arg10[%mul3A_24, %dma_start3A] : memref<10240x128xf32, #tpu.memory_space<vmem_shared>> -> memref<128x128xf32, #tpu.memory_space<vmem_shared>>
      %dma_start3A_88 = arith.constant 0 : i32
      %dma_start3A_89 = tpu.memref_slice %arg10[%mul3A_24, %dma_start3A_88] : memref<10240x128xf32, #tpu.memory_space<vmem_shared>> -> memref<128x128xf32, #tpu.memory_space<vmem_shared>>
      tpu.enqueue_dma source(%arg9 : memref<128x128xf32, #tpu.memory_space<vmem>>) target(%dma_start3A_89 : memref<128x128xf32, #tpu.memory_space<vmem_shared>>) target_semaphore(%run_scoped3A : memref<!tpu.dma_semaphore, #tpu.memory_space<semaphore_mem>>)
      %dma_wait3A = arith.constant 0 : i32
      %dma_wait3A_90 = tpu.memref_slice %arg10[%mul3A_24, %dma_wait3A] : memref<10240x128xf32, #tpu.memory_space<vmem_shared>> -> memref<128x128xf32, #tpu.memory_space<vmem_shared>>
      %dma_wait3A_91 = arith.constant 0 : i32
      %dma_wait3A_92 = tpu.memref_slice %arg10[%mul3A_24, %dma_wait3A_91] : memref<10240x128xf32, #tpu.memory_space<vmem_shared>> -> memref<128x128xf32, #tpu.memory_space<vmem_shared>>
      tpu.wait_dma2 semaphore(%run_scoped3A : memref<!tpu.dma_semaphore, #tpu.memory_space<semaphore_mem>>) src(%arg9 : memref<128x128xf32, #tpu.memory_space<vmem>>) dst(%dma_wait3A_92 : memref<128x128xf32, #tpu.memory_space<vmem_shared>>)
      tpu.yield
    }) : () -> ()
    %mul3A_25 = arith.constant 5 : i32
    %mul3A_26 = arith.muli %arg1, %mul3A_25 : i32
    %add3A_27 = arith.constant 4 : i32
    %add3A_28 = arith.addi %mul3A_26, %add3A_27 : i32
    %mul3A_29 = arith.constant 128 : i32
    %mul3A_30 = arith.muli %add3A_28, %mul3A_29 : i32
    "tpu.region"() ({
      %run_scoped3A = tpu.sem_alloc : memref<!tpu.dma_semaphore, #tpu.memory_space<semaphore_mem>>
      %dma_start3A = arith.constant 0 : i32
      %dma_start3A_87 = tpu.memref_slice %arg10[%mul3A_30, %dma_start3A] : memref<10240x128xf32, #tpu.memory_space<vmem_shared>> -> memref<128x128xf32, #tpu.memory_space<vmem_shared>>
      %dma_start3A_88 = arith.constant 0 : i32
      %dma_start3A_89 = tpu.memref_slice %arg10[%mul3A_30, %dma_start3A_88] : memref<10240x128xf32, #tpu.memory_space<vmem_shared>> -> memref<128x128xf32, #tpu.memory_space<vmem_shared>>
      tpu.enqueue_dma source(%arg9 : memref<128x128xf32, #tpu.memory_space<vmem>>) target(%dma_start3A_89 : memref<128x128xf32, #tpu.memory_space<vmem_shared>>) target_semaphore(%run_scoped3A : memref<!tpu.dma_semaphore, #tpu.memory_space<semaphore_mem>>)
      %dma_wait3A = arith.constant 0 : i32
      %dma_wait3A_90 = tpu.memref_slice %arg10[%mul3A_30, %dma_wait3A] : memref<10240x128xf32, #tpu.memory_space<vmem_shared>> -> memref<128x128xf32, #tpu.memory_space<vmem_shared>>
      %dma_wait3A_91 = arith.constant 0 : i32
      %dma_wait3A_92 = tpu.memref_slice %arg10[%mul3A_30, %dma_wait3A_91] : memref<10240x128xf32, #tpu.memory_space<vmem_shared>> -> memref<128x128xf32, #tpu.memory_space<vmem_shared>>
      tpu.wait_dma2 semaphore(%run_scoped3A : memref<!tpu.dma_semaphore, #tpu.memory_space<semaphore_mem>>) src(%arg9 : memref<128x128xf32, #tpu.memory_space<vmem>>) dst(%dma_wait3A_92 : memref<128x128xf32, #tpu.memory_space<vmem_shared>>)
      tpu.yield
    }) : () -> ()
    %barrier3A = arith.constant 0 : index
    tpu.barrier barrier_id(%barrier3A)
    %scan3A = arith.constant 0 : i32
    %scan3A_31 = arith.constant 0 : i32
    %scan3A_32 = arith.constant 79 : i32
    %scan3A_33 = arith.addi %scan3A_31, %scan3A_32 : i32
    %scan3A_34 = arith.constant 1 : i32
    scf.for %scan3A_87 = %scan3A_31 to %scan3A_33 step %scan3A_34  : i32 {
      %dma_start3A = arith.constant 0 : i32
      %dma_start3A_88 = tpu.memref_slice %arg7[%scan3A_87, %dma_start3A] : memref<79x128xi32, #tpu.memory_space<vmem>> -> memref<1x128xi32, #tpu.memory_space<vmem>>
      %dma_start3A_89 = tpu.memref_squeeze %dma_start3A_88 : memref<1x128xi32, #tpu.memory_space<vmem>> -> memref<128xi32, #tpu.memory_space<vmem>>
      %dma_start3A_90 = arith.constant 0 : i32
      %dma_start3A_91 = arith.constant 0 : i32
      %dma_start3A_92 = tpu.memref_slice %arg2[%dma_start3A_90, %dma_start3A_91] : memref<10000x128xf32, #tpu.memory_space<hbm>> -> memref<10000x128xf32, #tpu.memory_space<hbm>>
      tpu.enqueue_indirect_dma source(%dma_start3A_92 : memref<10000x128xf32, #tpu.memory_space<hbm>>) target(%arg9 : memref<128x128xf32, #tpu.memory_space<vmem>>) offsets(%dma_start3A_89 : memref<128xi32, #tpu.memory_space<vmem>>) semaphore(%arg11 : memref<!tpu.dma_semaphore, #tpu.memory_space<semaphore_mem>>)
      %dma_wait3A = arith.constant 0 : i32
      %dma_wait3A_93 = tpu.memref_slice %arg7[%scan3A_87, %dma_wait3A] : memref<79x128xi32, #tpu.memory_space<vmem>> -> memref<1x128xi32, #tpu.memory_space<vmem>>
      %dma_wait3A_94 = tpu.memref_squeeze %dma_wait3A_93 : memref<1x128xi32, #tpu.memory_space<vmem>> -> memref<128xi32, #tpu.memory_space<vmem>>
      %dma_wait3A_95 = arith.constant 0 : i32
      %dma_wait3A_96 = arith.constant 0 : i32
      %dma_wait3A_97 = tpu.memref_slice %arg2[%dma_wait3A_95, %dma_wait3A_96] : memref<10000x128xf32, #tpu.memory_space<hbm>> -> memref<10000x128xf32, #tpu.memory_space<hbm>>
      tpu.wait_indirect_dma semaphore(%arg11 : memref<!tpu.dma_semaphore, #tpu.memory_space<semaphore_mem>>) src(%dma_wait3A_97 : memref<10000x128xf32, #tpu.memory_space<hbm>>) dst(%arg9 : memref<128x128xf32, #tpu.memory_space<vmem>>)
      "tpu.region"() ({
        %run_scoped3A = tpu.sem_alloc : memref<!tpu.dma_semaphore, #tpu.memory_space<semaphore_mem>>
        %dma_start3A_98 = arith.constant 0 : i32
        %dma_start3A_99 = tpu.memref_slice %arg8[%scan3A_87, %dma_start3A_98] : memref<79x128xi32, #tpu.memory_space<vmem>> -> memref<1x128xi32, #tpu.memory_space<vmem>>
        %dma_start3A_100 = tpu.memref_squeeze %dma_start3A_99 : memref<1x128xi32, #tpu.memory_space<vmem>> -> memref<128xi32, #tpu.memory_space<vmem>>
        %dma_start3A_101 = arith.constant 0 : i32
        %dma_start3A_102 = arith.constant 0 : i32
        %dma_start3A_103 = tpu.memref_slice %arg10[%dma_start3A_101, %dma_start3A_102] : memref<10240x128xf32, #tpu.memory_space<vmem_shared>> -> memref<10240x128xf32, #tpu.memory_space<vmem_shared>>
        tpu.enqueue_indirect_dma source(%arg9 : memref<128x128xf32, #tpu.memory_space<vmem>>) target(%dma_start3A_103 : memref<10240x128xf32, #tpu.memory_space<vmem_shared>>) offsets(%dma_start3A_100 : memref<128xi32, #tpu.memory_space<vmem>>) semaphore(%run_scoped3A : memref<!tpu.dma_semaphore, #tpu.memory_space<semaphore_mem>>) {add = true}
        %dma_wait3A_104 = arith.constant 0 : i32
        %dma_wait3A_105 = tpu.memref_slice %arg8[%scan3A_87, %dma_wait3A_104] : memref<79x128xi32, #tpu.memory_space<vmem>> -> memref<1x128xi32, #tpu.memory_space<vmem>>
        %dma_wait3A_106 = tpu.memref_squeeze %dma_wait3A_105 : memref<1x128xi32, #tpu.memory_space<vmem>> -> memref<128xi32, #tpu.memory_space<vmem>>
        %dma_wait3A_107 = arith.constant 0 : i32
        %dma_wait3A_108 = arith.constant 0 : i32
        %dma_wait3A_109 = tpu.memref_slice %arg10[%dma_wait3A_107, %dma_wait3A_108] : memref<10240x128xf32, #tpu.memory_space<vmem_shared>> -> memref<10240x128xf32, #tpu.memory_space<vmem_shared>>
        tpu.wait_indirect_dma semaphore(%run_scoped3A : memref<!tpu.dma_semaphore, #tpu.memory_space<semaphore_mem>>) src(%arg9 : memref<128x128xf32, #tpu.memory_space<vmem>>) dst(%dma_wait3A_109 : memref<10240x128xf32, #tpu.memory_space<vmem_shared>>)
        tpu.yield
      }) : () -> ()
    }
    %scan3A_35 = arith.constant 79 : i32
    %barrier3A_36 = arith.constant 0 : index
    tpu.barrier barrier_id(%barrier3A_36)
    %mul3A_37 = arith.constant 5 : i32
    %mul3A_38 = arith.muli %arg1, %mul3A_37 : i32
    %add3A_39 = arith.constant 0 : i32
    %add3A_40 = arith.addi %mul3A_38, %add3A_39 : i32
    %mul3A_41 = arith.constant 128 : i32
    %mul3A_42 = arith.muli %add3A_40, %mul3A_41 : i32
    "tpu.region"() ({
      %run_scoped3A = tpu.sem_alloc : memref<!tpu.dma_semaphore, #tpu.memory_space<semaphore_mem>>
      %dma_start3A = arith.constant 0 : i32
      %dma_start3A_87 = tpu.memref_slice %arg10[%mul3A_42, %dma_start3A] : memref<10240x128xf32, #tpu.memory_space<vmem_shared>> -> memref<128x128xf32, #tpu.memory_space<vmem_shared>>
      %dma_start3A_88 = arith.constant 0 : i32
      %dma_start3A_89 = tpu.memref_slice %arg10[%mul3A_42, %dma_start3A_88] : memref<10240x128xf32, #tpu.memory_space<vmem_shared>> -> memref<128x128xf32, #tpu.memory_space<vmem_shared>>
      tpu.enqueue_dma source(%dma_start3A_89 : memref<128x128xf32, #tpu.memory_space<vmem_shared>>) target(%arg9 : memref<128x128xf32, #tpu.memory_space<vmem>>) target_semaphore(%run_scoped3A : memref<!tpu.dma_semaphore, #tpu.memory_space<semaphore_mem>>)
      %dma_wait3A = arith.constant 0 : i32
      %dma_wait3A_90 = tpu.memref_slice %arg10[%mul3A_42, %dma_wait3A] : memref<10240x128xf32, #tpu.memory_space<vmem_shared>> -> memref<128x128xf32, #tpu.memory_space<vmem_shared>>
      %dma_wait3A_91 = arith.constant 0 : i32
      %dma_wait3A_92 = tpu.memref_slice %arg10[%mul3A_42, %dma_wait3A_91] : memref<10240x128xf32, #tpu.memory_space<vmem_shared>> -> memref<128x128xf32, #tpu.memory_space<vmem_shared>>
      tpu.wait_dma2 semaphore(%run_scoped3A : memref<!tpu.dma_semaphore, #tpu.memory_space<semaphore_mem>>) src(%dma_wait3A_92 : memref<128x128xf32, #tpu.memory_space<vmem_shared>>) dst(%arg9 : memref<128x128xf32, #tpu.memory_space<vmem>>)
      tpu.yield
    }) : () -> ()
    %mul3A_43 = arith.constant 5 : i32
    %mul3A_44 = arith.muli %arg1, %mul3A_43 : i32
    %add3A_45 = arith.constant 0 : i32
    %add3A_46 = arith.addi %mul3A_44, %add3A_45 : i32
    "tpu.region"() ({
      %run_scoped3A = tpu.sem_alloc : memref<!tpu.dma_semaphore, #tpu.memory_space<semaphore_mem>>
      %dma_start3A = arith.constant 0 : i32
      %dma_start3A_87 = arith.constant 0 : i32
      %dma_start3A_88 = tpu.memref_slice %arg6[%arg0, %add3A_46, %dma_start3A, %dma_start3A_87] : memref<2x80x128x128xf32, #tpu.memory_space<hbm>> -> memref<1x1x128x128xf32, #tpu.memory_space<hbm>>
      %dma_start3A_89 = tpu.memref_squeeze %dma_start3A_88 : memref<1x1x128x128xf32, #tpu.memory_space<hbm>> -> memref<128x128xf32, #tpu.memory_space<hbm>>
      %dma_start3A_90 = arith.constant 0 : i32
      %dma_start3A_91 = arith.constant 0 : i32
      %dma_start3A_92 = tpu.memref_slice %arg6[%arg0, %add3A_46, %dma_start3A_90, %dma_start3A_91] : memref<2x80x128x128xf32, #tpu.memory_space<hbm>> -> memref<1x1x128x128xf32, #tpu.memory_space<hbm>>
      %dma_start3A_93 = tpu.memref_squeeze %dma_start3A_92 : memref<1x1x128x128xf32, #tpu.memory_space<hbm>> -> memref<128x128xf32, #tpu.memory_space<hbm>>
      tpu.enqueue_dma source(%arg9 : memref<128x128xf32, #tpu.memory_space<vmem>>) target(%dma_start3A_93 : memref<128x128xf32, #tpu.memory_space<hbm>>) target_semaphore(%run_scoped3A : memref<!tpu.dma_semaphore, #tpu.memory_space<semaphore_mem>>)
      %dma_wait3A = arith.constant 0 : i32
      %dma_wait3A_94 = arith.constant 0 : i32
      %dma_wait3A_95 = tpu.memref_slice %arg6[%arg0, %add3A_46, %dma_wait3A, %dma_wait3A_94] : memref<2x80x128x128xf32, #tpu.memory_space<hbm>> -> memref<1x1x128x128xf32, #tpu.memory_space<hbm>>
      %dma_wait3A_96 = tpu.memref_squeeze %dma_wait3A_95 : memref<1x1x128x128xf32, #tpu.memory_space<hbm>> -> memref<128x128xf32, #tpu.memory_space<hbm>>
      %dma_wait3A_97 = arith.constant 0 : i32
      %dma_wait3A_98 = arith.constant 0 : i32
      %dma_wait3A_99 = tpu.memref_slice %arg6[%arg0, %add3A_46, %dma_wait3A_97, %dma_wait3A_98] : memref<2x80x128x128xf32, #tpu.memory_space<hbm>> -> memref<1x1x128x128xf32, #tpu.memory_space<hbm>>
      %dma_wait3A_100 = tpu.memref_squeeze %dma_wait3A_99 : memref<1x1x128x128xf32, #tpu.memory_space<hbm>> -> memref<128x128xf32, #tpu.memory_space<hbm>>
      tpu.wait_dma2 semaphore(%run_scoped3A : memref<!tpu.dma_semaphore, #tpu.memory_space<semaphore_mem>>) src(%arg9 : memref<128x128xf32, #tpu.memory_space<vmem>>) dst(%dma_wait3A_100 : memref<128x128xf32, #tpu.memory_space<hbm>>)
      tpu.yield
    }) : () -> ()
    %mul3A_47 = arith.constant 5 : i32
    %mul3A_48 = arith.muli %arg1, %mul3A_47 : i32
    %add3A_49 = arith.constant 1 : i32
    %add3A_50 = arith.addi %mul3A_48, %add3A_49 : i32
    %mul3A_51 = arith.constant 128 : i32
    %mul3A_52 = arith.muli %add3A_50, %mul3A_51 : i32
    "tpu.region"() ({
      %run_scoped3A = tpu.sem_alloc : memref<!tpu.dma_semaphore, #tpu.memory_space<semaphore_mem>>
      %dma_start3A = arith.constant 0 : i32
      %dma_start3A_87 = tpu.memref_slice %arg10[%mul3A_52, %dma_start3A] : memref<10240x128xf32, #tpu.memory_space<vmem_shared>> -> memref<128x128xf32, #tpu.memory_space<vmem_shared>>
      %dma_start3A_88 = arith.constant 0 : i32
      %dma_start3A_89 = tpu.memref_slice %arg10[%mul3A_52, %dma_start3A_88] : memref<10240x128xf32, #tpu.memory_space<vmem_shared>> -> memref<128x128xf32, #tpu.memory_space<vmem_shared>>
      tpu.enqueue_dma source(%dma_start3A_89 : memref<128x128xf32, #tpu.memory_space<vmem_shared>>) target(%arg9 : memref<128x128xf32, #tpu.memory_space<vmem>>) target_semaphore(%run_scoped3A : memref<!tpu.dma_semaphore, #tpu.memory_space<semaphore_mem>>)
      %dma_wait3A = arith.constant 0 : i32
      %dma_wait3A_90 = tpu.memref_slice %arg10[%mul3A_52, %dma_wait3A] : memref<10240x128xf32, #tpu.memory_space<vmem_shared>> -> memref<128x128xf32, #tpu.memory_space<vmem_shared>>
      %dma_wait3A_91 = arith.constant 0 : i32
      %dma_wait3A_92 = tpu.memref_slice %arg10[%mul3A_52, %dma_wait3A_91] : memref<10240x128xf32, #tpu.memory_space<vmem_shared>> -> memref<128x128xf32, #tpu.memory_space<vmem_shared>>
      tpu.wait_dma2 semaphore(%run_scoped3A : memref<!tpu.dma_semaphore, #tpu.memory_space<semaphore_mem>>) src(%dma_wait3A_92 : memref<128x128xf32, #tpu.memory_space<vmem_shared>>) dst(%arg9 : memref<128x128xf32, #tpu.memory_space<vmem>>)
      tpu.yield
    }) : () -> ()
    %mul3A_53 = arith.constant 5 : i32
    %mul3A_54 = arith.muli %arg1, %mul3A_53 : i32
    %add3A_55 = arith.constant 1 : i32
    %add3A_56 = arith.addi %mul3A_54, %add3A_55 : i32
    "tpu.region"() ({
      %run_scoped3A = tpu.sem_alloc : memref<!tpu.dma_semaphore, #tpu.memory_space<semaphore_mem>>
      %dma_start3A = arith.constant 0 : i32
      %dma_start3A_87 = arith.constant 0 : i32
      %dma_start3A_88 = tpu.memref_slice %arg6[%arg0, %add3A_56, %dma_start3A, %dma_start3A_87] : memref<2x80x128x128xf32, #tpu.memory_space<hbm>> -> memref<1x1x128x128xf32, #tpu.memory_space<hbm>>
      %dma_start3A_89 = tpu.memref_squeeze %dma_start3A_88 : memref<1x1x128x128xf32, #tpu.memory_space<hbm>> -> memref<128x128xf32, #tpu.memory_space<hbm>>
      %dma_start3A_90 = arith.constant 0 : i32
      %dma_start3A_91 = arith.constant 0 : i32
      %dma_start3A_92 = tpu.memref_slice %arg6[%arg0, %add3A_56, %dma_start3A_90, %dma_start3A_91] : memref<2x80x128x128xf32, #tpu.memory_space<hbm>> -> memref<1x1x128x128xf32, #tpu.memory_space<hbm>>
      %dma_start3A_93 = tpu.memref_squeeze %dma_start3A_92 : memref<1x1x128x128xf32, #tpu.memory_space<hbm>> -> memref<128x128xf32, #tpu.memory_space<hbm>>
      tpu.enqueue_dma source(%arg9 : memref<128x128xf32, #tpu.memory_space<vmem>>) target(%dma_start3A_93 : memref<128x128xf32, #tpu.memory_space<hbm>>) target_semaphore(%run_scoped3A : memref<!tpu.dma_semaphore, #tpu.memory_space<semaphore_mem>>)
      %dma_wait3A = arith.constant 0 : i32
      %dma_wait3A_94 = arith.constant 0 : i32
      %dma_wait3A_95 = tpu.memref_slice %arg6[%arg0, %add3A_56, %dma_wait3A, %dma_wait3A_94] : memref<2x80x128x128xf32, #tpu.memory_space<hbm>> -> memref<1x1x128x128xf32, #tpu.memory_space<hbm>>
      %dma_wait3A_96 = tpu.memref_squeeze %dma_wait3A_95 : memref<1x1x128x128xf32, #tpu.memory_space<hbm>> -> memref<128x128xf32, #tpu.memory_space<hbm>>
      %dma_wait3A_97 = arith.constant 0 : i32
      %dma_wait3A_98 = arith.constant 0 : i32
      %dma_wait3A_99 = tpu.memref_slice %arg6[%arg0, %add3A_56, %dma_wait3A_97, %dma_wait3A_98] : memref<2x80x128x128xf32, #tpu.memory_space<hbm>> -> memref<1x1x128x128xf32, #tpu.memory_space<hbm>>
      %dma_wait3A_100 = tpu.memref_squeeze %dma_wait3A_99 : memref<1x1x128x128xf32, #tpu.memory_space<hbm>> -> memref<128x128xf32, #tpu.memory_space<hbm>>
      tpu.wait_dma2 semaphore(%run_scoped3A : memref<!tpu.dma_semaphore, #tpu.memory_space<semaphore_mem>>) src(%arg9 : memref<128x128xf32, #tpu.memory_space<vmem>>) dst(%dma_wait3A_100 : memref<128x128xf32, #tpu.memory_space<hbm>>)
      tpu.yield
    }) : () -> ()
    %mul3A_57 = arith.constant 5 : i32
    %mul3A_58 = arith.muli %arg1, %mul3A_57 : i32
    %add3A_59 = arith.constant 2 : i32
    %add3A_60 = arith.addi %mul3A_58, %add3A_59 : i32
    %mul3A_61 = arith.constant 128 : i32
    %mul3A_62 = arith.muli %add3A_60, %mul3A_61 : i32
    "tpu.region"() ({
      %run_scoped3A = tpu.sem_alloc : memref<!tpu.dma_semaphore, #tpu.memory_space<semaphore_mem>>
      %dma_start3A = arith.constant 0 : i32
      %dma_start3A_87 = tpu.memref_slice %arg10[%mul3A_62, %dma_start3A] : memref<10240x128xf32, #tpu.memory_space<vmem_shared>> -> memref<128x128xf32, #tpu.memory_space<vmem_shared>>
      %dma_start3A_88 = arith.constant 0 : i32
      %dma_start3A_89 = tpu.memref_slice %arg10[%mul3A_62, %dma_start3A_88] : memref<10240x128xf32, #tpu.memory_space<vmem_shared>> -> memref<128x128xf32, #tpu.memory_space<vmem_shared>>
      tpu.enqueue_dma source(%dma_start3A_89 : memref<128x128xf32, #tpu.memory_space<vmem_shared>>) target(%arg9 : memref<128x128xf32, #tpu.memory_space<vmem>>) target_semaphore(%run_scoped3A : memref<!tpu.dma_semaphore, #tpu.memory_space<semaphore_mem>>)
      %dma_wait3A = arith.constant 0 : i32
      %dma_wait3A_90 = tpu.memref_slice %arg10[%mul3A_62, %dma_wait3A] : memref<10240x128xf32, #tpu.memory_space<vmem_shared>> -> memref<128x128xf32, #tpu.memory_space<vmem_shared>>
      %dma_wait3A_91 = arith.constant 0 : i32
      %dma_wait3A_92 = tpu.memref_slice %arg10[%mul3A_62, %dma_wait3A_91] : memref<10240x128xf32, #tpu.memory_space<vmem_shared>> -> memref<128x128xf32, #tpu.memory_space<vmem_shared>>
      tpu.wait_dma2 semaphore(%run_scoped3A : memref<!tpu.dma_semaphore, #tpu.memory_space<semaphore_mem>>) src(%dma_wait3A_92 : memref<128x128xf32, #tpu.memory_space<vmem_shared>>) dst(%arg9 : memref<128x128xf32, #tpu.memory_space<vmem>>)
      tpu.yield
    }) : () -> ()
    %mul3A_63 = arith.constant 5 : i32
    %mul3A_64 = arith.muli %arg1, %mul3A_63 : i32
    %add3A_65 = arith.constant 2 : i32
    %add3A_66 = arith.addi %mul3A_64, %add3A_65 : i32
    "tpu.region"() ({
      %run_scoped3A = tpu.sem_alloc : memref<!tpu.dma_semaphore, #tpu.memory_space<semaphore_mem>>
      %dma_start3A = arith.constant 0 : i32
      %dma_start3A_87 = arith.constant 0 : i32
      %dma_start3A_88 = tpu.memref_slice %arg6[%arg0, %add3A_66, %dma_start3A, %dma_start3A_87] : memref<2x80x128x128xf32, #tpu.memory_space<hbm>> -> memref<1x1x128x128xf32, #tpu.memory_space<hbm>>
      %dma_start3A_89 = tpu.memref_squeeze %dma_start3A_88 : memref<1x1x128x128xf32, #tpu.memory_space<hbm>> -> memref<128x128xf32, #tpu.memory_space<hbm>>
      %dma_start3A_90 = arith.constant 0 : i32
      %dma_start3A_91 = arith.constant 0 : i32
      %dma_start3A_92 = tpu.memref_slice %arg6[%arg0, %add3A_66, %dma_start3A_90, %dma_start3A_91] : memref<2x80x128x128xf32, #tpu.memory_space<hbm>> -> memref<1x1x128x128xf32, #tpu.memory_space<hbm>>
      %dma_start3A_93 = tpu.memref_squeeze %dma_start3A_92 : memref<1x1x128x128xf32, #tpu.memory_space<hbm>> -> memref<128x128xf32, #tpu.memory_space<hbm>>
      tpu.enqueue_dma source(%arg9 : memref<128x128xf32, #tpu.memory_space<vmem>>) target(%dma_start3A_93 : memref<128x128xf32, #tpu.memory_space<hbm>>) target_semaphore(%run_scoped3A : memref<!tpu.dma_semaphore, #tpu.memory_space<semaphore_mem>>)
      %dma_wait3A = arith.constant 0 : i32
      %dma_wait3A_94 = arith.constant 0 : i32
      %dma_wait3A_95 = tpu.memref_slice %arg6[%arg0, %add3A_66, %dma_wait3A, %dma_wait3A_94] : memref<2x80x128x128xf32, #tpu.memory_space<hbm>> -> memref<1x1x128x128xf32, #tpu.memory_space<hbm>>
      %dma_wait3A_96 = tpu.memref_squeeze %dma_wait3A_95 : memref<1x1x128x128xf32, #tpu.memory_space<hbm>> -> memref<128x128xf32, #tpu.memory_space<hbm>>
      %dma_wait3A_97 = arith.constant 0 : i32
      %dma_wait3A_98 = arith.constant 0 : i32
      %dma_wait3A_99 = tpu.memref_slice %arg6[%arg0, %add3A_66, %dma_wait3A_97, %dma_wait3A_98] : memref<2x80x128x128xf32, #tpu.memory_space<hbm>> -> memref<1x1x128x128xf32, #tpu.memory_space<hbm>>
      %dma_wait3A_100 = tpu.memref_squeeze %dma_wait3A_99 : memref<1x1x128x128xf32, #tpu.memory_space<hbm>> -> memref<128x128xf32, #tpu.memory_space<hbm>>
      tpu.wait_dma2 semaphore(%run_scoped3A : memref<!tpu.dma_semaphore, #tpu.memory_space<semaphore_mem>>) src(%arg9 : memref<128x128xf32, #tpu.memory_space<vmem>>) dst(%dma_wait3A_100 : memref<128x128xf32, #tpu.memory_space<hbm>>)
      tpu.yield
    }) : () -> ()
    %mul3A_67 = arith.constant 5 : i32
    %mul3A_68 = arith.muli %arg1, %mul3A_67 : i32
    %add3A_69 = arith.constant 3 : i32
    %add3A_70 = arith.addi %mul3A_68, %add3A_69 : i32
    %mul3A_71 = arith.constant 128 : i32
    %mul3A_72 = arith.muli %add3A_70, %mul3A_71 : i32
    "tpu.region"() ({
      %run_scoped3A = tpu.sem_alloc : memref<!tpu.dma_semaphore, #tpu.memory_space<semaphore_mem>>
      %dma_start3A = arith.constant 0 : i32
      %dma_start3A_87 = tpu.memref_slice %arg10[%mul3A_72, %dma_start3A] : memref<10240x128xf32, #tpu.memory_space<vmem_shared>> -> memref<128x128xf32, #tpu.memory_space<vmem_shared>>
      %dma_start3A_88 = arith.constant 0 : i32
      %dma_start3A_89 = tpu.memref_slice %arg10[%mul3A_72, %dma_start3A_88] : memref<10240x128xf32, #tpu.memory_space<vmem_shared>> -> memref<128x128xf32, #tpu.memory_space<vmem_shared>>
      tpu.enqueue_dma source(%dma_start3A_89 : memref<128x128xf32, #tpu.memory_space<vmem_shared>>) target(%arg9 : memref<128x128xf32, #tpu.memory_space<vmem>>) target_semaphore(%run_scoped3A : memref<!tpu.dma_semaphore, #tpu.memory_space<semaphore_mem>>)
      %dma_wait3A = arith.constant 0 : i32
      %dma_wait3A_90 = tpu.memref_slice %arg10[%mul3A_72, %dma_wait3A] : memref<10240x128xf32, #tpu.memory_space<vmem_shared>> -> memref<128x128xf32, #tpu.memory_space<vmem_shared>>
      %dma_wait3A_91 = arith.constant 0 : i32
      %dma_wait3A_92 = tpu.memref_slice %arg10[%mul3A_72, %dma_wait3A_91] : memref<10240x128xf32, #tpu.memory_space<vmem_shared>> -> memref<128x128xf32, #tpu.memory_space<vmem_shared>>
      tpu.wait_dma2 semaphore(%run_scoped3A : memref<!tpu.dma_semaphore, #tpu.memory_space<semaphore_mem>>) src(%dma_wait3A_92 : memref<128x128xf32, #tpu.memory_space<vmem_shared>>) dst(%arg9 : memref<128x128xf32, #tpu.memory_space<vmem>>)
      tpu.yield
    }) : () -> ()
    %mul3A_73 = arith.constant 5 : i32
    %mul3A_74 = arith.muli %arg1, %mul3A_73 : i32
    %add3A_75 = arith.constant 3 : i32
    %add3A_76 = arith.addi %mul3A_74, %add3A_75 : i32
    "tpu.region"() ({
      %run_scoped3A = tpu.sem_alloc : memref<!tpu.dma_semaphore, #tpu.memory_space<semaphore_mem>>
      %dma_start3A = arith.constant 0 : i32
      %dma_start3A_87 = arith.constant 0 : i32
      %dma_start3A_88 = tpu.memref_slice %arg6[%arg0, %add3A_76, %dma_start3A, %dma_start3A_87] : memref<2x80x128x128xf32, #tpu.memory_space<hbm>> -> memref<1x1x128x128xf32, #tpu.memory_space<hbm>>
      %dma_start3A_89 = tpu.memref_squeeze %dma_start3A_88 : memref<1x1x128x128xf32, #tpu.memory_space<hbm>> -> memref<128x128xf32, #tpu.memory_space<hbm>>
      %dma_start3A_90 = arith.constant 0 : i32
      %dma_start3A_91 = arith.constant 0 : i32
      %dma_start3A_92 = tpu.memref_slice %arg6[%arg0, %add3A_76, %dma_start3A_90, %dma_start3A_91] : memref<2x80x128x128xf32, #tpu.memory_space<hbm>> -> memref<1x1x128x128xf32, #tpu.memory_space<hbm>>
      %dma_start3A_93 = tpu.memref_squeeze %dma_start3A_92 : memref<1x1x128x128xf32, #tpu.memory_space<hbm>> -> memref<128x128xf32, #tpu.memory_space<hbm>>
      tpu.enqueue_dma source(%arg9 : memref<128x128xf32, #tpu.memory_space<vmem>>) target(%dma_start3A_93 : memref<128x128xf32, #tpu.memory_space<hbm>>) target_semaphore(%run_scoped3A : memref<!tpu.dma_semaphore, #tpu.memory_space<semaphore_mem>>)
      %dma_wait3A = arith.constant 0 : i32
      %dma_wait3A_94 = arith.constant 0 : i32
      %dma_wait3A_95 = tpu.memref_slice %arg6[%arg0, %add3A_76, %dma_wait3A, %dma_wait3A_94] : memref<2x80x128x128xf32, #tpu.memory_space<hbm>> -> memref<1x1x128x128xf32, #tpu.memory_space<hbm>>
      %dma_wait3A_96 = tpu.memref_squeeze %dma_wait3A_95 : memref<1x1x128x128xf32, #tpu.memory_space<hbm>> -> memref<128x128xf32, #tpu.memory_space<hbm>>
      %dma_wait3A_97 = arith.constant 0 : i32
      %dma_wait3A_98 = arith.constant 0 : i32
      %dma_wait3A_99 = tpu.memref_slice %arg6[%arg0, %add3A_76, %dma_wait3A_97, %dma_wait3A_98] : memref<2x80x128x128xf32, #tpu.memory_space<hbm>> -> memref<1x1x128x128xf32, #tpu.memory_space<hbm>>
      %dma_wait3A_100 = tpu.memref_squeeze %dma_wait3A_99 : memref<1x1x128x128xf32, #tpu.memory_space<hbm>> -> memref<128x128xf32, #tpu.memory_space<hbm>>
      tpu.wait_dma2 semaphore(%run_scoped3A : memref<!tpu.dma_semaphore, #tpu.memory_space<semaphore_mem>>) src(%arg9 : memref<128x128xf32, #tpu.memory_space<vmem>>) dst(%dma_wait3A_100 : memref<128x128xf32, #tpu.memory_space<hbm>>)
      tpu.yield
    }) : () -> ()
    %mul3A_77 = arith.constant 5 : i32
    %mul3A_78 = arith.muli %arg1, %mul3A_77 : i32
    %add3A_79 = arith.constant 4 : i32
    %add3A_80 = arith.addi %mul3A_78, %add3A_79 : i32
    %mul3A_81 = arith.constant 128 : i32
    %mul3A_82 = arith.muli %add3A_80, %mul3A_81 : i32
    "tpu.region"() ({
      %run_scoped3A = tpu.sem_alloc : memref<!tpu.dma_semaphore, #tpu.memory_space<semaphore_mem>>
      %dma_start3A = arith.constant 0 : i32
      %dma_start3A_87 = tpu.memref_slice %arg10[%mul3A_82, %dma_start3A] : memref<10240x128xf32, #tpu.memory_space<vmem_shared>> -> memref<128x128xf32, #tpu.memory_space<vmem_shared>>
      %dma_start3A_88 = arith.constant 0 : i32
      %dma_start3A_89 = tpu.memref_slice %arg10[%mul3A_82, %dma_start3A_88] : memref<10240x128xf32, #tpu.memory_space<vmem_shared>> -> memref<128x128xf32, #tpu.memory_space<vmem_shared>>
      tpu.enqueue_dma source(%dma_start3A_89 : memref<128x128xf32, #tpu.memory_space<vmem_shared>>) target(%arg9 : memref<128x128xf32, #tpu.memory_space<vmem>>) target_semaphore(%run_scoped3A : memref<!tpu.dma_semaphore, #tpu.memory_space<semaphore_mem>>)
      %dma_wait3A = arith.constant 0 : i32
      %dma_wait3A_90 = tpu.memref_slice %arg10[%mul3A_82, %dma_wait3A] : memref<10240x128xf32, #tpu.memory_space<vmem_shared>> -> memref<128x128xf32, #tpu.memory_space<vmem_shared>>
      %dma_wait3A_91 = arith.constant 0 : i32
      %dma_wait3A_92 = tpu.memref_slice %arg10[%mul3A_82, %dma_wait3A_91] : memref<10240x128xf32, #tpu.memory_space<vmem_shared>> -> memref<128x128xf32, #tpu.memory_space<vmem_shared>>
      tpu.wait_dma2 semaphore(%run_scoped3A : memref<!tpu.dma_semaphore, #tpu.memory_space<semaphore_mem>>) src(%dma_wait3A_92 : memref<128x128xf32, #tpu.memory_space<vmem_shared>>) dst(%arg9 : memref<128x128xf32, #tpu.memory_space<vmem>>)
      tpu.yield
    }) : () -> ()
    %mul3A_83 = arith.constant 5 : i32
    %mul3A_84 = arith.muli %arg1, %mul3A_83 : i32
    %add3A_85 = arith.constant 4 : i32
    %add3A_86 = arith.addi %mul3A_84, %add3A_85 : i32
    "tpu.region"() ({
      %run_scoped3A = tpu.sem_alloc : memref<!tpu.dma_semaphore, #tpu.memory_space<semaphore_mem>>
      %dma_start3A = arith.constant 0 : i32
      %dma_start3A_87 = arith.constant 0 : i32
      %dma_start3A_88 = tpu.memref_slice %arg6[%arg0, %add3A_86, %dma_start3A, %dma_start3A_87] : memref<2x80x128x128xf32, #tpu.memory_space<hbm>> -> memref<1x1x128x128xf32, #tpu.memory_space<hbm>>
      %dma_start3A_89 = tpu.memref_squeeze %dma_start3A_88 : memref<1x1x128x128xf32, #tpu.memory_space<hbm>> -> memref<128x128xf32, #tpu.memory_space<hbm>>
      %dma_start3A_90 = arith.constant 0 : i32
      %dma_start3A_91 = arith.constant 0 : i32
      %dma_start3A_92 = tpu.memref_slice %arg6[%arg0, %add3A_86, %dma_start3A_90, %dma_start3A_91] : memref<2x80x128x128xf32, #tpu.memory_space<hbm>> -> memref<1x1x128x128xf32, #tpu.memory_space<hbm>>
      %dma_start3A_93 = tpu.memref_squeeze %dma_start3A_92 : memref<1x1x128x128xf32, #tpu.memory_space<hbm>> -> memref<128x128xf32, #tpu.memory_space<hbm>>
      tpu.enqueue_dma source(%arg9 : memref<128x128xf32, #tpu.memory_space<vmem>>) target(%dma_start3A_93 : memref<128x128xf32, #tpu.memory_space<hbm>>) target_semaphore(%run_scoped3A : memref<!tpu.dma_semaphore, #tpu.memory_space<semaphore_mem>>)
      %dma_wait3A = arith.constant 0 : i32
      %dma_wait3A_94 = arith.constant 0 : i32
      %dma_wait3A_95 = tpu.memref_slice %arg6[%arg0, %add3A_86, %dma_wait3A, %dma_wait3A_94] : memref<2x80x128x128xf32, #tpu.memory_space<hbm>> -> memref<1x1x128x128xf32, #tpu.memory_space<hbm>>
      %dma_wait3A_96 = tpu.memref_squeeze %dma_wait3A_95 : memref<1x1x128x128xf32, #tpu.memory_space<hbm>> -> memref<128x128xf32, #tpu.memory_space<hbm>>
      %dma_wait3A_97 = arith.constant 0 : i32
      %dma_wait3A_98 = arith.constant 0 : i32
      %dma_wait3A_99 = tpu.memref_slice %arg6[%arg0, %add3A_86, %dma_wait3A_97, %dma_wait3A_98] : memref<2x80x128x128xf32, #tpu.memory_space<hbm>> -> memref<1x1x128x128xf32, #tpu.memory_space<hbm>>
      %dma_wait3A_100 = tpu.memref_squeeze %dma_wait3A_99 : memref<1x1x128x128xf32, #tpu.memory_space<hbm>> -> memref<128x128xf32, #tpu.memory_space<hbm>>
      tpu.wait_dma2 semaphore(%run_scoped3A : memref<!tpu.dma_semaphore, #tpu.memory_space<semaphore_mem>>) src(%arg9 : memref<128x128xf32, #tpu.memory_space<vmem>>) dst(%dma_wait3A_100 : memref<128x128xf32, #tpu.memory_space<hbm>>)
      tpu.yield
    }) : () -> ()
    return
  }
}

#map = affine_map<(d0, d1) -> (0, 0)>
#map1 = affine_map<(d0, d1) -> (0, 0, 0)>
#map2 = affine_map<(d0, d1) -> (0, 0, 0, 0)>
module attributes {stable_mosaic.version = 14 : i64} {
  func.func @_msg_body(%arg0: i32, %arg1: i32, %arg2: memref<10000x128xf32, #tpu.memory_space<hbm>>, %arg3: memref<32x79x128xi32, #tpu.memory_space<hbm>>, %arg4: memref<32x79x128xi32, #tpu.memory_space<hbm>>, %arg5: memref<128x128xf32, #tpu.memory_space<hbm>>, %arg6: memref<2x80x128x128xf32, #tpu.memory_space<hbm>>, %arg7: memref<79x128xi32, #tpu.memory_space<vmem>>, %arg8: memref<79x128xi32, #tpu.memory_space<vmem>>, %arg9: memref<128x128xf32, #tpu.memory_space<vmem>>, %arg10: memref<10240x128xf32, #tpu.memory_space<vmem_shared>>, %arg11: memref<!tpu.dma_semaphore, #tpu.memory_space<semaphore_mem>>) attributes {dimension_semantics = [#tpu.dimension_semantics<core_parallel>, #tpu.dimension_semantics<subcore_parallel>], iteration_bounds = array<i64: 2, 16>, scalar_prefetch = 0 : i64, scratch_operands = 5 : i64, tpu.core_type = #tpu.core_type<sc_vector_subcore>, window_params = [{transform_indices = #map}, {transform_indices = #map1}, {transform_indices = #map1}, {transform_indices = #map}, {transform_indices = #map2}]} {
    %mul3A = arith.constant 2 : i32
    %mul3A_0 = arith.muli %arg1, %mul3A : i32
    %add3A = arith.addi %mul3A_0, %arg0 : i32
    "tpu.region"() ({
      %run_scoped3A = tpu.sem_alloc : memref<!tpu.dma_semaphore, #tpu.memory_space<semaphore_mem>>
      %dma_start3A = arith.constant 0 : i32
      %dma_start3A_87 = arith.constant 0 : i32
      %dma_start3A_88 = tpu.memref_slice %arg3[%add3A, %dma_start3A, %dma_start3A_87] : memref<32x79x128xi32, #tpu.memory_space<hbm>> -> memref<1x79x128xi32, #tpu.memory_space<hbm>>
      %dma_start3A_89 = tpu.memref_squeeze %dma_start3A_88 : memref<1x79x128xi32, #tpu.memory_space<hbm>> -> memref<79x128xi32, #tpu.memory_space<hbm>>
      %dma_start3A_90 = arith.constant 0 : i32
      %dma_start3A_91 = arith.constant 0 : i32
      %dma_start3A_92 = tpu.memref_slice %arg3[%add3A, %dma_start3A_90, %dma_start3A_91] : memref<32x79x128xi32, #tpu.memory_space<hbm>> -> memref<1x79x128xi32, #tpu.memory_space<hbm>>
      %dma_start3A_93 = tpu.memref_squeeze %dma_start3A_92 : memref<1x79x128xi32, #tpu.memory_space<hbm>> -> memref<79x128xi32, #tpu.memory_space<hbm>>
      tpu.enqueue_dma source(%dma_start3A_93 : memref<79x128xi32, #tpu.memory_space<hbm>>) target(%arg7 : memref<79x128xi32, #tpu.memory_space<vmem>>) target_semaphore(%run_scoped3A : memref<!tpu.dma_semaphore, #tpu.memory_space<semaphore_mem>>)
      %dma_wait3A = arith.constant 0 : i32
      %dma_wait3A_94 = arith.constant 0 : i32
      %dma_wait3A_95 = tpu.memref_slice %arg3[%add3A, %dma_wait3A, %dma_wait3A_94] : memref<32x79x128xi32, #tpu.memory_space<hbm>> -> memref<1x79x128xi32, #tpu.memory_space<hbm>>
      %dma_wait3A_96 = tpu.memref_squeeze %dma_wait3A_95 : memref<1x79x128xi32, #tpu.memory_space<hbm>> -> memref<79x128xi32, #tpu.memory_space<hbm>>
      %dma_wait3A_97 = arith.constant 0 : i32
      %dma_wait3A_98 = arith.constant 0 : i32
      %dma_wait3A_99 = tpu.memref_slice %arg3[%add3A, %dma_wait3A_97, %dma_wait3A_98] : memref<32x79x128xi32, #tpu.memory_space<hbm>> -> memref<1x79x128xi32, #tpu.memory_space<hbm>>
      %dma_wait3A_100 = tpu.memref_squeeze %dma_wait3A_99 : memref<1x79x128xi32, #tpu.memory_space<hbm>> -> memref<79x128xi32, #tpu.memory_space<hbm>>
      tpu.wait_dma2 semaphore(%run_scoped3A : memref<!tpu.dma_semaphore, #tpu.memory_space<semaphore_mem>>) src(%dma_wait3A_100 : memref<79x128xi32, #tpu.memory_space<hbm>>) dst(%arg7 : memref<79x128xi32, #tpu.memory_space<vmem>>)
      tpu.yield
    }) : () -> ()
    "tpu.region"() ({
      %run_scoped3A = tpu.sem_alloc : memref<!tpu.dma_semaphore, #tpu.memory_space<semaphore_mem>>
      %dma_start3A = arith.constant 0 : i32
      %dma_start3A_87 = arith.constant 0 : i32
      %dma_start3A_88 = tpu.memref_slice %arg4[%add3A, %dma_start3A, %dma_start3A_87] : memref<32x79x128xi32, #tpu.memory_space<hbm>> -> memref<1x79x128xi32, #tpu.memory_space<hbm>>
      %dma_start3A_89 = tpu.memref_squeeze %dma_start3A_88 : memref<1x79x128xi32, #tpu.memory_space<hbm>> -> memref<79x128xi32, #tpu.memory_space<hbm>>
      %dma_start3A_90 = arith.constant 0 : i32
      %dma_start3A_91 = arith.constant 0 : i32
      %dma_start3A_92 = tpu.memref_slice %arg4[%add3A, %dma_start3A_90, %dma_start3A_91] : memref<32x79x128xi32, #tpu.memory_space<hbm>> -> memref<1x79x128xi32, #tpu.memory_space<hbm>>
      %dma_start3A_93 = tpu.memref_squeeze %dma_start3A_92 : memref<1x79x128xi32, #tpu.memory_space<hbm>> -> memref<79x128xi32, #tpu.memory_space<hbm>>
      tpu.enqueue_dma source(%dma_start3A_93 : memref<79x128xi32, #tpu.memory_space<hbm>>) target(%arg8 : memref<79x128xi32, #tpu.memory_space<vmem>>) target_semaphore(%run_scoped3A : memref<!tpu.dma_semaphore, #tpu.memory_space<semaphore_mem>>)
      %dma_wait3A = arith.constant 0 : i32
      %dma_wait3A_94 = arith.constant 0 : i32
      %dma_wait3A_95 = tpu.memref_slice %arg4[%add3A, %dma_wait3A, %dma_wait3A_94] : memref<32x79x128xi32, #tpu.memory_space<hbm>> -> memref<1x79x128xi32, #tpu.memory_space<hbm>>
      %dma_wait3A_96 = tpu.memref_squeeze %dma_wait3A_95 : memref<1x79x128xi32, #tpu.memory_space<hbm>> -> memref<79x128xi32, #tpu.memory_space<hbm>>
      %dma_wait3A_97 = arith.constant 0 : i32
      %dma_wait3A_98 = arith.constant 0 : i32
      %dma_wait3A_99 = tpu.memref_slice %arg4[%add3A, %dma_wait3A_97, %dma_wait3A_98] : memref<32x79x128xi32, #tpu.memory_space<hbm>> -> memref<1x79x128xi32, #tpu.memory_space<hbm>>
      %dma_wait3A_100 = tpu.memref_squeeze %dma_wait3A_99 : memref<1x79x128xi32, #tpu.memory_space<hbm>> -> memref<79x128xi32, #tpu.memory_space<hbm>>
      tpu.wait_dma2 semaphore(%run_scoped3A : memref<!tpu.dma_semaphore, #tpu.memory_space<semaphore_mem>>) src(%dma_wait3A_100 : memref<79x128xi32, #tpu.memory_space<hbm>>) dst(%arg8 : memref<79x128xi32, #tpu.memory_space<vmem>>)
      tpu.yield
    }) : () -> ()
    "tpu.region"() ({
      %run_scoped3A = tpu.sem_alloc : memref<!tpu.dma_semaphore, #tpu.memory_space<semaphore_mem>>
      tpu.enqueue_dma source(%arg5 : memref<128x128xf32, #tpu.memory_space<hbm>>) target(%arg9 : memref<128x128xf32, #tpu.memory_space<vmem>>) target_semaphore(%run_scoped3A : memref<!tpu.dma_semaphore, #tpu.memory_space<semaphore_mem>>)
      tpu.wait_dma2 semaphore(%run_scoped3A : memref<!tpu.dma_semaphore, #tpu.memory_space<semaphore_mem>>) src(%arg5 : memref<128x128xf32, #tpu.memory_space<hbm>>) dst(%arg9 : memref<128x128xf32, #tpu.memory_space<vmem>>)
      tpu.yield
    }) : () -> ()
    %mul3A_1 = arith.constant 5 : i32
    %mul3A_2 = arith.muli %arg1, %mul3A_1 : i32
    %add3A_3 = arith.constant 0 : i32
    %add3A_4 = arith.addi %mul3A_2, %add3A_3 : i32
    %mul3A_5 = arith.constant 128 : i32
    %mul3A_6 = arith.muli %add3A_4, %mul3A_5 : i32
    "tpu.region"() ({
      %run_scoped3A = tpu.sem_alloc : memref<!tpu.dma_semaphore, #tpu.memory_space<semaphore_mem>>
      %dma_start3A = arith.constant 0 : i32
      %dma_start3A_87 = tpu.memref_slice %arg10[%mul3A_6, %dma_start3A] : memref<10240x128xf32, #tpu.memory_space<vmem_shared>> -> memref<128x128xf32, #tpu.memory_space<vmem_shared>>
      %dma_start3A_88 = arith.constant 0 : i32
      %dma_start3A_89 = tpu.memref_slice %arg10[%mul3A_6, %dma_start3A_88] : memref<10240x128xf32, #tpu.memory_space<vmem_shared>> -> memref<128x128xf32, #tpu.memory_space<vmem_shared>>
      tpu.enqueue_dma source(%arg9 : memref<128x128xf32, #tpu.memory_space<vmem>>) target(%dma_start3A_89 : memref<128x128xf32, #tpu.memory_space<vmem_shared>>) target_semaphore(%run_scoped3A : memref<!tpu.dma_semaphore, #tpu.memory_space<semaphore_mem>>)
      %dma_wait3A = arith.constant 0 : i32
      %dma_wait3A_90 = tpu.memref_slice %arg10[%mul3A_6, %dma_wait3A] : memref<10240x128xf32, #tpu.memory_space<vmem_shared>> -> memref<128x128xf32, #tpu.memory_space<vmem_shared>>
      %dma_wait3A_91 = arith.constant 0 : i32
      %dma_wait3A_92 = tpu.memref_slice %arg10[%mul3A_6, %dma_wait3A_91] : memref<10240x128xf32, #tpu.memory_space<vmem_shared>> -> memref<128x128xf32, #tpu.memory_space<vmem_shared>>
      tpu.wait_dma2 semaphore(%run_scoped3A : memref<!tpu.dma_semaphore, #tpu.memory_space<semaphore_mem>>) src(%arg9 : memref<128x128xf32, #tpu.memory_space<vmem>>) dst(%dma_wait3A_92 : memref<128x128xf32, #tpu.memory_space<vmem_shared>>)
      tpu.yield
    }) : () -> ()
    %mul3A_7 = arith.constant 5 : i32
    %mul3A_8 = arith.muli %arg1, %mul3A_7 : i32
    %add3A_9 = arith.constant 1 : i32
    %add3A_10 = arith.addi %mul3A_8, %add3A_9 : i32
    %mul3A_11 = arith.constant 128 : i32
    %mul3A_12 = arith.muli %add3A_10, %mul3A_11 : i32
    "tpu.region"() ({
      %run_scoped3A = tpu.sem_alloc : memref<!tpu.dma_semaphore, #tpu.memory_space<semaphore_mem>>
      %dma_start3A = arith.constant 0 : i32
      %dma_start3A_87 = tpu.memref_slice %arg10[%mul3A_12, %dma_start3A] : memref<10240x128xf32, #tpu.memory_space<vmem_shared>> -> memref<128x128xf32, #tpu.memory_space<vmem_shared>>
      %dma_start3A_88 = arith.constant 0 : i32
      %dma_start3A_89 = tpu.memref_slice %arg10[%mul3A_12, %dma_start3A_88] : memref<10240x128xf32, #tpu.memory_space<vmem_shared>> -> memref<128x128xf32, #tpu.memory_space<vmem_shared>>
      tpu.enqueue_dma source(%arg9 : memref<128x128xf32, #tpu.memory_space<vmem>>) target(%dma_start3A_89 : memref<128x128xf32, #tpu.memory_space<vmem_shared>>) target_semaphore(%run_scoped3A : memref<!tpu.dma_semaphore, #tpu.memory_space<semaphore_mem>>)
      %dma_wait3A = arith.constant 0 : i32
      %dma_wait3A_90 = tpu.memref_slice %arg10[%mul3A_12, %dma_wait3A] : memref<10240x128xf32, #tpu.memory_space<vmem_shared>> -> memref<128x128xf32, #tpu.memory_space<vmem_shared>>
      %dma_wait3A_91 = arith.constant 0 : i32
      %dma_wait3A_92 = tpu.memref_slice %arg10[%mul3A_12, %dma_wait3A_91] : memref<10240x128xf32, #tpu.memory_space<vmem_shared>> -> memref<128x128xf32, #tpu.memory_space<vmem_shared>>
      tpu.wait_dma2 semaphore(%run_scoped3A : memref<!tpu.dma_semaphore, #tpu.memory_space<semaphore_mem>>) src(%arg9 : memref<128x128xf32, #tpu.memory_space<vmem>>) dst(%dma_wait3A_92 : memref<128x128xf32, #tpu.memory_space<vmem_shared>>)
      tpu.yield
    }) : () -> ()
    %mul3A_13 = arith.constant 5 : i32
    %mul3A_14 = arith.muli %arg1, %mul3A_13 : i32
    %add3A_15 = arith.constant 2 : i32
    %add3A_16 = arith.addi %mul3A_14, %add3A_15 : i32
    %mul3A_17 = arith.constant 128 : i32
    %mul3A_18 = arith.muli %add3A_16, %mul3A_17 : i32
    "tpu.region"() ({
      %run_scoped3A = tpu.sem_alloc : memref<!tpu.dma_semaphore, #tpu.memory_space<semaphore_mem>>
      %dma_start3A = arith.constant 0 : i32
      %dma_start3A_87 = tpu.memref_slice %arg10[%mul3A_18, %dma_start3A] : memref<10240x128xf32, #tpu.memory_space<vmem_shared>> -> memref<128x128xf32, #tpu.memory_space<vmem_shared>>
      %dma_start3A_88 = arith.constant 0 : i32
      %dma_start3A_89 = tpu.memref_slice %arg10[%mul3A_18, %dma_start3A_88] : memref<10240x128xf32, #tpu.memory_space<vmem_shared>> -> memref<128x128xf32, #tpu.memory_space<vmem_shared>>
      tpu.enqueue_dma source(%arg9 : memref<128x128xf32, #tpu.memory_space<vmem>>) target(%dma_start3A_89 : memref<128x128xf32, #tpu.memory_space<vmem_shared>>) target_semaphore(%run_scoped3A : memref<!tpu.dma_semaphore, #tpu.memory_space<semaphore_mem>>)
      %dma_wait3A = arith.constant 0 : i32
      %dma_wait3A_90 = tpu.memref_slice %arg10[%mul3A_18, %dma_wait3A] : memref<10240x128xf32, #tpu.memory_space<vmem_shared>> -> memref<128x128xf32, #tpu.memory_space<vmem_shared>>
      %dma_wait3A_91 = arith.constant 0 : i32
      %dma_wait3A_92 = tpu.memref_slice %arg10[%mul3A_18, %dma_wait3A_91] : memref<10240x128xf32, #tpu.memory_space<vmem_shared>> -> memref<128x128xf32, #tpu.memory_space<vmem_shared>>
      tpu.wait_dma2 semaphore(%run_scoped3A : memref<!tpu.dma_semaphore, #tpu.memory_space<semaphore_mem>>) src(%arg9 : memref<128x128xf32, #tpu.memory_space<vmem>>) dst(%dma_wait3A_92 : memref<128x128xf32, #tpu.memory_space<vmem_shared>>)
      tpu.yield
    }) : () -> ()
    %mul3A_19 = arith.constant 5 : i32
    %mul3A_20 = arith.muli %arg1, %mul3A_19 : i32
    %add3A_21 = arith.constant 3 : i32
    %add3A_22 = arith.addi %mul3A_20, %add3A_21 : i32
    %mul3A_23 = arith.constant 128 : i32
    %mul3A_24 = arith.muli %add3A_22, %mul3A_23 : i32
    "tpu.region"() ({
      %run_scoped3A = tpu.sem_alloc : memref<!tpu.dma_semaphore, #tpu.memory_space<semaphore_mem>>
      %dma_start3A = arith.constant 0 : i32
      %dma_start3A_87 = tpu.memref_slice %arg10[%mul3A_24, %dma_start3A] : memref<10240x128xf32, #tpu.memory_space<vmem_shared>> -> memref<128x128xf32, #tpu.memory_space<vmem_shared>>
      %dma_start3A_88 = arith.constant 0 : i32
      %dma_start3A_89 = tpu.memref_slice %arg10[%mul3A_24, %dma_start3A_88] : memref<10240x128xf32, #tpu.memory_space<vmem_shared>> -> memref<128x128xf32, #tpu.memory_space<vmem_shared>>
      tpu.enqueue_dma source(%arg9 : memref<128x128xf32, #tpu.memory_space<vmem>>) target(%dma_start3A_89 : memref<128x128xf32, #tpu.memory_space<vmem_shared>>) target_semaphore(%run_scoped3A : memref<!tpu.dma_semaphore, #tpu.memory_space<semaphore_mem>>)
      %dma_wait3A = arith.constant 0 : i32
      %dma_wait3A_90 = tpu.memref_slice %arg10[%mul3A_24, %dma_wait3A] : memref<10240x128xf32, #tpu.memory_space<vmem_shared>> -> memref<128x128xf32, #tpu.memory_space<vmem_shared>>
      %dma_wait3A_91 = arith.constant 0 : i32
      %dma_wait3A_92 = tpu.memref_slice %arg10[%mul3A_24, %dma_wait3A_91] : memref<10240x128xf32, #tpu.memory_space<vmem_shared>> -> memref<128x128xf32, #tpu.memory_space<vmem_shared>>
      tpu.wait_dma2 semaphore(%run_scoped3A : memref<!tpu.dma_semaphore, #tpu.memory_space<semaphore_mem>>) src(%arg9 : memref<128x128xf32, #tpu.memory_space<vmem>>) dst(%dma_wait3A_92 : memref<128x128xf32, #tpu.memory_space<vmem_shared>>)
      tpu.yield
    }) : () -> ()
    %mul3A_25 = arith.constant 5 : i32
    %mul3A_26 = arith.muli %arg1, %mul3A_25 : i32
    %add3A_27 = arith.constant 4 : i32
    %add3A_28 = arith.addi %mul3A_26, %add3A_27 : i32
    %mul3A_29 = arith.constant 128 : i32
    %mul3A_30 = arith.muli %add3A_28, %mul3A_29 : i32
    "tpu.region"() ({
      %run_scoped3A = tpu.sem_alloc : memref<!tpu.dma_semaphore, #tpu.memory_space<semaphore_mem>>
      %dma_start3A = arith.constant 0 : i32
      %dma_start3A_87 = tpu.memref_slice %arg10[%mul3A_30, %dma_start3A] : memref<10240x128xf32, #tpu.memory_space<vmem_shared>> -> memref<128x128xf32, #tpu.memory_space<vmem_shared>>
      %dma_start3A_88 = arith.constant 0 : i32
      %dma_start3A_89 = tpu.memref_slice %arg10[%mul3A_30, %dma_start3A_88] : memref<10240x128xf32, #tpu.memory_space<vmem_shared>> -> memref<128x128xf32, #tpu.memory_space<vmem_shared>>
      tpu.enqueue_dma source(%arg9 : memref<128x128xf32, #tpu.memory_space<vmem>>) target(%dma_start3A_89 : memref<128x128xf32, #tpu.memory_space<vmem_shared>>) target_semaphore(%run_scoped3A : memref<!tpu.dma_semaphore, #tpu.memory_space<semaphore_mem>>)
      %dma_wait3A = arith.constant 0 : i32
      %dma_wait3A_90 = tpu.memref_slice %arg10[%mul3A_30, %dma_wait3A] : memref<10240x128xf32, #tpu.memory_space<vmem_shared>> -> memref<128x128xf32, #tpu.memory_space<vmem_shared>>
      %dma_wait3A_91 = arith.constant 0 : i32
      %dma_wait3A_92 = tpu.memref_slice %arg10[%mul3A_30, %dma_wait3A_91] : memref<10240x128xf32, #tpu.memory_space<vmem_shared>> -> memref<128x128xf32, #tpu.memory_space<vmem_shared>>
      tpu.wait_dma2 semaphore(%run_scoped3A : memref<!tpu.dma_semaphore, #tpu.memory_space<semaphore_mem>>) src(%arg9 : memref<128x128xf32, #tpu.memory_space<vmem>>) dst(%dma_wait3A_92 : memref<128x128xf32, #tpu.memory_space<vmem_shared>>)
      tpu.yield
    }) : () -> ()
    %barrier3A = arith.constant 0 : index
    tpu.barrier barrier_id(%barrier3A)
    %scan3A = arith.constant 0 : i32
    %scan3A_31 = arith.constant 0 : i32
    %scan3A_32 = arith.constant 79 : i32
    %scan3A_33 = arith.addi %scan3A_31, %scan3A_32 : i32
    %scan3A_34 = arith.constant 1 : i32
    scf.for %scan3A_87 = %scan3A_31 to %scan3A_33 step %scan3A_34  : i32 {
      %dma_start3A = arith.constant 0 : i32
      %dma_start3A_88 = tpu.memref_slice %arg7[%scan3A_87, %dma_start3A] : memref<79x128xi32, #tpu.memory_space<vmem>> -> memref<1x128xi32, #tpu.memory_space<vmem>>
      %dma_start3A_89 = tpu.memref_squeeze %dma_start3A_88 : memref<1x128xi32, #tpu.memory_space<vmem>> -> memref<128xi32, #tpu.memory_space<vmem>>
      %dma_start3A_90 = arith.constant 0 : i32
      %dma_start3A_91 = arith.constant 0 : i32
      %dma_start3A_92 = tpu.memref_slice %arg2[%dma_start3A_90, %dma_start3A_91] : memref<10000x128xf32, #tpu.memory_space<hbm>> -> memref<10000x128xf32, #tpu.memory_space<hbm>>
      tpu.enqueue_indirect_dma source(%dma_start3A_92 : memref<10000x128xf32, #tpu.memory_space<hbm>>) target(%arg9 : memref<128x128xf32, #tpu.memory_space<vmem>>) offsets(%dma_start3A_89 : memref<128xi32, #tpu.memory_space<vmem>>) semaphore(%arg11 : memref<!tpu.dma_semaphore, #tpu.memory_space<semaphore_mem>>)
      %dma_wait3A = arith.constant 0 : i32
      %dma_wait3A_93 = tpu.memref_slice %arg7[%scan3A_87, %dma_wait3A] : memref<79x128xi32, #tpu.memory_space<vmem>> -> memref<1x128xi32, #tpu.memory_space<vmem>>
      %dma_wait3A_94 = tpu.memref_squeeze %dma_wait3A_93 : memref<1x128xi32, #tpu.memory_space<vmem>> -> memref<128xi32, #tpu.memory_space<vmem>>
      %dma_wait3A_95 = arith.constant 0 : i32
      %dma_wait3A_96 = arith.constant 0 : i32
      %dma_wait3A_97 = tpu.memref_slice %arg2[%dma_wait3A_95, %dma_wait3A_96] : memref<10000x128xf32, #tpu.memory_space<hbm>> -> memref<10000x128xf32, #tpu.memory_space<hbm>>
      tpu.wait_indirect_dma semaphore(%arg11 : memref<!tpu.dma_semaphore, #tpu.memory_space<semaphore_mem>>) src(%dma_wait3A_97 : memref<10000x128xf32, #tpu.memory_space<hbm>>) dst(%arg9 : memref<128x128xf32, #tpu.memory_space<vmem>>)
      "tpu.region"() ({
        %run_scoped3A = tpu.sem_alloc : memref<!tpu.dma_semaphore, #tpu.memory_space<semaphore_mem>>
        %dma_start3A_98 = arith.constant 0 : i32
        %dma_start3A_99 = tpu.memref_slice %arg8[%scan3A_87, %dma_start3A_98] : memref<79x128xi32, #tpu.memory_space<vmem>> -> memref<1x128xi32, #tpu.memory_space<vmem>>
        %dma_start3A_100 = tpu.memref_squeeze %dma_start3A_99 : memref<1x128xi32, #tpu.memory_space<vmem>> -> memref<128xi32, #tpu.memory_space<vmem>>
        %dma_start3A_101 = arith.constant 0 : i32
        %dma_start3A_102 = arith.constant 0 : i32
        %dma_start3A_103 = tpu.memref_slice %arg10[%dma_start3A_101, %dma_start3A_102] : memref<10240x128xf32, #tpu.memory_space<vmem_shared>> -> memref<10240x128xf32, #tpu.memory_space<vmem_shared>>
        tpu.enqueue_indirect_dma source(%arg9 : memref<128x128xf32, #tpu.memory_space<vmem>>) target(%dma_start3A_103 : memref<10240x128xf32, #tpu.memory_space<vmem_shared>>) offsets(%dma_start3A_100 : memref<128xi32, #tpu.memory_space<vmem>>) semaphore(%run_scoped3A : memref<!tpu.dma_semaphore, #tpu.memory_space<semaphore_mem>>) {add = true}
        %dma_wait3A_104 = arith.constant 0 : i32
        %dma_wait3A_105 = tpu.memref_slice %arg8[%scan3A_87, %dma_wait3A_104] : memref<79x128xi32, #tpu.memory_space<vmem>> -> memref<1x128xi32, #tpu.memory_space<vmem>>
        %dma_wait3A_106 = tpu.memref_squeeze %dma_wait3A_105 : memref<1x128xi32, #tpu.memory_space<vmem>> -> memref<128xi32, #tpu.memory_space<vmem>>
        %dma_wait3A_107 = arith.constant 0 : i32
        %dma_wait3A_108 = arith.constant 0 : i32
        %dma_wait3A_109 = tpu.memref_slice %arg10[%dma_wait3A_107, %dma_wait3A_108] : memref<10240x128xf32, #tpu.memory_space<vmem_shared>> -> memref<10240x128xf32, #tpu.memory_space<vmem_shared>>
        tpu.wait_indirect_dma semaphore(%run_scoped3A : memref<!tpu.dma_semaphore, #tpu.memory_space<semaphore_mem>>) src(%arg9 : memref<128x128xf32, #tpu.memory_space<vmem>>) dst(%dma_wait3A_109 : memref<10240x128xf32, #tpu.memory_space<vmem_shared>>)
        tpu.yield
      }) : () -> ()
    }
    %scan3A_35 = arith.constant 79 : i32
    %barrier3A_36 = arith.constant 0 : index
    tpu.barrier barrier_id(%barrier3A_36)
    %mul3A_37 = arith.constant 5 : i32
    %mul3A_38 = arith.muli %arg1, %mul3A_37 : i32
    %add3A_39 = arith.constant 0 : i32
    %add3A_40 = arith.addi %mul3A_38, %add3A_39 : i32
    %mul3A_41 = arith.constant 128 : i32
    %mul3A_42 = arith.muli %add3A_40, %mul3A_41 : i32
    "tpu.region"() ({
      %run_scoped3A = tpu.sem_alloc : memref<!tpu.dma_semaphore, #tpu.memory_space<semaphore_mem>>
      %dma_start3A = arith.constant 0 : i32
      %dma_start3A_87 = tpu.memref_slice %arg10[%mul3A_42, %dma_start3A] : memref<10240x128xf32, #tpu.memory_space<vmem_shared>> -> memref<128x128xf32, #tpu.memory_space<vmem_shared>>
      %dma_start3A_88 = arith.constant 0 : i32
      %dma_start3A_89 = tpu.memref_slice %arg10[%mul3A_42, %dma_start3A_88] : memref<10240x128xf32, #tpu.memory_space<vmem_shared>> -> memref<128x128xf32, #tpu.memory_space<vmem_shared>>
      tpu.enqueue_dma source(%dma_start3A_89 : memref<128x128xf32, #tpu.memory_space<vmem_shared>>) target(%arg9 : memref<128x128xf32, #tpu.memory_space<vmem>>) target_semaphore(%run_scoped3A : memref<!tpu.dma_semaphore, #tpu.memory_space<semaphore_mem>>)
      %dma_wait3A = arith.constant 0 : i32
      %dma_wait3A_90 = tpu.memref_slice %arg10[%mul3A_42, %dma_wait3A] : memref<10240x128xf32, #tpu.memory_space<vmem_shared>> -> memref<128x128xf32, #tpu.memory_space<vmem_shared>>
      %dma_wait3A_91 = arith.constant 0 : i32
      %dma_wait3A_92 = tpu.memref_slice %arg10[%mul3A_42, %dma_wait3A_91] : memref<10240x128xf32, #tpu.memory_space<vmem_shared>> -> memref<128x128xf32, #tpu.memory_space<vmem_shared>>
      tpu.wait_dma2 semaphore(%run_scoped3A : memref<!tpu.dma_semaphore, #tpu.memory_space<semaphore_mem>>) src(%dma_wait3A_92 : memref<128x128xf32, #tpu.memory_space<vmem_shared>>) dst(%arg9 : memref<128x128xf32, #tpu.memory_space<vmem>>)
      tpu.yield
    }) : () -> ()
    %mul3A_43 = arith.constant 5 : i32
    %mul3A_44 = arith.muli %arg1, %mul3A_43 : i32
    %add3A_45 = arith.constant 0 : i32
    %add3A_46 = arith.addi %mul3A_44, %add3A_45 : i32
    "tpu.region"() ({
      %run_scoped3A = tpu.sem_alloc : memref<!tpu.dma_semaphore, #tpu.memory_space<semaphore_mem>>
      %dma_start3A = arith.constant 0 : i32
      %dma_start3A_87 = arith.constant 0 : i32
      %dma_start3A_88 = tpu.memref_slice %arg6[%arg0, %add3A_46, %dma_start3A, %dma_start3A_87] : memref<2x80x128x128xf32, #tpu.memory_space<hbm>> -> memref<1x1x128x128xf32, #tpu.memory_space<hbm>>
      %dma_start3A_89 = tpu.memref_squeeze %dma_start3A_88 : memref<1x1x128x128xf32, #tpu.memory_space<hbm>> -> memref<128x128xf32, #tpu.memory_space<hbm>>
      %dma_start3A_90 = arith.constant 0 : i32
      %dma_start3A_91 = arith.constant 0 : i32
      %dma_start3A_92 = tpu.memref_slice %arg6[%arg0, %add3A_46, %dma_start3A_90, %dma_start3A_91] : memref<2x80x128x128xf32, #tpu.memory_space<hbm>> -> memref<1x1x128x128xf32, #tpu.memory_space<hbm>>
      %dma_start3A_93 = tpu.memref_squeeze %dma_start3A_92 : memref<1x1x128x128xf32, #tpu.memory_space<hbm>> -> memref<128x128xf32, #tpu.memory_space<hbm>>
      tpu.enqueue_dma source(%arg9 : memref<128x128xf32, #tpu.memory_space<vmem>>) target(%dma_start3A_93 : memref<128x128xf32, #tpu.memory_space<hbm>>) target_semaphore(%run_scoped3A : memref<!tpu.dma_semaphore, #tpu.memory_space<semaphore_mem>>)
      %dma_wait3A = arith.constant 0 : i32
      %dma_wait3A_94 = arith.constant 0 : i32
      %dma_wait3A_95 = tpu.memref_slice %arg6[%arg0, %add3A_46, %dma_wait3A, %dma_wait3A_94] : memref<2x80x128x128xf32, #tpu.memory_space<hbm>> -> memref<1x1x128x128xf32, #tpu.memory_space<hbm>>
      %dma_wait3A_96 = tpu.memref_squeeze %dma_wait3A_95 : memref<1x1x128x128xf32, #tpu.memory_space<hbm>> -> memref<128x128xf32, #tpu.memory_space<hbm>>
      %dma_wait3A_97 = arith.constant 0 : i32
      %dma_wait3A_98 = arith.constant 0 : i32
      %dma_wait3A_99 = tpu.memref_slice %arg6[%arg0, %add3A_46, %dma_wait3A_97, %dma_wait3A_98] : memref<2x80x128x128xf32, #tpu.memory_space<hbm>> -> memref<1x1x128x128xf32, #tpu.memory_space<hbm>>
      %dma_wait3A_100 = tpu.memref_squeeze %dma_wait3A_99 : memref<1x1x128x128xf32, #tpu.memory_space<hbm>> -> memref<128x128xf32, #tpu.memory_space<hbm>>
      tpu.wait_dma2 semaphore(%run_scoped3A : memref<!tpu.dma_semaphore, #tpu.memory_space<semaphore_mem>>) src(%arg9 : memref<128x128xf32, #tpu.memory_space<vmem>>) dst(%dma_wait3A_100 : memref<128x128xf32, #tpu.memory_space<hbm>>)
      tpu.yield
    }) : () -> ()
    %mul3A_47 = arith.constant 5 : i32
    %mul3A_48 = arith.muli %arg1, %mul3A_47 : i32
    %add3A_49 = arith.constant 1 : i32
    %add3A_50 = arith.addi %mul3A_48, %add3A_49 : i32
    %mul3A_51 = arith.constant 128 : i32
    %mul3A_52 = arith.muli %add3A_50, %mul3A_51 : i32
    "tpu.region"() ({
      %run_scoped3A = tpu.sem_alloc : memref<!tpu.dma_semaphore, #tpu.memory_space<semaphore_mem>>
      %dma_start3A = arith.constant 0 : i32
      %dma_start3A_87 = tpu.memref_slice %arg10[%mul3A_52, %dma_start3A] : memref<10240x128xf32, #tpu.memory_space<vmem_shared>> -> memref<128x128xf32, #tpu.memory_space<vmem_shared>>
      %dma_start3A_88 = arith.constant 0 : i32
      %dma_start3A_89 = tpu.memref_slice %arg10[%mul3A_52, %dma_start3A_88] : memref<10240x128xf32, #tpu.memory_space<vmem_shared>> -> memref<128x128xf32, #tpu.memory_space<vmem_shared>>
      tpu.enqueue_dma source(%dma_start3A_89 : memref<128x128xf32, #tpu.memory_space<vmem_shared>>) target(%arg9 : memref<128x128xf32, #tpu.memory_space<vmem>>) target_semaphore(%run_scoped3A : memref<!tpu.dma_semaphore, #tpu.memory_space<semaphore_mem>>)
      %dma_wait3A = arith.constant 0 : i32
      %dma_wait3A_90 = tpu.memref_slice %arg10[%mul3A_52, %dma_wait3A] : memref<10240x128xf32, #tpu.memory_space<vmem_shared>> -> memref<128x128xf32, #tpu.memory_space<vmem_shared>>
      %dma_wait3A_91 = arith.constant 0 : i32
      %dma_wait3A_92 = tpu.memref_slice %arg10[%mul3A_52, %dma_wait3A_91] : memref<10240x128xf32, #tpu.memory_space<vmem_shared>> -> memref<128x128xf32, #tpu.memory_space<vmem_shared>>
      tpu.wait_dma2 semaphore(%run_scoped3A : memref<!tpu.dma_semaphore, #tpu.memory_space<semaphore_mem>>) src(%dma_wait3A_92 : memref<128x128xf32, #tpu.memory_space<vmem_shared>>) dst(%arg9 : memref<128x128xf32, #tpu.memory_space<vmem>>)
      tpu.yield
    }) : () -> ()
    %mul3A_53 = arith.constant 5 : i32
    %mul3A_54 = arith.muli %arg1, %mul3A_53 : i32
    %add3A_55 = arith.constant 1 : i32
    %add3A_56 = arith.addi %mul3A_54, %add3A_55 : i32
    "tpu.region"() ({
      %run_scoped3A = tpu.sem_alloc : memref<!tpu.dma_semaphore, #tpu.memory_space<semaphore_mem>>
      %dma_start3A = arith.constant 0 : i32
      %dma_start3A_87 = arith.constant 0 : i32
      %dma_start3A_88 = tpu.memref_slice %arg6[%arg0, %add3A_56, %dma_start3A, %dma_start3A_87] : memref<2x80x128x128xf32, #tpu.memory_space<hbm>> -> memref<1x1x128x128xf32, #tpu.memory_space<hbm>>
      %dma_start3A_89 = tpu.memref_squeeze %dma_start3A_88 : memref<1x1x128x128xf32, #tpu.memory_space<hbm>> -> memref<128x128xf32, #tpu.memory_space<hbm>>
      %dma_start3A_90 = arith.constant 0 : i32
      %dma_start3A_91 = arith.constant 0 : i32
      %dma_start3A_92 = tpu.memref_slice %arg6[%arg0, %add3A_56, %dma_start3A_90, %dma_start3A_91] : memref<2x80x128x128xf32, #tpu.memory_space<hbm>> -> memref<1x1x128x128xf32, #tpu.memory_space<hbm>>
      %dma_start3A_93 = tpu.memref_squeeze %dma_start3A_92 : memref<1x1x128x128xf32, #tpu.memory_space<hbm>> -> memref<128x128xf32, #tpu.memory_space<hbm>>
      tpu.enqueue_dma source(%arg9 : memref<128x128xf32, #tpu.memory_space<vmem>>) target(%dma_start3A_93 : memref<128x128xf32, #tpu.memory_space<hbm>>) target_semaphore(%run_scoped3A : memref<!tpu.dma_semaphore, #tpu.memory_space<semaphore_mem>>)
      %dma_wait3A = arith.constant 0 : i32
      %dma_wait3A_94 = arith.constant 0 : i32
      %dma_wait3A_95 = tpu.memref_slice %arg6[%arg0, %add3A_56, %dma_wait3A, %dma_wait3A_94] : memref<2x80x128x128xf32, #tpu.memory_space<hbm>> -> memref<1x1x128x128xf32, #tpu.memory_space<hbm>>
      %dma_wait3A_96 = tpu.memref_squeeze %dma_wait3A_95 : memref<1x1x128x128xf32, #tpu.memory_space<hbm>> -> memref<128x128xf32, #tpu.memory_space<hbm>>
      %dma_wait3A_97 = arith.constant 0 : i32
      %dma_wait3A_98 = arith.constant 0 : i32
      %dma_wait3A_99 = tpu.memref_slice %arg6[%arg0, %add3A_56, %dma_wait3A_97, %dma_wait3A_98] : memref<2x80x128x128xf32, #tpu.memory_space<hbm>> -> memref<1x1x128x128xf32, #tpu.memory_space<hbm>>
      %dma_wait3A_100 = tpu.memref_squeeze %dma_wait3A_99 : memref<1x1x128x128xf32, #tpu.memory_space<hbm>> -> memref<128x128xf32, #tpu.memory_space<hbm>>
      tpu.wait_dma2 semaphore(%run_scoped3A : memref<!tpu.dma_semaphore, #tpu.memory_space<semaphore_mem>>) src(%arg9 : memref<128x128xf32, #tpu.memory_space<vmem>>) dst(%dma_wait3A_100 : memref<128x128xf32, #tpu.memory_space<hbm>>)
      tpu.yield
    }) : () -> ()
    %mul3A_57 = arith.constant 5 : i32
    %mul3A_58 = arith.muli %arg1, %mul3A_57 : i32
    %add3A_59 = arith.constant 2 : i32
    %add3A_60 = arith.addi %mul3A_58, %add3A_59 : i32
    %mul3A_61 = arith.constant 128 : i32
    %mul3A_62 = arith.muli %add3A_60, %mul3A_61 : i32
    "tpu.region"() ({
      %run_scoped3A = tpu.sem_alloc : memref<!tpu.dma_semaphore, #tpu.memory_space<semaphore_mem>>
      %dma_start3A = arith.constant 0 : i32
      %dma_start3A_87 = tpu.memref_slice %arg10[%mul3A_62, %dma_start3A] : memref<10240x128xf32, #tpu.memory_space<vmem_shared>> -> memref<128x128xf32, #tpu.memory_space<vmem_shared>>
      %dma_start3A_88 = arith.constant 0 : i32
      %dma_start3A_89 = tpu.memref_slice %arg10[%mul3A_62, %dma_start3A_88] : memref<10240x128xf32, #tpu.memory_space<vmem_shared>> -> memref<128x128xf32, #tpu.memory_space<vmem_shared>>
      tpu.enqueue_dma source(%dma_start3A_89 : memref<128x128xf32, #tpu.memory_space<vmem_shared>>) target(%arg9 : memref<128x128xf32, #tpu.memory_space<vmem>>) target_semaphore(%run_scoped3A : memref<!tpu.dma_semaphore, #tpu.memory_space<semaphore_mem>>)
      %dma_wait3A = arith.constant 0 : i32
      %dma_wait3A_90 = tpu.memref_slice %arg10[%mul3A_62, %dma_wait3A] : memref<10240x128xf32, #tpu.memory_space<vmem_shared>> -> memref<128x128xf32, #tpu.memory_space<vmem_shared>>
      %dma_wait3A_91 = arith.constant 0 : i32
      %dma_wait3A_92 = tpu.memref_slice %arg10[%mul3A_62, %dma_wait3A_91] : memref<10240x128xf32, #tpu.memory_space<vmem_shared>> -> memref<128x128xf32, #tpu.memory_space<vmem_shared>>
      tpu.wait_dma2 semaphore(%run_scoped3A : memref<!tpu.dma_semaphore, #tpu.memory_space<semaphore_mem>>) src(%dma_wait3A_92 : memref<128x128xf32, #tpu.memory_space<vmem_shared>>) dst(%arg9 : memref<128x128xf32, #tpu.memory_space<vmem>>)
      tpu.yield
    }) : () -> ()
    %mul3A_63 = arith.constant 5 : i32
    %mul3A_64 = arith.muli %arg1, %mul3A_63 : i32
    %add3A_65 = arith.constant 2 : i32
    %add3A_66 = arith.addi %mul3A_64, %add3A_65 : i32
    "tpu.region"() ({
      %run_scoped3A = tpu.sem_alloc : memref<!tpu.dma_semaphore, #tpu.memory_space<semaphore_mem>>
      %dma_start3A = arith.constant 0 : i32
      %dma_start3A_87 = arith.constant 0 : i32
      %dma_start3A_88 = tpu.memref_slice %arg6[%arg0, %add3A_66, %dma_start3A, %dma_start3A_87] : memref<2x80x128x128xf32, #tpu.memory_space<hbm>> -> memref<1x1x128x128xf32, #tpu.memory_space<hbm>>
      %dma_start3A_89 = tpu.memref_squeeze %dma_start3A_88 : memref<1x1x128x128xf32, #tpu.memory_space<hbm>> -> memref<128x128xf32, #tpu.memory_space<hbm>>
      %dma_start3A_90 = arith.constant 0 : i32
      %dma_start3A_91 = arith.constant 0 : i32
      %dma_start3A_92 = tpu.memref_slice %arg6[%arg0, %add3A_66, %dma_start3A_90, %dma_start3A_91] : memref<2x80x128x128xf32, #tpu.memory_space<hbm>> -> memref<1x1x128x128xf32, #tpu.memory_space<hbm>>
      %dma_start3A_93 = tpu.memref_squeeze %dma_start3A_92 : memref<1x1x128x128xf32, #tpu.memory_space<hbm>> -> memref<128x128xf32, #tpu.memory_space<hbm>>
      tpu.enqueue_dma source(%arg9 : memref<128x128xf32, #tpu.memory_space<vmem>>) target(%dma_start3A_93 : memref<128x128xf32, #tpu.memory_space<hbm>>) target_semaphore(%run_scoped3A : memref<!tpu.dma_semaphore, #tpu.memory_space<semaphore_mem>>)
      %dma_wait3A = arith.constant 0 : i32
      %dma_wait3A_94 = arith.constant 0 : i32
      %dma_wait3A_95 = tpu.memref_slice %arg6[%arg0, %add3A_66, %dma_wait3A, %dma_wait3A_94] : memref<2x80x128x128xf32, #tpu.memory_space<hbm>> -> memref<1x1x128x128xf32, #tpu.memory_space<hbm>>
      %dma_wait3A_96 = tpu.memref_squeeze %dma_wait3A_95 : memref<1x1x128x128xf32, #tpu.memory_space<hbm>> -> memref<128x128xf32, #tpu.memory_space<hbm>>
      %dma_wait3A_97 = arith.constant 0 : i32
      %dma_wait3A_98 = arith.constant 0 : i32
      %dma_wait3A_99 = tpu.memref_slice %arg6[%arg0, %add3A_66, %dma_wait3A_97, %dma_wait3A_98] : memref<2x80x128x128xf32, #tpu.memory_space<hbm>> -> memref<1x1x128x128xf32, #tpu.memory_space<hbm>>
      %dma_wait3A_100 = tpu.memref_squeeze %dma_wait3A_99 : memref<1x1x128x128xf32, #tpu.memory_space<hbm>> -> memref<128x128xf32, #tpu.memory_space<hbm>>
      tpu.wait_dma2 semaphore(%run_scoped3A : memref<!tpu.dma_semaphore, #tpu.memory_space<semaphore_mem>>) src(%arg9 : memref<128x128xf32, #tpu.memory_space<vmem>>) dst(%dma_wait3A_100 : memref<128x128xf32, #tpu.memory_space<hbm>>)
      tpu.yield
    }) : () -> ()
    %mul3A_67 = arith.constant 5 : i32
    %mul3A_68 = arith.muli %arg1, %mul3A_67 : i32
    %add3A_69 = arith.constant 3 : i32
    %add3A_70 = arith.addi %mul3A_68, %add3A_69 : i32
    %mul3A_71 = arith.constant 128 : i32
    %mul3A_72 = arith.muli %add3A_70, %mul3A_71 : i32
    "tpu.region"() ({
      %run_scoped3A = tpu.sem_alloc : memref<!tpu.dma_semaphore, #tpu.memory_space<semaphore_mem>>
      %dma_start3A = arith.constant 0 : i32
      %dma_start3A_87 = tpu.memref_slice %arg10[%mul3A_72, %dma_start3A] : memref<10240x128xf32, #tpu.memory_space<vmem_shared>> -> memref<128x128xf32, #tpu.memory_space<vmem_shared>>
      %dma_start3A_88 = arith.constant 0 : i32
      %dma_start3A_89 = tpu.memref_slice %arg10[%mul3A_72, %dma_start3A_88] : memref<10240x128xf32, #tpu.memory_space<vmem_shared>> -> memref<128x128xf32, #tpu.memory_space<vmem_shared>>
      tpu.enqueue_dma source(%dma_start3A_89 : memref<128x128xf32, #tpu.memory_space<vmem_shared>>) target(%arg9 : memref<128x128xf32, #tpu.memory_space<vmem>>) target_semaphore(%run_scoped3A : memref<!tpu.dma_semaphore, #tpu.memory_space<semaphore_mem>>)
      %dma_wait3A = arith.constant 0 : i32
      %dma_wait3A_90 = tpu.memref_slice %arg10[%mul3A_72, %dma_wait3A] : memref<10240x128xf32, #tpu.memory_space<vmem_shared>> -> memref<128x128xf32, #tpu.memory_space<vmem_shared>>
      %dma_wait3A_91 = arith.constant 0 : i32
      %dma_wait3A_92 = tpu.memref_slice %arg10[%mul3A_72, %dma_wait3A_91] : memref<10240x128xf32, #tpu.memory_space<vmem_shared>> -> memref<128x128xf32, #tpu.memory_space<vmem_shared>>
      tpu.wait_dma2 semaphore(%run_scoped3A : memref<!tpu.dma_semaphore, #tpu.memory_space<semaphore_mem>>) src(%dma_wait3A_92 : memref<128x128xf32, #tpu.memory_space<vmem_shared>>) dst(%arg9 : memref<128x128xf32, #tpu.memory_space<vmem>>)
      tpu.yield
    }) : () -> ()
    %mul3A_73 = arith.constant 5 : i32
    %mul3A_74 = arith.muli %arg1, %mul3A_73 : i32
    %add3A_75 = arith.constant 3 : i32
    %add3A_76 = arith.addi %mul3A_74, %add3A_75 : i32
    "tpu.region"() ({
      %run_scoped3A = tpu.sem_alloc : memref<!tpu.dma_semaphore, #tpu.memory_space<semaphore_mem>>
      %dma_start3A = arith.constant 0 : i32
      %dma_start3A_87 = arith.constant 0 : i32
      %dma_start3A_88 = tpu.memref_slice %arg6[%arg0, %add3A_76, %dma_start3A, %dma_start3A_87] : memref<2x80x128x128xf32, #tpu.memory_space<hbm>> -> memref<1x1x128x128xf32, #tpu.memory_space<hbm>>
      %dma_start3A_89 = tpu.memref_squeeze %dma_start3A_88 : memref<1x1x128x128xf32, #tpu.memory_space<hbm>> -> memref<128x128xf32, #tpu.memory_space<hbm>>
      %dma_start3A_90 = arith.constant 0 : i32
      %dma_start3A_91 = arith.constant 0 : i32
      %dma_start3A_92 = tpu.memref_slice %arg6[%arg0, %add3A_76, %dma_start3A_90, %dma_start3A_91] : memref<2x80x128x128xf32, #tpu.memory_space<hbm>> -> memref<1x1x128x128xf32, #tpu.memory_space<hbm>>
      %dma_start3A_93 = tpu.memref_squeeze %dma_start3A_92 : memref<1x1x128x128xf32, #tpu.memory_space<hbm>> -> memref<128x128xf32, #tpu.memory_space<hbm>>
      tpu.enqueue_dma source(%arg9 : memref<128x128xf32, #tpu.memory_space<vmem>>) target(%dma_start3A_93 : memref<128x128xf32, #tpu.memory_space<hbm>>) target_semaphore(%run_scoped3A : memref<!tpu.dma_semaphore, #tpu.memory_space<semaphore_mem>>)
      %dma_wait3A = arith.constant 0 : i32
      %dma_wait3A_94 = arith.constant 0 : i32
      %dma_wait3A_95 = tpu.memref_slice %arg6[%arg0, %add3A_76, %dma_wait3A, %dma_wait3A_94] : memref<2x80x128x128xf32, #tpu.memory_space<hbm>> -> memref<1x1x128x128xf32, #tpu.memory_space<hbm>>
      %dma_wait3A_96 = tpu.memref_squeeze %dma_wait3A_95 : memref<1x1x128x128xf32, #tpu.memory_space<hbm>> -> memref<128x128xf32, #tpu.memory_space<hbm>>
      %dma_wait3A_97 = arith.constant 0 : i32
      %dma_wait3A_98 = arith.constant 0 : i32
      %dma_wait3A_99 = tpu.memref_slice %arg6[%arg0, %add3A_76, %dma_wait3A_97, %dma_wait3A_98] : memref<2x80x128x128xf32, #tpu.memory_space<hbm>> -> memref<1x1x128x128xf32, #tpu.memory_space<hbm>>
      %dma_wait3A_100 = tpu.memref_squeeze %dma_wait3A_99 : memref<1x1x128x128xf32, #tpu.memory_space<hbm>> -> memref<128x128xf32, #tpu.memory_space<hbm>>
      tpu.wait_dma2 semaphore(%run_scoped3A : memref<!tpu.dma_semaphore, #tpu.memory_space<semaphore_mem>>) src(%arg9 : memref<128x128xf32, #tpu.memory_space<vmem>>) dst(%dma_wait3A_100 : memref<128x128xf32, #tpu.memory_space<hbm>>)
      tpu.yield
    }) : () -> ()
    %mul3A_77 = arith.constant 5 : i32
    %mul3A_78 = arith.muli %arg1, %mul3A_77 : i32
    %add3A_79 = arith.constant 4 : i32
    %add3A_80 = arith.addi %mul3A_78, %add3A_79 : i32
    %mul3A_81 = arith.constant 128 : i32
    %mul3A_82 = arith.muli %add3A_80, %mul3A_81 : i32
    "tpu.region"() ({
      %run_scoped3A = tpu.sem_alloc : memref<!tpu.dma_semaphore, #tpu.memory_space<semaphore_mem>>
      %dma_start3A = arith.constant 0 : i32
      %dma_start3A_87 = tpu.memref_slice %arg10[%mul3A_82, %dma_start3A] : memref<10240x128xf32, #tpu.memory_space<vmem_shared>> -> memref<128x128xf32, #tpu.memory_space<vmem_shared>>
      %dma_start3A_88 = arith.constant 0 : i32
      %dma_start3A_89 = tpu.memref_slice %arg10[%mul3A_82, %dma_start3A_88] : memref<10240x128xf32, #tpu.memory_space<vmem_shared>> -> memref<128x128xf32, #tpu.memory_space<vmem_shared>>
      tpu.enqueue_dma source(%dma_start3A_89 : memref<128x128xf32, #tpu.memory_space<vmem_shared>>) target(%arg9 : memref<128x128xf32, #tpu.memory_space<vmem>>) target_semaphore(%run_scoped3A : memref<!tpu.dma_semaphore, #tpu.memory_space<semaphore_mem>>)
      %dma_wait3A = arith.constant 0 : i32
      %dma_wait3A_90 = tpu.memref_slice %arg10[%mul3A_82, %dma_wait3A] : memref<10240x128xf32, #tpu.memory_space<vmem_shared>> -> memref<128x128xf32, #tpu.memory_space<vmem_shared>>
      %dma_wait3A_91 = arith.constant 0 : i32
      %dma_wait3A_92 = tpu.memref_slice %arg10[%mul3A_82, %dma_wait3A_91] : memref<10240x128xf32, #tpu.memory_space<vmem_shared>> -> memref<128x128xf32, #tpu.memory_space<vmem_shared>>
      tpu.wait_dma2 semaphore(%run_scoped3A : memref<!tpu.dma_semaphore, #tpu.memory_space<semaphore_mem>>) src(%dma_wait3A_92 : memref<128x128xf32, #tpu.memory_space<vmem_shared>>) dst(%arg9 : memref<128x128xf32, #tpu.memory_space<vmem>>)
      tpu.yield
    }) : () -> ()
    %mul3A_83 = arith.constant 5 : i32
    %mul3A_84 = arith.muli %arg1, %mul3A_83 : i32
    %add3A_85 = arith.constant 4 : i32
    %add3A_86 = arith.addi %mul3A_84, %add3A_85 : i32
    "tpu.region"() ({
      %run_scoped3A = tpu.sem_alloc : memref<!tpu.dma_semaphore, #tpu.memory_space<semaphore_mem>>
      %dma_start3A = arith.constant 0 : i32
      %dma_start3A_87 = arith.constant 0 : i32
      %dma_start3A_88 = tpu.memref_slice %arg6[%arg0, %add3A_86, %dma_start3A, %dma_start3A_87] : memref<2x80x128x128xf32, #tpu.memory_space<hbm>> -> memref<1x1x128x128xf32, #tpu.memory_space<hbm>>
      %dma_start3A_89 = tpu.memref_squeeze %dma_start3A_88 : memref<1x1x128x128xf32, #tpu.memory_space<hbm>> -> memref<128x128xf32, #tpu.memory_space<hbm>>
      %dma_start3A_90 = arith.constant 0 : i32
      %dma_start3A_91 = arith.constant 0 : i32
      %dma_start3A_92 = tpu.memref_slice %arg6[%arg0, %add3A_86, %dma_start3A_90, %dma_start3A_91] : memref<2x80x128x128xf32, #tpu.memory_space<hbm>> -> memref<1x1x128x128xf32, #tpu.memory_space<hbm>>
      %dma_start3A_93 = tpu.memref_squeeze %dma_start3A_92 : memref<1x1x128x128xf32, #tpu.memory_space<hbm>> -> memref<128x128xf32, #tpu.memory_space<hbm>>
      tpu.enqueue_dma source(%arg9 : memref<128x128xf32, #tpu.memory_space<vmem>>) target(%dma_start3A_93 : memref<128x128xf32, #tpu.memory_space<hbm>>) target_semaphore(%run_scoped3A : memref<!tpu.dma_semaphore, #tpu.memory_space<semaphore_mem>>)
      %dma_wait3A = arith.constant 0 : i32
      %dma_wait3A_94 = arith.constant 0 : i32
      %dma_wait3A_95 = tpu.memref_slice %arg6[%arg0, %add3A_86, %dma_wait3A, %dma_wait3A_94] : memref<2x80x128x128xf32, #tpu.memory_space<hbm>> -> memref<1x1x128x128xf32, #tpu.memory_space<hbm>>
      %dma_wait3A_96 = tpu.memref_squeeze %dma_wait3A_95 : memref<1x1x128x128xf32, #tpu.memory_space<hbm>> -> memref<128x128xf32, #tpu.memory_space<hbm>>
      %dma_wait3A_97 = arith.constant 0 : i32
      %dma_wait3A_98 = arith.constant 0 : i32
      %dma_wait3A_99 = tpu.memref_slice %arg6[%arg0, %add3A_86, %dma_wait3A_97, %dma_wait3A_98] : memref<2x80x128x128xf32, #tpu.memory_space<hbm>> -> memref<1x1x128x128xf32, #tpu.memory_space<hbm>>
      %dma_wait3A_100 = tpu.memref_squeeze %dma_wait3A_99 : memref<1x1x128x128xf32, #tpu.memory_space<hbm>> -> memref<128x128xf32, #tpu.memory_space<hbm>>
      tpu.wait_dma2 semaphore(%run_scoped3A : memref<!tpu.dma_semaphore, #tpu.memory_space<semaphore_mem>>) src(%arg9 : memref<128x128xf32, #tpu.memory_space<vmem>>) dst(%dma_wait3A_100 : memref<128x128xf32, #tpu.memory_space<hbm>>)
      tpu.yield
    }) : () -> ()
    return
  }
}

module attributes {stable_mosaic.version = 14 : i64} {
  func.func @_tc_deg_body(%arg0: memref<2x10240x128xf32, #tpu.memory_space<vmem>>, %arg1: memref<10240x1xf32, #tpu.memory_space<vmem>>) attributes {dimension_semantics = [], scalar_prefetch = 0 : i64, scratch_operands = 0 : i64, tpu.core_type = #tpu.core_type<tc>} {
    %get3A = arith.constant 0 : index
    %get3A_0 = arith.constant 0 : index
    %get3A_1 = arith.constant 0 : index
    %get3A_2 = vector.load %arg0[%get3A, %get3A_0, %get3A_1] : memref<2x10240x128xf32, #tpu.memory_space<vmem>>, vector<1x10240x128xf32>
    %get3A_3 = vector.shape_cast %get3A_2 : vector<1x10240x128xf32> to vector<10240x128xf32>
    %get3A_4 = arith.constant 1 : index
    %get3A_5 = arith.constant 0 : index
    %get3A_6 = arith.constant 0 : index
    %get3A_7 = vector.load %arg0[%get3A_4, %get3A_5, %get3A_6] : memref<2x10240x128xf32, #tpu.memory_space<vmem>>, vector<1x10240x128xf32>
    %get3A_8 = vector.shape_cast %get3A_7 : vector<1x10240x128xf32> to vector<10240x128xf32>
    %add3A = arith.addf %get3A_3, %get3A_8 : vector<10240x128xf32>
    %reduce_sum3A = arith.constant dense<0.000000e+00> : vector<10240xf32>
    %reduce_sum3A_9 = vector.multi_reduction <add>, %add3A, %reduce_sum3A [1] : vector<10240x128xf32> to vector<10240xf32>
    %broadcast_in_dim3A = vector.shape_cast %reduce_sum3A_9 : vector<10240xf32> to vector<10240x1xf32>
    %mul3A = arith.constant 7.812500e-03 : f32
    %mul3A_10 = vector.broadcast %mul3A : f32 to vector<10240x1xf32>
    %mul3A_11 = arith.mulf %broadcast_in_dim3A, %mul3A_10 : vector<10240x1xf32>
    %add3A_12 = arith.constant 1.000000e+00 : f32
    %add3A_13 = vector.broadcast %add3A_12 : f32 to vector<10240x1xf32>
    %add3A_14 = arith.addf %mul3A_11, %add3A_13 : vector<10240x1xf32>
    %sqrt3A = math.sqrt %add3A_14 : vector<10240x1xf32>
    %div3A = arith.constant 1.000000e+00 : f32
    %div3A_15 = vector.broadcast %div3A : f32 to vector<10240x1xf32>
    %div3A_16 = arith.divf %div3A_15, %sqrt3A : vector<10240x1xf32>
    %swap3A = arith.constant 0 : index
    %swap3A_17 = arith.constant 0 : index
    %swap3A_18 = vector.load %arg1[%swap3A, %swap3A_17] : memref<10240x1xf32, #tpu.memory_space<vmem>>, vector<10240x1xf32>
    tpu.vector_store %arg1[%swap3A, %swap3A_17], %div3A_16 {strides = array<i32>} : memref<10240x1xf32, #tpu.memory_space<vmem>>, vector<10240x1xf32>,
    return
  }
}

module attributes {stable_mosaic.version = 14 : i64} {
  func.func @_tc_first_body(%arg0: memref<10000x128xf32, #tpu.memory_space<vmem>>, %arg1: memref<128x128xf32, #tpu.memory_space<vmem>>, %arg2: memref<10000x1xf32, #tpu.memory_space<vmem>>, %arg3: memref<10000x128xf32, #tpu.memory_space<vmem>>) attributes {dimension_semantics = [], scalar_prefetch = 0 : i64, scratch_operands = 0 : i64, tpu.core_type = #tpu.core_type<tc>} {
    %get3A = arith.constant 0 : index
    %get3A_0 = arith.constant 0 : index
    %get3A_1 = vector.load %arg0[%get3A, %get3A_0] : memref<10000x128xf32, #tpu.memory_space<vmem>>, vector<10000x128xf32>
    %get3A_2 = arith.constant 0 : index
    %get3A_3 = arith.constant 0 : index
    %get3A_4 = vector.load %arg1[%get3A_2, %get3A_3] : memref<128x128xf32, #tpu.memory_space<vmem>>, vector<128x128xf32>
    %dot_general3A = arith.constant dense<0.000000e+00> : vector<10000x128xf32>
    %dot_general3A_5 = tpu.matmul %get3A_1, %get3A_4, %dot_general3A {dimension_numbers = #tpu.dot_dimension_numbers<[1], [0], [0], [1], [0, 0, 1, 1], [], []>, transpose_lhs_hint = false} : vector<10000x128xf32>, vector<128x128xf32>, vector<10000x128xf32> -> vector<10000x128xf32>
    %get3A_6 = arith.constant 0 : index
    %get3A_7 = arith.constant 0 : index
    %get3A_8 = vector.load %arg2[%get3A_6, %get3A_7] : memref<10000x1xf32, #tpu.memory_space<vmem>>, vector<10000x1xf32>
    %mul3A = vector.broadcast %get3A_8 : vector<10000x1xf32> to vector<10000x128xf32>
    %mul3A_9 = arith.mulf %dot_general3A_5, %mul3A : vector<10000x128xf32>
    %swap3A = arith.constant 0 : index
    %swap3A_10 = arith.constant 0 : index
    %swap3A_11 = vector.load %arg3[%swap3A, %swap3A_10] : memref<10000x128xf32, #tpu.memory_space<vmem>>, vector<10000x128xf32>
    tpu.vector_store %arg3[%swap3A, %swap3A_10], %mul3A_9 {strides = array<i32>} : memref<10000x128xf32, #tpu.memory_space<vmem>>, vector<10000x128xf32>,
    return
  }
}

module attributes {stable_mosaic.version = 14 : i64} {
  func.func @_tc_mid_body(%arg0: memref<2x10240x128xf32, #tpu.memory_space<vmem>>, %arg1: memref<10000x128xf32, #tpu.memory_space<vmem>>, %arg2: memref<10000x1xf32, #tpu.memory_space<vmem>>, %arg3: memref<128x128xf32, #tpu.memory_space<vmem>>, %arg4: memref<1x128xf32, #tpu.memory_space<vmem>>, %arg5: memref<10000x128xf32, #tpu.memory_space<vmem>>) attributes {dimension_semantics = [], scalar_prefetch = 0 : i64, scratch_operands = 0 : i64, tpu.core_type = #tpu.core_type<tc>} {
    %get3A = arith.constant 0 : index
    %get3A_0 = arith.constant 0 : index
    %get3A_1 = vector.load %arg2[%get3A, %get3A_0] : memref<10000x1xf32, #tpu.memory_space<vmem>>, vector<10000x1xf32>
    %get3A_2 = arith.constant 0 : index
    %get3A_3 = arith.constant 0 : index
    %get3A_4 = arith.constant 0 : index
    %get3A_5 = vector.load %arg0[%get3A_2, %get3A_3, %get3A_4] : memref<2x10240x128xf32, #tpu.memory_space<vmem>>, vector<1x10000x128xf32>
    %get3A_6 = vector.shape_cast %get3A_5 : vector<1x10000x128xf32> to vector<10000x128xf32>
    %get3A_7 = arith.constant 1 : index
    %get3A_8 = arith.constant 0 : index
    %get3A_9 = arith.constant 0 : index
    %get3A_10 = vector.load %arg0[%get3A_7, %get3A_8, %get3A_9] : memref<2x10240x128xf32, #tpu.memory_space<vmem>>, vector<1x10000x128xf32>
    %get3A_11 = vector.shape_cast %get3A_10 : vector<1x10000x128xf32> to vector<10000x128xf32>
    %add3A = arith.addf %get3A_6, %get3A_11 : vector<10000x128xf32>
    %get3A_12 = arith.constant 0 : index
    %get3A_13 = arith.constant 0 : index
    %get3A_14 = vector.load %arg1[%get3A_12, %get3A_13] : memref<10000x128xf32, #tpu.memory_space<vmem>>, vector<10000x128xf32>
    %add3A_15 = arith.addf %add3A, %get3A_14 : vector<10000x128xf32>
    %mul3A = vector.broadcast %get3A_1 : vector<10000x1xf32> to vector<10000x128xf32>
    %mul3A_16 = arith.mulf %add3A_15, %mul3A : vector<10000x128xf32>
    %get3A_17 = arith.constant 0 : index
    %get3A_18 = arith.constant 0 : index
    %get3A_19 = vector.load %arg4[%get3A_17, %get3A_18] : memref<1x128xf32, #tpu.memory_space<vmem>>, vector<1x128xf32>
    %add3A_20 = vector.broadcast %get3A_19 : vector<1x128xf32> to vector<10000x128xf32>
    %add3A_21 = arith.addf %mul3A_16, %add3A_20 : vector<10000x128xf32>
    %logistic3A = arith.negf %add3A_21 : vector<10000x128xf32>
    %logistic3A_22 = math.exp %logistic3A : vector<10000x128xf32>
    %logistic3A_23 = arith.constant 1.000000e+00 : f32
    %logistic3A_24 = vector.broadcast %logistic3A_23 : f32 to vector<10000x128xf32>
    %logistic3A_25 = arith.addf %logistic3A_24, %logistic3A_22 : vector<10000x128xf32>
    %logistic3A_26 = arith.divf %logistic3A_24, %logistic3A_25 : vector<10000x128xf32>
    %get3A_27 = arith.constant 0 : index
    %get3A_28 = arith.constant 0 : index
    %get3A_29 = vector.load %arg3[%get3A_27, %get3A_28] : memref<128x128xf32, #tpu.memory_space<vmem>>, vector<128x128xf32>
    %dot_general3A = arith.constant dense<0.000000e+00> : vector<10000x128xf32>
    %dot_general3A_30 = tpu.matmul %logistic3A_26, %get3A_29, %dot_general3A {dimension_numbers = #tpu.dot_dimension_numbers<[1], [0], [0], [1], [0, 0, 1, 1], [], []>, transpose_lhs_hint = false} : vector<10000x128xf32>, vector<128x128xf32>, vector<10000x128xf32> -> vector<10000x128xf32>
    %mul3A_31 = vector.broadcast %get3A_1 : vector<10000x1xf32> to vector<10000x128xf32>
    %mul3A_32 = arith.mulf %dot_general3A_30, %mul3A_31 : vector<10000x128xf32>
    %swap3A = arith.constant 0 : index
    %swap3A_33 = arith.constant 0 : index
    %swap3A_34 = vector.load %arg5[%swap3A, %swap3A_33] : memref<10000x128xf32, #tpu.memory_space<vmem>>, vector<10000x128xf32>
    tpu.vector_store %arg5[%swap3A, %swap3A_33], %mul3A_32 {strides = array<i32>} : memref<10000x128xf32, #tpu.memory_space<vmem>>, vector<10000x128xf32>,
    return
  }
}

module attributes {stable_mosaic.version = 14 : i64} {
  func.func @_tc_final_body(%arg0: memref<2x10240x128xf32, #tpu.memory_space<vmem>>, %arg1: memref<10000x128xf32, #tpu.memory_space<vmem>>, %arg2: memref<10000x1xf32, #tpu.memory_space<vmem>>, %arg3: memref<1x128xf32, #tpu.memory_space<vmem>>, %arg4: memref<1x10000xi32, #tpu.memory_space<vmem>>, %arg5: memref<2x128x128xf32, #tpu.memory_space<vmem>>, %arg6: memref<2x128xf32, #tpu.memory_space<vmem>>, %arg7: memref<128x1xf32, #tpu.memory_space<vmem>>, %arg8: memref<1x1xf32, #tpu.memory_space<vmem>>, %arg9: memref<64x1xf32, #tpu.memory_space<vmem>>) attributes {dimension_semantics = [], scalar_prefetch = 0 : i64, scratch_operands = 0 : i64, tpu.core_type = #tpu.core_type<tc>} {
    %get3A = arith.constant 0 : index
    %get3A_0 = arith.constant 0 : index
    %get3A_1 = vector.load %arg2[%get3A, %get3A_0] : memref<10000x1xf32, #tpu.memory_space<vmem>>, vector<10000x1xf32>
    %get3A_2 = arith.constant 0 : index
    %get3A_3 = arith.constant 0 : index
    %get3A_4 = arith.constant 0 : index
    %get3A_5 = vector.load %arg0[%get3A_2, %get3A_3, %get3A_4] : memref<2x10240x128xf32, #tpu.memory_space<vmem>>, vector<1x10000x128xf32>
    %get3A_6 = vector.shape_cast %get3A_5 : vector<1x10000x128xf32> to vector<10000x128xf32>
    %get3A_7 = arith.constant 1 : index
    %get3A_8 = arith.constant 0 : index
    %get3A_9 = arith.constant 0 : index
    %get3A_10 = vector.load %arg0[%get3A_7, %get3A_8, %get3A_9] : memref<2x10240x128xf32, #tpu.memory_space<vmem>>, vector<1x10000x128xf32>
    %get3A_11 = vector.shape_cast %get3A_10 : vector<1x10000x128xf32> to vector<10000x128xf32>
    %add3A = arith.addf %get3A_6, %get3A_11 : vector<10000x128xf32>
    %get3A_12 = arith.constant 0 : index
    %get3A_13 = arith.constant 0 : index
    %get3A_14 = vector.load %arg1[%get3A_12, %get3A_13] : memref<10000x128xf32, #tpu.memory_space<vmem>>, vector<10000x128xf32>
    %add3A_15 = arith.addf %add3A, %get3A_14 : vector<10000x128xf32>
    %mul3A = vector.broadcast %get3A_1 : vector<10000x1xf32> to vector<10000x128xf32>
    %mul3A_16 = arith.mulf %add3A_15, %mul3A : vector<10000x128xf32>
    %get3A_17 = arith.constant 0 : index
    %get3A_18 = arith.constant 0 : index
    %get3A_19 = vector.load %arg3[%get3A_17, %get3A_18] : memref<1x128xf32, #tpu.memory_space<vmem>>, vector<1x128xf32>
    %add3A_20 = vector.broadcast %get3A_19 : vector<1x128xf32> to vector<10000x128xf32>
    %add3A_21 = arith.addf %mul3A_16, %add3A_20 : vector<10000x128xf32>
    %logistic3A = arith.negf %add3A_21 : vector<10000x128xf32>
    %logistic3A_22 = math.exp %logistic3A : vector<10000x128xf32>
    %logistic3A_23 = arith.constant 1.000000e+00 : f32
    %logistic3A_24 = vector.broadcast %logistic3A_23 : f32 to vector<10000x128xf32>
    %logistic3A_25 = arith.addf %logistic3A_24, %logistic3A_22 : vector<10000x128xf32>
    %logistic3A_26 = arith.divf %logistic3A_24, %logistic3A_25 : vector<10000x128xf32>
    %iota3A = tpu.iota {dimensions = array<i32: 0>} : vector<64x10000xi32>
    %get3A_27 = arith.constant 0 : index
    %get3A_28 = arith.constant 0 : index
    %get3A_29 = vector.load %arg4[%get3A_27, %get3A_28] : memref<1x10000xi32, #tpu.memory_space<vmem>>, vector<1x10000xi32>
    %eq3A = vector.broadcast %get3A_29 : vector<1x10000xi32> to vector<64x10000xi32>
    %eq3A_30 = arith.cmpi eq, %iota3A, %eq3A : vector<64x10000xi32>
    %convert_element_type3A = arith.extui %eq3A_30 : vector<64x10000xi1> to vector<64x10000xi32>
    %convert_element_type3A_31 = arith.sitofp %convert_element_type3A : vector<64x10000xi32> to vector<64x10000xf32>
    %dot_general3A = arith.constant dense<0.000000e+00> : vector<64x128xf32>
    %dot_general3A_32 = tpu.matmul %convert_element_type3A_31, %logistic3A_26, %dot_general3A {dimension_numbers = #tpu.dot_dimension_numbers<[1], [0], [0], [1], [0, 0, 1, 1], [], []>, precision = #tpu.contract_precision<fp32>, transpose_lhs_hint = false} : vector<64x10000xf32>, vector<10000x128xf32>, vector<64x128xf32> -> vector<64x128xf32>
    %reduce_sum3A = arith.constant dense<0.000000e+00> : vector<64xf32>
    %reduce_sum3A_33 = vector.multi_reduction <add>, %convert_element_type3A_31, %reduce_sum3A [1] : vector<64x10000xf32> to vector<64xf32>
    %broadcast_in_dim3A = vector.shape_cast %reduce_sum3A_33 : vector<64xf32> to vector<64x1xf32>
    %max3A = arith.constant 1.000000e+00 : f32
    %max3A_34 = vector.broadcast %max3A : f32 to vector<64x1xf32>
    %max3A_35 = arith.maximumf %broadcast_in_dim3A, %max3A_34 : vector<64x1xf32>
    %div3A = vector.broadcast %max3A_35 : vector<64x1xf32> to vector<64x128xf32>
    %div3A_36 = arith.divf %dot_general3A_32, %div3A : vector<64x128xf32>
    %get3A_37 = arith.constant 0 : index
    %get3A_38 = arith.constant 0 : index
    %get3A_39 = arith.constant 0 : index
    %get3A_40 = vector.load %arg5[%get3A_37, %get3A_38, %get3A_39] : memref<2x128x128xf32, #tpu.memory_space<vmem>>, vector<1x128x128xf32>
    %get3A_41 = vector.shape_cast %get3A_40 : vector<1x128x128xf32> to vector<128x128xf32>
    %dot_general3A_42 = arith.constant dense<0.000000e+00> : vector<64x128xf32>
    %dot_general3A_43 = tpu.matmul %div3A_36, %get3A_41, %dot_general3A_42 {dimension_numbers = #tpu.dot_dimension_numbers<[1], [0], [0], [1], [0, 0, 1, 1], [], []>, transpose_lhs_hint = false} : vector<64x128xf32>, vector<128x128xf32>, vector<64x128xf32> -> vector<64x128xf32>
    %get3A_44 = arith.constant 0 : index
    %get3A_45 = arith.constant 0 : index
    %get3A_46 = vector.load %arg6[%get3A_44, %get3A_45] : memref<2x128xf32, #tpu.memory_space<vmem>>, vector<1x128xf32>
    %add3A_47 = vector.broadcast %get3A_46 : vector<1x128xf32> to vector<64x128xf32>
    %add3A_48 = arith.addf %dot_general3A_43, %add3A_47 : vector<64x128xf32>
    %max3A_49 = arith.constant 0.000000e+00 : f32
    %max3A_50 = vector.broadcast %max3A_49 : f32 to vector<64x128xf32>
    %max3A_51 = arith.maximumf %add3A_48, %max3A_50 : vector<64x128xf32>
    %get3A_52 = arith.constant 1 : index
    %get3A_53 = arith.constant 0 : index
    %get3A_54 = arith.constant 0 : index
    %get3A_55 = vector.load %arg5[%get3A_52, %get3A_53, %get3A_54] : memref<2x128x128xf32, #tpu.memory_space<vmem>>, vector<1x128x128xf32>
    %get3A_56 = vector.shape_cast %get3A_55 : vector<1x128x128xf32> to vector<128x128xf32>
    %dot_general3A_57 = arith.constant dense<0.000000e+00> : vector<64x128xf32>
    %dot_general3A_58 = tpu.matmul %max3A_51, %get3A_56, %dot_general3A_57 {dimension_numbers = #tpu.dot_dimension_numbers<[1], [0], [0], [1], [0, 0, 1, 1], [], []>, transpose_lhs_hint = false} : vector<64x128xf32>, vector<128x128xf32>, vector<64x128xf32> -> vector<64x128xf32>
    %get3A_59 = arith.constant 1 : index
    %get3A_60 = arith.constant 0 : index
    %get3A_61 = vector.load %arg6[%get3A_59, %get3A_60] : memref<2x128xf32, #tpu.memory_space<vmem>>, vector<1x128xf32>
    %add3A_62 = vector.broadcast %get3A_61 : vector<1x128xf32> to vector<64x128xf32>
    %add3A_63 = arith.addf %dot_general3A_58, %add3A_62 : vector<64x128xf32>
    %max3A_64 = arith.constant 0.000000e+00 : f32
    %max3A_65 = vector.broadcast %max3A_64 : f32 to vector<64x128xf32>
    %max3A_66 = arith.maximumf %add3A_63, %max3A_65 : vector<64x128xf32>
    %get3A_67 = arith.constant 0 : index
    %get3A_68 = arith.constant 0 : index
    %get3A_69 = vector.load %arg7[%get3A_67, %get3A_68] : memref<128x1xf32, #tpu.memory_space<vmem>>, vector<128x1xf32>
    %dot_general3A_70 = arith.constant dense<0.000000e+00> : vector<64x1xf32>
    %dot_general3A_71 = tpu.matmul %max3A_66, %get3A_69, %dot_general3A_70 {dimension_numbers = #tpu.dot_dimension_numbers<[1], [0], [0], [1], [0, 0, 1, 1], [], []>, transpose_lhs_hint = false} : vector<64x128xf32>, vector<128x1xf32>, vector<64x1xf32> -> vector<64x1xf32>
    %get3A_72 = arith.constant 0 : index
    %get3A_73 = arith.constant 0 : index
    %get3A_74 = vector.load %arg8[%get3A_72, %get3A_73] : memref<1x1xf32, #tpu.memory_space<vmem>>, vector<1x1xf32>
    %add3A_75 = vector.broadcast %get3A_74 : vector<1x1xf32> to vector<64x1xf32>
    %add3A_76 = arith.addf %dot_general3A_71, %add3A_75 : vector<64x1xf32>
    %swap3A = arith.constant 0 : index
    %swap3A_77 = arith.constant 0 : index
    %swap3A_78 = vector.load %arg9[%swap3A, %swap3A_77] : memref<64x1xf32, #tpu.memory_space<vmem>>, vector<64x1xf32>
    tpu.vector_store %arg9[%swap3A, %swap3A_77], %add3A_76 {strides = array<i32>} : memref<64x1xf32, #tpu.memory_space<vmem>>, vector<64x1xf32>,
    return
  }
}

</mosaic_0001>

<sc_bundles>
// kernel: kernel.13.cloned.1.call-start
scs
__scs_entry_jumppad:
0x0: {  	(pc) =	sbr.rel $0x88, $3  }
0x1: {  	(tag) =	ssettag $0x0;
	lr =	simm.s32 $0x1  }
0x2: {  	[smem:$0x3F98] =	sst lr;
	_ =	strace $0xD0000000  }
0x3: {  	_ = 	snop  }
0x4: {  	_ = 	snop  }
0x5: {  	_ = 	snop  }
0x6: {  	_ = 	snop  }
0x7: {  	_ = 	snop  }
__scs_overlays_trampoline_lowered:
0x8: {  	[smem:$0x3FA7] =	sst s0  }
0x9: {  	[smem:$0x3FA8] =	sst s1  }
0xa: {  	[smem:$0x3FA9] =	sst s2  }
0xb: {  	[smem:$0x3FAA] =	sst s3  }
0xc: {  	[smem:$0x3FAB] =	sst s4  }
0xd: {  	[smem:$0x3FAC] =	sst s5  }
0xe: {  	[smem:$0x3FAD] =	sst s6  }
0xf: {  	[smem:$0x3FAE] =	sst s7  }
0x10: {  	[smem:$0x3FAF] =	sst s8  }
0x11: {  	[smem:$0x3FB0] =	sst s9;
	s0 =	simm.s32 @!p0 $0x0  }
0x12: {  	s1 =	sld [smem:$0x3F96];
	s0 =	simm.s32 @p0 $0x1  }
0x13: {  	[smem:$0x3FB1] =	sst s0;
	s0 =	simm.s32 @!p1 $0x0  }
0x14: {  	s2 =	sld [smem:$0x3F95];
	s0 =	simm.s32 @p1 $0x1  }
0x15: {  	[smem:$0x3FB2] =	sst s0;
	s0 =	simm.s32 @!p2 $0x0  }
0x16: {  	s3 =	sld [smem:$0x3FDB];
	s0 =	simm.s32 @p2 $0x1  }
0x17: {  	s4 =	simm.s32 $0x1BF5;
	[smem:$0x3FB4] =	sst s0  }
0x18: {  	s0 =	sld [smem:$0x3F97];
	_ =	swait.ge [sflag:s4], $0x0  }
0x19: {  	s7 =	sld [smem:$0x3F98]  }
0x1a: {  	s8 =	sadd.s32 $0xFFFFE003, lr  }
0x1b: {  	s9 =	sadd.s32 $0xFFFFFEF7, lr;
	s5 =	simm.s32 $0xFFFFFFFF;
	p2 =	slt.u32 s8, $0xFFFFF086  }
0x1c: {  	p1 =	slt.u32 s9, $0xF7A;
	s5 =	simm.s32 @!p2 $0x0  }
0x1d: {  	s5 =	simm.s32 @p1 $0x1;
	p0 =	seq.s32 s7, s2  }
0x1e: {  	s7 =	smul.u32 @!p0 $0xF7A, s2;
	p2 =	seq.s32 @!p0 s5, $0x0  }
0x1f: {  	s9 =	smul.u32 $0xF7A, s1;
	s8 =	simm.s32 @!p0 $0x1BF5;
	p2 =	por !p2, p0  }
0x20: {  	[sflag:s8] =	ssyncset.s32 @!p0 $0xFFFFF086;
	s6 =	sadd.s32 @!p0 s3, s7;
	s7 =	simm.s32 @!p0 $0x108  }
0x21: {  	s3 =	sadd.s32 s3, s9;
	s6 =	sadd.s32 @!p0 $0x88, s6;
	s7 =	simm.s32 @p2 $0x1082  }
0x22: {  	[simem:s7], [sflag:s8] =	dma.local @!p0 [hbm:s6], $0xF7A  }
0x23: {  	s9 =	sor.u32 $0xD0000000, s2;
	s6 =	simm.s32 $0x108;
	_ =	swait.ge @!p0 [sflag:s8], $0x0  }
0x24: {  	s3 =	sadd.s32 $0x88, s3;
	s6 =	simm.s32 @!p1 $0x1082;
	[sflag:s4] =	ssyncset.s32 $0xFFFFF086  }
0x25: {  	[simem:s6], [sflag:s4] =	dma.local [hbm:s3], $0xF7A  }
0x26: {  	[smem:$0x3F98] =	sst s1;
	(tag) =	ssettag s2;
	_ =	strace s9  }
0x27: {  	s1 =	sld [smem:$0x3FA8]  }
0x28: {  	s2 =	sld [smem:$0x3FA9]  }
0x29: {  	s4 =	sld [smem:$0x3FAB]  }
0x2a: {  	p0 =	seq.s32 s5, $0x0;
	s5 =	sld [smem:$0x3FAC]  }
0x2b: {  	s6 =	sld [smem:$0x3FAD]  }
0x2c: {  	s7 =	sld [smem:$0x3FAE]  }
0x2d: {  	s3 =	simm.s32 $0x108;
	s8 =	sld [smem:$0x3FAF]  }
0x2e: {  	s3 =	simm.s32 @!p0 $0x1082;
	s9 =	sld [smem:$0x3FB0]  }
0x2f: {  	lr =	sadd.s32 s0, s3;
	s0 =	sld [smem:$0x3FA7]  }
0x30: {  	s3 =	sld [smem:$0x3FAA]  }
0x31: {  	[smem:$0x3FB3] =	sst s10  }
0x32: {  	s10 =	sld [smem:$0x3FB1];
	_ =	sdelay $0x3  }
0x33: {  	p0 =	seq.s32 s10, $0x1;
	s10 =	sld [smem:$0x3FB3];
	_ =	sdelay $0x3  }
0x34: {  	[smem:$0x3FB3] =	sst s10  }
0x35: {  	s10 =	sld [smem:$0x3FB2];
	_ =	sdelay $0x3  }
0x36: {  	p1 =	seq.s32 s10, $0x1;
	s10 =	sld [smem:$0x3FB3];
	_ =	sdelay $0x3  }
0x37: {  	[smem:$0x3FB3] =	sst s10  }
0x38: {  	s10 =	sld [smem:$0x3FB4]  }
0x39: {  	_ = 	snop;
	(pc) =	sbr.ind lr, $3  }
0x3a: {  	_ = 	snop  }
0x3b: {  	_ = 	snop  }
0x3c: {  	p2 =	seq.s32 s10, $0x1;
	s10 =	sld [smem:$0x3FB3]  }
0x3d: {  	_ =	shalt  }
0x3e: {  	_ =	shalt  }
0x3f: {  	_ =	shalt  }
0x40: {  	_ =	shalt  }
0x41: {  	_ =	shalt  }
0x42: {  	_ =	shalt  }
0x43: {  	_ =	shalt  }
0x44: {  	_ =	shalt  }
0x45: {  	_ =	shalt  }
0x46: {  	_ =	shalt  }
0x47: {  	_ =	shalt  }
0x48: {  	_ =	shalt  }
0x49: {  	_ =	shalt  }
0x4a: {  	_ =	shalt  }
0x4b: {  	_ =	shalt  }
0x4c: {  	_ =	shalt  }
0x4d: {  	_ =	shalt  }
0x4e: {  	_ =	shalt  }
0x4f: {  	_ =	shalt  }
0x50: {  	_ =	shalt  }
0x51: {  	_ =	shalt  }
0x52: {  	_ =	shalt  }
0x53: {  	_ =	shalt  }
0x54: {  	_ =	shalt  }
0x55: {  	_ =	shalt  }
0x56: {  	_ =	shalt  }
0x57: {  	_ =	shalt  }
0x58: {  	_ =	shalt  }
0x59: {  	_ =	shalt  }
0x5a: {  	_ =	shalt  }
0x5b: {  	_ =	shalt  }
0x5c: {  	_ =	shalt  }
0x5d: {  	_ =	shalt  }
0x5e: {  	_ =	shalt  }
0x5f: {  	_ =	shalt  }
0x60: {  	_ =	shalt  }
0x61: {  	_ =	shalt  }
0x62: {  	_ =	shalt  }
0x63: {  	_ =	shalt  }
0x64: {  	_ =	shalt  }
0x65: {  	_ =	shalt  }
0x66: {  	_ =	shalt  }
0x67: {  	_ =	shalt  }
0x68: {  	_ =	shalt  }
0x69: {  	_ =	shalt  }
0x6a: {  	_ =	shalt  }
0x6b: {  	_ =	shalt  }
0x6c: {  	_ =	shalt  }
0x6d: {  	_ =	shalt  }
0x6e: {  	_ =	shalt  }
0x6f: {  	_ =	shalt  }
0x70: {  	_ =	shalt  }
0x71: {  	_ =	shalt  }
0x72: {  	_ =	shalt  }
0x73: {  	_ =	shalt  }
0x74: {  	_ =	shalt  }
0x75: {  	_ =	shalt  }
0x76: {  	_ =	shalt  }
0x77: {  	_ =	shalt  }
0x78: {  	_ =	shalt  }
0x79: {  	_ =	shalt  }
0x7a: {  	_ =	shalt  }
0x7b: {  	_ =	shalt  }
0x7c: {  	_ =	shalt  }
0x7d: {  	_ =	shalt  }
0x7e: {  	_ =	shalt  }
0x7f: {  	_ =	shalt  }
0x80: {  	_ =	shalt  }
0x81: {  	_ =	shalt  }
0x82: {  	_ =	shalt  }
0x83: {  	_ =	shalt  }
0x84: {  	_ =	shalt  }
0x85: {  	_ =	shalt  }
0x86: {  	_ =	shalt  }
0x87: {  	_ =	shalt  }
.Lfunc_end0:
.L_simem_size_0:
called_computation_lowered:
.L_overlay_start_0:
0x88: {  	s2 =	sld [smem:$0x3FD9]  }
0x89: {  	s3 =	sld [smem:$0x3FFE];
	_ =	sdelay $0x1  }
0x8a: {  	s1 =	srdreg.scid  }
0x8b: {  	s0 =	sand.u32 $0x1, s1  }
0x8c: {  	s16 =	sshll.u32 s0, $0xA;
	s2 =	sadd.s32 s3, s2  }
0x8d: {  	s2 =	sadd.s32 s2, s16  }
0x8e: {  	[smem:$0x3FBF] =	sst s2  }
0x8f: {  	_ = 	snop  }
0x90: {  	(tm) =	ssettm $0x1  }
0x91: {  	s17 =	sld [smem:$0x3FFB];
	_ =	sdelay $0x3  }
0x92: {  	_ =	strace s17  }
0x93: {  	s2 =	sld [smem:$0x3FFC];
	_ =	sdelay $0x3  }
0x94: {  	_ =	strace s2  }
0x95: {  	s2 =	sld [smem:$0x3FFD];
	_ =	sdelay $0x3  }
0x96: {  	_ =	strace s2  }
0x97: {  	_ =	strace $0x8FFFFFFF  }
0x98: {  	s18 =	sld [smem:$0x3FDB];
	_ =	sdelay $0x1  }
0x99: {  	s19 =	simm.s32 $_scs_section_size  }
0x9a: {  	s4 =	simm.s32 $_size__tile_overlayer_lowered;
	s5 =	simm.s32 $_tile_overlayer_lowered  }
0x9b: {  	s22 =	simm.s32 $0x1BFF;
	s21 =	sshll.u32 s5, $0x1;
	s2 =	sadd.s32 s19, s18  }
0x9c: {  	s6 =	simm.s32 $0x0;
	s20 =	sshll.u32 s4, $0x1;
	s4 =	sadd.s32 s21, s2  }
0x9d: {  	[timem:s6], [sflag:s22] =	dma.local [hbm:s4], s20  }
0x9e: {  	_ =	swait.ge [sflag:s22], s20  }
0x9f: {  	s3 =	ssub.s32 $0x0, s20;
	[sflag:s22] =	ssyncset.done $0x0  }
0xa0: {  	[sflag:s22] =	ssyncadd.s32 s3;
	_ =	sdelay $0x1  }
0xa1: {  	s23 =	simm.s32 $0x1B8B  }
0xa2: {  	_ =	swait.ge [sflag:s23], $0x1  }
0xa3: {  	[sflag:s23] =	ssyncset.done $0x0  }
0xa4: {  	s25 =	simm.s32 $0x1B8E;
	s24 =	sld [smem:$0x3FFE];
	[sflag:s23] =	ssyncadd.s32 $0xFFFFFFFF  }
0xa5: {  	s26 =	simm.s32 $execute0_lowered;
	[smem:$0x3FD2] =	sst s25  }
0xa6: {  	s4 =	sshll.u32 s26, $0x1;
	_ =	strace $0x80000046;
	[dreg:$0x1] =	wrdreg $0xFFFFFFFF  }
0xa7: {  	s28 =	simm.s32 $_size_execute0_lowered;
	s2 =	sadd.s32 s2, s4;
	[dreg:$0x0] =	wrdreg $0x0  }
0xa8: {  	s4 =	sshll.u32 s28, $0x1;
	[dreg:$0x2] =	wrdreg s2  }
0xa9: {  	[dreg:$0x3] =	wrdreg s4  }
0xaa: {  	[dreg:$0x4] =	wrdreg $0xC0  }
0xab: {  	_ =	task [dreg:s6], $0x5FFFF  }
0xac: {  	[dreg:$0x1] =	wrdreg $0xFFFFFFFF  }
0xad: {  	[dreg:$0x0] =	wrdreg $0x60  }
0xae: {  	[dreg:$0x2] =	wrdreg s24  }
0xaf: {  	[dreg:$0x3] =	wrdreg $0x68000  }
0xb0: {  	[dreg:$0x4] =	wrdreg $0x9  }
0xb1: {  	_ =	task.clear_ibuf [dreg:s6], $0x5FFFF;
	_ =	strace $0x90000046  }
0xb2: {  	s29 =	simm.s32 $0x9;
	_ =	strace $0x80000048  }
0xb3: {  	_ =	swait.ge [sflag:s29], $0x1  }
0xb4: {  	[sflag:s29] =	ssyncadd.s32 $0xFFFFFFFF  }
0xb5: {  	_ =	strace $0x90000048  }
0xb6: {  	_ =	sfence  }
0xb7: {  	s30 =	sld [smem:$0x0];
	_ =	sdelay $0x2  }
0xb8: {  	s31 =	sshll.u32 s1, $0xD;
	s1 =	sshrl.u32 s1, $0x2  }
0xb9: {  	s3 =	sand.u32 $0x4000, s31;
	s1 =	sadd.s32 s1, s30  }
0xba: {  	s0 =	sor.u32 s3, s0;
	s1 =	sshll.u32 s1, $0x11  }
0xbb: {  	s0 =	sor.u32 s1, s0  }
0xbc: {  	s0 =	sadd.s32 $0x8F2B, s0  }
0xbd: {  	[sflag:s0] =	ssyncadd.remote.s32 $0x1  }
0xbe: {  	_ =	sfence.sel $0xFFFF  }
0xbf: {  	[dreg:$0x0] =	wrdreg $0xFFFFFFFF;
	(pc) =	sbr.abs _section_cstart, $3  }
0xc0: {  	[dreg:$0x1] =	wrdreg $0xFFFFFFFF  }
0xc1: {  	_ =	task.clear_ibuf [dreg:s6], $0x2FFFF;
	_ =	strace $0x9FFFFFFF  }
0xc2: {  	(tm) =	ssettm $0x7FFFFFFF  }
0xc3: {  	_ =	shalt  }
tec
execute0_lowered:
.L_overlay_start_1:
0x0: {  	(tag) =	ssettag $0x1  }
0x1: {  	s1 =	srdreg.scid;
	s6 =	rddreg [dreg:$0x0]  }
0x2: {  	s0 =	stileid.u32;
	s2 =	rddreg [dreg:$0x1];
	s3 =	simm.s32 $0x0  }
0x3: {  	s21 =	simm.s32 $0x0;
	s8 =	sand.u32 $0x1, s1;
	s1 =	rddreg [dreg:$0x2]  }
0x4: {  	s26 =	sshll.u32 s0, $0x1;
	[smem:$0x7FF] =	sst s3;
	s10 =	smul.u32 $0x50000, s0  }
0x5: {  	s5 =	sadd.s32 $0xE000, s6;
	s16 =	sadd.s32 $0xE800, s6;
	s11 =	smul.u32 $0x14000, s0  }
0x6: {  	s4 =	sor.u32 s8, s26;
	s9 =	ssub.s32 $0x2, s8;
	s14 =	smul.u32 $0x140000, s8  }
0x7: {  	_ =	strace $0x80000047;
	s4 =	smul.u32 $0x500, s4;
	s28 =	sshrl.u32 s9, $0x1  }
0x8: {  	s29 =	sshrl.u32 s10, $0x2;
	s12 =	sadd.s32 $0x4000, s11;
	s15 =	sadd.s32 $0x8000, s11  }
0x9: {  	s18 =	sadd.s32 $0xC000, s11;
	s19 =	sadd.s32 $0x10000, s11;
	s17 =	ssub.s32 s9, s28  }
0xa: {  	s8 =	sadd.s32 s12, s2;
	s9 =	sadd.s32 s15, s2;
	s10 =	sadd.s32 s18, s2  }
0xb: {  	s13 =	sadd.s32 s11, s14;
	s20 =	sadd.s32 s14, s12;
	s11 =	sadd.s32 s19, s2  }
0xc: {  	s15 =	sadd.s32 s14, s15;
	s18 =	sadd.s32 s14, s18;
	s19 =	sadd.s32 s14, s19  }
0xd: {  	s7 =	sadd.s32 s4, s6;
	s4 =	sadd.s32 $0xD800, s6;
	s13 =	sshrl.u32 s13, $0x3  }
0xe: {  	s30 =	sshrl.u32 s20, $0x3;
	s15 =	sshrl.u32 s15, $0x3;
	s18 =	sshrl.u32 s18, $0x3  }
0xf: {  	s31 =	sshrl.u32 s19, $0x3;
	s17 =	smax.u32 s17, $0x1;
	s19 =	simm.s32 $0x2800  }
0x10: {  	s20 =	simm.s32 $0x80;
	s6 =	sadd.s32 $0x3800, s7;
	s7 =	sadd.s32 s29, s2  }
0x11: {  	s12 =	sadd.s32 s16, s13;
	s13 =	sadd.s32 s16, s30;
	s14 =	sadd.s32 s16, s15  }
0x12: {  	s15 =	sadd.s32 s16, s18;
	s16 =	sadd.s32 s16, s31;
	s18 =	simm.s32 $0x1  }
.LBB2_1:
0x13: {  	[tilespmem:s3], [sflag:$0x1] =	stream.linear.gather [hbm4b:s6+s3], $0x2780, $0x38;
	[tilespmem:$0x1A800] =	vst v63  }
0x14: {  	_ =	swait.ge [sflag:s18], $0x2780  }
0x15: {  	[sflag:s18] =	ssyncset.done $0x0  }
0x16: {  	[sflag:s18] =	ssyncadd.s32 $0xFFFFD880  }
0x17: {  	[tilespmem:s19], [sflag:$0x1] =	stream.linear.gather [hbm4b:s4+s3], $0x4000, $0x38;
	[tilespmem:$0x1A800] =	vst v63  }
0x18: {  	_ =	swait.ge [sflag:s18], $0x4000  }
0x19: {  	[sflag:s18] =	ssyncset.done $0x0  }
0x1a: {  	[sflag:s18] =	ssyncadd.s32 $0xFFFFC000  }
0x1b: {  	[spmem:s7] =	stream.linear.scatter [tilespmem:s19], [sflag:$0x1], $0x4000, $0x38;
	[tilespmem:$0x1A800] =	vst v63  }
0x1c: {  	_ =	swait.ge [sflag:s18], $0x4000  }
0x1d: {  	[sflag:s18] =	ssyncset.done $0x0  }
0x1e: {  	[sflag:s18] =	ssyncadd.s32 $0xFFFFC000  }
0x1f: {  	[spmem:s8] =	stream.linear.scatter [tilespmem:s19], [sflag:$0x1], $0x4000, $0x38;
	[tilespmem:$0x1A800] =	vst v63  }
0x20: {  	_ =	swait.ge [sflag:s18], $0x4000  }
0x21: {  	[sflag:s18] =	ssyncset.done $0x0  }
0x22: {  	[sflag:s18] =	ssyncadd.s32 $0xFFFFC000  }
0x23: {  	[spmem:s9] =	stream.linear.scatter [tilespmem:s19], [sflag:$0x1], $0x4000, $0x38;
	[tilespmem:$0x1A800] =	vst v63  }
0x24: {  	_ =	swait.ge [sflag:s18], $0x4000  }
0x25: {  	[sflag:s18] =	ssyncset.done $0x0  }
0x26: {  	[sflag:s18] =	ssyncadd.s32 $0xFFFFC000  }
0x27: {  	[spmem:s10] =	stream.linear.scatter [tilespmem:s19], [sflag:$0x1], $0x4000, $0x38;
	[tilespmem:$0x1A800] =	vst v63  }
0x28: {  	_ =	swait.ge [sflag:s18], $0x4000  }
0x29: {  	[sflag:s18] =	ssyncset.done $0x0  }
0x2a: {  	[sflag:s18] =	ssyncadd.s32 $0xFFFFC000  }
0x2b: {  	[spmem:s11] =	stream.linear.scatter [tilespmem:s19], [sflag:$0x1], $0x4000, $0x38;
	[tilespmem:$0x1A800] =	vst v63  }
0x2c: {  	_ =	swait.ge [sflag:s18], $0x4000  }
0x2d: {  	[sflag:s18] =	ssyncset.done $0x0  }
0x2e: {  	[sflag:s18] =	ssyncadd.s32 $0xFFFFC000  }
0x2f: {  	[tilespmem:s19], [sflag:$0x1] =	stream.linear.gather [hbm4b:s5+s3], $0x4000, $0x38;
	[tilespmem:$0x1A800] =	vst v63  }
0x30: {  	_ =	swait.ge [sflag:s18], $0x4000  }
0x31: {  	[sflag:s18] =	ssyncset.done $0x0  }
0x32: {  	[sflag:s18] =	ssyncadd.s32 $0xFFFFC000  }
0x33: {  	s22 =	simm.s32 $0x0;
	[bflag:$0x0] =	sbarrier.arrive $0xFFFF  }
0x34: {  	[spmem:s2] =	stream.indirect.scatter.add.f32 [tilespmem:s19], [sflag:$0x1], $0x80, s22, s20, $0xb8;
	[tilespmem:$0x1A800] =	vst v63  }
0x35: {  	_ =	swait.ge [sflag:s18], $0x4000  }
0x36: {  	s22 =	simm.s32 $0x200;
	[sflag:s18] =	ssyncset.done $0x0  }
.LBB2_2:
0x37: {  	s23 =	sshra.s32 s22, $0x2;
	[sflag:s18] =	ssyncadd.s32 $0xFFFFC000;
	p0 =	sne.s32 s22, $0x9C00  }
0x38: {  	[spmem:s2] =	stream.indirect.scatter.add.f32 [tilespmem:s19], [sflag:$0x1], $0x80, s23, s20, $0xb8;
	[tilespmem:$0x1A800] =	vst v63  }
.Ltmp0:
0x39: {  	_ = 	snop;
	(pc) =	sbr.rel @p0 .LBB2_2-.Ltmp0, $4  }
0x3a: {  	_ = 	snop  }
0x3b: {  	s22 =	sadd.s32 $0x200, s22  }
0x3c: {  	_ =	swait.ge [sflag:s18], $0x4000  }
0x3d: {  	[sflag:s18] =	ssyncset.done $0x0  }
0x3e: {  	[sflag:s18] =	ssyncadd.s32 $0xFFFFC000  }
0x3f: {  	[bflag:$0x0] =	sbarrier.arrive $0xFFFF  }
0x40: {  	[tilespmem:s19], [sflag:$0x1] =	stream.linear.gather [spmem:s7], $0x4000, $0x38;
	[tilespmem:$0x1A800] =	vst v63  }
0x41: {  	_ =	swait.ge [sflag:s18], $0x4000  }
0x42: {  	[sflag:s18] =	ssyncset.done $0x0  }
0x43: {  	[sflag:s18] =	ssyncadd.s32 $0xFFFFC000  }
0x44: {  	[hbm4b:s12+s3] =	stream.linear.scatter [tilespmem:s19], [sflag:$0x1], $0x4000, $0x38;
	[tilespmem:$0x1A800] =	vst v63  }
0x45: {  	_ =	swait.ge [sflag:s18], $0x4000  }
0x46: {  	[sflag:s18] =	ssyncset.done $0x0  }
0x47: {  	[sflag:s18] =	ssyncadd.s32 $0xFFFFC000  }
0x48: {  	[tilespmem:s19], [sflag:$0x1] =	stream.linear.gather [spmem:s8], $0x4000, $0x38;
	[tilespmem:$0x1A800] =	vst v63  }
0x49: {  	_ =	swait.ge [sflag:s18], $0x4000  }
0x4a: {  	[sflag:s18] =	ssyncset.done $0x0  }
0x4b: {  	[sflag:s18] =	ssyncadd.s32 $0xFFFFC000  }
0x4c: {  	[hbm4b:s13+s3] =	stream.linear.scatter [tilespmem:s19], [sflag:$0x1], $0x4000, $0x38;
	[tilespmem:$0x1A800] =	vst v63  }
0x4d: {  	_ =	swait.ge [sflag:s18], $0x4000  }
0x4e: {  	[sflag:s18] =	ssyncset.done $0x0  }
0x4f: {  	[sflag:s18] =	ssyncadd.s32 $0xFFFFC000  }
0x50: {  	[tilespmem:s19], [sflag:$0x1] =	stream.linear.gather [spmem:s9], $0x4000, $0x38;
	[tilespmem:$0x1A800] =	vst v63  }
0x51: {  	_ =	swait.ge [sflag:s18], $0x4000  }
0x52: {  	[sflag:s18] =	ssyncset.done $0x0  }
0x53: {  	[sflag:s18] =	ssyncadd.s32 $0xFFFFC000  }
0x54: {  	[hbm4b:s14+s3] =	stream.linear.scatter [tilespmem:s19], [sflag:$0x1], $0x4000, $0x38;
	[tilespmem:$0x1A800] =	vst v63  }
0x55: {  	_ =	swait.ge [sflag:s18], $0x4000  }
0x56: {  	[sflag:s18] =	ssyncset.done $0x0  }
0x57: {  	[sflag:s18] =	ssyncadd.s32 $0xFFFFC000  }
0x58: {  	[tilespmem:s19], [sflag:$0x1] =	stream.linear.gather [spmem:s10], $0x4000, $0x38;
	[tilespmem:$0x1A800] =	vst v63  }
0x59: {  	_ =	swait.ge [sflag:s18], $0x4000  }
0x5a: {  	[sflag:s18] =	ssyncset.done $0x0  }
0x5b: {  	[sflag:s18] =	ssyncadd.s32 $0xFFFFC000  }
0x5c: {  	[hbm4b:s15+s3] =	stream.linear.scatter [tilespmem:s19], [sflag:$0x1], $0x4000, $0x38;
	[tilespmem:$0x1A800] =	vst v63  }
0x5d: {  	_ =	swait.ge [sflag:s18], $0x4000  }
0x5e: {  	[sflag:s18] =	ssyncset.done $0x0  }
0x5f: {  	[sflag:s18] =	ssyncadd.s32 $0xFFFFC000  }
0x60: {  	[tilespmem:s19], [sflag:$0x1] =	stream.linear.gather [spmem:s11], $0x4000, $0x38;
	[tilespmem:$0x1A800] =	vst v63  }
0x61: {  	s21 =	sadd.s32 $0x1, s21;
	_ =	swait.ge [sflag:s18], $0x4000  }
0x62: {  	p0 =	sne.s32 s21, s17;
	[sflag:s18] =	ssyncset.done $0x0  }
.Ltmp1:
0x63: {  	[sflag:s18] =	ssyncadd.s32 $0xFFFFC000;
	(pc) =	sbr.rel @p0 .LBB2_1-.Ltmp1, $4  }
0x64: {  	[hbm4b:s16+s3] =	stream.linear.scatter [tilespmem:s19], [sflag:$0x1], $0x4000, $0x38;
	[tilespmem:$0x1A800] =	vst v63  }
0x65: {  	_ =	swait.ge [sflag:s18], $0x4000  }
0x66: {  	[sflag:s18] =	ssyncset.done $0x0  }
0x67: {  	[sflag:s18] =	ssyncadd.s32 $0xFFFFC000  }
0x68: {  	_ =	sfence.sel $0x180000  }
0x69: {  	[bflag:$0x0] =	sbarrier.arrive $0xFFFF  }
0x6a: {  	p0 =	sne.s32 s0, $0x0;
	_ =	strace $0x90000047  }
0x6b: {  	s0 =	sadd.s32 @!p0 $0x100000, s1;
	[bflag:$0x2] =	sbarrier.arrive $0xFFFF  }
0x6c: {  	[sflag:s0] =	ssyncadd.tile.s32 @!p0 $0x1;
	_ =	shalt  }
.Lfunc_end2:
_tile_overlayer_lowered:
.L_overlay_start_2:
0x6d: {  	(tag) =	ssettag $0x2  }
0x6e: {  	s0 =	rddreg [dreg:$0x0];
	s2 =	stileid.u32  }
0x6f: {  	s1 =	rddreg [dreg:$0x1];
	p0 =	sne.s32 s2, $0x0  }
0x70: {  	s3 =	rddreg [dreg:$0x2];
	[bflag:$0x3] =	sbarrier.arrive $0xFFFF;
	s2 =	simm.s32 @!p0 $0x1C01  }
0x71: {  	[timem:s3], [sflag:s2] =	dma.local @!p0 [hbm:s0], s1  }
0x72: {  	s0 =	simm.s32 @!p0 $0x1  }
0x73: {  	_ =	swait.ge @!p0 [sflag:s0], s1  }
0x74: {  	s1 =	ssub.s32 @!p0 $0x0, s1;
	[sflag:s0] =	ssyncset.done @!p0 $0x0  }
0x75: {  	[sflag:s0] =	ssyncadd.s32 @!p0 s1  }
0x76: {  	[bflag:$0x3] =	sbarrier.arrive $0xFFFF  }
0x77: {  	_ =	shalt  }

// kernel: kernel.16.cloned.1.call-start
scs
__scs_entry_jumppad:
0x0: {  	(pc) =	sbr.rel $0x88, $3  }
0x1: {  	(tag) =	ssettag $0x0;
	lr =	simm.s32 $0x1  }
0x2: {  	[smem:$0x3F98] =	sst lr;
	_ =	strace $0xD0000000  }
0x3: {  	_ = 	snop  }
0x4: {  	_ = 	snop  }
0x5: {  	_ = 	snop  }
0x6: {  	_ = 	snop  }
0x7: {  	_ = 	snop  }
__scs_overlays_trampoline_lowered:
0x8: {  	[smem:$0x3FA7] =	sst s0  }
0x9: {  	[smem:$0x3FA8] =	sst s1  }
0xa: {  	[smem:$0x3FA9] =	sst s2  }
0xb: {  	[smem:$0x3FAA] =	sst s3  }
0xc: {  	[smem:$0x3FAB] =	sst s4  }
0xd: {  	[smem:$0x3FAC] =	sst s5  }
0xe: {  	[smem:$0x3FAD] =	sst s6  }
0xf: {  	[smem:$0x3FAE] =	sst s7  }
0x10: {  	[smem:$0x3FAF] =	sst s8  }
0x11: {  	[smem:$0x3FB0] =	sst s9;
	s0 =	simm.s32 @!p0 $0x0  }
0x12: {  	s1 =	sld [smem:$0x3F96];
	s0 =	simm.s32 @p0 $0x1  }
0x13: {  	[smem:$0x3FB1] =	sst s0;
	s0 =	simm.s32 @!p1 $0x0  }
0x14: {  	s2 =	sld [smem:$0x3F95];
	s0 =	simm.s32 @p1 $0x1  }
0x15: {  	[smem:$0x3FB2] =	sst s0;
	s0 =	simm.s32 @!p2 $0x0  }
0x16: {  	s3 =	sld [smem:$0x3FDB];
	s0 =	simm.s32 @p2 $0x1  }
0x17: {  	s4 =	simm.s32 $0x1BF5;
	[smem:$0x3FB4] =	sst s0  }
0x18: {  	s0 =	sld [smem:$0x3F97];
	_ =	swait.ge [sflag:s4], $0x0  }
0x19: {  	s7 =	sld [smem:$0x3F98]  }
0x1a: {  	s8 =	sadd.s32 $0xFFFFE003, lr  }
0x1b: {  	s9 =	sadd.s32 $0xFFFFFEF7, lr;
	s5 =	simm.s32 $0xFFFFFFFF;
	p2 =	slt.u32 s8, $0xFFFFF086  }
0x1c: {  	p1 =	slt.u32 s9, $0xF7A;
	s5 =	simm.s32 @!p2 $0x0  }
0x1d: {  	s5 =	simm.s32 @p1 $0x1;
	p0 =	seq.s32 s7, s2  }
0x1e: {  	s7 =	smul.u32 @!p0 $0xF7A, s2;
	p2 =	seq.s32 @!p0 s5, $0x0  }
0x1f: {  	s9 =	smul.u32 $0xF7A, s1;
	s8 =	simm.s32 @!p0 $0x1BF5;
	p2 =	por !p2, p0  }
0x20: {  	[sflag:s8] =	ssyncset.s32 @!p0 $0xFFFFF086;
	s6 =	sadd.s32 @!p0 s3, s7;
	s7 =	simm.s32 @!p0 $0x108  }
0x21: {  	s3 =	sadd.s32 s3, s9;
	s6 =	sadd.s32 @!p0 $0x88, s6;
	s7 =	simm.s32 @p2 $0x1082  }
0x22: {  	[simem:s7], [sflag:s8] =	dma.local @!p0 [hbm:s6], $0xF7A  }
0x23: {  	s9 =	sor.u32 $0xD0000000, s2;
	s6 =	simm.s32 $0x108;
	_ =	swait.ge @!p0 [sflag:s8], $0x0  }
0x24: {  	s3 =	sadd.s32 $0x88, s3;
	s6 =	simm.s32 @!p1 $0x1082;
	[sflag:s4] =	ssyncset.s32 $0xFFFFF086  }
0x25: {  	[simem:s6], [sflag:s4] =	dma.local [hbm:s3], $0xF7A  }
0x26: {  	[smem:$0x3F98] =	sst s1;
	(tag) =	ssettag s2;
	_ =	strace s9  }
0x27: {  	s1 =	sld [smem:$0x3FA8]  }
0x28: {  	s2 =	sld [smem:$0x3FA9]  }
0x29: {  	s4 =	sld [smem:$0x3FAB]  }
0x2a: {  	p0 =	seq.s32 s5, $0x0;
	s5 =	sld [smem:$0x3FAC]  }
0x2b: {  	s6 =	sld [smem:$0x3FAD]  }
0x2c: {  	s7 =	sld [smem:$0x3FAE]  }
0x2d: {  	s3 =	simm.s32 $0x108;
	s8 =	sld [smem:$0x3FAF]  }
0x2e: {  	s3 =	simm.s32 @!p0 $0x1082;
	s9 =	sld [smem:$0x3FB0]  }
0x2f: {  	lr =	sadd.s32 s0, s3;
	s0 =	sld [smem:$0x3FA7]  }
0x30: {  	s3 =	sld [smem:$0x3FAA]  }
0x31: {  	[smem:$0x3FB3] =	sst s10  }
0x32: {  	s10 =	sld [smem:$0x3FB1];
	_ =	sdelay $0x3  }
0x33: {  	p0 =	seq.s32 s10, $0x1;
	s10 =	sld [smem:$0x3FB3];
	_ =	sdelay $0x3  }
0x34: {  	[smem:$0x3FB3] =	sst s10  }
0x35: {  	s10 =	sld [smem:$0x3FB2];
	_ =	sdelay $0x3  }
0x36: {  	p1 =	seq.s32 s10, $0x1;
	s10 =	sld [smem:$0x3FB3];
	_ =	sdelay $0x3  }
0x37: {  	[smem:$0x3FB3] =	sst s10  }
0x38: {  	s10 =	sld [smem:$0x3FB4]  }
0x39: {  	_ = 	snop;
	(pc) =	sbr.ind lr, $3  }
0x3a: {  	_ = 	snop  }
0x3b: {  	_ = 	snop  }
0x3c: {  	p2 =	seq.s32 s10, $0x1;
	s10 =	sld [smem:$0x3FB3]  }
0x3d: {  	_ =	shalt  }
0x3e: {  	_ =	shalt  }
0x3f: {  	_ =	shalt  }
0x40: {  	_ =	shalt  }
0x41: {  	_ =	shalt  }
0x42: {  	_ =	shalt  }
0x43: {  	_ =	shalt  }
0x44: {  	_ =	shalt  }
0x45: {  	_ =	shalt  }
0x46: {  	_ =	shalt  }
0x47: {  	_ =	shalt  }
0x48: {  	_ =	shalt  }
0x49: {  	_ =	shalt  }
0x4a: {  	_ =	shalt  }
0x4b: {  	_ =	shalt  }
0x4c: {  	_ =	shalt  }
0x4d: {  	_ =	shalt  }
0x4e: {  	_ =	shalt  }
0x4f: {  	_ =	shalt  }
0x50: {  	_ =	shalt  }
0x51: {  	_ =	shalt  }
0x52: {  	_ =	shalt  }
0x53: {  	_ =	shalt  }
0x54: {  	_ =	shalt  }
0x55: {  	_ =	shalt  }
0x56: {  	_ =	shalt  }
0x57: {  	_ =	shalt  }
0x58: {  	_ =	shalt  }
0x59: {  	_ =	shalt  }
0x5a: {  	_ =	shalt  }
0x5b: {  	_ =	shalt  }
0x5c: {  	_ =	shalt  }
0x5d: {  	_ =	shalt  }
0x5e: {  	_ =	shalt  }
0x5f: {  	_ =	shalt  }
0x60: {  	_ =	shalt  }
0x61: {  	_ =	shalt  }
0x62: {  	_ =	shalt  }
0x63: {  	_ =	shalt  }
0x64: {  	_ =	shalt  }
0x65: {  	_ =	shalt  }
0x66: {  	_ =	shalt  }
0x67: {  	_ =	shalt  }
0x68: {  	_ =	shalt  }
0x69: {  	_ =	shalt  }
0x6a: {  	_ =	shalt  }
0x6b: {  	_ =	shalt  }
0x6c: {  	_ =	shalt  }
0x6d: {  	_ =	shalt  }
0x6e: {  	_ =	shalt  }
0x6f: {  	_ =	shalt  }
0x70: {  	_ =	shalt  }
0x71: {  	_ =	shalt  }
0x72: {  	_ =	shalt  }
0x73: {  	_ =	shalt  }
0x74: {  	_ =	shalt  }
0x75: {  	_ =	shalt  }
0x76: {  	_ =	shalt  }
0x77: {  	_ =	shalt  }
0x78: {  	_ =	shalt  }
0x79: {  	_ =	shalt  }
0x7a: {  	_ =	shalt  }
0x7b: {  	_ =	shalt  }
0x7c: {  	_ =	shalt  }
0x7d: {  	_ =	shalt  }
0x7e: {  	_ =	shalt  }
0x7f: {  	_ =	shalt  }
0x80: {  	_ =	shalt  }
0x81: {  	_ =	shalt  }
0x82: {  	_ =	shalt  }
0x83: {  	_ =	shalt  }
0x84: {  	_ =	shalt  }
0x85: {  	_ =	shalt  }
0x86: {  	_ =	shalt  }
0x87: {  	_ =	shalt  }
.Lfunc_end0:
.L_simem_size_0:
called_computation.1_lowered:
.L_overlay_start_0:
0x88: {  	s2 =	sld [smem:$0x3FD9]  }
0x89: {  	s3 =	sld [smem:$0x3FFE];
	_ =	sdelay $0x1  }
0x8a: {  	s1 =	srdreg.scid  }
0x8b: {  	s0 =	sand.u32 $0x1, s1  }
0x8c: {  	s16 =	sshll.u32 s0, $0xA;
	s2 =	sadd.s32 s3, s2  }
0x8d: {  	s2 =	sadd.s32 s2, s16  }
0x8e: {  	[smem:$0x3FBF] =	sst s2  }
0x8f: {  	_ = 	snop  }
0x90: {  	(tm) =	ssettm $0x1  }
0x91: {  	s17 =	sld [smem:$0x3FFB];
	_ =	sdelay $0x3  }
0x92: {  	_ =	strace s17  }
0x93: {  	s2 =	sld [smem:$0x3FFC];
	_ =	sdelay $0x3  }
0x94: {  	_ =	strace s2  }
0x95: {  	s2 =	sld [smem:$0x3FFD];
	_ =	sdelay $0x3  }
0x96: {  	_ =	strace s2  }
0x97: {  	_ =	strace $0x8FFFFFFF  }
0x98: {  	s18 =	sld [smem:$0x3FDB];
	_ =	sdelay $0x1  }
0x99: {  	s19 =	simm.s32 $_scs_section_size  }
0x9a: {  	s4 =	simm.s32 $_size__tile_overlayer_lowered;
	s5 =	simm.s32 $_tile_overlayer_lowered  }
0x9b: {  	s22 =	simm.s32 $0x1BFF;
	s21 =	sshll.u32 s5, $0x1;
	s2 =	sadd.s32 s19, s18  }
0x9c: {  	s6 =	simm.s32 $0x0;
	s20 =	sshll.u32 s4, $0x1;
	s4 =	sadd.s32 s21, s2  }
0x9d: {  	[timem:s6], [sflag:s22] =	dma.local [hbm:s4], s20  }
0x9e: {  	_ =	swait.ge [sflag:s22], s20  }
0x9f: {  	s3 =	ssub.s32 $0x0, s20;
	[sflag:s22] =	ssyncset.done $0x0  }
0xa0: {  	[sflag:s22] =	ssyncadd.s32 s3;
	_ =	sdelay $0x1  }
0xa1: {  	s23 =	simm.s32 $0x1B8B  }
0xa2: {  	_ =	swait.ge [sflag:s23], $0x1  }
0xa3: {  	[sflag:s23] =	ssyncset.done $0x0  }
0xa4: {  	s25 =	simm.s32 $0x1B8E;
	s24 =	sld [smem:$0x3FFE];
	[sflag:s23] =	ssyncadd.s32 $0xFFFFFFFF  }
0xa5: {  	s26 =	simm.s32 $execute0_lowered;
	[smem:$0x3FD2] =	sst s25  }
0xa6: {  	s4 =	sshll.u32 s26, $0x1;
	_ =	strace $0x80000049;
	[dreg:$0x1] =	wrdreg $0xFFFFFFFF  }
0xa7: {  	s28 =	simm.s32 $_size_execute0_lowered;
	s2 =	sadd.s32 s2, s4;
	[dreg:$0x0] =	wrdreg $0x0  }
0xa8: {  	s4 =	sshll.u32 s28, $0x1;
	[dreg:$0x2] =	wrdreg s2  }
0xa9: {  	[dreg:$0x3] =	wrdreg s4  }
0xaa: {  	[dreg:$0x4] =	wrdreg $0xC0  }
0xab: {  	_ =	task [dreg:s6], $0x5FFFF  }
0xac: {  	[dreg:$0x1] =	wrdreg $0xFFFFFFFF  }
0xad: {  	[dreg:$0x0] =	wrdreg $0x60  }
0xae: {  	[dreg:$0x2] =	wrdreg s24  }
0xaf: {  	[dreg:$0x3] =	wrdreg $0x90000  }
0xb0: {  	[dreg:$0x4] =	wrdreg $0x9  }
0xb1: {  	_ =	task.clear_ibuf [dreg:s6], $0x5FFFF;
	_ =	strace $0x90000049  }
0xb2: {  	s29 =	simm.s32 $0x9;
	_ =	strace $0x8000004B  }
0xb3: {  	_ =	swait.ge [sflag:s29], $0x1  }
0xb4: {  	[sflag:s29] =	ssyncadd.s32 $0xFFFFFFFF  }
0xb5: {  	_ =	strace $0x9000004B  }
0xb6: {  	_ =	sfence  }
0xb7: {  	s30 =	sld [smem:$0x0];
	_ =	sdelay $0x2  }
0xb8: {  	s31 =	sshll.u32 s1, $0xD;
	s1 =	sshrl.u32 s1, $0x2  }
0xb9: {  	s3 =	sand.u32 $0x4000, s31;
	s1 =	sadd.s32 s1, s30  }
0xba: {  	s0 =	sor.u32 s3, s0;
	s1 =	sshll.u32 s1, $0x11  }
0xbb: {  	s0 =	sor.u32 s1, s0  }
0xbc: {  	s0 =	sadd.s32 $0x8F2B, s0  }
0xbd: {  	[sflag:s0] =	ssyncadd.remote.s32 $0x1  }
0xbe: {  	_ =	sfence.sel $0xFFFF  }
0xbf: {  	[dreg:$0x0] =	wrdreg $0xFFFFFFFF;
	(pc) =	sbr.abs _section_cstart, $3  }
0xc0: {  	[dreg:$0x1] =	wrdreg $0xFFFFFFFF  }
0xc1: {  	_ =	task.clear_ibuf [dreg:s6], $0x2FFFF;
	_ =	strace $0x9FFFFFFF  }
0xc2: {  	(tm) =	ssettm $0x7FFFFFFF  }
0xc3: {  	_ =	shalt  }
tec
execute0_lowered:
.L_overlay_start_1:
0x0: {  	(tag) =	ssettag $0x1  }
0x1: {  	s1 =	srdreg.scid;
	s6 =	rddreg [dreg:$0x0]  }
0x2: {  	s0 =	stileid.u32;
	s2 =	rddreg [dreg:$0x1];
	s3 =	simm.s32 $0x0  }
0x3: {  	s22 =	simm.s32 $0x80;
	s23 =	simm.s32 $0x1;
	s24 =	simm.s32 $0x0  }
0x4: {  	s9 =	sand.u32 $0x1, s1;
	s1 =	rddreg [dreg:$0x2];
	s10 =	smul.u32 $0x50000, s0  }
0x5: {  	s29 =	sshll.u32 s0, $0x1;
	[smem:$0x7FF] =	sst s3;
	s12 =	smul.u32 $0x14000, s0  }
0x6: {  	s17 =	sadd.s32 $0x68800, s6;
	s4 =	sor.u32 s9, s29;
	s19 =	smul.u32 $0x140000, s9  }
0x7: {  	_ =	strace $0x8000004A;
	s8 =	ssub.s32 $0x2, s9;
	s5 =	smul.u32 $0x500, s4  }
0x8: {  	s4 =	sadd.s32 $0xE000, s6;
	s30 =	sshrl.u32 s8, $0x1;
	s31 =	sshrl.u32 s10, $0x2  }
0x9: {  	s13 =	sadd.s32 $0x4000, s12;
	s15 =	sadd.s32 $0x8000, s12;
	s16 =	sadd.s32 $0xC000, s12  }
0xa: {  	s20 =	sadd.s32 $0x10000, s12;
	s18 =	ssub.s32 s8, s30;
	s8 =	sadd.s32 s31, s2  }
0xb: {  	s9 =	sadd.s32 s13, s2;
	s10 =	sadd.s32 s15, s2;
	s11 =	sadd.s32 s16, s2  }
0xc: {  	s14 =	sadd.s32 s12, s19;
	s13 =	sadd.s32 s19, s13;
	s12 =	sadd.s32 s20, s2  }
0xd: {  	s15 =	sadd.s32 s19, s15;
	s16 =	sadd.s32 s19, s16;
	s19 =	sadd.s32 s19, s20  }
0xe: {  	s20 =	simm.s32 $0x2800;
	s7 =	sadd.s32 s5, s6;
	s5 =	sadd.s32 $0xD800, s6  }
0xf: {  	s14 =	sshrl.u32 s14, $0x3;
	s21 =	sshrl.u32 s13, $0x3;
	s15 =	sshrl.u32 s15, $0x3  }
0x10: {  	s16 =	sshrl.u32 s16, $0x3;
	s19 =	sshrl.u32 s19, $0x3;
	s18 =	smax.u32 s18, $0x1  }
0x11: {  	s6 =	sadd.s32 $0x5E800, s7;
	s7 =	sadd.s32 $0x3800, s7;
	s13 =	sadd.s32 s17, s14  }
0x12: {  	s14 =	sadd.s32 s17, s21;
	s15 =	sadd.s32 s17, s15;
	s16 =	sadd.s32 s17, s16  }
0x13: {  	s17 =	sadd.s32 s17, s19;
	s19 =	simm.s32 $0x2;
	s21 =	simm.s32 $0x5000  }
.LBB2_1:
0x14: {  	[tilespmem:s3], [sflag:$0x2] =	stream.linear.gather [hbm4b:s6+s3], $0x2780, $0x38;
	[tilespmem:$0x1D000] =	vst v63  }
0x15: {  	_ =	swait.ge [sflag:s19], $0x2780  }
0x16: {  	[sflag:s19] =	ssyncset.done $0x0  }
0x17: {  	[sflag:s19] =	ssyncadd.s32 $0xFFFFD880  }
0x18: {  	[tilespmem:s20], [sflag:$0x2] =	stream.linear.gather [hbm4b:s7+s3], $0x2780, $0x38;
	[tilespmem:$0x1D000] =	vst v63  }
0x19: {  	_ =	swait.ge [sflag:s19], $0x2780  }
0x1a: {  	[sflag:s19] =	ssyncset.done $0x0  }
0x1b: {  	[sflag:s19] =	ssyncadd.s32 $0xFFFFD880  }
0x1c: {  	[tilespmem:s21], [sflag:$0x2] =	stream.linear.gather [hbm4b:s5+s3], $0x4000, $0x38;
	[tilespmem:$0x1D000] =	vst v63  }
0x1d: {  	_ =	swait.ge [sflag:s19], $0x4000  }
0x1e: {  	[sflag:s19] =	ssyncset.done $0x0  }
0x1f: {  	[sflag:s19] =	ssyncadd.s32 $0xFFFFC000  }
0x20: {  	[spmem:s8] =	stream.linear.scatter [tilespmem:s21], [sflag:$0x2], $0x4000, $0x38;
	[tilespmem:$0x1D000] =	vst v63  }
0x21: {  	_ =	swait.ge [sflag:s19], $0x4000  }
0x22: {  	[sflag:s19] =	ssyncset.done $0x0  }
0x23: {  	[sflag:s19] =	ssyncadd.s32 $0xFFFFC000  }
0x24: {  	[spmem:s9] =	stream.linear.scatter [tilespmem:s21], [sflag:$0x2], $0x4000, $0x38;
	[tilespmem:$0x1D000] =	vst v63  }
0x25: {  	_ =	swait.ge [sflag:s19], $0x4000  }
0x26: {  	[sflag:s19] =	ssyncset.done $0x0  }
0x27: {  	[sflag:s19] =	ssyncadd.s32 $0xFFFFC000  }
0x28: {  	[spmem:s10] =	stream.linear.scatter [tilespmem:s21], [sflag:$0x2], $0x4000, $0x38;
	[tilespmem:$0x1D000] =	vst v63  }
0x29: {  	_ =	swait.ge [sflag:s19], $0x4000  }
0x2a: {  	[sflag:s19] =	ssyncset.done $0x0  }
0x2b: {  	[sflag:s19] =	ssyncadd.s32 $0xFFFFC000  }
0x2c: {  	[spmem:s11] =	stream.linear.scatter [tilespmem:s21], [sflag:$0x2], $0x4000, $0x38;
	[tilespmem:$0x1D000] =	vst v63  }
0x2d: {  	_ =	swait.ge [sflag:s19], $0x4000  }
0x2e: {  	[sflag:s19] =	ssyncset.done $0x0  }
0x2f: {  	[sflag:s19] =	ssyncadd.s32 $0xFFFFC000  }
0x30: {  	[spmem:s12] =	stream.linear.scatter [tilespmem:s21], [sflag:$0x2], $0x4000, $0x38;
	[tilespmem:$0x1D000] =	vst v63  }
0x31: {  	_ =	swait.ge [sflag:s19], $0x4000  }
0x32: {  	[sflag:s19] =	ssyncset.done $0x0  }
0x33: {  	[sflag:s19] =	ssyncadd.s32 $0xFFFFC000  }
0x34: {  	s25 =	simm.s32 $0x0;
	[bflag:$0x0] =	sbarrier.arrive $0xFFFF  }
0x35: {  	[tilespmem:s21], [sflag:$0x1] =	stream.indirect.gather [hbm4b:s4+s22], $0x80, s25, s22, $0xb8;
	[tilespmem:$0x1D000] =	vst v63  }
0x36: {  	_ =	swait.ge [sflag:s23], $0x4000  }
0x37: {  	[sflag:s23] =	ssyncset.done $0x0  }
0x38: {  	s31 =	simm.s32 $0x2800;
	[sflag:s23] =	ssyncadd.s32 $0xFFFFC000  }
0x39: {  	[spmem:s2] =	stream.indirect.scatter.add.f32 [tilespmem:s21], [sflag:$0x2], $0x80, s31, s22, $0xb8;
	[tilespmem:$0x1D000] =	vst v63  }
0x3a: {  	_ =	swait.ge [sflag:s19], $0x4000  }
0x3b: {  	s26 =	simm.s32 $0x400;
	s25 =	simm.s32 $0x200;
	[sflag:s19] =	ssyncset.done $0x0  }
.LBB2_2:
0x3c: {  	s28 =	sshra.s32 s25, $0x2  }
0x3d: {  	[sflag:s19] =	ssyncadd.s32 $0xFFFFC000;
	s25 =	smov.u32 s26;
	s29 =	sadd.s32 $0x200, s26  }
0x3e: {  	[tilespmem:s21], [sflag:$0x1] =	stream.indirect.gather [hbm4b:s4+s22], $0x80, s28, s22, $0xb8;
	[tilespmem:$0x1D000] =	vst v63  }
0x3f: {  	p0 =	sne.s32 s26, $0x9C00;
	_ =	swait.ge [sflag:s23], $0x4000  }
.Ltmp0:
0x40: {  	[sflag:s23] =	ssyncset.done $0x0;
	(pc) =	sbr.rel @p0 .LBB2_2-.Ltmp0, $4  }
0x41: {  	s26 =	sadd.s32 $0x2800, s28;
	[sflag:s23] =	ssyncadd.s32 $0xFFFFC000  }
0x42: {  	[spmem:s2] =	stream.indirect.scatter.add.f32 [tilespmem:s21], [sflag:$0x2], $0x80, s26, s22, $0xb8;
	[tilespmem:$0x1D000] =	vst v63  }
0x43: {  	_ =	swait.ge [sflag:s19], $0x4000  }
0x44: {  	s26 =	smov.u32 s29;
	[sflag:s19] =	ssyncset.done $0x0  }
0x45: {  	s25 =	sshra.s32 s25, $0x2;
	[sflag:s19] =	ssyncadd.s32 $0xFFFFC000  }
0x46: {  	[tilespmem:s21], [sflag:$0x1] =	stream.indirect.gather [hbm4b:s4+s22], $0x80, s25, s22, $0xb8;
	[tilespmem:$0x1D000] =	vst v63  }
0x47: {  	_ =	swait.ge [sflag:s23], $0x4000  }
0x48: {  	[sflag:s23] =	ssyncset.done $0x0  }
0x49: {  	s25 =	sadd.s32 $0x2800, s25;
	[sflag:s23] =	ssyncadd.s32 $0xFFFFC000  }
0x4a: {  	[spmem:s2] =	stream.indirect.scatter.add.f32 [tilespmem:s21], [sflag:$0x2], $0x80, s25, s22, $0xb8;
	[tilespmem:$0x1D000] =	vst v63  }
0x4b: {  	_ =	swait.ge [sflag:s19], $0x4000  }
0x4c: {  	[sflag:s19] =	ssyncset.done $0x0  }
0x4d: {  	[sflag:s19] =	ssyncadd.s32 $0xFFFFC000  }
0x4e: {  	[bflag:$0x0] =	sbarrier.arrive $0xFFFF  }
0x4f: {  	[tilespmem:s21], [sflag:$0x2] =	stream.linear.gather [spmem:s8], $0x4000, $0x38;
	[tilespmem:$0x1D000] =	vst v63  }
0x50: {  	_ =	swait.ge [sflag:s19], $0x4000  }
0x51: {  	[sflag:s19] =	ssyncset.done $0x0  }
0x52: {  	[sflag:s19] =	ssyncadd.s32 $0xFFFFC000  }
0x53: {  	[hbm4b:s13+s3] =	stream.linear.scatter [tilespmem:s21], [sflag:$0x2], $0x4000, $0x38;
	[tilespmem:$0x1D000] =	vst v63  }
0x54: {  	_ =	swait.ge [sflag:s19], $0x4000  }
0x55: {  	[sflag:s19] =	ssyncset.done $0x0  }
0x56: {  	[sflag:s19] =	ssyncadd.s32 $0xFFFFC000  }
0x57: {  	[tilespmem:s21], [sflag:$0x2] =	stream.linear.gather [spmem:s9], $0x4000, $0x38;
	[tilespmem:$0x1D000] =	vst v63  }
0x58: {  	_ =	swait.ge [sflag:s19], $0x4000  }
0x59: {  	[sflag:s19] =	ssyncset.done $0x0  }
0x5a: {  	[sflag:s19] =	ssyncadd.s32 $0xFFFFC000  }
0x5b: {  	[hbm4b:s14+s3] =	stream.linear.scatter [tilespmem:s21], [sflag:$0x2], $0x4000, $0x38;
	[tilespmem:$0x1D000] =	vst v63  }
0x5c: {  	_ =	swait.ge [sflag:s19], $0x4000  }
0x5d: {  	[sflag:s19] =	ssyncset.done $0x0  }
0x5e: {  	[sflag:s19] =	ssyncadd.s32 $0xFFFFC000  }
0x5f: {  	[tilespmem:s21], [sflag:$0x2] =	stream.linear.gather [spmem:s10], $0x4000, $0x38;
	[tilespmem:$0x1D000] =	vst v63  }
0x60: {  	_ =	swait.ge [sflag:s19], $0x4000  }
0x61: {  	[sflag:s19] =	ssyncset.done $0x0  }
0x62: {  	[sflag:s19] =	ssyncadd.s32 $0xFFFFC000  }
0x63: {  	[hbm4b:s15+s3] =	stream.linear.scatter [tilespmem:s21], [sflag:$0x2], $0x4000, $0x38;
	[tilespmem:$0x1D000] =	vst v63  }
0x64: {  	_ =	swait.ge [sflag:s19], $0x4000  }
0x65: {  	[sflag:s19] =	ssyncset.done $0x0  }
0x66: {  	[sflag:s19] =	ssyncadd.s32 $0xFFFFC000  }
0x67: {  	[tilespmem:s21], [sflag:$0x2] =	stream.linear.gather [spmem:s11], $0x4000, $0x38;
	[tilespmem:$0x1D000] =	vst v63  }
0x68: {  	_ =	swait.ge [sflag:s19], $0x4000  }
0x69: {  	[sflag:s19] =	ssyncset.done $0x0  }
0x6a: {  	[sflag:s19] =	ssyncadd.s32 $0xFFFFC000  }
0x6b: {  	[hbm4b:s16+s3] =	stream.linear.scatter [tilespmem:s21], [sflag:$0x2], $0x4000, $0x38;
	[tilespmem:$0x1D000] =	vst v63  }
0x6c: {  	_ =	swait.ge [sflag:s19], $0x4000  }
0x6d: {  	[sflag:s19] =	ssyncset.done $0x0  }
0x6e: {  	[sflag:s19] =	ssyncadd.s32 $0xFFFFC000  }
0x6f: {  	[tilespmem:s21], [sflag:$0x2] =	stream.linear.gather [spmem:s12], $0x4000, $0x38;
	[tilespmem:$0x1D000] =	vst v63  }
0x70: {  	s24 =	sadd.s32 $0x1, s24;
	_ =	swait.ge [sflag:s19], $0x4000  }
0x71: {  	p0 =	sne.s32 s24, s18;
	[sflag:s19] =	ssyncset.done $0x0  }
.Ltmp1:
0x72: {  	[sflag:s19] =	ssyncadd.s32 $0xFFFFC000;
	(pc) =	sbr.rel @p0 .LBB2_1-.Ltmp1, $4  }
0x73: {  	[hbm4b:s17+s3] =	stream.linear.scatter [tilespmem:s21], [sflag:$0x2], $0x4000, $0x38;
	[tilespmem:$0x1D000] =	vst v63  }
0x74: {  	_ =	swait.ge [sflag:s19], $0x4000  }
0x75: {  	[sflag:s19] =	ssyncset.done $0x0  }
0x76: {  	[sflag:s19] =	ssyncadd.s32 $0xFFFFC000  }
0x77: {  	_ =	sfence.sel $0x180000  }
0x78: {  	[bflag:$0x0] =	sbarrier.arrive $0xFFFF  }
0x79: {  	p0 =	sne.s32 s0, $0x0;
	_ =	strace $0x9000004A  }
0x7a: {  	s0 =	sadd.s32 @!p0 $0x100000, s1;
	[bflag:$0x2] =	sbarrier.arrive $0xFFFF  }
0x7b: {  	[sflag:s0] =	ssyncadd.tile.s32 @!p0 $0x1;
	_ =	shalt  }
.Lfunc_end2:
_tile_overlayer_lowered:
.L_overlay_start_2:
0x7c: {  	(tag) =	ssettag $0x2  }
0x7d: {  	s0 =	rddreg [dreg:$0x0];
	s2 =	stileid.u32  }
0x7e: {  	s1 =	rddreg [dreg:$0x1];
	p0 =	sne.s32 s2, $0x0  }
0x7f: {  	s3 =	rddreg [dreg:$0x2];
	[bflag:$0x3] =	sbarrier.arrive $0xFFFF;
	s2 =	simm.s32 @!p0 $0x1C02  }
0x80: {  	[timem:s3], [sflag:s2] =	dma.local @!p0 [hbm:s0], s1  }
0x81: {  	s0 =	simm.s32 @!p0 $0x2  }
0x82: {  	_ =	swait.ge @!p0 [sflag:s0], s1  }
0x83: {  	s1 =	ssub.s32 @!p0 $0x0, s1;
	[sflag:s0] =	ssyncset.done @!p0 $0x0  }
0x84: {  	[sflag:s0] =	ssyncadd.s32 @!p0 s1  }
0x85: {  	[bflag:$0x3] =	sbarrier.arrive $0xFFFF  }
0x86: {  	_ =	shalt  }

// kernel: kernel.19.cloned.1.call-start
scs
__scs_entry_jumppad:
0x0: {  	(pc) =	sbr.rel $0x88, $3  }
0x1: {  	(tag) =	ssettag $0x0;
	lr =	simm.s32 $0x1  }
0x2: {  	[smem:$0x3F98] =	sst lr;
	_ =	strace $0xD0000000  }
0x3: {  	_ = 	snop  }
0x4: {  	_ = 	snop  }
0x5: {  	_ = 	snop  }
0x6: {  	_ = 	snop  }
0x7: {  	_ = 	snop  }
__scs_overlays_trampoline_lowered:
0x8: {  	[smem:$0x3FA7] =	sst s0  }
0x9: {  	[smem:$0x3FA8] =	sst s1  }
0xa: {  	[smem:$0x3FA9] =	sst s2  }
0xb: {  	[smem:$0x3FAA] =	sst s3  }
0xc: {  	[smem:$0x3FAB] =	sst s4  }
0xd: {  	[smem:$0x3FAC] =	sst s5  }
0xe: {  	[smem:$0x3FAD] =	sst s6  }
0xf: {  	[smem:$0x3FAE] =	sst s7  }
0x10: {  	[smem:$0x3FAF] =	sst s8  }
0x11: {  	[smem:$0x3FB0] =	sst s9;
	s0 =	simm.s32 @!p0 $0x0  }
0x12: {  	s1 =	sld [smem:$0x3F96];
	s0 =	simm.s32 @p0 $0x1  }
0x13: {  	[smem:$0x3FB1] =	sst s0;
	s0 =	simm.s32 @!p1 $0x0  }
0x14: {  	s2 =	sld [smem:$0x3F95];
	s0 =	simm.s32 @p1 $0x1  }
0x15: {  	[smem:$0x3FB2] =	sst s0;
	s0 =	simm.s32 @!p2 $0x0  }
0x16: {  	s3 =	sld [smem:$0x3FDB];
	s0 =	simm.s32 @p2 $0x1  }
0x17: {  	s4 =	simm.s32 $0x1BF5;
	[smem:$0x3FB4] =	sst s0  }
0x18: {  	s0 =	sld [smem:$0x3F97];
	_ =	swait.ge [sflag:s4], $0x0  }
0x19: {  	s7 =	sld [smem:$0x3F98]  }
0x1a: {  	s8 =	sadd.s32 $0xFFFFE003, lr  }
0x1b: {  	s9 =	sadd.s32 $0xFFFFFEF7, lr;
	s5 =	simm.s32 $0xFFFFFFFF;
	p2 =	slt.u32 s8, $0xFFFFF086  }
0x1c: {  	p1 =	slt.u32 s9, $0xF7A;
	s5 =	simm.s32 @!p2 $0x0  }
0x1d: {  	s5 =	simm.s32 @p1 $0x1;
	p0 =	seq.s32 s7, s2  }
0x1e: {  	s7 =	smul.u32 @!p0 $0xF7A, s2;
	p2 =	seq.s32 @!p0 s5, $0x0  }
0x1f: {  	s9 =	smul.u32 $0xF7A, s1;
	s8 =	simm.s32 @!p0 $0x1BF5;
	p2 =	por !p2, p0  }
0x20: {  	[sflag:s8] =	ssyncset.s32 @!p0 $0xFFFFF086;
	s6 =	sadd.s32 @!p0 s3, s7;
	s7 =	simm.s32 @!p0 $0x108  }
0x21: {  	s3 =	sadd.s32 s3, s9;
	s6 =	sadd.s32 @!p0 $0x88, s6;
	s7 =	simm.s32 @p2 $0x1082  }
0x22: {  	[simem:s7], [sflag:s8] =	dma.local @!p0 [hbm:s6], $0xF7A  }
0x23: {  	s9 =	sor.u32 $0xD0000000, s2;
	s6 =	simm.s32 $0x108;
	_ =	swait.ge @!p0 [sflag:s8], $0x0  }
0x24: {  	s3 =	sadd.s32 $0x88, s3;
	s6 =	simm.s32 @!p1 $0x1082;
	[sflag:s4] =	ssyncset.s32 $0xFFFFF086  }
0x25: {  	[simem:s6], [sflag:s4] =	dma.local [hbm:s3], $0xF7A  }
0x26: {  	[smem:$0x3F98] =	sst s1;
	(tag) =	ssettag s2;
	_ =	strace s9  }
0x27: {  	s1 =	sld [smem:$0x3FA8]  }
0x28: {  	s2 =	sld [smem:$0x3FA9]  }
0x29: {  	s4 =	sld [smem:$0x3FAB]  }
0x2a: {  	p0 =	seq.s32 s5, $0x0;
	s5 =	sld [smem:$0x3FAC]  }
0x2b: {  	s6 =	sld [smem:$0x3FAD]  }
0x2c: {  	s7 =	sld [smem:$0x3FAE]  }
0x2d: {  	s3 =	simm.s32 $0x108;
	s8 =	sld [smem:$0x3FAF]  }
0x2e: {  	s3 =	simm.s32 @!p0 $0x1082;
	s9 =	sld [smem:$0x3FB0]  }
0x2f: {  	lr =	sadd.s32 s0, s3;
	s0 =	sld [smem:$0x3FA7]  }
0x30: {  	s3 =	sld [smem:$0x3FAA]  }
0x31: {  	[smem:$0x3FB3] =	sst s10  }
0x32: {  	s10 =	sld [smem:$0x3FB1];
	_ =	sdelay $0x3  }
0x33: {  	p0 =	seq.s32 s10, $0x1;
	s10 =	sld [smem:$0x3FB3];
	_ =	sdelay $0x3  }
0x34: {  	[smem:$0x3FB3] =	sst s10  }
0x35: {  	s10 =	sld [smem:$0x3FB2];
	_ =	sdelay $0x3  }
0x36: {  	p1 =	seq.s32 s10, $0x1;
	s10 =	sld [smem:$0x3FB3];
	_ =	sdelay $0x3  }
0x37: {  	[smem:$0x3FB3] =	sst s10  }
0x38: {  	s10 =	sld [smem:$0x3FB4]  }
0x39: {  	_ = 	snop;
	(pc) =	sbr.ind lr, $3  }
0x3a: {  	_ = 	snop  }
0x3b: {  	_ = 	snop  }
0x3c: {  	p2 =	seq.s32 s10, $0x1;
	s10 =	sld [smem:$0x3FB3]  }
0x3d: {  	_ =	shalt  }
0x3e: {  	_ =	shalt  }
0x3f: {  	_ =	shalt  }
0x40: {  	_ =	shalt  }
0x41: {  	_ =	shalt  }
0x42: {  	_ =	shalt  }
0x43: {  	_ =	shalt  }
0x44: {  	_ =	shalt  }
0x45: {  	_ =	shalt  }
0x46: {  	_ =	shalt  }
0x47: {  	_ =	shalt  }
0x48: {  	_ =	shalt  }
0x49: {  	_ =	shalt  }
0x4a: {  	_ =	shalt  }
0x4b: {  	_ =	shalt  }
0x4c: {  	_ =	shalt  }
0x4d: {  	_ =	shalt  }
0x4e: {  	_ =	shalt  }
0x4f: {  	_ =	shalt  }
0x50: {  	_ =	shalt  }
0x51: {  	_ =	shalt  }
0x52: {  	_ =	shalt  }
0x53: {  	_ =	shalt  }
0x54: {  	_ =	shalt  }
0x55: {  	_ =	shalt  }
0x56: {  	_ =	shalt  }
0x57: {  	_ =	shalt  }
0x58: {  	_ =	shalt  }
0x59: {  	_ =	shalt  }
0x5a: {  	_ =	shalt  }
0x5b: {  	_ =	shalt  }
0x5c: {  	_ =	shalt  }
0x5d: {  	_ =	shalt  }
0x5e: {  	_ =	shalt  }
0x5f: {  	_ =	shalt  }
0x60: {  	_ =	shalt  }
0x61: {  	_ =	shalt  }
0x62: {  	_ =	shalt  }
0x63: {  	_ =	shalt  }
0x64: {  	_ =	shalt  }
0x65: {  	_ =	shalt  }
0x66: {  	_ =	shalt  }
0x67: {  	_ =	shalt  }
0x68: {  	_ =	shalt  }
0x69: {  	_ =	shalt  }
0x6a: {  	_ =	shalt  }
0x6b: {  	_ =	shalt  }
0x6c: {  	_ =	shalt  }
0x6d: {  	_ =	shalt  }
0x6e: {  	_ =	shalt  }
0x6f: {  	_ =	shalt  }
0x70: {  	_ =	shalt  }
0x71: {  	_ =	shalt  }
0x72: {  	_ =	shalt  }
0x73: {  	_ =	shalt  }
0x74: {  	_ =	shalt  }
0x75: {  	_ =	shalt  }
0x76: {  	_ =	shalt  }
0x77: {  	_ =	shalt  }
0x78: {  	_ =	shalt  }
0x79: {  	_ =	shalt  }
0x7a: {  	_ =	shalt  }
0x7b: {  	_ =	shalt  }
0x7c: {  	_ =	shalt  }
0x7d: {  	_ =	shalt  }
0x7e: {  	_ =	shalt  }
0x7f: {  	_ =	shalt  }
0x80: {  	_ =	shalt  }
0x81: {  	_ =	shalt  }
0x82: {  	_ =	shalt  }
0x83: {  	_ =	shalt  }
0x84: {  	_ =	shalt  }
0x85: {  	_ =	shalt  }
0x86: {  	_ =	shalt  }
0x87: {  	_ =	shalt  }
.Lfunc_end0:
.L_simem_size_0:
called_computation.2_lowered:
.L_overlay_start_0:
0x88: {  	s2 =	sld [smem:$0x3FD9]  }
0x89: {  	s3 =	sld [smem:$0x3FFE];
	_ =	sdelay $0x1  }
0x8a: {  	s1 =	srdreg.scid  }
0x8b: {  	s0 =	sand.u32 $0x1, s1  }
0x8c: {  	s16 =	sshll.u32 s0, $0xA;
	s2 =	sadd.s32 s3, s2  }
0x8d: {  	s2 =	sadd.s32 s2, s16  }
0x8e: {  	[smem:$0x3FBF] =	sst s2  }
0x8f: {  	_ = 	snop  }
0x90: {  	(tm) =	ssettm $0x1  }
0x91: {  	s17 =	sld [smem:$0x3FFB];
	_ =	sdelay $0x3  }
0x92: {  	_ =	strace s17  }
0x93: {  	s2 =	sld [smem:$0x3FFC];
	_ =	sdelay $0x3  }
0x94: {  	_ =	strace s2  }
0x95: {  	s2 =	sld [smem:$0x3FFD];
	_ =	sdelay $0x3  }
0x96: {  	_ =	strace s2  }
0x97: {  	_ =	strace $0x8FFFFFFF  }
0x98: {  	s18 =	sld [smem:$0x3FDB];
	_ =	sdelay $0x1  }
0x99: {  	s19 =	simm.s32 $_scs_section_size  }
0x9a: {  	s4 =	simm.s32 $_size__tile_overlayer_lowered;
	s5 =	simm.s32 $_tile_overlayer_lowered  }
0x9b: {  	s22 =	simm.s32 $0x1BFF;
	s21 =	sshll.u32 s5, $0x1;
	s2 =	sadd.s32 s19, s18  }
0x9c: {  	s6 =	simm.s32 $0x0;
	s20 =	sshll.u32 s4, $0x1;
	s4 =	sadd.s32 s21, s2  }
0x9d: {  	[timem:s6], [sflag:s22] =	dma.local [hbm:s4], s20  }
0x9e: {  	_ =	swait.ge [sflag:s22], s20  }
0x9f: {  	s3 =	ssub.s32 $0x0, s20;
	[sflag:s22] =	ssyncset.done $0x0  }
0xa0: {  	[sflag:s22] =	ssyncadd.s32 s3;
	_ =	sdelay $0x1  }
0xa1: {  	s23 =	simm.s32 $0x1B8B  }
0xa2: {  	_ =	swait.ge [sflag:s23], $0x1  }
0xa3: {  	[sflag:s23] =	ssyncset.done $0x0  }
0xa4: {  	s25 =	simm.s32 $0x1B8E;
	s24 =	sld [smem:$0x3FFE];
	[sflag:s23] =	ssyncadd.s32 $0xFFFFFFFF  }
0xa5: {  	s26 =	simm.s32 $execute0_lowered;
	[smem:$0x3FD2] =	sst s25  }
0xa6: {  	s4 =	sshll.u32 s26, $0x1;
	_ =	strace $0x8000004C;
	[dreg:$0x1] =	wrdreg $0xFFFFFFFF  }
0xa7: {  	s28 =	simm.s32 $_size_execute0_lowered;
	s2 =	sadd.s32 s2, s4;
	[dreg:$0x0] =	wrdreg $0x0  }
0xa8: {  	s4 =	sshll.u32 s28, $0x1;
	[dreg:$0x2] =	wrdreg s2  }
0xa9: {  	[dreg:$0x3] =	wrdreg s4  }
0xaa: {  	[dreg:$0x4] =	wrdreg $0xC0  }
0xab: {  	_ =	task [dreg:s6], $0x5FFFF  }
0xac: {  	[dreg:$0x1] =	wrdreg $0xFFFFFFFF  }
0xad: {  	[dreg:$0x0] =	wrdreg $0x60  }
0xae: {  	[dreg:$0x2] =	wrdreg s24  }
0xaf: {  	[dreg:$0x3] =	wrdreg $0x90000  }
0xb0: {  	[dreg:$0x4] =	wrdreg $0x9  }
0xb1: {  	_ =	task.clear_ibuf [dreg:s6], $0x5FFFF;
	_ =	strace $0x9000004C  }
0xb2: {  	s29 =	simm.s32 $0x9;
	_ =	strace $0x8000004E  }
0xb3: {  	_ =	swait.ge [sflag:s29], $0x1  }
0xb4: {  	[sflag:s29] =	ssyncadd.s32 $0xFFFFFFFF  }
0xb5: {  	_ =	strace $0x9000004E  }
0xb6: {  	_ =	sfence  }
0xb7: {  	s30 =	sld [smem:$0x0];
	_ =	sdelay $0x2  }
0xb8: {  	s31 =	sshll.u32 s1, $0xD;
	s1 =	sshrl.u32 s1, $0x2  }
0xb9: {  	s3 =	sand.u32 $0x4000, s31;
	s1 =	sadd.s32 s1, s30  }
0xba: {  	s0 =	sor.u32 s3, s0;
	s1 =	sshll.u32 s1, $0x11  }
0xbb: {  	s0 =	sor.u32 s1, s0  }
0xbc: {  	s0 =	sadd.s32 $0x8F2B, s0  }
0xbd: {  	[sflag:s0] =	ssyncadd.remote.s32 $0x1  }
0xbe: {  	_ =	sfence.sel $0xFFFF  }
0xbf: {  	[dreg:$0x0] =	wrdreg $0xFFFFFFFF;
	(pc) =	sbr.abs _section_cstart, $3  }
0xc0: {  	[dreg:$0x1] =	wrdreg $0xFFFFFFFF  }
0xc1: {  	_ =	task.clear_ibuf [dreg:s6], $0x2FFFF;
	_ =	strace $0x9FFFFFFF  }
0xc2: {  	(tm) =	ssettm $0x7FFFFFFF  }
0xc3: {  	_ =	shalt  }
tec
execute0_lowered:
.L_overlay_start_1:
0x0: {  	(tag) =	ssettag $0x1  }
0x1: {  	s1 =	srdreg.scid;
	s6 =	rddreg [dreg:$0x0]  }
0x2: {  	s0 =	stileid.u32;
	s2 =	rddreg [dreg:$0x1];
	s3 =	simm.s32 $0x0  }
0x3: {  	s22 =	simm.s32 $0x80;
	s23 =	simm.s32 $0x1;
	s24 =	simm.s32 $0x0  }
0x4: {  	s9 =	sand.u32 $0x1, s1;
	s1 =	rddreg [dreg:$0x2];
	s10 =	smul.u32 $0x50000, s0  }
0x5: {  	s29 =	sshll.u32 s0, $0x1;
	[smem:$0x7FF] =	sst s3;
	s12 =	smul.u32 $0x14000, s0  }
0x6: {  	s17 =	sadd.s32 $0x68800, s6;
	s4 =	sor.u32 s9, s29;
	s19 =	smul.u32 $0x140000, s9  }
0x7: {  	_ =	strace $0x8000004D;
	s8 =	ssub.s32 $0x2, s9;
	s5 =	smul.u32 $0x500, s4  }
0x8: {  	s4 =	sadd.s32 $0xE000, s6;
	s30 =	sshrl.u32 s8, $0x1;
	s31 =	sshrl.u32 s10, $0x2  }
0x9: {  	s13 =	sadd.s32 $0x4000, s12;
	s15 =	sadd.s32 $0x8000, s12;
	s16 =	sadd.s32 $0xC000, s12  }
0xa: {  	s20 =	sadd.s32 $0x10000, s12;
	s18 =	ssub.s32 s8, s30;
	s8 =	sadd.s32 s31, s2  }
0xb: {  	s9 =	sadd.s32 s13, s2;
	s10 =	sadd.s32 s15, s2;
	s11 =	sadd.s32 s16, s2  }
0xc: {  	s14 =	sadd.s32 s12, s19;
	s13 =	sadd.s32 s19, s13;
	s12 =	sadd.s32 s20, s2  }
0xd: {  	s15 =	sadd.s32 s19, s15;
	s16 =	sadd.s32 s19, s16;
	s19 =	sadd.s32 s19, s20  }
0xe: {  	s20 =	simm.s32 $0x2800;
	s7 =	sadd.s32 s5, s6;
	s5 =	sadd.s32 $0xD800, s6  }
0xf: {  	s14 =	sshrl.u32 s14, $0x3;
	s21 =	sshrl.u32 s13, $0x3;
	s15 =	sshrl.u32 s15, $0x3  }
0x10: {  	s16 =	sshrl.u32 s16, $0x3;
	s19 =	sshrl.u32 s19, $0x3;
	s18 =	smax.u32 s18, $0x1  }
0x11: {  	s6 =	sadd.s32 $0x5E800, s7;
	s7 =	sadd.s32 $0x3800, s7;
	s13 =	sadd.s32 s17, s14  }
0x12: {  	s14 =	sadd.s32 s17, s21;
	s15 =	sadd.s32 s17, s15;
	s16 =	sadd.s32 s17, s16  }
0x13: {  	s17 =	sadd.s32 s17, s19;
	s19 =	simm.s32 $0x2;
	s21 =	simm.s32 $0x5000  }
.LBB2_1:
0x14: {  	[tilespmem:s3], [sflag:$0x2] =	stream.linear.gather [hbm4b:s6+s3], $0x2780, $0x38;
	[tilespmem:$0x1D000] =	vst v63  }
0x15: {  	_ =	swait.ge [sflag:s19], $0x2780  }
0x16: {  	[sflag:s19] =	ssyncset.done $0x0  }
0x17: {  	[sflag:s19] =	ssyncadd.s32 $0xFFFFD880  }
0x18: {  	[tilespmem:s20], [sflag:$0x2] =	stream.linear.gather [hbm4b:s7+s3], $0x2780, $0x38;
	[tilespmem:$0x1D000] =	vst v63  }
0x19: {  	_ =	swait.ge [sflag:s19], $0x2780  }
0x1a: {  	[sflag:s19] =	ssyncset.done $0x0  }
0x1b: {  	[sflag:s19] =	ssyncadd.s32 $0xFFFFD880  }
0x1c: {  	[tilespmem:s21], [sflag:$0x2] =	stream.linear.gather [hbm4b:s5+s3], $0x4000, $0x38;
	[tilespmem:$0x1D000] =	vst v63  }
0x1d: {  	_ =	swait.ge [sflag:s19], $0x4000  }
0x1e: {  	[sflag:s19] =	ssyncset.done $0x0  }
0x1f: {  	[sflag:s19] =	ssyncadd.s32 $0xFFFFC000  }
0x20: {  	[spmem:s8] =	stream.linear.scatter [tilespmem:s21], [sflag:$0x2], $0x4000, $0x38;
	[tilespmem:$0x1D000] =	vst v63  }
0x21: {  	_ =	swait.ge [sflag:s19], $0x4000  }
0x22: {  	[sflag:s19] =	ssyncset.done $0x0  }
0x23: {  	[sflag:s19] =	ssyncadd.s32 $0xFFFFC000  }
0x24: {  	[spmem:s9] =	stream.linear.scatter [tilespmem:s21], [sflag:$0x2], $0x4000, $0x38;
	[tilespmem:$0x1D000] =	vst v63  }
0x25: {  	_ =	swait.ge [sflag:s19], $0x4000  }
0x26: {  	[sflag:s19] =	ssyncset.done $0x0  }
0x27: {  	[sflag:s19] =	ssyncadd.s32 $0xFFFFC000  }
0x28: {  	[spmem:s10] =	stream.linear.scatter [tilespmem:s21], [sflag:$0x2], $0x4000, $0x38;
	[tilespmem:$0x1D000] =	vst v63  }
0x29: {  	_ =	swait.ge [sflag:s19], $0x4000  }
0x2a: {  	[sflag:s19] =	ssyncset.done $0x0  }
0x2b: {  	[sflag:s19] =	ssyncadd.s32 $0xFFFFC000  }
0x2c: {  	[spmem:s11] =	stream.linear.scatter [tilespmem:s21], [sflag:$0x2], $0x4000, $0x38;
	[tilespmem:$0x1D000] =	vst v63  }
0x2d: {  	_ =	swait.ge [sflag:s19], $0x4000  }
0x2e: {  	[sflag:s19] =	ssyncset.done $0x0  }
0x2f: {  	[sflag:s19] =	ssyncadd.s32 $0xFFFFC000  }
0x30: {  	[spmem:s12] =	stream.linear.scatter [tilespmem:s21], [sflag:$0x2], $0x4000, $0x38;
	[tilespmem:$0x1D000] =	vst v63  }
0x31: {  	_ =	swait.ge [sflag:s19], $0x4000  }
0x32: {  	[sflag:s19] =	ssyncset.done $0x0  }
0x33: {  	[sflag:s19] =	ssyncadd.s32 $0xFFFFC000  }
0x34: {  	s25 =	simm.s32 $0x0;
	[bflag:$0x0] =	sbarrier.arrive $0xFFFF  }
0x35: {  	[tilespmem:s21], [sflag:$0x1] =	stream.indirect.gather [hbm4b:s4+s22], $0x80, s25, s22, $0xb8;
	[tilespmem:$0x1D000] =	vst v63  }
0x36: {  	_ =	swait.ge [sflag:s23], $0x4000  }
0x37: {  	[sflag:s23] =	ssyncset.done $0x0  }
0x38: {  	s31 =	simm.s32 $0x2800;
	[sflag:s23] =	ssyncadd.s32 $0xFFFFC000  }
0x39: {  	[spmem:s2] =	stream.indirect.scatter.add.f32 [tilespmem:s21], [sflag:$0x2], $0x80, s31, s22, $0xb8;
	[tilespmem:$0x1D000] =	vst v63  }
0x3a: {  	_ =	swait.ge [sflag:s19], $0x4000  }
0x3b: {  	s26 =	simm.s32 $0x400;
	s25 =	simm.s32 $0x200;
	[sflag:s19] =	ssyncset.done $0x0  }
.LBB2_2:
0x3c: {  	s28 =	sshra.s32 s25, $0x2  }
0x3d: {  	[sflag:s19] =	ssyncadd.s32 $0xFFFFC000;
	s25 =	smov.u32 s26;
	s29 =	sadd.s32 $0x200, s26  }
0x3e: {  	[tilespmem:s21], [sflag:$0x1] =	stream.indirect.gather [hbm4b:s4+s22], $0x80, s28, s22, $0xb8;
	[tilespmem:$0x1D000] =	vst v63  }
0x3f: {  	p0 =	sne.s32 s26, $0x9C00;
	_ =	swait.ge [sflag:s23], $0x4000  }
.Ltmp0:
0x40: {  	[sflag:s23] =	ssyncset.done $0x0;
	(pc) =	sbr.rel @p0 .LBB2_2-.Ltmp0, $4  }
0x41: {  	s26 =	sadd.s32 $0x2800, s28;
	[sflag:s23] =	ssyncadd.s32 $0xFFFFC000  }
0x42: {  	[spmem:s2] =	stream.indirect.scatter.add.f32 [tilespmem:s21], [sflag:$0x2], $0x80, s26, s22, $0xb8;
	[tilespmem:$0x1D000] =	vst v63  }
0x43: {  	_ =	swait.ge [sflag:s19], $0x4000  }
0x44: {  	s26 =	smov.u32 s29;
	[sflag:s19] =	ssyncset.done $0x0  }
0x45: {  	s25 =	sshra.s32 s25, $0x2;
	[sflag:s19] =	ssyncadd.s32 $0xFFFFC000  }
0x46: {  	[tilespmem:s21], [sflag:$0x1] =	stream.indirect.gather [hbm4b:s4+s22], $0x80, s25, s22, $0xb8;
	[tilespmem:$0x1D000] =	vst v63  }
0x47: {  	_ =	swait.ge [sflag:s23], $0x4000  }
0x48: {  	[sflag:s23] =	ssyncset.done $0x0  }
0x49: {  	s25 =	sadd.s32 $0x2800, s25;
	[sflag:s23] =	ssyncadd.s32 $0xFFFFC000  }
0x4a: {  	[spmem:s2] =	stream.indirect.scatter.add.f32 [tilespmem:s21], [sflag:$0x2], $0x80, s25, s22, $0xb8;
	[tilespmem:$0x1D000] =	vst v63  }
0x4b: {  	_ =	swait.ge [sflag:s19], $0x4000  }
0x4c: {  	[sflag:s19] =	ssyncset.done $0x0  }
0x4d: {  	[sflag:s19] =	ssyncadd.s32 $0xFFFFC000  }
0x4e: {  	[bflag:$0x0] =	sbarrier.arrive $0xFFFF  }
0x4f: {  	[tilespmem:s21], [sflag:$0x2] =	stream.linear.gather [spmem:s8], $0x4000, $0x38;
	[tilespmem:$0x1D000] =	vst v63  }
0x50: {  	_ =	swait.ge [sflag:s19], $0x4000  }
0x51: {  	[sflag:s19] =	ssyncset.done $0x0  }
0x52: {  	[sflag:s19] =	ssyncadd.s32 $0xFFFFC000  }
0x53: {  	[hbm4b:s13+s3] =	stream.linear.scatter [tilespmem:s21], [sflag:$0x2], $0x4000, $0x38;
	[tilespmem:$0x1D000] =	vst v63  }
0x54: {  	_ =	swait.ge [sflag:s19], $0x4000  }
0x55: {  	[sflag:s19] =	ssyncset.done $0x0  }
0x56: {  	[sflag:s19] =	ssyncadd.s32 $0xFFFFC000  }
0x57: {  	[tilespmem:s21], [sflag:$0x2] =	stream.linear.gather [spmem:s9], $0x4000, $0x38;
	[tilespmem:$0x1D000] =	vst v63  }
0x58: {  	_ =	swait.ge [sflag:s19], $0x4000  }
0x59: {  	[sflag:s19] =	ssyncset.done $0x0  }
0x5a: {  	[sflag:s19] =	ssyncadd.s32 $0xFFFFC000  }
0x5b: {  	[hbm4b:s14+s3] =	stream.linear.scatter [tilespmem:s21], [sflag:$0x2], $0x4000, $0x38;
	[tilespmem:$0x1D000] =	vst v63  }
0x5c: {  	_ =	swait.ge [sflag:s19], $0x4000  }
0x5d: {  	[sflag:s19] =	ssyncset.done $0x0  }
0x5e: {  	[sflag:s19] =	ssyncadd.s32 $0xFFFFC000  }
0x5f: {  	[tilespmem:s21], [sflag:$0x2] =	stream.linear.gather [spmem:s10], $0x4000, $0x38;
	[tilespmem:$0x1D000] =	vst v63  }
0x60: {  	_ =	swait.ge [sflag:s19], $0x4000  }
0x61: {  	[sflag:s19] =	ssyncset.done $0x0  }
0x62: {  	[sflag:s19] =	ssyncadd.s32 $0xFFFFC000  }
0x63: {  	[hbm4b:s15+s3] =	stream.linear.scatter [tilespmem:s21], [sflag:$0x2], $0x4000, $0x38;
	[tilespmem:$0x1D000] =	vst v63  }
0x64: {  	_ =	swait.ge [sflag:s19], $0x4000  }
0x65: {  	[sflag:s19] =	ssyncset.done $0x0  }
0x66: {  	[sflag:s19] =	ssyncadd.s32 $0xFFFFC000  }
0x67: {  	[tilespmem:s21], [sflag:$0x2] =	stream.linear.gather [spmem:s11], $0x4000, $0x38;
	[tilespmem:$0x1D000] =	vst v63  }
0x68: {  	_ =	swait.ge [sflag:s19], $0x4000  }
0x69: {  	[sflag:s19] =	ssyncset.done $0x0  }
0x6a: {  	[sflag:s19] =	ssyncadd.s32 $0xFFFFC000  }
0x6b: {  	[hbm4b:s16+s3] =	stream.linear.scatter [tilespmem:s21], [sflag:$0x2], $0x4000, $0x38;
	[tilespmem:$0x1D000] =	vst v63  }
0x6c: {  	_ =	swait.ge [sflag:s19], $0x4000  }
0x6d: {  	[sflag:s19] =	ssyncset.done $0x0  }
0x6e: {  	[sflag:s19] =	ssyncadd.s32 $0xFFFFC000  }
0x6f: {  	[tilespmem:s21], [sflag:$0x2] =	stream.linear.gather [spmem:s12], $0x4000, $0x38;
	[tilespmem:$0x1D000] =	vst v63  }
0x70: {  	s24 =	sadd.s32 $0x1, s24;
	_ =	swait.ge [sflag:s19], $0x4000  }
0x71: {  	p0 =	sne.s32 s24, s18;
	[sflag:s19] =	ssyncset.done $0x0  }
.Ltmp1:
0x72: {  	[sflag:s19] =	ssyncadd.s32 $0xFFFFC000;
	(pc) =	sbr.rel @p0 .LBB2_1-.Ltmp1, $4  }
0x73: {  	[hbm4b:s17+s3] =	stream.linear.scatter [tilespmem:s21], [sflag:$0x2], $0x4000, $0x38;
	[tilespmem:$0x1D000] =	vst v63  }
0x74: {  	_ =	swait.ge [sflag:s19], $0x4000  }
0x75: {  	[sflag:s19] =	ssyncset.done $0x0  }
0x76: {  	[sflag:s19] =	ssyncadd.s32 $0xFFFFC000  }
0x77: {  	_ =	sfence.sel $0x180000  }
0x78: {  	[bflag:$0x0] =	sbarrier.arrive $0xFFFF  }
0x79: {  	p0 =	sne.s32 s0, $0x0;
	_ =	strace $0x9000004D  }
0x7a: {  	s0 =	sadd.s32 @!p0 $0x100000, s1;
	[bflag:$0x2] =	sbarrier.arrive $0xFFFF  }
0x7b: {  	[sflag:s0] =	ssyncadd.tile.s32 @!p0 $0x1;
	_ =	shalt  }
.Lfunc_end2:
_tile_overlayer_lowered:
.L_overlay_start_2:
0x7c: {  	(tag) =	ssettag $0x2  }
0x7d: {  	s0 =	rddreg [dreg:$0x0];
	s2 =	stileid.u32  }
0x7e: {  	s1 =	rddreg [dreg:$0x1];
	p0 =	sne.s32 s2, $0x0  }
0x7f: {  	s3 =	rddreg [dreg:$0x2];
	[bflag:$0x3] =	sbarrier.arrive $0xFFFF;
	s2 =	simm.s32 @!p0 $0x1C02  }
0x80: {  	[timem:s3], [sflag:s2] =	dma.local @!p0 [hbm:s0], s1  }
0x81: {  	s0 =	simm.s32 @!p0 $0x2  }
0x82: {  	_ =	swait.ge @!p0 [sflag:s0], s1  }
0x83: {  	s1 =	ssub.s32 @!p0 $0x0, s1;
	[sflag:s0] =	ssyncset.done @!p0 $0x0  }
0x84: {  	[sflag:s0] =	ssyncadd.s32 @!p0 s1  }
0x85: {  	[bflag:$0x3] =	sbarrier.arrive $0xFFFF  }
0x86: {  	_ =	shalt  }

// kernel: kernel.22.cloned.1.call-start
scs
__scs_entry_jumppad:
0x0: {  	(pc) =	sbr.rel $0x88, $3  }
0x1: {  	(tag) =	ssettag $0x0;
	lr =	simm.s32 $0x1  }
0x2: {  	[smem:$0x3F98] =	sst lr;
	_ =	strace $0xD0000000  }
0x3: {  	_ = 	snop  }
0x4: {  	_ = 	snop  }
0x5: {  	_ = 	snop  }
0x6: {  	_ = 	snop  }
0x7: {  	_ = 	snop  }
__scs_overlays_trampoline_lowered:
0x8: {  	[smem:$0x3FA7] =	sst s0  }
0x9: {  	[smem:$0x3FA8] =	sst s1  }
0xa: {  	[smem:$0x3FA9] =	sst s2  }
0xb: {  	[smem:$0x3FAA] =	sst s3  }
0xc: {  	[smem:$0x3FAB] =	sst s4  }
0xd: {  	[smem:$0x3FAC] =	sst s5  }
0xe: {  	[smem:$0x3FAD] =	sst s6  }
0xf: {  	[smem:$0x3FAE] =	sst s7  }
0x10: {  	[smem:$0x3FAF] =	sst s8  }
0x11: {  	[smem:$0x3FB0] =	sst s9;
	s0 =	simm.s32 @!p0 $0x0  }
0x12: {  	s1 =	sld [smem:$0x3F96];
	s0 =	simm.s32 @p0 $0x1  }
0x13: {  	[smem:$0x3FB1] =	sst s0;
	s0 =	simm.s32 @!p1 $0x0  }
0x14: {  	s2 =	sld [smem:$0x3F95];
	s0 =	simm.s32 @p1 $0x1  }
0x15: {  	[smem:$0x3FB2] =	sst s0;
	s0 =	simm.s32 @!p2 $0x0  }
0x16: {  	s3 =	sld [smem:$0x3FDB];
	s0 =	simm.s32 @p2 $0x1  }
0x17: {  	s4 =	simm.s32 $0x1BF5;
	[smem:$0x3FB4] =	sst s0  }
0x18: {  	s0 =	sld [smem:$0x3F97];
	_ =	swait.ge [sflag:s4], $0x0  }
0x19: {  	s7 =	sld [smem:$0x3F98]  }
0x1a: {  	s8 =	sadd.s32 $0xFFFFE003, lr  }
0x1b: {  	s9 =	sadd.s32 $0xFFFFFEF7, lr;
	s5 =	simm.s32 $0xFFFFFFFF;
	p2 =	slt.u32 s8, $0xFFFFF086  }
0x1c: {  	p1 =	slt.u32 s9, $0xF7A;
	s5 =	simm.s32 @!p2 $0x0  }
0x1d: {  	s5 =	simm.s32 @p1 $0x1;
	p0 =	seq.s32 s7, s2  }
0x1e: {  	s7 =	smul.u32 @!p0 $0xF7A, s2;
	p2 =	seq.s32 @!p0 s5, $0x0  }
0x1f: {  	s9 =	smul.u32 $0xF7A, s1;
	s8 =	simm.s32 @!p0 $0x1BF5;
	p2 =	por !p2, p0  }
0x20: {  	[sflag:s8] =	ssyncset.s32 @!p0 $0xFFFFF086;
	s6 =	sadd.s32 @!p0 s3, s7;
	s7 =	simm.s32 @!p0 $0x108  }
0x21: {  	s3 =	sadd.s32 s3, s9;
	s6 =	sadd.s32 @!p0 $0x88, s6;
	s7 =	simm.s32 @p2 $0x1082  }
0x22: {  	[simem:s7], [sflag:s8] =	dma.local @!p0 [hbm:s6], $0xF7A  }
0x23: {  	s9 =	sor.u32 $0xD0000000, s2;
	s6 =	simm.s32 $0x108;
	_ =	swait.ge @!p0 [sflag:s8], $0x0  }
0x24: {  	s3 =	sadd.s32 $0x88, s3;
	s6 =	simm.s32 @!p1 $0x1082;
	[sflag:s4] =	ssyncset.s32 $0xFFFFF086  }
0x25: {  	[simem:s6], [sflag:s4] =	dma.local [hbm:s3], $0xF7A  }
0x26: {  	[smem:$0x3F98] =	sst s1;
	(tag) =	ssettag s2;
	_ =	strace s9  }
0x27: {  	s1 =	sld [smem:$0x3FA8]  }
0x28: {  	s2 =	sld [smem:$0x3FA9]  }
0x29: {  	s4 =	sld [smem:$0x3FAB]  }
0x2a: {  	p0 =	seq.s32 s5, $0x0;
	s5 =	sld [smem:$0x3FAC]  }
0x2b: {  	s6 =	sld [smem:$0x3FAD]  }
0x2c: {  	s7 =	sld [smem:$0x3FAE]  }
0x2d: {  	s3 =	simm.s32 $0x108;
	s8 =	sld [smem:$0x3FAF]  }
0x2e: {  	s3 =	simm.s32 @!p0 $0x1082;
	s9 =	sld [smem:$0x3FB0]  }
0x2f: {  	lr =	sadd.s32 s0, s3;
	s0 =	sld [smem:$0x3FA7]  }
0x30: {  	s3 =	sld [smem:$0x3FAA]  }
0x31: {  	[smem:$0x3FB3] =	sst s10  }
0x32: {  	s10 =	sld [smem:$0x3FB1];
	_ =	sdelay $0x3  }
0x33: {  	p0 =	seq.s32 s10, $0x1;
	s10 =	sld [smem:$0x3FB3];
	_ =	sdelay $0x3  }
0x34: {  	[smem:$0x3FB3] =	sst s10  }
0x35: {  	s10 =	sld [smem:$0x3FB2];
	_ =	sdelay $0x3  }
0x36: {  	p1 =	seq.s32 s10, $0x1;
	s10 =	sld [smem:$0x3FB3];
	_ =	sdelay $0x3  }
0x37: {  	[smem:$0x3FB3] =	sst s10  }
0x38: {  	s10 =	sld [smem:$0x3FB4]  }
0x39: {  	_ = 	snop;
	(pc) =	sbr.ind lr, $3  }
0x3a: {  	_ = 	snop  }
0x3b: {  	_ = 	snop  }
0x3c: {  	p2 =	seq.s32 s10, $0x1;
	s10 =	sld [smem:$0x3FB3]  }
0x3d: {  	_ =	shalt  }
0x3e: {  	_ =	shalt  }
0x3f: {  	_ =	shalt  }
0x40: {  	_ =	shalt  }
0x41: {  	_ =	shalt  }
0x42: {  	_ =	shalt  }
0x43: {  	_ =	shalt  }
0x44: {  	_ =	shalt  }
0x45: {  	_ =	shalt  }
0x46: {  	_ =	shalt  }
0x47: {  	_ =	shalt  }
0x48: {  	_ =	shalt  }
0x49: {  	_ =	shalt  }
0x4a: {  	_ =	shalt  }
0x4b: {  	_ =	shalt  }
0x4c: {  	_ =	shalt  }
0x4d: {  	_ =	shalt  }
0x4e: {  	_ =	shalt  }
0x4f: {  	_ =	shalt  }
0x50: {  	_ =	shalt  }
0x51: {  	_ =	shalt  }
0x52: {  	_ =	shalt  }
0x53: {  	_ =	shalt  }
0x54: {  	_ =	shalt  }
0x55: {  	_ =	shalt  }
0x56: {  	_ =	shalt  }
0x57: {  	_ =	shalt  }
0x58: {  	_ =	shalt  }
0x59: {  	_ =	shalt  }
0x5a: {  	_ =	shalt  }
0x5b: {  	_ =	shalt  }
0x5c: {  	_ =	shalt  }
0x5d: {  	_ =	shalt  }
0x5e: {  	_ =	shalt  }
0x5f: {  	_ =	shalt  }
0x60: {  	_ =	shalt  }
0x61: {  	_ =	shalt  }
0x62: {  	_ =	shalt  }
0x63: {  	_ =	shalt  }
0x64: {  	_ =	shalt  }
0x65: {  	_ =	shalt  }
0x66: {  	_ =	shalt  }
0x67: {  	_ =	shalt  }
0x68: {  	_ =	shalt  }
0x69: {  	_ =	shalt  }
0x6a: {  	_ =	shalt  }
0x6b: {  	_ =	shalt  }
0x6c: {  	_ =	shalt  }
0x6d: {  	_ =	shalt  }
0x6e: {  	_ =	shalt  }
0x6f: {  	_ =	shalt  }
0x70: {  	_ =	shalt  }
0x71: {  	_ =	shalt  }
0x72: {  	_ =	shalt  }
0x73: {  	_ =	shalt  }
0x74: {  	_ =	shalt  }
0x75: {  	_ =	shalt  }
0x76: {  	_ =	shalt  }
0x77: {  	_ =	shalt  }
0x78: {  	_ =	shalt  }
0x79: {  	_ =	shalt  }
0x7a: {  	_ =	shalt  }
0x7b: {  	_ =	shalt  }
0x7c: {  	_ =	shalt  }
0x7d: {  	_ =	shalt  }
0x7e: {  	_ =	shalt  }
0x7f: {  	_ =	shalt  }
0x80: {  	_ =	shalt  }
0x81: {  	_ =	shalt  }
0x82: {  	_ =	shalt  }
0x83: {  	_ =	shalt  }
0x84: {  	_ =	shalt  }
0x85: {  	_ =	shalt  }
0x86: {  	_ =	shalt  }
0x87: {  	_ =	shalt  }
.Lfunc_end0:
.L_simem_size_0:
called_computation.3_lowered:
.L_overlay_start_0:
0x88: {  	s2 =	sld [smem:$0x3FD9]  }
0x89: {  	s3 =	sld [smem:$0x3FFE];
	_ =	sdelay $0x1  }
0x8a: {  	s1 =	srdreg.scid  }
0x8b: {  	s0 =	sand.u32 $0x1, s1  }
0x8c: {  	s16 =	sshll.u32 s0, $0xA;
	s2 =	sadd.s32 s3, s2  }
0x8d: {  	s2 =	sadd.s32 s2, s16  }
0x8e: {  	[smem:$0x3FBF] =	sst s2  }
0x8f: {  	_ = 	snop  }
0x90: {  	(tm) =	ssettm $0x1  }
0x91: {  	s17 =	sld [smem:$0x3FFB];
	_ =	sdelay $0x3  }
0x92: {  	_ =	strace s17  }
0x93: {  	s2 =	sld [smem:$0x3FFC];
	_ =	sdelay $0x3  }
0x94: {  	_ =	strace s2  }
0x95: {  	s2 =	sld [smem:$0x3FFD];
	_ =	sdelay $0x3  }
0x96: {  	_ =	strace s2  }
0x97: {  	_ =	strace $0x8FFFFFFF  }
0x98: {  	s18 =	sld [smem:$0x3FDB];
	_ =	sdelay $0x1  }
0x99: {  	s19 =	simm.s32 $_scs_section_size  }
0x9a: {  	s4 =	simm.s32 $_size__tile_overlayer_lowered;
	s5 =	simm.s32 $_tile_overlayer_lowered  }
0x9b: {  	s22 =	simm.s32 $0x1BFF;
	s21 =	sshll.u32 s5, $0x1;
	s2 =	sadd.s32 s19, s18  }
0x9c: {  	s6 =	simm.s32 $0x0;
	s20 =	sshll.u32 s4, $0x1;
	s4 =	sadd.s32 s21, s2  }
0x9d: {  	[timem:s6], [sflag:s22] =	dma.local [hbm:s4], s20  }
0x9e: {  	_ =	swait.ge [sflag:s22], s20  }
0x9f: {  	s3 =	ssub.s32 $0x0, s20;
	[sflag:s22] =	ssyncset.done $0x0  }
0xa0: {  	[sflag:s22] =	ssyncadd.s32 s3;
	_ =	sdelay $0x1  }
0xa1: {  	s23 =	simm.s32 $0x1B8B  }
0xa2: {  	_ =	swait.ge [sflag:s23], $0x1  }
0xa3: {  	[sflag:s23] =	ssyncset.done $0x0  }
0xa4: {  	s25 =	simm.s32 $0x1B8E;
	s24 =	sld [smem:$0x3FFE];
	[sflag:s23] =	ssyncadd.s32 $0xFFFFFFFF  }
0xa5: {  	s26 =	simm.s32 $execute0_lowered;
	[smem:$0x3FD2] =	sst s25  }
0xa6: {  	s4 =	sshll.u32 s26, $0x1;
	_ =	strace $0x8000004F;
	[dreg:$0x1] =	wrdreg $0xFFFFFFFF  }
0xa7: {  	s28 =	simm.s32 $_size_execute0_lowered;
	s2 =	sadd.s32 s2, s4;
	[dreg:$0x0] =	wrdreg $0x0  }
0xa8: {  	s4 =	sshll.u32 s28, $0x1;
	[dreg:$0x2] =	wrdreg s2  }
0xa9: {  	[dreg:$0x3] =	wrdreg s4  }
0xaa: {  	[dreg:$0x4] =	wrdreg $0xC0  }
0xab: {  	_ =	task [dreg:s6], $0x5FFFF  }
0xac: {  	[dreg:$0x1] =	wrdreg $0xFFFFFFFF  }
0xad: {  	[dreg:$0x0] =	wrdreg $0x60  }
0xae: {  	[dreg:$0x2] =	wrdreg s24  }
0xaf: {  	[dreg:$0x3] =	wrdreg $0x90000  }
0xb0: {  	[dreg:$0x4] =	wrdreg $0x9  }
0xb1: {  	_ =	task.clear_ibuf [dreg:s6], $0x5FFFF;
	_ =	strace $0x9000004F  }
0xb2: {  	s29 =	simm.s32 $0x9;
	_ =	strace $0x80000051  }
0xb3: {  	_ =	swait.ge [sflag:s29], $0x1  }
0xb4: {  	[sflag:s29] =	ssyncadd.s32 $0xFFFFFFFF  }
0xb5: {  	_ =	strace $0x90000051  }
0xb6: {  	_ =	sfence  }
0xb7: {  	s30 =	sld [smem:$0x0];
	_ =	sdelay $0x2  }
0xb8: {  	s31 =	sshll.u32 s1, $0xD;
	s1 =	sshrl.u32 s1, $0x2  }
0xb9: {  	s3 =	sand.u32 $0x4000, s31;
	s1 =	sadd.s32 s1, s30  }
0xba: {  	s0 =	sor.u32 s3, s0;
	s1 =	sshll.u32 s1, $0x11  }
0xbb: {  	s0 =	sor.u32 s1, s0  }
0xbc: {  	s0 =	sadd.s32 $0x8F2B, s0  }
0xbd: {  	[sflag:s0] =	ssyncadd.remote.s32 $0x1  }
0xbe: {  	_ =	sfence.sel $0xFFFF  }
0xbf: {  	[dreg:$0x0] =	wrdreg $0xFFFFFFFF;
	(pc) =	sbr.abs _section_cstart, $3  }
0xc0: {  	[dreg:$0x1] =	wrdreg $0xFFFFFFFF  }
0xc1: {  	_ =	task.clear_ibuf [dreg:s6], $0x2FFFF;
	_ =	strace $0x9FFFFFFF  }
0xc2: {  	(tm) =	ssettm $0x7FFFFFFF  }
0xc3: {  	_ =	shalt  }
tec
execute0_lowered:
.L_overlay_start_1:
0x0: {  	(tag) =	ssettag $0x1  }
0x1: {  	s1 =	srdreg.scid;
	s6 =	rddreg [dreg:$0x0]  }
0x2: {  	s0 =	stileid.u32;
	s2 =	rddreg [dreg:$0x1];
	s3 =	simm.s32 $0x0  }
0x3: {  	s22 =	simm.s32 $0x80;
	s23 =	simm.s32 $0x1;
	s24 =	simm.s32 $0x0  }
0x4: {  	s9 =	sand.u32 $0x1, s1;
	s1 =	rddreg [dreg:$0x2];
	s10 =	smul.u32 $0x50000, s0  }
0x5: {  	s29 =	sshll.u32 s0, $0x1;
	[smem:$0x7FF] =	sst s3;
	s12 =	smul.u32 $0x14000, s0  }
0x6: {  	s17 =	sadd.s32 $0x68800, s6;
	s4 =	sor.u32 s9, s29;
	s19 =	smul.u32 $0x140000, s9  }
0x7: {  	_ =	strace $0x80000050;
	s8 =	ssub.s32 $0x2, s9;
	s5 =	smul.u32 $0x500, s4  }
0x8: {  	s4 =	sadd.s32 $0xE000, s6;
	s30 =	sshrl.u32 s8, $0x1;
	s31 =	sshrl.u32 s10, $0x2  }
0x9: {  	s13 =	sadd.s32 $0x4000, s12;
	s15 =	sadd.s32 $0x8000, s12;
	s16 =	sadd.s32 $0xC000, s12  }
0xa: {  	s20 =	sadd.s32 $0x10000, s12;
	s18 =	ssub.s32 s8, s30;
	s8 =	sadd.s32 s31, s2  }
0xb: {  	s9 =	sadd.s32 s13, s2;
	s10 =	sadd.s32 s15, s2;
	s11 =	sadd.s32 s16, s2  }
0xc: {  	s14 =	sadd.s32 s12, s19;
	s13 =	sadd.s32 s19, s13;
	s12 =	sadd.s32 s20, s2  }
0xd: {  	s15 =	sadd.s32 s19, s15;
	s16 =	sadd.s32 s19, s16;
	s19 =	sadd.s32 s19, s20  }
0xe: {  	s20 =	simm.s32 $0x2800;
	s7 =	sadd.s32 s5, s6;
	s5 =	sadd.s32 $0xD800, s6  }
0xf: {  	s14 =	sshrl.u32 s14, $0x3;
	s21 =	sshrl.u32 s13, $0x3;
	s15 =	sshrl.u32 s15, $0x3  }
0x10: {  	s16 =	sshrl.u32 s16, $0x3;
	s19 =	sshrl.u32 s19, $0x3;
	s18 =	smax.u32 s18, $0x1  }
0x11: {  	s6 =	sadd.s32 $0x5E800, s7;
	s7 =	sadd.s32 $0x3800, s7;
	s13 =	sadd.s32 s17, s14  }
0x12: {  	s14 =	sadd.s32 s17, s21;
	s15 =	sadd.s32 s17, s15;
	s16 =	sadd.s32 s17, s16  }
0x13: {  	s17 =	sadd.s32 s17, s19;
	s19 =	simm.s32 $0x2;
	s21 =	simm.s32 $0x5000  }
.LBB2_1:
0x14: {  	[tilespmem:s3], [sflag:$0x2] =	stream.linear.gather [hbm4b:s6+s3], $0x2780, $0x38;
	[tilespmem:$0x1D000] =	vst v63  }
0x15: {  	_ =	swait.ge [sflag:s19], $0x2780  }
0x16: {  	[sflag:s19] =	ssyncset.done $0x0  }
0x17: {  	[sflag:s19] =	ssyncadd.s32 $0xFFFFD880  }
0x18: {  	[tilespmem:s20], [sflag:$0x2] =	stream.linear.gather [hbm4b:s7+s3], $0x2780, $0x38;
	[tilespmem:$0x1D000] =	vst v63  }
0x19: {  	_ =	swait.ge [sflag:s19], $0x2780  }
0x1a: {  	[sflag:s19] =	ssyncset.done $0x0  }
0x1b: {  	[sflag:s19] =	ssyncadd.s32 $0xFFFFD880  }
0x1c: {  	[tilespmem:s21], [sflag:$0x2] =	stream.linear.gather [hbm4b:s5+s3], $0x4000, $0x38;
	[tilespmem:$0x1D000] =	vst v63  }
0x1d: {  	_ =	swait.ge [sflag:s19], $0x4000  }
0x1e: {  	[sflag:s19] =	ssyncset.done $0x0  }
0x1f: {  	[sflag:s19] =	ssyncadd.s32 $0xFFFFC000  }
0x20: {  	[spmem:s8] =	stream.linear.scatter [tilespmem:s21], [sflag:$0x2], $0x4000, $0x38;
	[tilespmem:$0x1D000] =	vst v63  }
0x21: {  	_ =	swait.ge [sflag:s19], $0x4000  }
0x22: {  	[sflag:s19] =	ssyncset.done $0x0  }
0x23: {  	[sflag:s19] =	ssyncadd.s32 $0xFFFFC000  }
0x24: {  	[spmem:s9] =	stream.linear.scatter [tilespmem:s21], [sflag:$0x2], $0x4000, $0x38;
	[tilespmem:$0x1D000] =	vst v63  }
0x25: {  	_ =	swait.ge [sflag:s19], $0x4000  }
0x26: {  	[sflag:s19] =	ssyncset.done $0x0  }
0x27: {  	[sflag:s19] =	ssyncadd.s32 $0xFFFFC000  }
0x28: {  	[spmem:s10] =	stream.linear.scatter [tilespmem:s21], [sflag:$0x2], $0x4000, $0x38;
	[tilespmem:$0x1D000] =	vst v63  }
0x29: {  	_ =	swait.ge [sflag:s19], $0x4000  }
0x2a: {  	[sflag:s19] =	ssyncset.done $0x0  }
0x2b: {  	[sflag:s19] =	ssyncadd.s32 $0xFFFFC000  }
0x2c: {  	[spmem:s11] =	stream.linear.scatter [tilespmem:s21], [sflag:$0x2], $0x4000, $0x38;
	[tilespmem:$0x1D000] =	vst v63  }
0x2d: {  	_ =	swait.ge [sflag:s19], $0x4000  }
0x2e: {  	[sflag:s19] =	ssyncset.done $0x0  }
0x2f: {  	[sflag:s19] =	ssyncadd.s32 $0xFFFFC000  }
0x30: {  	[spmem:s12] =	stream.linear.scatter [tilespmem:s21], [sflag:$0x2], $0x4000, $0x38;
	[tilespmem:$0x1D000] =	vst v63  }
0x31: {  	_ =	swait.ge [sflag:s19], $0x4000  }
0x32: {  	[sflag:s19] =	ssyncset.done $0x0  }
0x33: {  	[sflag:s19] =	ssyncadd.s32 $0xFFFFC000  }
0x34: {  	s25 =	simm.s32 $0x0;
	[bflag:$0x0] =	sbarrier.arrive $0xFFFF  }
0x35: {  	[tilespmem:s21], [sflag:$0x1] =	stream.indirect.gather [hbm4b:s4+s22], $0x80, s25, s22, $0xb8;
	[tilespmem:$0x1D000] =	vst v63  }
0x36: {  	_ =	swait.ge [sflag:s23], $0x4000  }
0x37: {  	[sflag:s23] =	ssyncset.done $0x0  }
0x38: {  	s31 =	simm.s32 $0x2800;
	[sflag:s23] =	ssyncadd.s32 $0xFFFFC000  }
0x39: {  	[spmem:s2] =	stream.indirect.scatter.add.f32 [tilespmem:s21], [sflag:$0x2], $0x80, s31, s22, $0xb8;
	[tilespmem:$0x1D000] =	vst v63  }
0x3a: {  	_ =	swait.ge [sflag:s19], $0x4000  }
0x3b: {  	s26 =	simm.s32 $0x400;
	s25 =	simm.s32 $0x200;
	[sflag:s19] =	ssyncset.done $0x0  }
.LBB2_2:
0x3c: {  	s28 =	sshra.s32 s25, $0x2  }
0x3d: {  	[sflag:s19] =	ssyncadd.s32 $0xFFFFC000;
	s25 =	smov.u32 s26;
	s29 =	sadd.s32 $0x200, s26  }
0x3e: {  	[tilespmem:s21], [sflag:$0x1] =	stream.indirect.gather [hbm4b:s4+s22], $0x80, s28, s22, $0xb8;
	[tilespmem:$0x1D000] =	vst v63  }
0x3f: {  	p0 =	sne.s32 s26, $0x9C00;
	_ =	swait.ge [sflag:s23], $0x4000  }
.Ltmp0:
0x40: {  	[sflag:s23] =	ssyncset.done $0x0;
	(pc) =	sbr.rel @p0 .LBB2_2-.Ltmp0, $4  }
0x41: {  	s26 =	sadd.s32 $0x2800, s28;
	[sflag:s23] =	ssyncadd.s32 $0xFFFFC000  }
0x42: {  	[spmem:s2] =	stream.indirect.scatter.add.f32 [tilespmem:s21], [sflag:$0x2], $0x80, s26, s22, $0xb8;
	[tilespmem:$0x1D000] =	vst v63  }
0x43: {  	_ =	swait.ge [sflag:s19], $0x4000  }
0x44: {  	s26 =	smov.u32 s29;
	[sflag:s19] =	ssyncset.done $0x0  }
0x45: {  	s25 =	sshra.s32 s25, $0x2;
	[sflag:s19] =	ssyncadd.s32 $0xFFFFC000  }
0x46: {  	[tilespmem:s21], [sflag:$0x1] =	stream.indirect.gather [hbm4b:s4+s22], $0x80, s25, s22, $0xb8;
	[tilespmem:$0x1D000] =	vst v63  }
0x47: {  	_ =	swait.ge [sflag:s23], $0x4000  }
0x48: {  	[sflag:s23] =	ssyncset.done $0x0  }
0x49: {  	s25 =	sadd.s32 $0x2800, s25;
	[sflag:s23] =	ssyncadd.s32 $0xFFFFC000  }
0x4a: {  	[spmem:s2] =	stream.indirect.scatter.add.f32 [tilespmem:s21], [sflag:$0x2], $0x80, s25, s22, $0xb8;
	[tilespmem:$0x1D000] =	vst v63  }
0x4b: {  	_ =	swait.ge [sflag:s19], $0x4000  }
0x4c: {  	[sflag:s19] =	ssyncset.done $0x0  }
0x4d: {  	[sflag:s19] =	ssyncadd.s32 $0xFFFFC000  }
0x4e: {  	[bflag:$0x0] =	sbarrier.arrive $0xFFFF  }
0x4f: {  	[tilespmem:s21], [sflag:$0x2] =	stream.linear.gather [spmem:s8], $0x4000, $0x38;
	[tilespmem:$0x1D000] =	vst v63  }
0x50: {  	_ =	swait.ge [sflag:s19], $0x4000  }
0x51: {  	[sflag:s19] =	ssyncset.done $0x0  }
0x52: {  	[sflag:s19] =	ssyncadd.s32 $0xFFFFC000  }
0x53: {  	[hbm4b:s13+s3] =	stream.linear.scatter [tilespmem:s21], [sflag:$0x2], $0x4000, $0x38;
	[tilespmem:$0x1D000] =	vst v63  }
0x54: {  	_ =	swait.ge [sflag:s19], $0x4000  }
0x55: {  	[sflag:s19] =	ssyncset.done $0x0  }
0x56: {  	[sflag:s19] =	ssyncadd.s32 $0xFFFFC000  }
0x57: {  	[tilespmem:s21], [sflag:$0x2] =	stream.linear.gather [spmem:s9], $0x4000, $0x38;
	[tilespmem:$0x1D000] =	vst v63  }
0x58: {  	_ =	swait.ge [sflag:s19], $0x4000  }
0x59: {  	[sflag:s19] =	ssyncset.done $0x0  }
0x5a: {  	[sflag:s19] =	ssyncadd.s32 $0xFFFFC000  }
0x5b: {  	[hbm4b:s14+s3] =	stream.linear.scatter [tilespmem:s21], [sflag:$0x2], $0x4000, $0x38;
	[tilespmem:$0x1D000] =	vst v63  }
0x5c: {  	_ =	swait.ge [sflag:s19], $0x4000  }
0x5d: {  	[sflag:s19] =	ssyncset.done $0x0  }
0x5e: {  	[sflag:s19] =	ssyncadd.s32 $0xFFFFC000  }
0x5f: {  	[tilespmem:s21], [sflag:$0x2] =	stream.linear.gather [spmem:s10], $0x4000, $0x38;
	[tilespmem:$0x1D000] =	vst v63  }
0x60: {  	_ =	swait.ge [sflag:s19], $0x4000  }
0x61: {  	[sflag:s19] =	ssyncset.done $0x0  }
0x62: {  	[sflag:s19] =	ssyncadd.s32 $0xFFFFC000  }
0x63: {  	[hbm4b:s15+s3] =	stream.linear.scatter [tilespmem:s21], [sflag:$0x2], $0x4000, $0x38;
	[tilespmem:$0x1D000] =	vst v63  }
0x64: {  	_ =	swait.ge [sflag:s19], $0x4000  }
0x65: {  	[sflag:s19] =	ssyncset.done $0x0  }
0x66: {  	[sflag:s19] =	ssyncadd.s32 $0xFFFFC000  }
0x67: {  	[tilespmem:s21], [sflag:$0x2] =	stream.linear.gather [spmem:s11], $0x4000, $0x38;
	[tilespmem:$0x1D000] =	vst v63  }
0x68: {  	_ =	swait.ge [sflag:s19], $0x4000  }
0x69: {  	[sflag:s19] =	ssyncset.done $0x0  }
0x6a: {  	[sflag:s19] =	ssyncadd.s32 $0xFFFFC000  }
0x6b: {  	[hbm4b:s16+s3] =	stream.linear.scatter [tilespmem:s21], [sflag:$0x2], $0x4000, $0x38;
	[tilespmem:$0x1D000] =	vst v63  }
0x6c: {  	_ =	swait.ge [sflag:s19], $0x4000  }
0x6d: {  	[sflag:s19] =	ssyncset.done $0x0  }
0x6e: {  	[sflag:s19] =	ssyncadd.s32 $0xFFFFC000  }
0x6f: {  	[tilespmem:s21], [sflag:$0x2] =	stream.linear.gather [spmem:s12], $0x4000, $0x38;
	[tilespmem:$0x1D000] =	vst v63  }
0x70: {  	s24 =	sadd.s32 $0x1, s24;
	_ =	swait.ge [sflag:s19], $0x4000  }
0x71: {  	p0 =	sne.s32 s24, s18;
	[sflag:s19] =	ssyncset.done $0x0  }
.Ltmp1:
0x72: {  	[sflag:s19] =	ssyncadd.s32 $0xFFFFC000;
	(pc) =	sbr.rel @p0 .LBB2_1-.Ltmp1, $4  }
0x73: {  	[hbm4b:s17+s3] =	stream.linear.scatter [tilespmem:s21], [sflag:$0x2], $0x4000, $0x38;
	[tilespmem:$0x1D000] =	vst v63  }
0x74: {  	_ =	swait.ge [sflag:s19], $0x4000  }
0x75: {  	[sflag:s19] =	ssyncset.done $0x0  }
0x76: {  	[sflag:s19] =	ssyncadd.s32 $0xFFFFC000  }
0x77: {  	_ =	sfence.sel $0x180000  }
0x78: {  	[bflag:$0x0] =	sbarrier.arrive $0xFFFF  }
0x79: {  	p0 =	sne.s32 s0, $0x0;
	_ =	strace $0x90000050  }
0x7a: {  	s0 =	sadd.s32 @!p0 $0x100000, s1;
	[bflag:$0x2] =	sbarrier.arrive $0xFFFF  }
0x7b: {  	[sflag:s0] =	ssyncadd.tile.s32 @!p0 $0x1;
	_ =	shalt  }
.Lfunc_end2:
_tile_overlayer_lowered:
.L_overlay_start_2:
0x7c: {  	(tag) =	ssettag $0x2  }
0x7d: {  	s0 =	rddreg [dreg:$0x0];
	s2 =	stileid.u32  }
0x7e: {  	s1 =	rddreg [dreg:$0x1];
	p0 =	sne.s32 s2, $0x0  }
0x7f: {  	s3 =	rddreg [dreg:$0x2];
	[bflag:$0x3] =	sbarrier.arrive $0xFFFF;
	s2 =	simm.s32 @!p0 $0x1C02  }
0x80: {  	[timem:s3], [sflag:s2] =	dma.local @!p0 [hbm:s0], s1  }
0x81: {  	s0 =	simm.s32 @!p0 $0x2  }
0x82: {  	_ =	swait.ge @!p0 [sflag:s0], s1  }
0x83: {  	s1 =	ssub.s32 @!p0 $0x0, s1;
	[sflag:s0] =	ssyncset.done @!p0 $0x0  }
0x84: {  	[sflag:s0] =	ssyncadd.s32 @!p0 s1  }
0x85: {  	[bflag:$0x3] =	sbarrier.arrive $0xFFFF  }
0x86: {  	_ =	shalt  }

// kernel: kernel.25.cloned.1.call-start
scs
__scs_entry_jumppad:
0x0: {  	(pc) =	sbr.rel $0x88, $3  }
0x1: {  	(tag) =	ssettag $0x0;
	lr =	simm.s32 $0x1  }
0x2: {  	[smem:$0x3F98] =	sst lr;
	_ =	strace $0xD0000000  }
0x3: {  	_ = 	snop  }
0x4: {  	_ = 	snop  }
0x5: {  	_ = 	snop  }
0x6: {  	_ = 	snop  }
0x7: {  	_ = 	snop  }
__scs_overlays_trampoline_lowered:
0x8: {  	[smem:$0x3FA7] =	sst s0  }
0x9: {  	[smem:$0x3FA8] =	sst s1  }
0xa: {  	[smem:$0x3FA9] =	sst s2  }
0xb: {  	[smem:$0x3FAA] =	sst s3  }
0xc: {  	[smem:$0x3FAB] =	sst s4  }
0xd: {  	[smem:$0x3FAC] =	sst s5  }
0xe: {  	[smem:$0x3FAD] =	sst s6  }
0xf: {  	[smem:$0x3FAE] =	sst s7  }
0x10: {  	[smem:$0x3FAF] =	sst s8  }
0x11: {  	[smem:$0x3FB0] =	sst s9;
	s0 =	simm.s32 @!p0 $0x0  }
0x12: {  	s1 =	sld [smem:$0x3F96];
	s0 =	simm.s32 @p0 $0x1  }
0x13: {  	[smem:$0x3FB1] =	sst s0;
	s0 =	simm.s32 @!p1 $0x0  }
0x14: {  	s2 =	sld [smem:$0x3F95];
	s0 =	simm.s32 @p1 $0x1  }
0x15: {  	[smem:$0x3FB2] =	sst s0;
	s0 =	simm.s32 @!p2 $0x0  }
0x16: {  	s3 =	sld [smem:$0x3FDB];
	s0 =	simm.s32 @p2 $0x1  }
0x17: {  	s4 =	simm.s32 $0x1BF5;
	[smem:$0x3FB4] =	sst s0  }
0x18: {  	s0 =	sld [smem:$0x3F97];
	_ =	swait.ge [sflag:s4], $0x0  }
0x19: {  	s7 =	sld [smem:$0x3F98]  }
0x1a: {  	s8 =	sadd.s32 $0xFFFFE003, lr  }
0x1b: {  	s9 =	sadd.s32 $0xFFFFFEF7, lr;
	s5 =	simm.s32 $0xFFFFFFFF;
	p2 =	slt.u32 s8, $0xFFFFF086  }
0x1c: {  	p1 =	slt.u32 s9, $0xF7A;
	s5 =	simm.s32 @!p2 $0x0  }
0x1d: {  	s5 =	simm.s32 @p1 $0x1;
	p0 =	seq.s32 s7, s2  }
0x1e: {  	s7 =	smul.u32 @!p0 $0xF7A, s2;
	p2 =	seq.s32 @!p0 s5, $0x0  }
0x1f: {  	s9 =	smul.u32 $0xF7A, s1;
	s8 =	simm.s32 @!p0 $0x1BF5;
	p2 =	por !p2, p0  }
0x20: {  	[sflag:s8] =	ssyncset.s32 @!p0 $0xFFFFF086;
	s6 =	sadd.s32 @!p0 s3, s7;
	s7 =	simm.s32 @!p0 $0x108  }
0x21: {  	s3 =	sadd.s32 s3, s9;
	s6 =	sadd.s32 @!p0 $0x88, s6;
	s7 =	simm.s32 @p2 $0x1082  }
0x22: {  	[simem:s7], [sflag:s8] =	dma.local @!p0 [hbm:s6], $0xF7A  }
0x23: {  	s9 =	sor.u32 $0xD0000000, s2;
	s6 =	simm.s32 $0x108;
	_ =	swait.ge @!p0 [sflag:s8], $0x0  }
0x24: {  	s3 =	sadd.s32 $0x88, s3;
	s6 =	simm.s32 @!p1 $0x1082;
	[sflag:s4] =	ssyncset.s32 $0xFFFFF086  }
0x25: {  	[simem:s6], [sflag:s4] =	dma.local [hbm:s3], $0xF7A  }
0x26: {  	[smem:$0x3F98] =	sst s1;
	(tag) =	ssettag s2;
	_ =	strace s9  }
0x27: {  	s1 =	sld [smem:$0x3FA8]  }
0x28: {  	s2 =	sld [smem:$0x3FA9]  }
0x29: {  	s4 =	sld [smem:$0x3FAB]  }
0x2a: {  	p0 =	seq.s32 s5, $0x0;
	s5 =	sld [smem:$0x3FAC]  }
0x2b: {  	s6 =	sld [smem:$0x3FAD]  }
0x2c: {  	s7 =	sld [smem:$0x3FAE]  }
0x2d: {  	s3 =	simm.s32 $0x108;
	s8 =	sld [smem:$0x3FAF]  }
0x2e: {  	s3 =	simm.s32 @!p0 $0x1082;
	s9 =	sld [smem:$0x3FB0]  }
0x2f: {  	lr =	sadd.s32 s0, s3;
	s0 =	sld [smem:$0x3FA7]  }
0x30: {  	s3 =	sld [smem:$0x3FAA]  }
0x31: {  	[smem:$0x3FB3] =	sst s10  }
0x32: {  	s10 =	sld [smem:$0x3FB1];
	_ =	sdelay $0x3  }
0x33: {  	p0 =	seq.s32 s10, $0x1;
	s10 =	sld [smem:$0x3FB3];
	_ =	sdelay $0x3  }
0x34: {  	[smem:$0x3FB3] =	sst s10  }
0x35: {  	s10 =	sld [smem:$0x3FB2];
	_ =	sdelay $0x3  }
0x36: {  	p1 =	seq.s32 s10, $0x1;
	s10 =	sld [smem:$0x3FB3];
	_ =	sdelay $0x3  }
0x37: {  	[smem:$0x3FB3] =	sst s10  }
0x38: {  	s10 =	sld [smem:$0x3FB4]  }
0x39: {  	_ = 	snop;
	(pc) =	sbr.ind lr, $3  }
0x3a: {  	_ = 	snop  }
0x3b: {  	_ = 	snop  }
0x3c: {  	p2 =	seq.s32 s10, $0x1;
	s10 =	sld [smem:$0x3FB3]  }
0x3d: {  	_ =	shalt  }
0x3e: {  	_ =	shalt  }
0x3f: {  	_ =	shalt  }
0x40: {  	_ =	shalt  }
0x41: {  	_ =	shalt  }
0x42: {  	_ =	shalt  }
0x43: {  	_ =	shalt  }
0x44: {  	_ =	shalt  }
0x45: {  	_ =	shalt  }
0x46: {  	_ =	shalt  }
0x47: {  	_ =	shalt  }
0x48: {  	_ =	shalt  }
0x49: {  	_ =	shalt  }
0x4a: {  	_ =	shalt  }
0x4b: {  	_ =	shalt  }
0x4c: {  	_ =	shalt  }
0x4d: {  	_ =	shalt  }
0x4e: {  	_ =	shalt  }
0x4f: {  	_ =	shalt  }
0x50: {  	_ =	shalt  }
0x51: {  	_ =	shalt  }
0x52: {  	_ =	shalt  }
0x53: {  	_ =	shalt  }
0x54: {  	_ =	shalt  }
0x55: {  	_ =	shalt  }
0x56: {  	_ =	shalt  }
0x57: {  	_ =	shalt  }
0x58: {  	_ =	shalt  }
0x59: {  	_ =	shalt  }
0x5a: {  	_ =	shalt  }
0x5b: {  	_ =	shalt  }
0x5c: {  	_ =	shalt  }
0x5d: {  	_ =	shalt  }
0x5e: {  	_ =	shalt  }
0x5f: {  	_ =	shalt  }
0x60: {  	_ =	shalt  }
0x61: {  	_ =	shalt  }
0x62: {  	_ =	shalt  }
0x63: {  	_ =	shalt  }
0x64: {  	_ =	shalt  }
0x65: {  	_ =	shalt  }
0x66: {  	_ =	shalt  }
0x67: {  	_ =	shalt  }
0x68: {  	_ =	shalt  }
0x69: {  	_ =	shalt  }
0x6a: {  	_ =	shalt  }
0x6b: {  	_ =	shalt  }
0x6c: {  	_ =	shalt  }
0x6d: {  	_ =	shalt  }
0x6e: {  	_ =	shalt  }
0x6f: {  	_ =	shalt  }
0x70: {  	_ =	shalt  }
0x71: {  	_ =	shalt  }
0x72: {  	_ =	shalt  }
0x73: {  	_ =	shalt  }
0x74: {  	_ =	shalt  }
0x75: {  	_ =	shalt  }
0x76: {  	_ =	shalt  }
0x77: {  	_ =	shalt  }
0x78: {  	_ =	shalt  }
0x79: {  	_ =	shalt  }
0x7a: {  	_ =	shalt  }
0x7b: {  	_ =	shalt  }
0x7c: {  	_ =	shalt  }
0x7d: {  	_ =	shalt  }
0x7e: {  	_ =	shalt  }
0x7f: {  	_ =	shalt  }
0x80: {  	_ =	shalt  }
0x81: {  	_ =	shalt  }
0x82: {  	_ =	shalt  }
0x83: {  	_ =	shalt  }
0x84: {  	_ =	shalt  }
0x85: {  	_ =	shalt  }
0x86: {  	_ =	shalt  }
0x87: {  	_ =	shalt  }
.Lfunc_end0:
.L_simem_size_0:
called_computation.4_lowered:
.L_overlay_start_0:
0x88: {  	s2 =	sld [smem:$0x3FD9]  }
0x89: {  	s3 =	sld [smem:$0x3FFE];
	_ =	sdelay $0x1  }
0x8a: {  	s1 =	srdreg.scid  }
0x8b: {  	s0 =	sand.u32 $0x1, s1  }
0x8c: {  	s16 =	sshll.u32 s0, $0xA;
	s2 =	sadd.s32 s3, s2  }
0x8d: {  	s2 =	sadd.s32 s2, s16  }
0x8e: {  	[smem:$0x3FBF] =	sst s2  }
0x8f: {  	_ = 	snop  }
0x90: {  	(tm) =	ssettm $0x1  }
0x91: {  	s17 =	sld [smem:$0x3FFB];
	_ =	sdelay $0x3  }
0x92: {  	_ =	strace s17  }
0x93: {  	s2 =	sld [smem:$0x3FFC];
	_ =	sdelay $0x3  }
0x94: {  	_ =	strace s2  }
0x95: {  	s2 =	sld [smem:$0x3FFD];
	_ =	sdelay $0x3  }
0x96: {  	_ =	strace s2  }
0x97: {  	_ =	strace $0x8FFFFFFF  }
0x98: {  	s18 =	sld [smem:$0x3FDB];
	_ =	sdelay $0x1  }
0x99: {  	s19 =	simm.s32 $_scs_section_size  }
0x9a: {  	s4 =	simm.s32 $_size__tile_overlayer_lowered;
	s5 =	simm.s32 $_tile_overlayer_lowered  }
0x9b: {  	s22 =	simm.s32 $0x1BFF;
	s21 =	sshll.u32 s5, $0x1;
	s2 =	sadd.s32 s19, s18  }
0x9c: {  	s6 =	simm.s32 $0x0;
	s20 =	sshll.u32 s4, $0x1;
	s4 =	sadd.s32 s21, s2  }
0x9d: {  	[timem:s6], [sflag:s22] =	dma.local [hbm:s4], s20  }
0x9e: {  	_ =	swait.ge [sflag:s22], s20  }
0x9f: {  	s3 =	ssub.s32 $0x0, s20;
	[sflag:s22] =	ssyncset.done $0x0  }
0xa0: {  	[sflag:s22] =	ssyncadd.s32 s3;
	_ =	sdelay $0x1  }
0xa1: {  	s23 =	simm.s32 $0x1B8B  }
0xa2: {  	_ =	swait.ge [sflag:s23], $0x1  }
0xa3: {  	[sflag:s23] =	ssyncset.done $0x0  }
0xa4: {  	s25 =	simm.s32 $0x1B8E;
	s24 =	sld [smem:$0x3FFE];
	[sflag:s23] =	ssyncadd.s32 $0xFFFFFFFF  }
0xa5: {  	s26 =	simm.s32 $execute0_lowered;
	[smem:$0x3FD2] =	sst s25  }
0xa6: {  	s4 =	sshll.u32 s26, $0x1;
	_ =	strace $0x80000052;
	[dreg:$0x1] =	wrdreg $0xFFFFFFFF  }
0xa7: {  	s28 =	simm.s32 $_size_execute0_lowered;
	s2 =	sadd.s32 s2, s4;
	[dreg:$0x0] =	wrdreg $0x0  }
0xa8: {  	s4 =	sshll.u32 s28, $0x1;
	[dreg:$0x2] =	wrdreg s2  }
0xa9: {  	[dreg:$0x3] =	wrdreg s4  }
0xaa: {  	[dreg:$0x4] =	wrdreg $0xC0  }
0xab: {  	_ =	task [dreg:s6], $0x5FFFF  }
0xac: {  	[dreg:$0x1] =	wrdreg $0xFFFFFFFF  }
0xad: {  	[dreg:$0x0] =	wrdreg $0x60  }
0xae: {  	[dreg:$0x2] =	wrdreg s24  }
0xaf: {  	[dreg:$0x3] =	wrdreg $0x90000  }
0xb0: {  	[dreg:$0x4] =	wrdreg $0x9  }
0xb1: {  	_ =	task.clear_ibuf [dreg:s6], $0x5FFFF;
	_ =	strace $0x90000052  }
0xb2: {  	s29 =	simm.s32 $0x9;
	_ =	strace $0x80000054  }
0xb3: {  	_ =	swait.ge [sflag:s29], $0x1  }
0xb4: {  	[sflag:s29] =	ssyncadd.s32 $0xFFFFFFFF  }
0xb5: {  	_ =	strace $0x90000054  }
0xb6: {  	_ =	sfence  }
0xb7: {  	s30 =	sld [smem:$0x0];
	_ =	sdelay $0x2  }
0xb8: {  	s31 =	sshll.u32 s1, $0xD;
	s1 =	sshrl.u32 s1, $0x2  }
0xb9: {  	s3 =	sand.u32 $0x4000, s31;
	s1 =	sadd.s32 s1, s30  }
0xba: {  	s0 =	sor.u32 s3, s0;
	s1 =	sshll.u32 s1, $0x11  }
0xbb: {  	s0 =	sor.u32 s1, s0  }
0xbc: {  	s0 =	sadd.s32 $0x8F2B, s0  }
0xbd: {  	[sflag:s0] =	ssyncadd.remote.s32 $0x1  }
0xbe: {  	_ =	sfence.sel $0xFFFF  }
0xbf: {  	[dreg:$0x0] =	wrdreg $0xFFFFFFFF;
	(pc) =	sbr.abs _section_cstart, $3  }
0xc0: {  	[dreg:$0x1] =	wrdreg $0xFFFFFFFF  }
0xc1: {  	_ =	task.clear_ibuf [dreg:s6], $0x2FFFF;
	_ =	strace $0x9FFFFFFF  }
0xc2: {  	(tm) =	ssettm $0x7FFFFFFF  }
0xc3: {  	_ =	shalt  }
tec
execute0_lowered:
.L_overlay_start_1:
0x0: {  	(tag) =	ssettag $0x1  }
0x1: {  	s1 =	srdreg.scid;
	s6 =	rddreg [dreg:$0x0]  }
0x2: {  	s0 =	stileid.u32;
	s2 =	rddreg [dreg:$0x1];
	s3 =	simm.s32 $0x0  }
0x3: {  	s22 =	simm.s32 $0x80;
	s23 =	simm.s32 $0x1;
	s24 =	simm.s32 $0x0  }
0x4: {  	s9 =	sand.u32 $0x1, s1;
	s1 =	rddreg [dreg:$0x2];
	s10 =	smul.u32 $0x50000, s0  }
0x5: {  	s29 =	sshll.u32 s0, $0x1;
	[smem:$0x7FF] =	sst s3;
	s12 =	smul.u32 $0x14000, s0  }
0x6: {  	s17 =	sadd.s32 $0x68800, s6;
	s4 =	sor.u32 s9, s29;
	s19 =	smul.u32 $0x140000, s9  }
0x7: {  	_ =	strace $0x80000053;
	s8 =	ssub.s32 $0x2, s9;
	s5 =	smul.u32 $0x500, s4  }
0x8: {  	s4 =	sadd.s32 $0xE000, s6;
	s30 =	sshrl.u32 s8, $0x1;
	s31 =	sshrl.u32 s10, $0x2  }
0x9: {  	s13 =	sadd.s32 $0x4000, s12;
	s15 =	sadd.s32 $0x8000, s12;
	s16 =	sadd.s32 $0xC000, s12  }
0xa: {  	s20 =	sadd.s32 $0x10000, s12;
	s18 =	ssub.s32 s8, s30;
	s8 =	sadd.s32 s31, s2  }
0xb: {  	s9 =	sadd.s32 s13, s2;
	s10 =	sadd.s32 s15, s2;
	s11 =	sadd.s32 s16, s2  }
0xc: {  	s14 =	sadd.s32 s12, s19;
	s13 =	sadd.s32 s19, s13;
	s12 =	sadd.s32 s20, s2  }
0xd: {  	s15 =	sadd.s32 s19, s15;
	s16 =	sadd.s32 s19, s16;
	s19 =	sadd.s32 s19, s20  }
0xe: {  	s20 =	simm.s32 $0x2800;
	s7 =	sadd.s32 s5, s6;
	s5 =	sadd.s32 $0xD800, s6  }
0xf: {  	s14 =	sshrl.u32 s14, $0x3;
	s21 =	sshrl.u32 s13, $0x3;
	s15 =	sshrl.u32 s15, $0x3  }
0x10: {  	s16 =	sshrl.u32 s16, $0x3;
	s19 =	sshrl.u32 s19, $0x3;
	s18 =	smax.u32 s18, $0x1  }
0x11: {  	s6 =	sadd.s32 $0x5E800, s7;
	s7 =	sadd.s32 $0x3800, s7;
	s13 =	sadd.s32 s17, s14  }
0x12: {  	s14 =	sadd.s32 s17, s21;
	s15 =	sadd.s32 s17, s15;
	s16 =	sadd.s32 s17, s16  }
0x13: {  	s17 =	sadd.s32 s17, s19;
	s19 =	simm.s32 $0x2;
	s21 =	simm.s32 $0x5000  }
.LBB2_1:
0x14: {  	[tilespmem:s3], [sflag:$0x2] =	stream.linear.gather [hbm4b:s6+s3], $0x2780, $0x38;
	[tilespmem:$0x1D000] =	vst v63  }
0x15: {  	_ =	swait.ge [sflag:s19], $0x2780  }
0x16: {  	[sflag:s19] =	ssyncset.done $0x0  }
0x17: {  	[sflag:s19] =	ssyncadd.s32 $0xFFFFD880  }
0x18: {  	[tilespmem:s20], [sflag:$0x2] =	stream.linear.gather [hbm4b:s7+s3], $0x2780, $0x38;
	[tilespmem:$0x1D000] =	vst v63  }
0x19: {  	_ =	swait.ge [sflag:s19], $0x2780  }
0x1a: {  	[sflag:s19] =	ssyncset.done $0x0  }
0x1b: {  	[sflag:s19] =	ssyncadd.s32 $0xFFFFD880  }
0x1c: {  	[tilespmem:s21], [sflag:$0x2] =	stream.linear.gather [hbm4b:s5+s3], $0x4000, $0x38;
	[tilespmem:$0x1D000] =	vst v63  }
0x1d: {  	_ =	swait.ge [sflag:s19], $0x4000  }
0x1e: {  	[sflag:s19] =	ssyncset.done $0x0  }
0x1f: {  	[sflag:s19] =	ssyncadd.s32 $0xFFFFC000  }
0x20: {  	[spmem:s8] =	stream.linear.scatter [tilespmem:s21], [sflag:$0x2], $0x4000, $0x38;
	[tilespmem:$0x1D000] =	vst v63  }
0x21: {  	_ =	swait.ge [sflag:s19], $0x4000  }
0x22: {  	[sflag:s19] =	ssyncset.done $0x0  }
0x23: {  	[sflag:s19] =	ssyncadd.s32 $0xFFFFC000  }
0x24: {  	[spmem:s9] =	stream.linear.scatter [tilespmem:s21], [sflag:$0x2], $0x4000, $0x38;
	[tilespmem:$0x1D000] =	vst v63  }
0x25: {  	_ =	swait.ge [sflag:s19], $0x4000  }
0x26: {  	[sflag:s19] =	ssyncset.done $0x0  }
0x27: {  	[sflag:s19] =	ssyncadd.s32 $0xFFFFC000  }
0x28: {  	[spmem:s10] =	stream.linear.scatter [tilespmem:s21], [sflag:$0x2], $0x4000, $0x38;
	[tilespmem:$0x1D000] =	vst v63  }
0x29: {  	_ =	swait.ge [sflag:s19], $0x4000  }
0x2a: {  	[sflag:s19] =	ssyncset.done $0x0  }
0x2b: {  	[sflag:s19] =	ssyncadd.s32 $0xFFFFC000  }
0x2c: {  	[spmem:s11] =	stream.linear.scatter [tilespmem:s21], [sflag:$0x2], $0x4000, $0x38;
	[tilespmem:$0x1D000] =	vst v63  }
0x2d: {  	_ =	swait.ge [sflag:s19], $0x4000  }
0x2e: {  	[sflag:s19] =	ssyncset.done $0x0  }
0x2f: {  	[sflag:s19] =	ssyncadd.s32 $0xFFFFC000  }
0x30: {  	[spmem:s12] =	stream.linear.scatter [tilespmem:s21], [sflag:$0x2], $0x4000, $0x38;
	[tilespmem:$0x1D000] =	vst v63  }
0x31: {  	_ =	swait.ge [sflag:s19], $0x4000  }
0x32: {  	[sflag:s19] =	ssyncset.done $0x0  }
0x33: {  	[sflag:s19] =	ssyncadd.s32 $0xFFFFC000  }
0x34: {  	s25 =	simm.s32 $0x0;
	[bflag:$0x0] =	sbarrier.arrive $0xFFFF  }
0x35: {  	[tilespmem:s21], [sflag:$0x1] =	stream.indirect.gather [hbm4b:s4+s22], $0x80, s25, s22, $0xb8;
	[tilespmem:$0x1D000] =	vst v63  }
0x36: {  	_ =	swait.ge [sflag:s23], $0x4000  }
0x37: {  	[sflag:s23] =	ssyncset.done $0x0  }
0x38: {  	s31 =	simm.s32 $0x2800;
	[sflag:s23] =	ssyncadd.s32 $0xFFFFC000  }
0x39: {  	[spmem:s2] =	stream.indirect.scatter.add.f32 [tilespmem:s21], [sflag:$0x2], $0x80, s31, s22, $0xb8;
	[tilespmem:$0x1D000] =	vst v63  }
0x3a: {  	_ =	swait.ge [sflag:s19], $0x4000  }
0x3b: {  	s26 =	simm.s32 $0x400;
	s25 =	simm.s32 $0x200;
	[sflag:s19] =	ssyncset.done $0x0  }
.LBB2_2:
0x3c: {  	s28 =	sshra.s32 s25, $0x2  }
0x3d: {  	[sflag:s19] =	ssyncadd.s32 $0xFFFFC000;
	s25 =	smov.u32 s26;
	s29 =	sadd.s32 $0x200, s26  }
0x3e: {  	[tilespmem:s21], [sflag:$0x1] =	stream.indirect.gather [hbm4b:s4+s22], $0x80, s28, s22, $0xb8;
	[tilespmem:$0x1D000] =	vst v63  }
0x3f: {  	p0 =	sne.s32 s26, $0x9C00;
	_ =	swait.ge [sflag:s23], $0x4000  }
.Ltmp0:
0x40: {  	[sflag:s23] =	ssyncset.done $0x0;
	(pc) =	sbr.rel @p0 .LBB2_2-.Ltmp0, $4  }
0x41: {  	s26 =	sadd.s32 $0x2800, s28;
	[sflag:s23] =	ssyncadd.s32 $0xFFFFC000  }
0x42: {  	[spmem:s2] =	stream.indirect.scatter.add.f32 [tilespmem:s21], [sflag:$0x2], $0x80, s26, s22, $0xb8;
	[tilespmem:$0x1D000] =	vst v63  }
0x43: {  	_ =	swait.ge [sflag:s19], $0x4000  }
0x44: {  	s26 =	smov.u32 s29;
	[sflag:s19] =	ssyncset.done $0x0  }
0x45: {  	s25 =	sshra.s32 s25, $0x2;
	[sflag:s19] =	ssyncadd.s32 $0xFFFFC000  }
0x46: {  	[tilespmem:s21], [sflag:$0x1] =	stream.indirect.gather [hbm4b:s4+s22], $0x80, s25, s22, $0xb8;
	[tilespmem:$0x1D000] =	vst v63  }
0x47: {  	_ =	swait.ge [sflag:s23], $0x4000  }
0x48: {  	[sflag:s23] =	ssyncset.done $0x0  }
0x49: {  	s25 =	sadd.s32 $0x2800, s25;
	[sflag:s23] =	ssyncadd.s32 $0xFFFFC000  }
0x4a: {  	[spmem:s2] =	stream.indirect.scatter.add.f32 [tilespmem:s21], [sflag:$0x2], $0x80, s25, s22, $0xb8;
	[tilespmem:$0x1D000] =	vst v63  }
0x4b: {  	_ =	swait.ge [sflag:s19], $0x4000  }
0x4c: {  	[sflag:s19] =	ssyncset.done $0x0  }
0x4d: {  	[sflag:s19] =	ssyncadd.s32 $0xFFFFC000  }
0x4e: {  	[bflag:$0x0] =	sbarrier.arrive $0xFFFF  }
0x4f: {  	[tilespmem:s21], [sflag:$0x2] =	stream.linear.gather [spmem:s8], $0x4000, $0x38;
	[tilespmem:$0x1D000] =	vst v63  }
0x50: {  	_ =	swait.ge [sflag:s19], $0x4000  }
0x51: {  	[sflag:s19] =	ssyncset.done $0x0  }
0x52: {  	[sflag:s19] =	ssyncadd.s32 $0xFFFFC000  }
0x53: {  	[hbm4b:s13+s3] =	stream.linear.scatter [tilespmem:s21], [sflag:$0x2], $0x4000, $0x38;
	[tilespmem:$0x1D000] =	vst v63  }
0x54: {  	_ =	swait.ge [sflag:s19], $0x4000  }
0x55: {  	[sflag:s19] =	ssyncset.done $0x0  }
0x56: {  	[sflag:s19] =	ssyncadd.s32 $0xFFFFC000  }
0x57: {  	[tilespmem:s21], [sflag:$0x2] =	stream.linear.gather [spmem:s9], $0x4000, $0x38;
	[tilespmem:$0x1D000] =	vst v63  }
0x58: {  	_ =	swait.ge [sflag:s19], $0x4000  }
0x59: {  	[sflag:s19] =	ssyncset.done $0x0  }
0x5a: {  	[sflag:s19] =	ssyncadd.s32 $0xFFFFC000  }
0x5b: {  	[hbm4b:s14+s3] =	stream.linear.scatter [tilespmem:s21], [sflag:$0x2], $0x4000, $0x38;
	[tilespmem:$0x1D000] =	vst v63  }
0x5c: {  	_ =	swait.ge [sflag:s19], $0x4000  }
0x5d: {  	[sflag:s19] =	ssyncset.done $0x0  }
0x5e: {  	[sflag:s19] =	ssyncadd.s32 $0xFFFFC000  }
0x5f: {  	[tilespmem:s21], [sflag:$0x2] =	stream.linear.gather [spmem:s10], $0x4000, $0x38;
	[tilespmem:$0x1D000] =	vst v63  }
0x60: {  	_ =	swait.ge [sflag:s19], $0x4000  }
0x61: {  	[sflag:s19] =	ssyncset.done $0x0  }
0x62: {  	[sflag:s19] =	ssyncadd.s32 $0xFFFFC000  }
0x63: {  	[hbm4b:s15+s3] =	stream.linear.scatter [tilespmem:s21], [sflag:$0x2], $0x4000, $0x38;
	[tilespmem:$0x1D000] =	vst v63  }
0x64: {  	_ =	swait.ge [sflag:s19], $0x4000  }
0x65: {  	[sflag:s19] =	ssyncset.done $0x0  }
0x66: {  	[sflag:s19] =	ssyncadd.s32 $0xFFFFC000  }
0x67: {  	[tilespmem:s21], [sflag:$0x2] =	stream.linear.gather [spmem:s11], $0x4000, $0x38;
	[tilespmem:$0x1D000] =	vst v63  }
0x68: {  	_ =	swait.ge [sflag:s19], $0x4000  }
0x69: {  	[sflag:s19] =	ssyncset.done $0x0  }
0x6a: {  	[sflag:s19] =	ssyncadd.s32 $0xFFFFC000  }
0x6b: {  	[hbm4b:s16+s3] =	stream.linear.scatter [tilespmem:s21], [sflag:$0x2], $0x4000, $0x38;
	[tilespmem:$0x1D000] =	vst v63  }
0x6c: {  	_ =	swait.ge [sflag:s19], $0x4000  }
0x6d: {  	[sflag:s19] =	ssyncset.done $0x0  }
0x6e: {  	[sflag:s19] =	ssyncadd.s32 $0xFFFFC000  }
0x6f: {  	[tilespmem:s21], [sflag:$0x2] =	stream.linear.gather [spmem:s12], $0x4000, $0x38;
	[tilespmem:$0x1D000] =	vst v63  }
0x70: {  	s24 =	sadd.s32 $0x1, s24;
	_ =	swait.ge [sflag:s19], $0x4000  }
0x71: {  	p0 =	sne.s32 s24, s18;
	[sflag:s19] =	ssyncset.done $0x0  }
.Ltmp1:
0x72: {  	[sflag:s19] =	ssyncadd.s32 $0xFFFFC000;
	(pc) =	sbr.rel @p0 .LBB2_1-.Ltmp1, $4  }
0x73: {  	[hbm4b:s17+s3] =	stream.linear.scatter [tilespmem:s21], [sflag:$0x2], $0x4000, $0x38;
	[tilespmem:$0x1D000] =	vst v63  }
0x74: {  	_ =	swait.ge [sflag:s19], $0x4000  }
0x75: {  	[sflag:s19] =	ssyncset.done $0x0  }
0x76: {  	[sflag:s19] =	ssyncadd.s32 $0xFFFFC000  }
0x77: {  	_ =	sfence.sel $0x180000  }
0x78: {  	[bflag:$0x0] =	sbarrier.arrive $0xFFFF  }
0x79: {  	p0 =	sne.s32 s0, $0x0;
	_ =	strace $0x90000053  }
0x7a: {  	s0 =	sadd.s32 @!p0 $0x100000, s1;
	[bflag:$0x2] =	sbarrier.arrive $0xFFFF  }
0x7b: {  	[sflag:s0] =	ssyncadd.tile.s32 @!p0 $0x1;
	_ =	shalt  }
.Lfunc_end2:
_tile_overlayer_lowered:
.L_overlay_start_2:
0x7c: {  	(tag) =	ssettag $0x2  }
0x7d: {  	s0 =	rddreg [dreg:$0x0];
	s2 =	stileid.u32  }
0x7e: {  	s1 =	rddreg [dreg:$0x1];
	p0 =	sne.s32 s2, $0x0  }
0x7f: {  	s3 =	rddreg [dreg:$0x2];
	[bflag:$0x3] =	sbarrier.arrive $0xFFFF;
	s2 =	simm.s32 @!p0 $0x1C02  }
0x80: {  	[timem:s3], [sflag:s2] =	dma.local @!p0 [hbm:s0], s1  }
0x81: {  	s0 =	simm.s32 @!p0 $0x2  }
0x82: {  	_ =	swait.ge @!p0 [sflag:s0], s1  }
0x83: {  	s1 =	ssub.s32 @!p0 $0x0, s1;
	[sflag:s0] =	ssyncset.done @!p0 $0x0  }
0x84: {  	[sflag:s0] =	ssyncadd.s32 @!p0 s1  }
0x85: {  	[bflag:$0x3] =	sbarrier.arrive $0xFFFF  }
0x86: {  	_ =	shalt  }

</sc_bundles>
